<compile_context>
chip_gen: v7x
topology: tpu7x:2x2x1
jax: 0.10.2.dev20260603
libtpu: 0.0.44.dev20260713+nightly
codegen_flags: <defaults>
</compile_context>

<pallas_src>
import functools

import jax
import jax.numpy as jnp
from jax import lax
from jax.experimental import pallas as pl
from jax.experimental.pallas import tpu as pltpu
from jax.experimental.pallas import tpu_sc as plsc

_B = 4
_NS = 6890
_NSP = 6912
_RES = 128
_PLANE = _RES * _RES
_SIGMA = 0.0166665
_INV_SIG2 = 1.0 / (_SIGMA * _SIGMA)
_INV_RES = 1.0 / _RES

_OY0 = [p // 5 - 2 for p in range(16)]
_OZ0 = [p % 5 - 2 for p in range(16)]
_OY1 = [p // 5 - 2 if p < 25 else 1000 for p in range(16, 32)]
_OZ1 = [p % 5 - 2 if p < 25 else 1000 for p in range(16, 32)]


def _lane_splat(v, lane):
    idx = jnp.full((16,), lane, jnp.int32)
    dnums = lax.GatherDimensionNumbers(
        offset_dims=(), collapsed_slice_dims=(0,), start_index_map=(0,))
    return lax.gather(v, idx[:, None], dnums, (1,),
                      mode=lax.GatherScatterMode.PROMISE_IN_BOUNDS)


def _voxelize_body(data_hbm, zeros_hbm, sem_hbm, wsum_hbm, xr, yr, zr, c0r, c1r, c2r, lst, plane, cand, zsem):
    cid = lax.axis_index("c")
    sid = lax.axis_index("s")
    wid = sid * 2 + cid
    b = wid // 8
    i0 = (wid % 8) * 16

    pltpu.sync_copy(data_hbm.at[b, 0], xr)
    pltpu.sync_copy(data_hbm.at[b, 1], yr)
    pltpu.sync_copy(data_hbm.at[b, 2], zr)
    pltpu.sync_copy(data_hbm.at[b, 3], c0r)
    pltpu.sync_copy(data_hbm.at[b, 4], c1r)
    pltpu.sync_copy(data_hbm.at[b, 5], c2r)

    lanes = lax.iota(jnp.int32, 16)
    zeros16 = jnp.zeros((16,), jnp.float32)
    oy0 = lanes // 5 - 2
    oz0 = lanes % 5 - 2
    p1 = lanes + 16
    msk1 = p1 < 25
    oy1 = jnp.where(msk1, p1 // 5 - 2, 0)
    oz1 = jnp.where(msk1, p1 % 5 - 2, 0)

    def pref_body(ch, ncand):
        xv = xr[pl.ds(ch * 16, 16)]
        bx = (xv * 128.0 - 0.5).astype(jnp.int32)
        m = (bx >= i0 - 2) & (bx <= i0 + 17)
        mi = jnp.where(m, 1, 0)
        pos = ncand + plsc.cumsum(mi) - 1
        packed = ((bx + 8) << 13) + (lanes + ch * 16)
        plsc.store_scatter(cand, [pos], packed, mask=m)
        return ncand + jnp.sum(mi)
    ncand = lax.fori_loop(0, _NSP // 16, pref_body, jnp.int32(0))
    plsc.store_scatter(cand, [ncand + lanes],
                       jnp.full((16,), 200 << 13, jnp.int32))
    ncg = (ncand + 15) >> 4

    pltpu.async_copy(zeros_hbm.at[wid], plane, zsem)


    def slab_body(t, carry):
        i = i0 + t

        lo = (i + 6) << 13
        hi = (i + 11) << 13
        def comp_body(ch, cnt):
            pk = cand[pl.ds(ch * 16, 16)]
            m = (pk >= lo) & (pk < hi)
            mi = jnp.where(m, 1, 0)
            pos = cnt + plsc.cumsum(mi) - 1
            plsc.store_scatter(lst, [pos], pk & 8191, mask=m)
            return cnt + jnp.sum(mi)
        cnt = lax.fori_loop(0, ncg, comp_body, jnp.int32(0))

        plsc.store_scatter(lst, [cnt + lanes],
                           jnp.full((16,), _NSP - 1, jnp.int32))
        ngroups = (cnt + 15) >> 4

        cx = (i.astype(jnp.float32) + 0.5) * _INV_RES

        pltpu.make_async_copy(zeros_hbm.at[wid], plane, zsem).wait()

        def group_body(g, carry2):
            vlist = lst[pl.ds(g * 16, 16)]
            xv = plsc.load_gather(xr, [vlist])
            yv = plsc.load_gather(yr, [vlist])
            zv = plsc.load_gather(zr, [vlist])
            c0v = plsc.load_gather(c0r, [vlist])
            c1v = plsc.load_gather(c1r, [vlist])
            c2v = plsc.load_gather(c2r, [vlist])
            byv = (yv * 128.0 - 0.5).astype(jnp.int32)
            bzv = (zv * 128.0 - 0.5).astype(jnp.int32)
            dxv = cx - xv
            dx2v = dxv * dxv
            for l in range(16):
                ys = _lane_splat(yv, l)
                zs = _lane_splat(zv, l)
                by = _lane_splat(byv, l)
                bz = _lane_splat(bzv, l)
                dx2 = _lane_splat(dx2v, l)
                c0s = _lane_splat(c0v, l)
                c1s = _lane_splat(c1v, l)
                c2s = _lane_splat(c2v, l)
                for (oy, oz, msk) in ((oy0, oz0, None), (oy1, oz1, msk1)):
                    vj = by + oy
                    vk = bz + oz
                    dy = (vj.astype(jnp.float32) + 0.5) * _INV_RES - ys
                    dz = (vk.astype(jnp.float32) + 0.5) * _INV_RES - zs
                    d2 = dx2 + dy * dy + dz * dz
                    w = jnp.exp(d2 * (-_INV_SIG2))
                    for ch, val in ((0, w * c0s), (1, w * c1s),
                                    (2, w * c2s), (3, w)):
                        chv = jnp.full((16,), ch, jnp.int32)
                        plsc.addupdate_scatter(plane, [chv, vj, vk], val,
                                               mask=msk)
            return carry2
        lax.fori_loop(0, ngroups, group_body, 0)

        for ch in range(3):
            pltpu.sync_copy(plane.at[ch], sem_hbm.at[b, ch, i])
        pltpu.sync_copy(plane.at[3], wsum_hbm.at[b, i])
        pltpu.async_copy(zeros_hbm.at[wid], plane, zsem)
        return carry
    lax.fori_loop(0, 16, slab_body, 0)
    pltpu.make_async_copy(zeros_hbm.at[0], plane, zsem).wait()


@functools.partial(
    pl.kernel,
    out_type=(jax.ShapeDtypeStruct((_B, 3, _RES, _RES, _RES), jnp.float32),
              jax.ShapeDtypeStruct((_B, _RES, _RES, _RES), jnp.float32)),
    mesh=plsc.VectorSubcoreMesh(core_axis_name="c", subcore_axis_name="s"),
    compiler_params=pltpu.CompilerParams(needs_layout_passes=False),
    scratch_types=[
        pltpu.VMEM((_NSP,), jnp.float32),
        pltpu.VMEM((_NSP,), jnp.float32),
        pltpu.VMEM((_NSP,), jnp.float32),
        pltpu.VMEM((_NSP,), jnp.float32),
        pltpu.VMEM((_NSP,), jnp.float32),
        pltpu.VMEM((_NSP,), jnp.float32),
        pltpu.VMEM((_NSP + 16,), jnp.int32),
        pltpu.VMEM((4, _RES, _RES), jnp.float32),
        pltpu.VMEM((_NSP + 16,), jnp.int32),
        pltpu.SemaphoreType.DMA,
    ],
)
def _voxelize(data_hbm, zeros_hbm, sem_hbm, wsum_hbm, *scratch):
    _voxelize_body(data_hbm, zeros_hbm, sem_hbm, wsum_hbm, *scratch)


def _norm_body(s_ref, w_ref, o_ref):
    inv = 1.0 / (w_ref[0] + 1e-3)
    o_ref[0] = s_ref[0] * inv[None]


_SLABS = 16

_normalize = pl.pallas_call(
    _norm_body,
    grid=(_B, _RES // _SLABS),
    in_specs=[
        pl.BlockSpec((1, 3, _SLABS, _RES, _RES), lambda b, i: (b, 0, i, 0, 0)),
        pl.BlockSpec((1, _SLABS, _RES, _RES), lambda b, i: (b, i, 0, 0)),
    ],
    out_specs=pl.BlockSpec((1, 3, _SLABS, _RES, _RES),
                           lambda b, i: (b, 0, i, 0, 0)),
    out_shape=jax.ShapeDtypeStruct((_B, 3, _RES, _RES, _RES), jnp.float32),
)


def kernel(smpl_vertices, smpl_vertex_code_batch, smpl_face_indices_batch,
           smpl_tetraderon_indices_batch):
    del smpl_face_indices_batch, smpl_tetraderon_indices_batch
    surf = smpl_vertices[:, :_NS, :]
    pad_xyz = _NSP - _NS
    x = jnp.concatenate(
        [surf[:, :, 0], jnp.full((_B, pad_xyz), 100.0, jnp.float32)], axis=1)
    y = jnp.concatenate(
        [surf[:, :, 1], jnp.full((_B, pad_xyz), 0.5, jnp.float32)], axis=1)
    z = jnp.concatenate(
        [surf[:, :, 2], jnp.full((_B, pad_xyz), 0.5, jnp.float32)], axis=1)
    cpad = jnp.zeros((_B, pad_xyz), jnp.float32)
    c0 = jnp.concatenate([smpl_vertex_code_batch[:, :, 0], cpad], axis=1)
    c1 = jnp.concatenate([smpl_vertex_code_batch[:, :, 1], cpad], axis=1)
    c2 = jnp.concatenate([smpl_vertex_code_batch[:, :, 2], cpad], axis=1)
    data = jnp.stack([x, y, z, c0, c1, c2], axis=1)
    zeros_vol = jnp.zeros((32, 4, _RES, _RES), jnp.float32)
    sem, wsum = _voxelize(data, zeros_vol)
    return _normalize(sem, wsum)

# --- scband reference (transcript-rebuilt; emitter-appended) ---
"""Pipeline reference for scband-voxelization-12816182411898 (READ-ONLY COPY).

The authoritative reference and input builder live on the scoring server;
editing this copy changes nothing except your own understanding.
"""

import jax, jax.numpy as jnp
import numpy as np

B = 4
NV_TOTAL = 7758
NV_SURF = 6890
NF = 13776
NT = 18300
RES = 128
SIGMA = 0.0166665
RADIUS = 2


def setup_inputs(seed: int = 0):
    key = jax.random.key(seed)
    k1, k2, k3, k4 = jax.random.split(key, 4)
    smpl_vertices = jax.random.uniform(k1, (B, NV_TOTAL, 3), jnp.float32, 0.1, 0.9)
    smpl_vertex_code_batch = jax.random.uniform(k2, (B, NV_SURF, 3), jnp.float32)
    smpl_face_indices_batch = jax.random.randint(k3, (B, NF, 3), 0, NV_SURF).astype(jnp.int32)
    smpl_tetraderon_indices_batch = jax.random.randint(k4, (B, NT, 4), 0, NV_TOTAL).astype(jnp.int32)
    return {"smpl_vertices": smpl_vertices,
            "smpl_vertex_code_batch": smpl_vertex_code_batch,
            "smpl_face_indices_batch": smpl_face_indices_batch,
            "smpl_tetraderon_indices_batch": smpl_tetraderon_indices_batch}


def _gather_prims(vertices, idx_batch):
    # vertices_to_faces / vertices_to_tetrahedrons: flatten batch, offset indices, gather
    bs, nv = vertices.shape[:2]
    offs = (jnp.arange(bs, dtype=jnp.int32) * nv)[:, None, None]
    gidx = (idx_batch + offs).astype(jnp.int64)
    return vertices.reshape(bs * nv, 3)[gidx]


def _semantic_voxelize(surf_verts, vertex_code):
    # Gaussian splat of per-vertex semantic codes into a RES^3 volume
    # (JAX port of voxelize_cuda.forward_semantic_voxelization)
    bs, ns = surf_verts.shape[:2]
    r = jnp.arange(-RADIUS, RADIUS + 1)
    offs = jnp.stack(jnp.meshgrid(r, r, r, indexing='ij'), axis=-1).reshape(-1, 3)
    pos = surf_verts * RES - 0.5
    base = jnp.floor(pos).astype(jnp.int32)
    idx = base[:, :, None, :] + offs[None, None, :, :]              # [B, Ns, Kw, 3]
    centers = (idx.astype(jnp.float32) + 0.5) / RES                  # voxel centers
    d2 = jnp.sum((centers - surf_verts[:, :, None, :]) ** 2, axis=-1)
    w = jnp.exp(-d2 / (SIGMA * SIGMA))
    valid = jnp.all((idx >= 0) & (idx < RES), axis=-1)
    w = jnp.where(valid, w, 0.0)
    flat = (idx[..., 0] * RES + idx[..., 1]) * RES + idx[..., 2]
    flat = jnp.where(valid, flat, 0)

    def splat(flat_b, w_b, code_b):
        wv = w_b[..., None] * code_b[:, None, :]
        sem = jnp.zeros((RES * RES * RES, 3), jnp.float32).at[flat_b.reshape(-1)].add(wv.reshape(-1, 3))
        wsum = jnp.full((RES * RES * RES,), 1e-3, jnp.float32).at[flat_b.reshape(-1)].add(w_b.reshape(-1))
        return sem, wsum

    sem, wsum = jax.vmap(splat)(flat, w, vertex_code)
    semantic = (sem / wsum[..., None]).reshape(bs, RES, RES, RES, 3)
    return semantic


def reference(smpl_vertices, smpl_vertex_code_batch, smpl_face_indices_batch, smpl_tetraderon_indices_batch):
    # vertices_to_faces / vertices_to_tetrahedrons
    faces_v = _gather_prims(smpl_vertices, smpl_face_indices_batch)      # [B, NF, 3, 3]
    tets_v = _gather_prims(smpl_vertices, smpl_tetraderon_indices_batch)  # [B, NT, 4, 3]
    # calc_face_centers
    face_centers = (faces_v[:, :, 0, :] + faces_v[:, :, 1, :] + faces_v[:, :, 2, :]) / 3.0
    # calc_face_normals
    fv = faces_v.reshape(-1, 3, 3)
    v10 = fv[:, 0] - fv[:, 1]
    v12 = fv[:, 2] - fv[:, 1]
    n = jnp.cross(v10, v12)
    n = n / jnp.maximum(jnp.linalg.norm(n, axis=-1, keepdims=True), 1e-5)
    face_normals = n.reshape(faces_v.shape[0], -1, 3)
    # semantic voxelization on surface vertices only
    ns = smpl_vertex_code_batch.shape[1]
    surf = smpl_vertices[:, :ns, :]
    vol = _semantic_voxelize(surf, smpl_vertex_code_batch)              # [B, R, R, R, 3]
    return jnp.transpose(vol, (0, 4, 1, 2, 3))

if __name__ == "__main__":
    import jax
    _d = setup_inputs()
    print(jax.jit(kernel)(*tuple(_d.values())))

</pallas_src>

<mosaic_0001>
#map = affine_map<(d0, d1) -> (0, 0, 0)>
#map1 = affine_map<(d0, d1) -> (0, 0, 0, 0)>
#map2 = affine_map<(d0, d1) -> (0, 0, 0, 0, 0)>
module attributes {stable_mosaic.version = 14 : i64} {
  func.func @_voxelize(%arg0: i32, %arg1: i32, %arg2: memref<4x6x6912xf32, #tpu.memory_space<hbm>>, %arg3: memref<32x4x128x128xf32, #tpu.memory_space<hbm>>, %arg4: memref<4x3x128x128x128xf32, #tpu.memory_space<hbm>>, %arg5: memref<4x128x128x128xf32, #tpu.memory_space<hbm>>, %arg6: memref<6912xf32, #tpu.memory_space<vmem>>, %arg7: memref<6912xf32, #tpu.memory_space<vmem>>, %arg8: memref<6912xf32, #tpu.memory_space<vmem>>, %arg9: memref<6912xf32, #tpu.memory_space<vmem>>, %arg10: memref<6912xf32, #tpu.memory_space<vmem>>, %arg11: memref<6912xf32, #tpu.memory_space<vmem>>, %arg12: memref<6928xi32, #tpu.memory_space<vmem>>, %arg13: memref<4x128x128xf32, #tpu.memory_space<vmem>>, %arg14: memref<6928xi32, #tpu.memory_space<vmem>>, %arg15: memref<!tpu.dma_semaphore, #tpu.memory_space<semaphore_mem>>) attributes {dimension_semantics = [#tpu.dimension_semantics<core_parallel>, #tpu.dimension_semantics<subcore_parallel>], iteration_bounds = array<i64: 2, 16>, scalar_prefetch = 0 : i64, scratch_operands = 10 : i64, tpu.core_type = #tpu.core_type<sc_vector_subcore>, window_params = [{transform_indices = #map}, {transform_indices = #map1}, {transform_indices = #map2}, {transform_indices = #map1}]} {
    %mul3A = arith.constant 2 : i32
    %mul3A_0 = arith.muli %arg1, %mul3A : i32
    %add3A = arith.addi %mul3A_0, %arg0 : i32
    %jit3A = arith.constant 8 : i32
    %div3A = arith.divsi %add3A, %jit3A : i32
    %sign3A = arith.constant 0 : i32
    %sign3A_1 = arith.cmpi sgt, %add3A, %sign3A : i32
    %sign3A_2 = arith.extui %sign3A_1 : i1 to i32
    %sign3A_3 = arith.constant 0 : i32
    %sign3A_4 = arith.cmpi slt, %add3A, %sign3A_3 : i32
    %sign3A_5 = arith.extui %sign3A_4 : i1 to i32
    %sign3A_6 = arith.subi %sign3A_2, %sign3A_5 : i32
    %sign3A_7 = arith.constant 0 : i32
    %sign3A_8 = arith.cmpi sgt, %jit3A, %sign3A_7 : i32
    %sign3A_9 = arith.extui %sign3A_8 : i1 to i32
    %sign3A_10 = arith.constant 0 : i32
    %sign3A_11 = arith.cmpi slt, %jit3A, %sign3A_10 : i32
    %sign3A_12 = arith.extui %sign3A_11 : i1 to i32
    %sign3A_13 = arith.subi %sign3A_9, %sign3A_12 : i32
    %ne3A = arith.cmpi ne, %sign3A_6, %sign3A_13 : i32
    %rem3A = arith.remsi %add3A, %jit3A : i32
    %ne3A_14 = arith.constant 0 : i32
    %ne3A_15 = arith.cmpi ne, %rem3A, %ne3A_14 : i32
    %and3A = arith.andi %ne3A, %ne3A_15 : i1
    %sub3A = arith.constant 1 : i32
    %sub3A_16 = arith.subi %div3A, %sub3A : i32
    %select_n3A = arith.select %and3A, %sub3A_16, %div3A : i32
    %jit3A_17 = arith.constant 8 : i32
    %eq3A = arith.constant 0 : i32
    %eq3A_18 = arith.cmpi eq, %jit3A_17, %eq3A : i32
    %jit3A_19 = arith.constant 1 : i32
    %select_n3A_20 = arith.select %eq3A_18, %jit3A_19, %jit3A_17 : i32
    %rem3A_21 = arith.remsi %add3A, %select_n3A_20 : i32
    %ne3A_22 = arith.constant 0 : i32
    %ne3A_23 = arith.cmpi ne, %rem3A_21, %ne3A_22 : i32
    %lt3A = arith.constant 0 : i32
    %lt3A_24 = arith.cmpi slt, %rem3A_21, %lt3A : i32
    %lt3A_25 = arith.constant 0 : i32
    %lt3A_26 = arith.cmpi slt, %select_n3A_20, %lt3A_25 : i32
    %ne3A_27 = arith.xori %lt3A_24, %lt3A_26 : i1
    %and3A_28 = arith.andi %ne3A_27, %ne3A_23 : i1
    %add3A_29 = arith.addi %rem3A_21, %select_n3A_20 : i32
    %select_n3A_30 = arith.select %and3A_28, %add3A_29, %rem3A_21 : i32
    %mul3A_31 = arith.constant 16 : i32
    %mul3A_32 = arith.muli %select_n3A_30, %mul3A_31 : i32
    %run_scoped3A = arith.constant 0 : i32
    "tpu.region"() ({
      %run_scoped3A_207 = tpu.sem_alloc : memref<!tpu.dma_semaphore, #tpu.memory_space<semaphore_mem>>
      %dma_start3A_208 = arith.constant 0 : i32
      %dma_start3A_209 = tpu.memref_slice %arg2[%select_n3A, %run_scoped3A, %dma_start3A_208] : memref<4x6x6912xf32, #tpu.memory_space<hbm>> -> memref<1x1x6912xf32, #tpu.memory_space<hbm>>
      %dma_start3A_210 = tpu.memref_squeeze %dma_start3A_209 : memref<1x1x6912xf32, #tpu.memory_space<hbm>> -> memref<6912xf32, #tpu.memory_space<hbm>>
      %dma_start3A_211 = arith.constant 0 : i32
      %dma_start3A_212 = tpu.memref_slice %arg2[%select_n3A, %run_scoped3A, %dma_start3A_211] : memref<4x6x6912xf32, #tpu.memory_space<hbm>> -> memref<1x1x6912xf32, #tpu.memory_space<hbm>>
      %dma_start3A_213 = tpu.memref_squeeze %dma_start3A_212 : memref<1x1x6912xf32, #tpu.memory_space<hbm>> -> memref<6912xf32, #tpu.memory_space<hbm>>
      tpu.enqueue_dma source(%dma_start3A_213 : memref<6912xf32, #tpu.memory_space<hbm>>) target(%arg6 : memref<6912xf32, #tpu.memory_space<vmem>>) target_semaphore(%run_scoped3A_207 : memref<!tpu.dma_semaphore, #tpu.memory_space<semaphore_mem>>)
      %dma_wait3A_214 = arith.constant 0 : i32
      %dma_wait3A_215 = tpu.memref_slice %arg2[%select_n3A, %run_scoped3A, %dma_wait3A_214] : memref<4x6x6912xf32, #tpu.memory_space<hbm>> -> memref<1x1x6912xf32, #tpu.memory_space<hbm>>
      %dma_wait3A_216 = tpu.memref_squeeze %dma_wait3A_215 : memref<1x1x6912xf32, #tpu.memory_space<hbm>> -> memref<6912xf32, #tpu.memory_space<hbm>>
      %dma_wait3A_217 = arith.constant 0 : i32
      %dma_wait3A_218 = tpu.memref_slice %arg2[%select_n3A, %run_scoped3A, %dma_wait3A_217] : memref<4x6x6912xf32, #tpu.memory_space<hbm>> -> memref<1x1x6912xf32, #tpu.memory_space<hbm>>
      %dma_wait3A_219 = tpu.memref_squeeze %dma_wait3A_218 : memref<1x1x6912xf32, #tpu.memory_space<hbm>> -> memref<6912xf32, #tpu.memory_space<hbm>>
      tpu.wait_dma2 semaphore(%run_scoped3A_207 : memref<!tpu.dma_semaphore, #tpu.memory_space<semaphore_mem>>) src(%dma_wait3A_219 : memref<6912xf32, #tpu.memory_space<hbm>>) dst(%arg6 : memref<6912xf32, #tpu.memory_space<vmem>>)
      tpu.yield
    }) : () -> ()
    %run_scoped3A_33 = arith.constant 1 : i32
    "tpu.region"() ({
      %run_scoped3A_207 = tpu.sem_alloc : memref<!tpu.dma_semaphore, #tpu.memory_space<semaphore_mem>>
      %dma_start3A_208 = arith.constant 0 : i32
      %dma_start3A_209 = tpu.memref_slice %arg2[%select_n3A, %run_scoped3A_33, %dma_start3A_208] : memref<4x6x6912xf32, #tpu.memory_space<hbm>> -> memref<1x1x6912xf32, #tpu.memory_space<hbm>>
      %dma_start3A_210 = tpu.memref_squeeze %dma_start3A_209 : memref<1x1x6912xf32, #tpu.memory_space<hbm>> -> memref<6912xf32, #tpu.memory_space<hbm>>
      %dma_start3A_211 = arith.constant 0 : i32
      %dma_start3A_212 = tpu.memref_slice %arg2[%select_n3A, %run_scoped3A_33, %dma_start3A_211] : memref<4x6x6912xf32, #tpu.memory_space<hbm>> -> memref<1x1x6912xf32, #tpu.memory_space<hbm>>
      %dma_start3A_213 = tpu.memref_squeeze %dma_start3A_212 : memref<1x1x6912xf32, #tpu.memory_space<hbm>> -> memref<6912xf32, #tpu.memory_space<hbm>>
      tpu.enqueue_dma source(%dma_start3A_213 : memref<6912xf32, #tpu.memory_space<hbm>>) target(%arg7 : memref<6912xf32, #tpu.memory_space<vmem>>) target_semaphore(%run_scoped3A_207 : memref<!tpu.dma_semaphore, #tpu.memory_space<semaphore_mem>>)
      %dma_wait3A_214 = arith.constant 0 : i32
      %dma_wait3A_215 = tpu.memref_slice %arg2[%select_n3A, %run_scoped3A_33, %dma_wait3A_214] : memref<4x6x6912xf32, #tpu.memory_space<hbm>> -> memref<1x1x6912xf32, #tpu.memory_space<hbm>>
      %dma_wait3A_216 = tpu.memref_squeeze %dma_wait3A_215 : memref<1x1x6912xf32, #tpu.memory_space<hbm>> -> memref<6912xf32, #tpu.memory_space<hbm>>
      %dma_wait3A_217 = arith.constant 0 : i32
      %dma_wait3A_218 = tpu.memref_slice %arg2[%select_n3A, %run_scoped3A_33, %dma_wait3A_217] : memref<4x6x6912xf32, #tpu.memory_space<hbm>> -> memref<1x1x6912xf32, #tpu.memory_space<hbm>>
      %dma_wait3A_219 = tpu.memref_squeeze %dma_wait3A_218 : memref<1x1x6912xf32, #tpu.memory_space<hbm>> -> memref<6912xf32, #tpu.memory_space<hbm>>
      tpu.wait_dma2 semaphore(%run_scoped3A_207 : memref<!tpu.dma_semaphore, #tpu.memory_space<semaphore_mem>>) src(%dma_wait3A_219 : memref<6912xf32, #tpu.memory_space<hbm>>) dst(%arg7 : memref<6912xf32, #tpu.memory_space<vmem>>)
      tpu.yield
    }) : () -> ()
    %run_scoped3A_34 = arith.constant 2 : i32
    "tpu.region"() ({
      %run_scoped3A_207 = tpu.sem_alloc : memref<!tpu.dma_semaphore, #tpu.memory_space<semaphore_mem>>
      %dma_start3A_208 = arith.constant 0 : i32
      %dma_start3A_209 = tpu.memref_slice %arg2[%select_n3A, %run_scoped3A_34, %dma_start3A_208] : memref<4x6x6912xf32, #tpu.memory_space<hbm>> -> memref<1x1x6912xf32, #tpu.memory_space<hbm>>
      %dma_start3A_210 = tpu.memref_squeeze %dma_start3A_209 : memref<1x1x6912xf32, #tpu.memory_space<hbm>> -> memref<6912xf32, #tpu.memory_space<hbm>>
      %dma_start3A_211 = arith.constant 0 : i32
      %dma_start3A_212 = tpu.memref_slice %arg2[%select_n3A, %run_scoped3A_34, %dma_start3A_211] : memref<4x6x6912xf32, #tpu.memory_space<hbm>> -> memref<1x1x6912xf32, #tpu.memory_space<hbm>>
      %dma_start3A_213 = tpu.memref_squeeze %dma_start3A_212 : memref<1x1x6912xf32, #tpu.memory_space<hbm>> -> memref<6912xf32, #tpu.memory_space<hbm>>
      tpu.enqueue_dma source(%dma_start3A_213 : memref<6912xf32, #tpu.memory_space<hbm>>) target(%arg8 : memref<6912xf32, #tpu.memory_space<vmem>>) target_semaphore(%run_scoped3A_207 : memref<!tpu.dma_semaphore, #tpu.memory_space<semaphore_mem>>)
      %dma_wait3A_214 = arith.constant 0 : i32
      %dma_wait3A_215 = tpu.memref_slice %arg2[%select_n3A, %run_scoped3A_34, %dma_wait3A_214] : memref<4x6x6912xf32, #tpu.memory_space<hbm>> -> memref<1x1x6912xf32, #tpu.memory_space<hbm>>
      %dma_wait3A_216 = tpu.memref_squeeze %dma_wait3A_215 : memref<1x1x6912xf32, #tpu.memory_space<hbm>> -> memref<6912xf32, #tpu.memory_space<hbm>>
      %dma_wait3A_217 = arith.constant 0 : i32
      %dma_wait3A_218 = tpu.memref_slice %arg2[%select_n3A, %run_scoped3A_34, %dma_wait3A_217] : memref<4x6x6912xf32, #tpu.memory_space<hbm>> -> memref<1x1x6912xf32, #tpu.memory_space<hbm>>
      %dma_wait3A_219 = tpu.memref_squeeze %dma_wait3A_218 : memref<1x1x6912xf32, #tpu.memory_space<hbm>> -> memref<6912xf32, #tpu.memory_space<hbm>>
      tpu.wait_dma2 semaphore(%run_scoped3A_207 : memref<!tpu.dma_semaphore, #tpu.memory_space<semaphore_mem>>) src(%dma_wait3A_219 : memref<6912xf32, #tpu.memory_space<hbm>>) dst(%arg8 : memref<6912xf32, #tpu.memory_space<vmem>>)
      tpu.yield
    }) : () -> ()
    %run_scoped3A_35 = arith.constant 3 : i32
    "tpu.region"() ({
      %run_scoped3A_207 = tpu.sem_alloc : memref<!tpu.dma_semaphore, #tpu.memory_space<semaphore_mem>>
      %dma_start3A_208 = arith.constant 0 : i32
      %dma_start3A_209 = tpu.memref_slice %arg2[%select_n3A, %run_scoped3A_35, %dma_start3A_208] : memref<4x6x6912xf32, #tpu.memory_space<hbm>> -> memref<1x1x6912xf32, #tpu.memory_space<hbm>>
      %dma_start3A_210 = tpu.memref_squeeze %dma_start3A_209 : memref<1x1x6912xf32, #tpu.memory_space<hbm>> -> memref<6912xf32, #tpu.memory_space<hbm>>
      %dma_start3A_211 = arith.constant 0 : i32
      %dma_start3A_212 = tpu.memref_slice %arg2[%select_n3A, %run_scoped3A_35, %dma_start3A_211] : memref<4x6x6912xf32, #tpu.memory_space<hbm>> -> memref<1x1x6912xf32, #tpu.memory_space<hbm>>
      %dma_start3A_213 = tpu.memref_squeeze %dma_start3A_212 : memref<1x1x6912xf32, #tpu.memory_space<hbm>> -> memref<6912xf32, #tpu.memory_space<hbm>>
      tpu.enqueue_dma source(%dma_start3A_213 : memref<6912xf32, #tpu.memory_space<hbm>>) target(%arg9 : memref<6912xf32, #tpu.memory_space<vmem>>) target_semaphore(%run_scoped3A_207 : memref<!tpu.dma_semaphore, #tpu.memory_space<semaphore_mem>>)
      %dma_wait3A_214 = arith.constant 0 : i32
      %dma_wait3A_215 = tpu.memref_slice %arg2[%select_n3A, %run_scoped3A_35, %dma_wait3A_214] : memref<4x6x6912xf32, #tpu.memory_space<hbm>> -> memref<1x1x6912xf32, #tpu.memory_space<hbm>>
      %dma_wait3A_216 = tpu.memref_squeeze %dma_wait3A_215 : memref<1x1x6912xf32, #tpu.memory_space<hbm>> -> memref<6912xf32, #tpu.memory_space<hbm>>
      %dma_wait3A_217 = arith.constant 0 : i32
      %dma_wait3A_218 = tpu.memref_slice %arg2[%select_n3A, %run_scoped3A_35, %dma_wait3A_217] : memref<4x6x6912xf32, #tpu.memory_space<hbm>> -> memref<1x1x6912xf32, #tpu.memory_space<hbm>>
      %dma_wait3A_219 = tpu.memref_squeeze %dma_wait3A_218 : memref<1x1x6912xf32, #tpu.memory_space<hbm>> -> memref<6912xf32, #tpu.memory_space<hbm>>
      tpu.wait_dma2 semaphore(%run_scoped3A_207 : memref<!tpu.dma_semaphore, #tpu.memory_space<semaphore_mem>>) src(%dma_wait3A_219 : memref<6912xf32, #tpu.memory_space<hbm>>) dst(%arg9 : memref<6912xf32, #tpu.memory_space<vmem>>)
      tpu.yield
    }) : () -> ()
    %run_scoped3A_36 = arith.constant 4 : i32
    "tpu.region"() ({
      %run_scoped3A_207 = tpu.sem_alloc : memref<!tpu.dma_semaphore, #tpu.memory_space<semaphore_mem>>
      %dma_start3A_208 = arith.constant 0 : i32
      %dma_start3A_209 = tpu.memref_slice %arg2[%select_n3A, %run_scoped3A_36, %dma_start3A_208] : memref<4x6x6912xf32, #tpu.memory_space<hbm>> -> memref<1x1x6912xf32, #tpu.memory_space<hbm>>
      %dma_start3A_210 = tpu.memref_squeeze %dma_start3A_209 : memref<1x1x6912xf32, #tpu.memory_space<hbm>> -> memref<6912xf32, #tpu.memory_space<hbm>>
      %dma_start3A_211 = arith.constant 0 : i32
      %dma_start3A_212 = tpu.memref_slice %arg2[%select_n3A, %run_scoped3A_36, %dma_start3A_211] : memref<4x6x6912xf32, #tpu.memory_space<hbm>> -> memref<1x1x6912xf32, #tpu.memory_space<hbm>>
      %dma_start3A_213 = tpu.memref_squeeze %dma_start3A_212 : memref<1x1x6912xf32, #tpu.memory_space<hbm>> -> memref<6912xf32, #tpu.memory_space<hbm>>
      tpu.enqueue_dma source(%dma_start3A_213 : memref<6912xf32, #tpu.memory_space<hbm>>) target(%arg10 : memref<6912xf32, #tpu.memory_space<vmem>>) target_semaphore(%run_scoped3A_207 : memref<!tpu.dma_semaphore, #tpu.memory_space<semaphore_mem>>)
      %dma_wait3A_214 = arith.constant 0 : i32
      %dma_wait3A_215 = tpu.memref_slice %arg2[%select_n3A, %run_scoped3A_36, %dma_wait3A_214] : memref<4x6x6912xf32, #tpu.memory_space<hbm>> -> memref<1x1x6912xf32, #tpu.memory_space<hbm>>
      %dma_wait3A_216 = tpu.memref_squeeze %dma_wait3A_215 : memref<1x1x6912xf32, #tpu.memory_space<hbm>> -> memref<6912xf32, #tpu.memory_space<hbm>>
      %dma_wait3A_217 = arith.constant 0 : i32
      %dma_wait3A_218 = tpu.memref_slice %arg2[%select_n3A, %run_scoped3A_36, %dma_wait3A_217] : memref<4x6x6912xf32, #tpu.memory_space<hbm>> -> memref<1x1x6912xf32, #tpu.memory_space<hbm>>
      %dma_wait3A_219 = tpu.memref_squeeze %dma_wait3A_218 : memref<1x1x6912xf32, #tpu.memory_space<hbm>> -> memref<6912xf32, #tpu.memory_space<hbm>>
      tpu.wait_dma2 semaphore(%run_scoped3A_207 : memref<!tpu.dma_semaphore, #tpu.memory_space<semaphore_mem>>) src(%dma_wait3A_219 : memref<6912xf32, #tpu.memory_space<hbm>>) dst(%arg10 : memref<6912xf32, #tpu.memory_space<vmem>>)
      tpu.yield
    }) : () -> ()
    %run_scoped3A_37 = arith.constant 5 : i32
    "tpu.region"() ({
      %run_scoped3A_207 = tpu.sem_alloc : memref<!tpu.dma_semaphore, #tpu.memory_space<semaphore_mem>>
      %dma_start3A_208 = arith.constant 0 : i32
      %dma_start3A_209 = tpu.memref_slice %arg2[%select_n3A, %run_scoped3A_37, %dma_start3A_208] : memref<4x6x6912xf32, #tpu.memory_space<hbm>> -> memref<1x1x6912xf32, #tpu.memory_space<hbm>>
      %dma_start3A_210 = tpu.memref_squeeze %dma_start3A_209 : memref<1x1x6912xf32, #tpu.memory_space<hbm>> -> memref<6912xf32, #tpu.memory_space<hbm>>
      %dma_start3A_211 = arith.constant 0 : i32
      %dma_start3A_212 = tpu.memref_slice %arg2[%select_n3A, %run_scoped3A_37, %dma_start3A_211] : memref<4x6x6912xf32, #tpu.memory_space<hbm>> -> memref<1x1x6912xf32, #tpu.memory_space<hbm>>
      %dma_start3A_213 = tpu.memref_squeeze %dma_start3A_212 : memref<1x1x6912xf32, #tpu.memory_space<hbm>> -> memref<6912xf32, #tpu.memory_space<hbm>>
      tpu.enqueue_dma source(%dma_start3A_213 : memref<6912xf32, #tpu.memory_space<hbm>>) target(%arg11 : memref<6912xf32, #tpu.memory_space<vmem>>) target_semaphore(%run_scoped3A_207 : memref<!tpu.dma_semaphore, #tpu.memory_space<semaphore_mem>>)
      %dma_wait3A_214 = arith.constant 0 : i32
      %dma_wait3A_215 = tpu.memref_slice %arg2[%select_n3A, %run_scoped3A_37, %dma_wait3A_214] : memref<4x6x6912xf32, #tpu.memory_space<hbm>> -> memref<1x1x6912xf32, #tpu.memory_space<hbm>>
      %dma_wait3A_216 = tpu.memref_squeeze %dma_wait3A_215 : memref<1x1x6912xf32, #tpu.memory_space<hbm>> -> memref<6912xf32, #tpu.memory_space<hbm>>
      %dma_wait3A_217 = arith.constant 0 : i32
      %dma_wait3A_218 = tpu.memref_slice %arg2[%select_n3A, %run_scoped3A_37, %dma_wait3A_217] : memref<4x6x6912xf32, #tpu.memory_space<hbm>> -> memref<1x1x6912xf32, #tpu.memory_space<hbm>>
      %dma_wait3A_219 = tpu.memref_squeeze %dma_wait3A_218 : memref<1x1x6912xf32, #tpu.memory_space<hbm>> -> memref<6912xf32, #tpu.memory_space<hbm>>
      tpu.wait_dma2 semaphore(%run_scoped3A_207 : memref<!tpu.dma_semaphore, #tpu.memory_space<semaphore_mem>>) src(%dma_wait3A_219 : memref<6912xf32, #tpu.memory_space<hbm>>) dst(%arg11 : memref<6912xf32, #tpu.memory_space<vmem>>)
      tpu.yield
    }) : () -> ()
    %iota3A = tpu.iota {dimensions = array<i32: 0>} : vector<16xi32>
    %broadcast_in_dim3A = arith.constant 0.000000e+00 : f32
    %broadcast_in_dim3A_38 = vector.broadcast %broadcast_in_dim3A : f32 to vector<16xf32>
    %jit3A_39 = arith.constant 5 : i32
    %div3A_40 = vector.broadcast %jit3A_39 : i32 to vector<16xi32>
    %div3A_41 = arith.divsi %iota3A, %div3A_40 : vector<16xi32>
    %sign3A_42 = arith.constant 0 : i32
    %sign3A_43 = vector.broadcast %sign3A_42 : i32 to vector<16xi32>
    %sign3A_44 = arith.cmpi sgt, %iota3A, %sign3A_43 : vector<16xi32>
    %sign3A_45 = arith.extui %sign3A_44 : vector<16xi1> to vector<16xi32>
    %sign3A_46 = arith.constant 0 : i32
    %sign3A_47 = vector.broadcast %sign3A_46 : i32 to vector<16xi32>
    %sign3A_48 = arith.cmpi slt, %iota3A, %sign3A_47 : vector<16xi32>
    %sign3A_49 = arith.extui %sign3A_48 : vector<16xi1> to vector<16xi32>
    %sign3A_50 = arith.subi %sign3A_45, %sign3A_49 : vector<16xi32>
    %sign3A_51 = arith.constant 0 : i32
    %sign3A_52 = arith.cmpi sgt, %jit3A_39, %sign3A_51 : i32
    %sign3A_53 = arith.extui %sign3A_52 : i1 to i32
    %sign3A_54 = arith.constant 0 : i32
    %sign3A_55 = arith.cmpi slt, %jit3A_39, %sign3A_54 : i32
    %sign3A_56 = arith.extui %sign3A_55 : i1 to i32
    %sign3A_57 = arith.subi %sign3A_53, %sign3A_56 : i32
    %ne3A_58 = vector.broadcast %sign3A_57 : i32 to vector<16xi32>
    %ne3A_59 = arith.cmpi ne, %sign3A_50, %ne3A_58 : vector<16xi32>
    %rem3A_60 = vector.broadcast %jit3A_39 : i32 to vector<16xi32>
    %rem3A_61 = arith.remsi %iota3A, %rem3A_60 : vector<16xi32>
    %ne3A_62 = arith.constant 0 : i32
    %ne3A_63 = vector.broadcast %ne3A_62 : i32 to vector<16xi32>
    %ne3A_64 = arith.cmpi ne, %rem3A_61, %ne3A_63 : vector<16xi32>
    %and3A_65 = arith.andi %ne3A_59, %ne3A_64 : vector<16xi1>
    %sub3A_66 = arith.constant 1 : i32
    %sub3A_67 = vector.broadcast %sub3A_66 : i32 to vector<16xi32>
    %sub3A_68 = arith.subi %div3A_41, %sub3A_67 : vector<16xi32>
    %select_n3A_69 = arith.select %and3A_65, %sub3A_68, %div3A_41 : vector<16xi1>, vector<16xi32>
    %sub3A_70 = arith.constant 2 : i32
    %sub3A_71 = vector.broadcast %sub3A_70 : i32 to vector<16xi32>
    %sub3A_72 = arith.subi %select_n3A_69, %sub3A_71 : vector<16xi32>
    %jit3A_73 = arith.constant 5 : i32
    %eq3A_74 = arith.constant 0 : i32
    %eq3A_75 = arith.cmpi eq, %jit3A_73, %eq3A_74 : i32
    %jit3A_76 = arith.constant 1 : i32
    %select_n3A_77 = arith.select %eq3A_75, %jit3A_76, %jit3A_73 : i32
    %rem3A_78 = vector.broadcast %select_n3A_77 : i32 to vector<16xi32>
    %rem3A_79 = arith.remsi %iota3A, %rem3A_78 : vector<16xi32>
    %ne3A_80 = arith.constant 0 : i32
    %ne3A_81 = vector.broadcast %ne3A_80 : i32 to vector<16xi32>
    %ne3A_82 = arith.cmpi ne, %rem3A_79, %ne3A_81 : vector<16xi32>
    %lt3A_83 = arith.constant 0 : i32
    %lt3A_84 = vector.broadcast %lt3A_83 : i32 to vector<16xi32>
    %lt3A_85 = arith.cmpi slt, %rem3A_79, %lt3A_84 : vector<16xi32>
    %lt3A_86 = arith.constant 0 : i32
    %lt3A_87 = arith.cmpi slt, %select_n3A_77, %lt3A_86 : i32
    %ne3A_88 = vector.broadcast %lt3A_87 : i1 to vector<16xi1>
    %ne3A_89 = vector.broadcast %ne3A_88 : vector<16xi1> to vector<16xi1>
    %ne3A_90 = arith.xori %lt3A_85, %ne3A_89 : vector<16xi1>
    %and3A_91 = arith.andi %ne3A_90, %ne3A_82 : vector<16xi1>
    %add3A_92 = vector.broadcast %select_n3A_77 : i32 to vector<16xi32>
    %add3A_93 = arith.addi %rem3A_79, %add3A_92 : vector<16xi32>
    %select_n3A_94 = arith.select %and3A_91, %add3A_93, %rem3A_79 : vector<16xi1>, vector<16xi32>
    %sub3A_95 = arith.constant 2 : i32
    %sub3A_96 = vector.broadcast %sub3A_95 : i32 to vector<16xi32>
    %sub3A_97 = arith.subi %select_n3A_94, %sub3A_96 : vector<16xi32>
    %add3A_98 = arith.constant 16 : i32
    %add3A_99 = vector.broadcast %add3A_98 : i32 to vector<16xi32>
    %add3A_100 = arith.addi %iota3A, %add3A_99 : vector<16xi32>
    %lt3A_101 = arith.constant 25 : i32
    %lt3A_102 = vector.broadcast %lt3A_101 : i32 to vector<16xi32>
    %lt3A_103 = arith.cmpi slt, %add3A_100, %lt3A_102 : vector<16xi32>
    %jit3A_104 = arith.constant 5 : i32
    %div3A_105 = vector.broadcast %jit3A_104 : i32 to vector<16xi32>
    %div3A_106 = arith.divsi %add3A_100, %div3A_105 : vector<16xi32>
    %sign3A_107 = arith.constant 0 : i32
    %sign3A_108 = vector.broadcast %sign3A_107 : i32 to vector<16xi32>
    %sign3A_109 = arith.cmpi sgt, %add3A_100, %sign3A_108 : vector<16xi32>
    %sign3A_110 = arith.extui %sign3A_109 : vector<16xi1> to vector<16xi32>
    %sign3A_111 = arith.constant 0 : i32
    %sign3A_112 = vector.broadcast %sign3A_111 : i32 to vector<16xi32>
    %sign3A_113 = arith.cmpi slt, %add3A_100, %sign3A_112 : vector<16xi32>
    %sign3A_114 = arith.extui %sign3A_113 : vector<16xi1> to vector<16xi32>
    %sign3A_115 = arith.subi %sign3A_110, %sign3A_114 : vector<16xi32>
    %sign3A_116 = arith.constant 0 : i32
    %sign3A_117 = arith.cmpi sgt, %jit3A_104, %sign3A_116 : i32
    %sign3A_118 = arith.extui %sign3A_117 : i1 to i32
    %sign3A_119 = arith.constant 0 : i32
    %sign3A_120 = arith.cmpi slt, %jit3A_104, %sign3A_119 : i32
    %sign3A_121 = arith.extui %sign3A_120 : i1 to i32
    %sign3A_122 = arith.subi %sign3A_118, %sign3A_121 : i32
    %ne3A_123 = vector.broadcast %sign3A_122 : i32 to vector<16xi32>
    %ne3A_124 = arith.cmpi ne, %sign3A_115, %ne3A_123 : vector<16xi32>
    %rem3A_125 = vector.broadcast %jit3A_104 : i32 to vector<16xi32>
    %rem3A_126 = arith.remsi %add3A_100, %rem3A_125 : vector<16xi32>
    %ne3A_127 = arith.constant 0 : i32
    %ne3A_128 = vector.broadcast %ne3A_127 : i32 to vector<16xi32>
    %ne3A_129 = arith.cmpi ne, %rem3A_126, %ne3A_128 : vector<16xi32>
    %and3A_130 = arith.andi %ne3A_124, %ne3A_129 : vector<16xi1>
    %sub3A_131 = arith.constant 1 : i32
    %sub3A_132 = vector.broadcast %sub3A_131 : i32 to vector<16xi32>
    %sub3A_133 = arith.subi %div3A_106, %sub3A_132 : vector<16xi32>
    %select_n3A_134 = arith.select %and3A_130, %sub3A_133, %div3A_106 : vector<16xi1>, vector<16xi32>
    %sub3A_135 = arith.constant 2 : i32
    %sub3A_136 = vector.broadcast %sub3A_135 : i32 to vector<16xi32>
    %sub3A_137 = arith.subi %select_n3A_134, %sub3A_136 : vector<16xi32>
    %jit3A_138 = arith.constant 0 : i32
    %broadcast_in_dim3A_139 = vector.broadcast %jit3A_138 : i32 to vector<16xi32>
    %select_n3A_140 = arith.select %lt3A_103, %sub3A_137, %broadcast_in_dim3A_139 : vector<16xi1>, vector<16xi32>
    %jit3A_141 = arith.constant 5 : i32
    %eq3A_142 = arith.constant 0 : i32
    %eq3A_143 = arith.cmpi eq, %jit3A_141, %eq3A_142 : i32
    %jit3A_144 = arith.constant 1 : i32
    %select_n3A_145 = arith.select %eq3A_143, %jit3A_144, %jit3A_141 : i32
    %rem3A_146 = vector.broadcast %select_n3A_145 : i32 to vector<16xi32>
    %rem3A_147 = arith.remsi %add3A_100, %rem3A_146 : vector<16xi32>
    %ne3A_148 = arith.constant 0 : i32
    %ne3A_149 = vector.broadcast %ne3A_148 : i32 to vector<16xi32>
    %ne3A_150 = arith.cmpi ne, %rem3A_147, %ne3A_149 : vector<16xi32>
    %lt3A_151 = arith.constant 0 : i32
    %lt3A_152 = vector.broadcast %lt3A_151 : i32 to vector<16xi32>
    %lt3A_153 = arith.cmpi slt, %rem3A_147, %lt3A_152 : vector<16xi32>
    %lt3A_154 = arith.constant 0 : i32
    %lt3A_155 = arith.cmpi slt, %select_n3A_145, %lt3A_154 : i32
    %ne3A_156 = vector.broadcast %lt3A_155 : i1 to vector<16xi1>
    %ne3A_157 = vector.broadcast %ne3A_156 : vector<16xi1> to vector<16xi1>
    %ne3A_158 = arith.xori %lt3A_153, %ne3A_157 : vector<16xi1>
    %and3A_159 = arith.andi %ne3A_158, %ne3A_150 : vector<16xi1>
    %add3A_160 = vector.broadcast %select_n3A_145 : i32 to vector<16xi32>
    %add3A_161 = arith.addi %rem3A_147, %add3A_160 : vector<16xi32>
    %select_n3A_162 = arith.select %and3A_159, %add3A_161, %rem3A_147 : vector<16xi1>, vector<16xi32>
    %sub3A_163 = arith.constant 2 : i32
    %sub3A_164 = vector.broadcast %sub3A_163 : i32 to vector<16xi32>
    %sub3A_165 = arith.subi %select_n3A_162, %sub3A_164 : vector<16xi32>
    %jit3A_166 = arith.constant 0 : i32
    %broadcast_in_dim3A_167 = vector.broadcast %jit3A_166 : i32 to vector<16xi32>
    %select_n3A_168 = arith.select %lt3A_103, %sub3A_165, %broadcast_in_dim3A_167 : vector<16xi1>, vector<16xi32>
    %scan3A = arith.constant 0 : i32
    %scan3A_169 = arith.constant 0 : i32
    %scan3A_170 = arith.constant 432 : i32
    %scan3A_171 = arith.addi %scan3A_169, %scan3A_170 : i32
    %scan3A_172 = arith.constant 1 : i32
    %scan3A_173 = scf.for %scan3A_207 = %scan3A_169 to %scan3A_171 step %scan3A_172 iter_args(%scan3A_208 = %scan3A) -> (i32)  : i32 {
      %mul3A_209 = arith.constant 16 : i32
      %mul3A_210 = arith.muli %scan3A_207, %mul3A_209 : i32
      %get3A = arith.index_cast %mul3A_210 : i32 to index
      %get3A_211 = tpu.vector_load %arg6[%get3A] {strides = array<i32>} : memref<6912xf32, #tpu.memory_space<vmem>>, vector<16xf32>,
      %mul3A_212 = arith.constant 1.280000e+02 : f32
      %mul3A_213 = vector.broadcast %mul3A_212 : f32 to vector<16xf32>
      %mul3A_214 = arith.mulf %get3A_211, %mul3A_213 : vector<16xf32>
      %sub3A_215 = arith.constant 5.000000e-01 : f32
      %sub3A_216 = vector.broadcast %sub3A_215 : f32 to vector<16xf32>
      %sub3A_217 = arith.subf %mul3A_214, %sub3A_216 : vector<16xf32>
      %convert_element_type3A = arith.fptosi %sub3A_217 : vector<16xf32> to vector<16xi32>
      %sub3A_218 = arith.constant 2 : i32
      %sub3A_219 = arith.subi %mul3A_32, %sub3A_218 : i32
      %ge3A = vector.broadcast %sub3A_219 : i32 to vector<16xi32>
      %ge3A_220 = arith.cmpi sge, %convert_element_type3A, %ge3A : vector<16xi32>
      %add3A_221 = arith.constant 17 : i32
      %add3A_222 = arith.addi %mul3A_32, %add3A_221 : i32
      %le3A = vector.broadcast %add3A_222 : i32 to vector<16xi32>
      %le3A_223 = arith.cmpi sle, %convert_element_type3A, %le3A : vector<16xi32>
      %and3A_224 = arith.andi %ge3A_220, %le3A_223 : vector<16xi1>
      %jit3A_225 = arith.constant 1 : i32
      %jit3A_226 = arith.constant 0 : i32
      %broadcast_in_dim3A_227 = vector.broadcast %jit3A_225 : i32 to vector<16xi32>
      %broadcast_in_dim3A_228 = vector.broadcast %jit3A_226 : i32 to vector<16xi32>
      %select_n3A_229 = arith.select %and3A_224, %broadcast_in_dim3A_227, %broadcast_in_dim3A_228 : vector<16xi1>, vector<16xi32>
      %broadcast_in_dim3A_230 = arith.constant true
      %broadcast_in_dim3A_231 = vector.broadcast %broadcast_in_dim3A_230 : i1 to vector<16xi1>
      %masked_cumsum3A = tpu.scan <sum>, %select_n3A_229 masked %broadcast_in_dim3A_231 : vector<16xi32>, vector<16xi1> -> vector<16xi32>
      %add3A_232 = vector.broadcast %scan3A_208 : i32 to vector<16xi32>
      %add3A_233 = arith.addi %add3A_232, %masked_cumsum3A : vector<16xi32>
      %sub3A_234 = arith.constant 1 : i32
      %sub3A_235 = vector.broadcast %sub3A_234 : i32 to vector<16xi32>
      %sub3A_236 = arith.subi %add3A_233, %sub3A_235 : vector<16xi32>
      %add3A_237 = arith.constant 8 : i32
      %add3A_238 = vector.broadcast %add3A_237 : i32 to vector<16xi32>
      %add3A_239 = arith.addi %convert_element_type3A, %add3A_238 : vector<16xi32>
      %shift_left3A = arith.constant 13 : i32
      %shift_left3A_240 = vector.broadcast %shift_left3A : i32 to vector<16xi32>
      %shift_left3A_241 = arith.shli %add3A_239, %shift_left3A_240 : vector<16xi32>
      %mul3A_242 = arith.constant 16 : i32
      %mul3A_243 = arith.muli %scan3A_207, %mul3A_242 : i32
      %add3A_244 = vector.broadcast %mul3A_243 : i32 to vector<16xi32>
      %add3A_245 = arith.addi %iota3A, %add3A_244 : vector<16xi32>
      %add3A_246 = arith.addi %shift_left3A_241, %add3A_245 : vector<16xi32>
      tpu.vector_store_idx %arg14[%sub3A_236], %add3A_246 masked %and3A_224 : memref<6928xi32, #tpu.memory_space<vmem>>[vector<16xi32>], vector<16xi32>, vector<16xi1>
      %reduce_sum3A = arith.constant true
      %reduce_sum3A_247 = vector.broadcast %reduce_sum3A : i1 to vector<16xi1>
      %reduce_sum3A_248 = tpu.scan <sum>, %select_n3A_229 masked %reduce_sum3A_247 : vector<16xi32>, vector<16xi1> -> vector<16xi32>
      %reduce_sum3A_249 = vector.extract %reduce_sum3A_248[15] : i32 from vector<16xi32>
      %add3A_250 = arith.addi %scan3A_208, %reduce_sum3A_249 : i32
      scf.yield %add3A_250 : i32
    }
    %scan3A_174 = arith.constant 432 : i32
    %add3A_175 = vector.broadcast %scan3A_173 : i32 to vector<16xi32>
    %add3A_176 = arith.addi %add3A_175, %iota3A : vector<16xi32>
    %broadcast_in_dim3A_177 = arith.constant 1638400 : i32
    %broadcast_in_dim3A_178 = vector.broadcast %broadcast_in_dim3A_177 : i32 to vector<16xi32>
    tpu.vector_store_idx %arg14[%add3A_176], %broadcast_in_dim3A_178 : memref<6928xi32, #tpu.memory_space<vmem>>[vector<16xi32>], vector<16xi32>,
    %add3A_179 = arith.constant 15 : i32
    %add3A_180 = arith.addi %scan3A_173, %add3A_179 : i32
    %shift_right_arithmetic3A = arith.constant 4 : i32
    %shift_right_arithmetic3A_181 = arith.shrsi %add3A_180, %shift_right_arithmetic3A : i32
    %dma_start3A = arith.constant 0 : i32
    %dma_start3A_182 = arith.constant 0 : i32
    %dma_start3A_183 = arith.constant 0 : i32
    %dma_start3A_184 = tpu.memref_slice %arg3[%add3A, %dma_start3A, %dma_start3A_182, %dma_start3A_183] : memref<32x4x128x128xf32, #tpu.memory_space<hbm>> -> memref<1x4x128x128xf32, #tpu.memory_space<hbm>>
    %dma_start3A_185 = tpu.memref_squeeze %dma_start3A_184 : memref<1x4x128x128xf32, #tpu.memory_space<hbm>> -> memref<4x128x128xf32, #tpu.memory_space<hbm>>
    %dma_start3A_186 = arith.constant 0 : i32
    %dma_start3A_187 = arith.constant 0 : i32
    %dma_start3A_188 = arith.constant 0 : i32
    %dma_start3A_189 = tpu.memref_slice %arg3[%add3A, %dma_start3A_186, %dma_start3A_187, %dma_start3A_188] : memref<32x4x128x128xf32, #tpu.memory_space<hbm>> -> memref<1x4x128x128xf32, #tpu.memory_space<hbm>>
    %dma_start3A_190 = tpu.memref_squeeze %dma_start3A_189 : memref<1x4x128x128xf32, #tpu.memory_space<hbm>> -> memref<4x128x128xf32, #tpu.memory_space<hbm>>
    tpu.enqueue_dma source(%dma_start3A_190 : memref<4x128x128xf32, #tpu.memory_space<hbm>>) target(%arg13 : memref<4x128x128xf32, #tpu.memory_space<vmem>>) target_semaphore(%arg15 : memref<!tpu.dma_semaphore, #tpu.memory_space<semaphore_mem>>)
    %scan3A_191 = arith.constant 0 : i32
    %scan3A_192 = arith.constant 0 : i32
    %scan3A_193 = arith.constant 16 : i32
    %scan3A_194 = arith.addi %scan3A_192, %scan3A_193 : i32
    %scan3A_195 = arith.constant 1 : i32
    scf.for %scan3A_207 = %scan3A_192 to %scan3A_194 step %scan3A_195  : i32 {
      %add3A_208 = arith.addi %mul3A_32, %scan3A_207 : i32
      %add3A_209 = arith.constant 6 : i32
      %add3A_210 = arith.addi %add3A_208, %add3A_209 : i32
      %shift_left3A = arith.constant 13 : i32
      %shift_left3A_211 = arith.shli %add3A_210, %shift_left3A : i32
      %add3A_212 = arith.constant 11 : i32
      %add3A_213 = arith.addi %add3A_208, %add3A_212 : i32
      %shift_left3A_214 = arith.constant 13 : i32
      %shift_left3A_215 = arith.shli %add3A_213, %shift_left3A_214 : i32
      %while3A = arith.constant 0 : i32
      %while3A_216 = arith.constant 0 : i32
      %while3A_217 = arith.subi %shift_right_arithmetic3A_181, %while3A : i32
      %while3A_218 = arith.addi %while3A, %while3A_217 : i32
      %while3A_219 = arith.constant 1 : i32
      %while3A_220 = arith.divsi %while3A_217, %while3A_219 : i32
      %while3A_221 = arith.muli %while3A_220, %while3A_219 : i32
      %while3A_222 = arith.addi %while3A, %while3A_221 : i32
      %while3A_223 = arith.constant 1 : i32
      %while3A_224 = scf.for %while3A_276 = %while3A to %while3A_222 step %while3A_223 iter_args(%while3A_277 = %while3A_216) -> (i32)  : i32 {
        %mul3A_278 = arith.constant 16 : i32
        %mul3A_279 = arith.muli %while3A_276, %mul3A_278 : i32
        %get3A = arith.index_cast %mul3A_279 : i32 to index
        %get3A_280 = tpu.vector_load %arg14[%get3A] {strides = array<i32>} : memref<6928xi32, #tpu.memory_space<vmem>>, vector<16xi32>,
        %ge3A = vector.broadcast %shift_left3A_211 : i32 to vector<16xi32>
        %ge3A_281 = arith.cmpi sge, %get3A_280, %ge3A : vector<16xi32>
        %lt3A_282 = vector.broadcast %shift_left3A_215 : i32 to vector<16xi32>
        %lt3A_283 = arith.cmpi slt, %get3A_280, %lt3A_282 : vector<16xi32>
        %and3A_284 = arith.andi %ge3A_281, %lt3A_283 : vector<16xi1>
        %jit3A_285 = arith.constant 1 : i32
        %jit3A_286 = arith.constant 0 : i32
        %broadcast_in_dim3A_287 = vector.broadcast %jit3A_285 : i32 to vector<16xi32>
        %broadcast_in_dim3A_288 = vector.broadcast %jit3A_286 : i32 to vector<16xi32>
        %select_n3A_289 = arith.select %and3A_284, %broadcast_in_dim3A_287, %broadcast_in_dim3A_288 : vector<16xi1>, vector<16xi32>
        %broadcast_in_dim3A_290 = arith.constant true
        %broadcast_in_dim3A_291 = vector.broadcast %broadcast_in_dim3A_290 : i1 to vector<16xi1>
        %masked_cumsum3A = tpu.scan <sum>, %select_n3A_289 masked %broadcast_in_dim3A_291 : vector<16xi32>, vector<16xi1> -> vector<16xi32>
        %add3A_292 = vector.broadcast %while3A_277 : i32 to vector<16xi32>
        %add3A_293 = arith.addi %add3A_292, %masked_cumsum3A : vector<16xi32>
        %sub3A_294 = arith.constant 1 : i32
        %sub3A_295 = vector.broadcast %sub3A_294 : i32 to vector<16xi32>
        %sub3A_296 = arith.subi %add3A_293, %sub3A_295 : vector<16xi32>
        %and3A_297 = arith.constant 8191 : i32
        %and3A_298 = vector.broadcast %and3A_297 : i32 to vector<16xi32>
        %and3A_299 = arith.andi %get3A_280, %and3A_298 : vector<16xi32>
        tpu.vector_store_idx %arg12[%sub3A_296], %and3A_299 masked %and3A_284 : memref<6928xi32, #tpu.memory_space<vmem>>[vector<16xi32>], vector<16xi32>, vector<16xi1>
        %reduce_sum3A = arith.constant true
        %reduce_sum3A_300 = vector.broadcast %reduce_sum3A : i1 to vector<16xi1>
        %reduce_sum3A_301 = tpu.scan <sum>, %select_n3A_289 masked %reduce_sum3A_300 : vector<16xi32>, vector<16xi1> -> vector<16xi32>
        %reduce_sum3A_302 = vector.extract %reduce_sum3A_301[15] : i32 from vector<16xi32>
        %add3A_303 = arith.addi %while3A_277, %reduce_sum3A_302 : i32
        scf.yield %add3A_303 : i32
      }
      %while3A_225 = arith.constant 1 : i32
      %while3A_226 = scf.for %while3A_276 = %while3A_222 to %while3A_218 step %while3A_225 iter_args(%while3A_277 = %while3A_224) -> (i32)  : i32 {
        %mul3A_278 = arith.constant 16 : i32
        %mul3A_279 = arith.muli %while3A_276, %mul3A_278 : i32
        %get3A = arith.index_cast %mul3A_279 : i32 to index
        %get3A_280 = tpu.vector_load %arg14[%get3A] {strides = array<i32>} : memref<6928xi32, #tpu.memory_space<vmem>>, vector<16xi32>,
        %ge3A = vector.broadcast %shift_left3A_211 : i32 to vector<16xi32>
        %ge3A_281 = arith.cmpi sge, %get3A_280, %ge3A : vector<16xi32>
        %lt3A_282 = vector.broadcast %shift_left3A_215 : i32 to vector<16xi32>
        %lt3A_283 = arith.cmpi slt, %get3A_280, %lt3A_282 : vector<16xi32>
        %and3A_284 = arith.andi %ge3A_281, %lt3A_283 : vector<16xi1>
        %jit3A_285 = arith.constant 1 : i32
        %jit3A_286 = arith.constant 0 : i32
        %broadcast_in_dim3A_287 = vector.broadcast %jit3A_285 : i32 to vector<16xi32>
        %broadcast_in_dim3A_288 = vector.broadcast %jit3A_286 : i32 to vector<16xi32>
        %select_n3A_289 = arith.select %and3A_284, %broadcast_in_dim3A_287, %broadcast_in_dim3A_288 : vector<16xi1>, vector<16xi32>
        %broadcast_in_dim3A_290 = arith.constant true
        %broadcast_in_dim3A_291 = vector.broadcast %broadcast_in_dim3A_290 : i1 to vector<16xi1>
        %masked_cumsum3A = tpu.scan <sum>, %select_n3A_289 masked %broadcast_in_dim3A_291 : vector<16xi32>, vector<16xi1> -> vector<16xi32>
        %add3A_292 = vector.broadcast %while3A_277 : i32 to vector<16xi32>
        %add3A_293 = arith.addi %add3A_292, %masked_cumsum3A : vector<16xi32>
        %sub3A_294 = arith.constant 1 : i32
        %sub3A_295 = vector.broadcast %sub3A_294 : i32 to vector<16xi32>
        %sub3A_296 = arith.subi %add3A_293, %sub3A_295 : vector<16xi32>
        %and3A_297 = arith.constant 8191 : i32
        %and3A_298 = vector.broadcast %and3A_297 : i32 to vector<16xi32>
        %and3A_299 = arith.andi %get3A_280, %and3A_298 : vector<16xi32>
        tpu.vector_store_idx %arg12[%sub3A_296], %and3A_299 masked %and3A_284 : memref<6928xi32, #tpu.memory_space<vmem>>[vector<16xi32>], vector<16xi32>, vector<16xi1>
        %reduce_sum3A = arith.constant true
        %reduce_sum3A_300 = vector.broadcast %reduce_sum3A : i1 to vector<16xi1>
        %reduce_sum3A_301 = tpu.scan <sum>, %select_n3A_289 masked %reduce_sum3A_300 : vector<16xi32>, vector<16xi1> -> vector<16xi32>
        %reduce_sum3A_302 = vector.extract %reduce_sum3A_301[15] : i32 from vector<16xi32>
        %add3A_303 = arith.addi %while3A_277, %reduce_sum3A_302 : i32
        scf.yield %add3A_303 : i32
      }
      %add3A_227 = vector.broadcast %while3A_226 : i32 to vector<16xi32>
      %add3A_228 = arith.addi %add3A_227, %iota3A : vector<16xi32>
      %broadcast_in_dim3A_229 = arith.constant 6911 : i32
      %broadcast_in_dim3A_230 = vector.broadcast %broadcast_in_dim3A_229 : i32 to vector<16xi32>
      tpu.vector_store_idx %arg12[%add3A_228], %broadcast_in_dim3A_230 : memref<6928xi32, #tpu.memory_space<vmem>>[vector<16xi32>], vector<16xi32>,
      %add3A_231 = arith.constant 15 : i32
      %add3A_232 = arith.addi %while3A_226, %add3A_231 : i32
      %shift_right_arithmetic3A_233 = arith.constant 4 : i32
      %shift_right_arithmetic3A_234 = arith.shrsi %add3A_232, %shift_right_arithmetic3A_233 : i32
      %convert_element_type3A = arith.sitofp %add3A_208 : i32 to f32
      %add3A_235 = arith.constant 5.000000e-01 : f32
      %add3A_236 = arith.addf %convert_element_type3A, %add3A_235 : f32
      %mul3A_237 = arith.constant 7.812500e-03 : f32
      %mul3A_238 = arith.mulf %add3A_236, %mul3A_237 : f32
      %dma_wait3A_239 = arith.constant 0 : i32
      %dma_wait3A_240 = arith.constant 0 : i32
      %dma_wait3A_241 = arith.constant 0 : i32
      %dma_wait3A_242 = tpu.memref_slice %arg3[%add3A, %dma_wait3A_239, %dma_wait3A_240, %dma_wait3A_241] : memref<32x4x128x128xf32, #tpu.memory_space<hbm>> -> memref<1x4x128x128xf32, #tpu.memory_space<hbm>>
      %dma_wait3A_243 = tpu.memref_squeeze %dma_wait3A_242 : memref<1x4x128x128xf32, #tpu.memory_space<hbm>> -> memref<4x128x128xf32, #tpu.memory_space<hbm>>
      %dma_wait3A_244 = arith.constant 0 : i32
      %dma_wait3A_245 = arith.constant 0 : i32
      %dma_wait3A_246 = arith.constant 0 : i32
      %dma_wait3A_247 = tpu.memref_slice %arg3[%add3A, %dma_wait3A_244, %dma_wait3A_245, %dma_wait3A_246] : memref<32x4x128x128xf32, #tpu.memory_space<hbm>> -> memref<1x4x128x128xf32, #tpu.memory_space<hbm>>
      %dma_wait3A_248 = tpu.memref_squeeze %dma_wait3A_247 : memref<1x4x128x128xf32, #tpu.memory_space<hbm>> -> memref<4x128x128xf32, #tpu.memory_space<hbm>>
      tpu.wait_dma2 semaphore(%arg15 : memref<!tpu.dma_semaphore, #tpu.memory_space<semaphore_mem>>) src(%dma_wait3A_248 : memref<4x128x128xf32, #tpu.memory_space<hbm>>) dst(%arg13 : memref<4x128x128xf32, #tpu.memory_space<vmem>>)
      %while3A_249 = arith.constant 0 : i32
      %while3A_250 = arith.constant 0 : i32
      %while3A_251 = arith.subi %shift_right_arithmetic3A_234, %while3A_250 : i32
      %while3A_252 = arith.addi %while3A_250, %while3A_251 : i32
      %while3A_253 = arith.constant 1 : i32
      %while3A_254 = arith.divsi %while3A_251, %while3A_253 : i32
      %while3A_255 = arith.muli %while3A_254, %while3A_253 : i32
      %while3A_256 = arith.addi %while3A_250, %while3A_255 : i32
      %while3A_257 = arith.constant 1 : i32
      scf.for %while3A_276 = %while3A_250 to %while3A_256 step %while3A_257  : i32 {
        %mul3A_277 = arith.constant 16 : i32
        %mul3A_278 = arith.muli %while3A_276, %mul3A_277 : i32
        %get3A = arith.index_cast %mul3A_278 : i32 to index
        %get3A_279 = tpu.vector_load %arg12[%get3A] {strides = array<i32>} : memref<6928xi32, #tpu.memory_space<vmem>>, vector<16xi32>,
        %gather3A = tpu.vector_load_idx %arg6[%get3A_279] : memref<6912xf32, #tpu.memory_space<vmem>>[vector<16xi32>], vector<16xf32>,
        %gather3A_280 = tpu.vector_load_idx %arg7[%get3A_279] : memref<6912xf32, #tpu.memory_space<vmem>>[vector<16xi32>], vector<16xf32>,
        %gather3A_281 = tpu.vector_load_idx %arg8[%get3A_279] : memref<6912xf32, #tpu.memory_space<vmem>>[vector<16xi32>], vector<16xf32>,
        %gather3A_282 = tpu.vector_load_idx %arg9[%get3A_279] : memref<6912xf32, #tpu.memory_space<vmem>>[vector<16xi32>], vector<16xf32>,
        %gather3A_283 = tpu.vector_load_idx %arg10[%get3A_279] : memref<6912xf32, #tpu.memory_space<vmem>>[vector<16xi32>], vector<16xf32>,
        %gather3A_284 = tpu.vector_load_idx %arg11[%get3A_279] : memref<6912xf32, #tpu.memory_space<vmem>>[vector<16xi32>], vector<16xf32>,
        %mul3A_285 = arith.constant 1.280000e+02 : f32
        %mul3A_286 = vector.broadcast %mul3A_285 : f32 to vector<16xf32>
        %mul3A_287 = arith.mulf %gather3A_280, %mul3A_286 : vector<16xf32>
        %sub3A_288 = arith.constant 5.000000e-01 : f32
        %sub3A_289 = vector.broadcast %sub3A_288 : f32 to vector<16xf32>
        %sub3A_290 = arith.subf %mul3A_287, %sub3A_289 : vector<16xf32>
        %convert_element_type3A_291 = arith.fptosi %sub3A_290 : vector<16xf32> to vector<16xi32>
        %mul3A_292 = arith.constant 1.280000e+02 : f32
        %mul3A_293 = vector.broadcast %mul3A_292 : f32 to vector<16xf32>
        %mul3A_294 = arith.mulf %gather3A_281, %mul3A_293 : vector<16xf32>
        %sub3A_295 = arith.constant 5.000000e-01 : f32
        %sub3A_296 = vector.broadcast %sub3A_295 : f32 to vector<16xf32>
        %sub3A_297 = arith.subf %mul3A_294, %sub3A_296 : vector<16xf32>
        %convert_element_type3A_298 = arith.fptosi %sub3A_297 : vector<16xf32> to vector<16xi32>
        %sub3A_299 = vector.broadcast %mul3A_238 : f32 to vector<16xf32>
        %sub3A_300 = arith.subf %sub3A_299, %gather3A : vector<16xf32>
        %mul3A_301 = arith.mulf %sub3A_300, %sub3A_300 : vector<16xf32>
        %broadcast_in_dim3A_302 = arith.constant 0 : i32
        %broadcast_in_dim3A_303 = vector.broadcast %broadcast_in_dim3A_302 : i32 to vector<16xi32>
        %broadcast_in_dim3A_304 = vector.shape_cast %broadcast_in_dim3A_303 : vector<16xi32> to vector<16x1xi32>
        %gather3A_305 = vector.shape_cast %broadcast_in_dim3A_304 : vector<16x1xi32> to vector<16xi32>
        %gather3A_306 = tpu.dynamic_gather %gather3A_280[%gather3A_305] in [0] : vector<16xf32>, vector<16xi32> -> vector<16xf32>
        %broadcast_in_dim3A_307 = arith.constant 0 : i32
        %broadcast_in_dim3A_308 = vector.broadcast %broadcast_in_dim3A_307 : i32 to vector<16xi32>
        %broadcast_in_dim3A_309 = vector.shape_cast %broadcast_in_dim3A_308 : vector<16xi32> to vector<16x1xi32>
        %gather3A_310 = vector.shape_cast %broadcast_in_dim3A_309 : vector<16x1xi32> to vector<16xi32>
        %gather3A_311 = tpu.dynamic_gather %gather3A_281[%gather3A_310] in [0] : vector<16xf32>, vector<16xi32> -> vector<16xf32>
        %broadcast_in_dim3A_312 = arith.constant 0 : i32
        %broadcast_in_dim3A_313 = vector.broadcast %broadcast_in_dim3A_312 : i32 to vector<16xi32>
        %broadcast_in_dim3A_314 = vector.shape_cast %broadcast_in_dim3A_313 : vector<16xi32> to vector<16x1xi32>
        %gather3A_315 = vector.shape_cast %broadcast_in_dim3A_314 : vector<16x1xi32> to vector<16xi32>
        %gather3A_316 = tpu.dynamic_gather %convert_element_type3A_291[%gather3A_315] in [0] : vector<16xi32>, vector<16xi32> -> vector<16xi32>
        %broadcast_in_dim3A_317 = arith.constant 0 : i32
        %broadcast_in_dim3A_318 = vector.broadcast %broadcast_in_dim3A_317 : i32 to vector<16xi32>
        %broadcast_in_dim3A_319 = vector.shape_cast %broadcast_in_dim3A_318 : vector<16xi32> to vector<16x1xi32>
        %gather3A_320 = vector.shape_cast %broadcast_in_dim3A_319 : vector<16x1xi32> to vector<16xi32>
        %gather3A_321 = tpu.dynamic_gather %convert_element_type3A_298[%gather3A_320] in [0] : vector<16xi32>, vector<16xi32> -> vector<16xi32>
        %broadcast_in_dim3A_322 = arith.constant 0 : i32
        %broadcast_in_dim3A_323 = vector.broadcast %broadcast_in_dim3A_322 : i32 to vector<16xi32>
        %broadcast_in_dim3A_324 = vector.shape_cast %broadcast_in_dim3A_323 : vector<16xi32> to vector<16x1xi32>
        %gather3A_325 = vector.shape_cast %broadcast_in_dim3A_324 : vector<16x1xi32> to vector<16xi32>
        %gather3A_326 = tpu.dynamic_gather %mul3A_301[%gather3A_325] in [0] : vector<16xf32>, vector<16xi32> -> vector<16xf32>
        %broadcast_in_dim3A_327 = arith.constant 0 : i32
        %broadcast_in_dim3A_328 = vector.broadcast %broadcast_in_dim3A_327 : i32 to vector<16xi32>
        %broadcast_in_dim3A_329 = vector.shape_cast %broadcast_in_dim3A_328 : vector<16xi32> to vector<16x1xi32>
        %gather3A_330 = vector.shape_cast %broadcast_in_dim3A_329 : vector<16x1xi32> to vector<16xi32>
        %gather3A_331 = tpu.dynamic_gather %gather3A_282[%gather3A_330] in [0] : vector<16xf32>, vector<16xi32> -> vector<16xf32>
        %broadcast_in_dim3A_332 = arith.constant 0 : i32
        %broadcast_in_dim3A_333 = vector.broadcast %broadcast_in_dim3A_332 : i32 to vector<16xi32>
        %broadcast_in_dim3A_334 = vector.shape_cast %broadcast_in_dim3A_333 : vector<16xi32> to vector<16x1xi32>
        %gather3A_335 = vector.shape_cast %broadcast_in_dim3A_334 : vector<16x1xi32> to vector<16xi32>
        %gather3A_336 = tpu.dynamic_gather %gather3A_283[%gather3A_335] in [0] : vector<16xf32>, vector<16xi32> -> vector<16xf32>
        %broadcast_in_dim3A_337 = arith.constant 0 : i32
        %broadcast_in_dim3A_338 = vector.broadcast %broadcast_in_dim3A_337 : i32 to vector<16xi32>
        %broadcast_in_dim3A_339 = vector.shape_cast %broadcast_in_dim3A_338 : vector<16xi32> to vector<16x1xi32>
        %gather3A_340 = vector.shape_cast %broadcast_in_dim3A_339 : vector<16x1xi32> to vector<16xi32>
        %gather3A_341 = tpu.dynamic_gather %gather3A_284[%gather3A_340] in [0] : vector<16xf32>, vector<16xi32> -> vector<16xf32>
        %add3A_342 = arith.addi %gather3A_316, %sub3A_72 : vector<16xi32>
        %add3A_343 = arith.addi %gather3A_321, %sub3A_97 : vector<16xi32>
        %convert_element_type3A_344 = arith.sitofp %add3A_342 : vector<16xi32> to vector<16xf32>
        %add3A_345 = arith.constant 5.000000e-01 : f32
        %add3A_346 = vector.broadcast %add3A_345 : f32 to vector<16xf32>
        %add3A_347 = arith.addf %convert_element_type3A_344, %add3A_346 : vector<16xf32>
        %mul3A_348 = arith.constant 7.812500e-03 : f32
        %mul3A_349 = vector.broadcast %mul3A_348 : f32 to vector<16xf32>
        %mul3A_350 = arith.mulf %add3A_347, %mul3A_349 : vector<16xf32>
        %sub3A_351 = arith.subf %mul3A_350, %gather3A_306 : vector<16xf32>
        %convert_element_type3A_352 = arith.sitofp %add3A_343 : vector<16xi32> to vector<16xf32>
        %add3A_353 = arith.constant 5.000000e-01 : f32
        %add3A_354 = vector.broadcast %add3A_353 : f32 to vector<16xf32>
        %add3A_355 = arith.addf %convert_element_type3A_352, %add3A_354 : vector<16xf32>
        %mul3A_356 = arith.constant 7.812500e-03 : f32
        %mul3A_357 = vector.broadcast %mul3A_356 : f32 to vector<16xf32>
        %mul3A_358 = arith.mulf %add3A_355, %mul3A_357 : vector<16xf32>
        %sub3A_359 = arith.subf %mul3A_358, %gather3A_311 : vector<16xf32>
        %mul3A_360 = arith.mulf %sub3A_351, %sub3A_351 : vector<16xf32>
        %add3A_361 = arith.addf %gather3A_326, %mul3A_360 : vector<16xf32>
        %mul3A_362 = arith.mulf %sub3A_359, %sub3A_359 : vector<16xf32>
        %add3A_363 = arith.addf %add3A_361, %mul3A_362 : vector<16xf32>
        %mul3A_364 = arith.constant -3600.07202 : f32
        %mul3A_365 = vector.broadcast %mul3A_364 : f32 to vector<16xf32>
        %mul3A_366 = arith.mulf %add3A_363, %mul3A_365 : vector<16xf32>
        %exp3A = math.exp %mul3A_366 : vector<16xf32>
        %mul3A_367 = arith.mulf %exp3A, %gather3A_331 : vector<16xf32>
        %mul3A_368 = arith.mulf %exp3A, %gather3A_336 : vector<16xf32>
        %mul3A_369 = arith.mulf %exp3A, %gather3A_341 : vector<16xf32>
        %broadcast_in_dim3A_370 = arith.constant 0 : i32
        %broadcast_in_dim3A_371 = vector.broadcast %broadcast_in_dim3A_370 : i32 to vector<16xi32>
        tpu.vector_store_idx %arg13[%broadcast_in_dim3A_371, %add3A_342, %add3A_343], %mul3A_367 {add = true} : memref<4x128x128xf32, #tpu.memory_space<vmem>>[vector<16xi32>, vector<16xi32>, vector<16xi32>], vector<16xf32>,
        %broadcast_in_dim3A_372 = arith.constant 1 : i32
        %broadcast_in_dim3A_373 = vector.broadcast %broadcast_in_dim3A_372 : i32 to vector<16xi32>
        tpu.vector_store_idx %arg13[%broadcast_in_dim3A_373, %add3A_342, %add3A_343], %mul3A_368 {add = true} : memref<4x128x128xf32, #tpu.memory_space<vmem>>[vector<16xi32>, vector<16xi32>, vector<16xi32>], vector<16xf32>,
        %broadcast_in_dim3A_374 = arith.constant 2 : i32
        %broadcast_in_dim3A_375 = vector.broadcast %broadcast_in_dim3A_374 : i32 to vector<16xi32>
        tpu.vector_store_idx %arg13[%broadcast_in_dim3A_375, %add3A_342, %add3A_343], %mul3A_369 {add = true} : memref<4x128x128xf32, #tpu.memory_space<vmem>>[vector<16xi32>, vector<16xi32>, vector<16xi32>], vector<16xf32>,
        %broadcast_in_dim3A_376 = arith.constant 3 : i32
        %broadcast_in_dim3A_377 = vector.broadcast %broadcast_in_dim3A_376 : i32 to vector<16xi32>
        tpu.vector_store_idx %arg13[%broadcast_in_dim3A_377, %add3A_342, %add3A_343], %exp3A {add = true} : memref<4x128x128xf32, #tpu.memory_space<vmem>>[vector<16xi32>, vector<16xi32>, vector<16xi32>], vector<16xf32>,
        %add3A_378 = arith.addi %gather3A_316, %select_n3A_140 : vector<16xi32>
        %add3A_379 = arith.addi %gather3A_321, %select_n3A_168 : vector<16xi32>
        %convert_element_type3A_380 = arith.sitofp %add3A_378 : vector<16xi32> to vector<16xf32>
        %add3A_381 = arith.constant 5.000000e-01 : f32
        %add3A_382 = vector.broadcast %add3A_381 : f32 to vector<16xf32>
        %add3A_383 = arith.addf %convert_element_type3A_380, %add3A_382 : vector<16xf32>
        %mul3A_384 = arith.constant 7.812500e-03 : f32
        %mul3A_385 = vector.broadcast %mul3A_384 : f32 to vector<16xf32>
        %mul3A_386 = arith.mulf %add3A_383, %mul3A_385 : vector<16xf32>
        %sub3A_387 = arith.subf %mul3A_386, %gather3A_306 : vector<16xf32>
        %convert_element_type3A_388 = arith.sitofp %add3A_379 : vector<16xi32> to vector<16xf32>
        %add3A_389 = arith.constant 5.000000e-01 : f32
        %add3A_390 = vector.broadcast %add3A_389 : f32 to vector<16xf32>
        %add3A_391 = arith.addf %convert_element_type3A_388, %add3A_390 : vector<16xf32>
        %mul3A_392 = arith.constant 7.812500e-03 : f32
        %mul3A_393 = vector.broadcast %mul3A_392 : f32 to vector<16xf32>
        %mul3A_394 = arith.mulf %add3A_391, %mul3A_393 : vector<16xf32>
        %sub3A_395 = arith.subf %mul3A_394, %gather3A_311 : vector<16xf32>
        %mul3A_396 = arith.mulf %sub3A_387, %sub3A_387 : vector<16xf32>
        %add3A_397 = arith.addf %gather3A_326, %mul3A_396 : vector<16xf32>
        %mul3A_398 = arith.mulf %sub3A_395, %sub3A_395 : vector<16xf32>
        %add3A_399 = arith.addf %add3A_397, %mul3A_398 : vector<16xf32>
        %mul3A_400 = arith.constant -3600.07202 : f32
        %mul3A_401 = vector.broadcast %mul3A_400 : f32 to vector<16xf32>
        %mul3A_402 = arith.mulf %add3A_399, %mul3A_401 : vector<16xf32>
        %exp3A_403 = math.exp %mul3A_402 : vector<16xf32>
        %mul3A_404 = arith.mulf %exp3A_403, %gather3A_331 : vector<16xf32>
        %mul3A_405 = arith.mulf %exp3A_403, %gather3A_336 : vector<16xf32>
        %mul3A_406 = arith.mulf %exp3A_403, %gather3A_341 : vector<16xf32>
        %broadcast_in_dim3A_407 = arith.constant 0 : i32
        %broadcast_in_dim3A_408 = vector.broadcast %broadcast_in_dim3A_407 : i32 to vector<16xi32>
        tpu.vector_store_idx %arg13[%broadcast_in_dim3A_408, %add3A_378, %add3A_379], %mul3A_404 masked %lt3A_103 {add = true} : memref<4x128x128xf32, #tpu.memory_space<vmem>>[vector<16xi32>, vector<16xi32>, vector<16xi32>], vector<16xf32>, vector<16xi1>
        %broadcast_in_dim3A_409 = arith.constant 1 : i32
        %broadcast_in_dim3A_410 = vector.broadcast %broadcast_in_dim3A_409 : i32 to vector<16xi32>
        tpu.vector_store_idx %arg13[%broadcast_in_dim3A_410, %add3A_378, %add3A_379], %mul3A_405 masked %lt3A_103 {add = true} : memref<4x128x128xf32, #tpu.memory_space<vmem>>[vector<16xi32>, vector<16xi32>, vector<16xi32>], vector<16xf32>, vector<16xi1>
        %broadcast_in_dim3A_411 = arith.constant 2 : i32
        %broadcast_in_dim3A_412 = vector.broadcast %broadcast_in_dim3A_411 : i32 to vector<16xi32>
        tpu.vector_store_idx %arg13[%broadcast_in_dim3A_412, %add3A_378, %add3A_379], %mul3A_406 masked %lt3A_103 {add = true} : memref<4x128x128xf32, #tpu.memory_space<vmem>>[vector<16xi32>, vector<16xi32>, vector<16xi32>], vector<16xf32>, vector<16xi1>
        %broadcast_in_dim3A_413 = arith.constant 3 : i32
        %broadcast_in_dim3A_414 = vector.broadcast %broadcast_in_dim3A_413 : i32 to vector<16xi32>
        tpu.vector_store_idx %arg13[%broadcast_in_dim3A_414, %add3A_378, %add3A_379], %exp3A_403 masked %lt3A_103 {add = true} : memref<4x128x128xf32, #tpu.memory_space<vmem>>[vector<16xi32>, vector<16xi32>, vector<16xi32>], vector<16xf32>, vector<16xi1>
        %broadcast_in_dim3A_415 = arith.constant 1 : i32
        %broadcast_in_dim3A_416 = vector.broadcast %broadcast_in_dim3A_415 : i32 to vector<16xi32>
        %broadcast_in_dim3A_417 = vector.shape_cast %broadcast_in_dim3A_416 : vector<16xi32> to vector<16x1xi32>
        %gather3A_418 = vector.shape_cast %broadcast_in_dim3A_417 : vector<16x1xi32> to vector<16xi32>
        %gather3A_419 = tpu.dynamic_gather %gather3A_280[%gather3A_418] in [0] : vector<16xf32>, vector<16xi32> -> vector<16xf32>
        %broadcast_in_dim3A_420 = arith.constant 1 : i32
        %broadcast_in_dim3A_421 = vector.broadcast %broadcast_in_dim3A_420 : i32 to vector<16xi32>
        %broadcast_in_dim3A_422 = vector.shape_cast %broadcast_in_dim3A_421 : vector<16xi32> to vector<16x1xi32>
        %gather3A_423 = vector.shape_cast %broadcast_in_dim3A_422 : vector<16x1xi32> to vector<16xi32>
        %gather3A_424 = tpu.dynamic_gather %gather3A_281[%gather3A_423] in [0] : vector<16xf32>, vector<16xi32> -> vector<16xf32>
        %broadcast_in_dim3A_425 = arith.constant 1 : i32
        %broadcast_in_dim3A_426 = vector.broadcast %broadcast_in_dim3A_425 : i32 to vector<16xi32>
        %broadcast_in_dim3A_427 = vector.shape_cast %broadcast_in_dim3A_426 : vector<16xi32> to vector<16x1xi32>
        %gather3A_428 = vector.shape_cast %broadcast_in_dim3A_427 : vector<16x1xi32> to vector<16xi32>
        %gather3A_429 = tpu.dynamic_gather %convert_element_type3A_291[%gather3A_428] in [0] : vector<16xi32>, vector<16xi32> -> vector<16xi32>
        %broadcast_in_dim3A_430 = arith.constant 1 : i32
        %broadcast_in_dim3A_431 = vector.broadcast %broadcast_in_dim3A_430 : i32 to vector<16xi32>
        %broadcast_in_dim3A_432 = vector.shape_cast %broadcast_in_dim3A_431 : vector<16xi32> to vector<16x1xi32>
        %gather3A_433 = vector.shape_cast %broadcast_in_dim3A_432 : vector<16x1xi32> to vector<16xi32>
        %gather3A_434 = tpu.dynamic_gather %convert_element_type3A_298[%gather3A_433] in [0] : vector<16xi32>, vector<16xi32> -> vector<16xi32>
        %broadcast_in_dim3A_435 = arith.constant 1 : i32
        %broadcast_in_dim3A_436 = vector.broadcast %broadcast_in_dim3A_435 : i32 to vector<16xi32>
        %broadcast_in_dim3A_437 = vector.shape_cast %broadcast_in_dim3A_436 : vector<16xi32> to vector<16x1xi32>
        %gather3A_438 = vector.shape_cast %broadcast_in_dim3A_437 : vector<16x1xi32> to vector<16xi32>
        %gather3A_439 = tpu.dynamic_gather %mul3A_301[%gather3A_438] in [0] : vector<16xf32>, vector<16xi32> -> vector<16xf32>
        %broadcast_in_dim3A_440 = arith.constant 1 : i32
        %broadcast_in_dim3A_441 = vector.broadcast %broadcast_in_dim3A_440 : i32 to vector<16xi32>
        %broadcast_in_dim3A_442 = vector.shape_cast %broadcast_in_dim3A_441 : vector<16xi32> to vector<16x1xi32>
        %gather3A_443 = vector.shape_cast %broadcast_in_dim3A_442 : vector<16x1xi32> to vector<16xi32>
        %gather3A_444 = tpu.dynamic_gather %gather3A_282[%gather3A_443] in [0] : vector<16xf32>, vector<16xi32> -> vector<16xf32>
        %broadcast_in_dim3A_445 = arith.constant 1 : i32
        %broadcast_in_dim3A_446 = vector.broadcast %broadcast_in_dim3A_445 : i32 to vector<16xi32>
        %broadcast_in_dim3A_447 = vector.shape_cast %broadcast_in_dim3A_446 : vector<16xi32> to vector<16x1xi32>
        %gather3A_448 = vector.shape_cast %broadcast_in_dim3A_447 : vector<16x1xi32> to vector<16xi32>
        %gather3A_449 = tpu.dynamic_gather %gather3A_283[%gather3A_448] in [0] : vector<16xf32>, vector<16xi32> -> vector<16xf32>
        %broadcast_in_dim3A_450 = arith.constant 1 : i32
        %broadcast_in_dim3A_451 = vector.broadcast %broadcast_in_dim3A_450 : i32 to vector<16xi32>
        %broadcast_in_dim3A_452 = vector.shape_cast %broadcast_in_dim3A_451 : vector<16xi32> to vector<16x1xi32>
        %gather3A_453 = vector.shape_cast %broadcast_in_dim3A_452 : vector<16x1xi32> to vector<16xi32>
        %gather3A_454 = tpu.dynamic_gather %gather3A_284[%gather3A_453] in [0] : vector<16xf32>, vector<16xi32> -> vector<16xf32>
        %add3A_455 = arith.addi %gather3A_429, %sub3A_72 : vector<16xi32>
        %add3A_456 = arith.addi %gather3A_434, %sub3A_97 : vector<16xi32>
        %convert_element_type3A_457 = arith.sitofp %add3A_455 : vector<16xi32> to vector<16xf32>
        %add3A_458 = arith.constant 5.000000e-01 : f32
        %add3A_459 = vector.broadcast %add3A_458 : f32 to vector<16xf32>
        %add3A_460 = arith.addf %convert_element_type3A_457, %add3A_459 : vector<16xf32>
        %mul3A_461 = arith.constant 7.812500e-03 : f32
        %mul3A_462 = vector.broadcast %mul3A_461 : f32 to vector<16xf32>
        %mul3A_463 = arith.mulf %add3A_460, %mul3A_462 : vector<16xf32>
        %sub3A_464 = arith.subf %mul3A_463, %gather3A_419 : vector<16xf32>
        %convert_element_type3A_465 = arith.sitofp %add3A_456 : vector<16xi32> to vector<16xf32>
        %add3A_466 = arith.constant 5.000000e-01 : f32
        %add3A_467 = vector.broadcast %add3A_466 : f32 to vector<16xf32>
        %add3A_468 = arith.addf %convert_element_type3A_465, %add3A_467 : vector<16xf32>
        %mul3A_469 = arith.constant 7.812500e-03 : f32
        %mul3A_470 = vector.broadcast %mul3A_469 : f32 to vector<16xf32>
        %mul3A_471 = arith.mulf %add3A_468, %mul3A_470 : vector<16xf32>
        %sub3A_472 = arith.subf %mul3A_471, %gather3A_424 : vector<16xf32>
        %mul3A_473 = arith.mulf %sub3A_464, %sub3A_464 : vector<16xf32>
        %add3A_474 = arith.addf %gather3A_439, %mul3A_473 : vector<16xf32>
        %mul3A_475 = arith.mulf %sub3A_472, %sub3A_472 : vector<16xf32>
        %add3A_476 = arith.addf %add3A_474, %mul3A_475 : vector<16xf32>
        %mul3A_477 = arith.constant -3600.07202 : f32
        %mul3A_478 = vector.broadcast %mul3A_477 : f32 to vector<16xf32>
        %mul3A_479 = arith.mulf %add3A_476, %mul3A_478 : vector<16xf32>
        %exp3A_480 = math.exp %mul3A_479 : vector<16xf32>
        %mul3A_481 = arith.mulf %exp3A_480, %gather3A_444 : vector<16xf32>
        %mul3A_482 = arith.mulf %exp3A_480, %gather3A_449 : vector<16xf32>
        %mul3A_483 = arith.mulf %exp3A_480, %gather3A_454 : vector<16xf32>
        %broadcast_in_dim3A_484 = arith.constant 0 : i32
        %broadcast_in_dim3A_485 = vector.broadcast %broadcast_in_dim3A_484 : i32 to vector<16xi32>
        tpu.vector_store_idx %arg13[%broadcast_in_dim3A_485, %add3A_455, %add3A_456], %mul3A_481 {add = true} : memref<4x128x128xf32, #tpu.memory_space<vmem>>[vector<16xi32>, vector<16xi32>, vector<16xi32>], vector<16xf32>,
        %broadcast_in_dim3A_486 = arith.constant 1 : i32
        %broadcast_in_dim3A_487 = vector.broadcast %broadcast_in_dim3A_486 : i32 to vector<16xi32>
        tpu.vector_store_idx %arg13[%broadcast_in_dim3A_487, %add3A_455, %add3A_456], %mul3A_482 {add = true} : memref<4x128x128xf32, #tpu.memory_space<vmem>>[vector<16xi32>, vector<16xi32>, vector<16xi32>], vector<16xf32>,
        %broadcast_in_dim3A_488 = arith.constant 2 : i32
        %broadcast_in_dim3A_489 = vector.broadcast %broadcast_in_dim3A_488 : i32 to vector<16xi32>
        tpu.vector_store_idx %arg13[%broadcast_in_dim3A_489, %add3A_455, %add3A_456], %mul3A_483 {add = true} : memref<4x128x128xf32, #tpu.memory_space<vmem>>[vector<16xi32>, vector<16xi32>, vector<16xi32>], vector<16xf32>,
        %broadcast_in_dim3A_490 = arith.constant 3 : i32
        %broadcast_in_dim3A_491 = vector.broadcast %broadcast_in_dim3A_490 : i32 to vector<16xi32>
        tpu.vector_store_idx %arg13[%broadcast_in_dim3A_491, %add3A_455, %add3A_456], %exp3A_480 {add = true} : memref<4x128x128xf32, #tpu.memory_space<vmem>>[vector<16xi32>, vector<16xi32>, vector<16xi32>], vector<16xf32>,
        %add3A_492 = arith.addi %gather3A_429, %select_n3A_140 : vector<16xi32>
        %add3A_493 = arith.addi %gather3A_434, %select_n3A_168 : vector<16xi32>
        %convert_element_type3A_494 = arith.sitofp %add3A_492 : vector<16xi32> to vector<16xf32>
        %add3A_495 = arith.constant 5.000000e-01 : f32
        %add3A_496 = vector.broadcast %add3A_495 : f32 to vector<16xf32>
        %add3A_497 = arith.addf %convert_element_type3A_494, %add3A_496 : vector<16xf32>
        %mul3A_498 = arith.constant 7.812500e-03 : f32
        %mul3A_499 = vector.broadcast %mul3A_498 : f32 to vector<16xf32>
        %mul3A_500 = arith.mulf %add3A_497, %mul3A_499 : vector<16xf32>
        %sub3A_501 = arith.subf %mul3A_500, %gather3A_419 : vector<16xf32>
        %convert_element_type3A_502 = arith.sitofp %add3A_493 : vector<16xi32> to vector<16xf32>
        %add3A_503 = arith.constant 5.000000e-01 : f32
        %add3A_504 = vector.broadcast %add3A_503 : f32 to vector<16xf32>
        %add3A_505 = arith.addf %convert_element_type3A_502, %add3A_504 : vector<16xf32>
        %mul3A_506 = arith.constant 7.812500e-03 : f32
        %mul3A_507 = vector.broadcast %mul3A_506 : f32 to vector<16xf32>
        %mul3A_508 = arith.mulf %add3A_505, %mul3A_507 : vector<16xf32>
        %sub3A_509 = arith.subf %mul3A_508, %gather3A_424 : vector<16xf32>
        %mul3A_510 = arith.mulf %sub3A_501, %sub3A_501 : vector<16xf32>
        %add3A_511 = arith.addf %gather3A_439, %mul3A_510 : vector<16xf32>
        %mul3A_512 = arith.mulf %sub3A_509, %sub3A_509 : vector<16xf32>
        %add3A_513 = arith.addf %add3A_511, %mul3A_512 : vector<16xf32>
        %mul3A_514 = arith.constant -3600.07202 : f32
        %mul3A_515 = vector.broadcast %mul3A_514 : f32 to vector<16xf32>
        %mul3A_516 = arith.mulf %add3A_513, %mul3A_515 : vector<16xf32>
        %exp3A_517 = math.exp %mul3A_516 : vector<16xf32>
        %mul3A_518 = arith.mulf %exp3A_517, %gather3A_444 : vector<16xf32>
        %mul3A_519 = arith.mulf %exp3A_517, %gather3A_449 : vector<16xf32>
        %mul3A_520 = arith.mulf %exp3A_517, %gather3A_454 : vector<16xf32>
        %broadcast_in_dim3A_521 = arith.constant 0 : i32
        %broadcast_in_dim3A_522 = vector.broadcast %broadcast_in_dim3A_521 : i32 to vector<16xi32>
        tpu.vector_store_idx %arg13[%broadcast_in_dim3A_522, %add3A_492, %add3A_493], %mul3A_518 masked %lt3A_103 {add = true} : memref<4x128x128xf32, #tpu.memory_space<vmem>>[vector<16xi32>, vector<16xi32>, vector<16xi32>], vector<16xf32>, vector<16xi1>
        %broadcast_in_dim3A_523 = arith.constant 1 : i32
        %broadcast_in_dim3A_524 = vector.broadcast %broadcast_in_dim3A_523 : i32 to vector<16xi32>
        tpu.vector_store_idx %arg13[%broadcast_in_dim3A_524, %add3A_492, %add3A_493], %mul3A_519 masked %lt3A_103 {add = true} : memref<4x128x128xf32, #tpu.memory_space<vmem>>[vector<16xi32>, vector<16xi32>, vector<16xi32>], vector<16xf32>, vector<16xi1>
        %broadcast_in_dim3A_525 = arith.constant 2 : i32
        %broadcast_in_dim3A_526 = vector.broadcast %broadcast_in_dim3A_525 : i32 to vector<16xi32>
        tpu.vector_store_idx %arg13[%broadcast_in_dim3A_526, %add3A_492, %add3A_493], %mul3A_520 masked %lt3A_103 {add = true} : memref<4x128x128xf32, #tpu.memory_space<vmem>>[vector<16xi32>, vector<16xi32>, vector<16xi32>], vector<16xf32>, vector<16xi1>
        %broadcast_in_dim3A_527 = arith.constant 3 : i32
        %broadcast_in_dim3A_528 = vector.broadcast %broadcast_in_dim3A_527 : i32 to vector<16xi32>
        tpu.vector_store_idx %arg13[%broadcast_in_dim3A_528, %add3A_492, %add3A_493], %exp3A_517 masked %lt3A_103 {add = true} : memref<4x128x128xf32, #tpu.memory_space<vmem>>[vector<16xi32>, vector<16xi32>, vector<16xi32>], vector<16xf32>, vector<16xi1>
        %broadcast_in_dim3A_529 = arith.constant 2 : i32
        %broadcast_in_dim3A_530 = vector.broadcast %broadcast_in_dim3A_529 : i32 to vector<16xi32>
        %broadcast_in_dim3A_531 = vector.shape_cast %broadcast_in_dim3A_530 : vector<16xi32> to vector<16x1xi32>
        %gather3A_532 = vector.shape_cast %broadcast_in_dim3A_531 : vector<16x1xi32> to vector<16xi32>
        %gather3A_533 = tpu.dynamic_gather %gather3A_280[%gather3A_532] in [0] : vector<16xf32>, vector<16xi32> -> vector<16xf32>
        %broadcast_in_dim3A_534 = arith.constant 2 : i32
        %broadcast_in_dim3A_535 = vector.broadcast %broadcast_in_dim3A_534 : i32 to vector<16xi32>
        %broadcast_in_dim3A_536 = vector.shape_cast %broadcast_in_dim3A_535 : vector<16xi32> to vector<16x1xi32>
        %gather3A_537 = vector.shape_cast %broadcast_in_dim3A_536 : vector<16x1xi32> to vector<16xi32>
        %gather3A_538 = tpu.dynamic_gather %gather3A_281[%gather3A_537] in [0] : vector<16xf32>, vector<16xi32> -> vector<16xf32>
        %broadcast_in_dim3A_539 = arith.constant 2 : i32
        %broadcast_in_dim3A_540 = vector.broadcast %broadcast_in_dim3A_539 : i32 to vector<16xi32>
        %broadcast_in_dim3A_541 = vector.shape_cast %broadcast_in_dim3A_540 : vector<16xi32> to vector<16x1xi32>
        %gather3A_542 = vector.shape_cast %broadcast_in_dim3A_541 : vector<16x1xi32> to vector<16xi32>
        %gather3A_543 = tpu.dynamic_gather %convert_element_type3A_291[%gather3A_542] in [0] : vector<16xi32>, vector<16xi32> -> vector<16xi32>
        %broadcast_in_dim3A_544 = arith.constant 2 : i32
        %broadcast_in_dim3A_545 = vector.broadcast %broadcast_in_dim3A_544 : i32 to vector<16xi32>
        %broadcast_in_dim3A_546 = vector.shape_cast %broadcast_in_dim3A_545 : vector<16xi32> to vector<16x1xi32>
        %gather3A_547 = vector.shape_cast %broadcast_in_dim3A_546 : vector<16x1xi32> to vector<16xi32>
        %gather3A_548 = tpu.dynamic_gather %convert_element_type3A_298[%gather3A_547] in [0] : vector<16xi32>, vector<16xi32> -> vector<16xi32>
        %broadcast_in_dim3A_549 = arith.constant 2 : i32
        %broadcast_in_dim3A_550 = vector.broadcast %broadcast_in_dim3A_549 : i32 to vector<16xi32>
        %broadcast_in_dim3A_551 = vector.shape_cast %broadcast_in_dim3A_550 : vector<16xi32> to vector<16x1xi32>
        %gather3A_552 = vector.shape_cast %broadcast_in_dim3A_551 : vector<16x1xi32> to vector<16xi32>
        %gather3A_553 = tpu.dynamic_gather %mul3A_301[%gather3A_552] in [0] : vector<16xf32>, vector<16xi32> -> vector<16xf32>
        %broadcast_in_dim3A_554 = arith.constant 2 : i32
        %broadcast_in_dim3A_555 = vector.broadcast %broadcast_in_dim3A_554 : i32 to vector<16xi32>
        %broadcast_in_dim3A_556 = vector.shape_cast %broadcast_in_dim3A_555 : vector<16xi32> to vector<16x1xi32>
        %gather3A_557 = vector.shape_cast %broadcast_in_dim3A_556 : vector<16x1xi32> to vector<16xi32>
        %gather3A_558 = tpu.dynamic_gather %gather3A_282[%gather3A_557] in [0] : vector<16xf32>, vector<16xi32> -> vector<16xf32>
        %broadcast_in_dim3A_559 = arith.constant 2 : i32
        %broadcast_in_dim3A_560 = vector.broadcast %broadcast_in_dim3A_559 : i32 to vector<16xi32>
        %broadcast_in_dim3A_561 = vector.shape_cast %broadcast_in_dim3A_560 : vector<16xi32> to vector<16x1xi32>
        %gather3A_562 = vector.shape_cast %broadcast_in_dim3A_561 : vector<16x1xi32> to vector<16xi32>
        %gather3A_563 = tpu.dynamic_gather %gather3A_283[%gather3A_562] in [0] : vector<16xf32>, vector<16xi32> -> vector<16xf32>
        %broadcast_in_dim3A_564 = arith.constant 2 : i32
        %broadcast_in_dim3A_565 = vector.broadcast %broadcast_in_dim3A_564 : i32 to vector<16xi32>
        %broadcast_in_dim3A_566 = vector.shape_cast %broadcast_in_dim3A_565 : vector<16xi32> to vector<16x1xi32>
        %gather3A_567 = vector.shape_cast %broadcast_in_dim3A_566 : vector<16x1xi32> to vector<16xi32>
        %gather3A_568 = tpu.dynamic_gather %gather3A_284[%gather3A_567] in [0] : vector<16xf32>, vector<16xi32> -> vector<16xf32>
        %add3A_569 = arith.addi %gather3A_543, %sub3A_72 : vector<16xi32>
        %add3A_570 = arith.addi %gather3A_548, %sub3A_97 : vector<16xi32>
        %convert_element_type3A_571 = arith.sitofp %add3A_569 : vector<16xi32> to vector<16xf32>
        %add3A_572 = arith.constant 5.000000e-01 : f32
        %add3A_573 = vector.broadcast %add3A_572 : f32 to vector<16xf32>
        %add3A_574 = arith.addf %convert_element_type3A_571, %add3A_573 : vector<16xf32>
        %mul3A_575 = arith.constant 7.812500e-03 : f32
        %mul3A_576 = vector.broadcast %mul3A_575 : f32 to vector<16xf32>
        %mul3A_577 = arith.mulf %add3A_574, %mul3A_576 : vector<16xf32>
        %sub3A_578 = arith.subf %mul3A_577, %gather3A_533 : vector<16xf32>
        %convert_element_type3A_579 = arith.sitofp %add3A_570 : vector<16xi32> to vector<16xf32>
        %add3A_580 = arith.constant 5.000000e-01 : f32
        %add3A_581 = vector.broadcast %add3A_580 : f32 to vector<16xf32>
        %add3A_582 = arith.addf %convert_element_type3A_579, %add3A_581 : vector<16xf32>
        %mul3A_583 = arith.constant 7.812500e-03 : f32
        %mul3A_584 = vector.broadcast %mul3A_583 : f32 to vector<16xf32>
        %mul3A_585 = arith.mulf %add3A_582, %mul3A_584 : vector<16xf32>
        %sub3A_586 = arith.subf %mul3A_585, %gather3A_538 : vector<16xf32>
        %mul3A_587 = arith.mulf %sub3A_578, %sub3A_578 : vector<16xf32>
        %add3A_588 = arith.addf %gather3A_553, %mul3A_587 : vector<16xf32>
        %mul3A_589 = arith.mulf %sub3A_586, %sub3A_586 : vector<16xf32>
        %add3A_590 = arith.addf %add3A_588, %mul3A_589 : vector<16xf32>
        %mul3A_591 = arith.constant -3600.07202 : f32
        %mul3A_592 = vector.broadcast %mul3A_591 : f32 to vector<16xf32>
        %mul3A_593 = arith.mulf %add3A_590, %mul3A_592 : vector<16xf32>
        %exp3A_594 = math.exp %mul3A_593 : vector<16xf32>
        %mul3A_595 = arith.mulf %exp3A_594, %gather3A_558 : vector<16xf32>
        %mul3A_596 = arith.mulf %exp3A_594, %gather3A_563 : vector<16xf32>
        %mul3A_597 = arith.mulf %exp3A_594, %gather3A_568 : vector<16xf32>
        %broadcast_in_dim3A_598 = arith.constant 0 : i32
        %broadcast_in_dim3A_599 = vector.broadcast %broadcast_in_dim3A_598 : i32 to vector<16xi32>
        tpu.vector_store_idx %arg13[%broadcast_in_dim3A_599, %add3A_569, %add3A_570], %mul3A_595 {add = true} : memref<4x128x128xf32, #tpu.memory_space<vmem>>[vector<16xi32>, vector<16xi32>, vector<16xi32>], vector<16xf32>,
        %broadcast_in_dim3A_600 = arith.constant 1 : i32
        %broadcast_in_dim3A_601 = vector.broadcast %broadcast_in_dim3A_600 : i32 to vector<16xi32>
        tpu.vector_store_idx %arg13[%broadcast_in_dim3A_601, %add3A_569, %add3A_570], %mul3A_596 {add = true} : memref<4x128x128xf32, #tpu.memory_space<vmem>>[vector<16xi32>, vector<16xi32>, vector<16xi32>], vector<16xf32>,
        %broadcast_in_dim3A_602 = arith.constant 2 : i32
        %broadcast_in_dim3A_603 = vector.broadcast %broadcast_in_dim3A_602 : i32 to vector<16xi32>
        tpu.vector_store_idx %arg13[%broadcast_in_dim3A_603, %add3A_569, %add3A_570], %mul3A_597 {add = true} : memref<4x128x128xf32, #tpu.memory_space<vmem>>[vector<16xi32>, vector<16xi32>, vector<16xi32>], vector<16xf32>,
        %broadcast_in_dim3A_604 = arith.constant 3 : i32
        %broadcast_in_dim3A_605 = vector.broadcast %broadcast_in_dim3A_604 : i32 to vector<16xi32>
        tpu.vector_store_idx %arg13[%broadcast_in_dim3A_605, %add3A_569, %add3A_570], %exp3A_594 {add = true} : memref<4x128x128xf32, #tpu.memory_space<vmem>>[vector<16xi32>, vector<16xi32>, vector<16xi32>], vector<16xf32>,
        %add3A_606 = arith.addi %gather3A_543, %select_n3A_140 : vector<16xi32>
        %add3A_607 = arith.addi %gather3A_548, %select_n3A_168 : vector<16xi32>
        %convert_element_type3A_608 = arith.sitofp %add3A_606 : vector<16xi32> to vector<16xf32>
        %add3A_609 = arith.constant 5.000000e-01 : f32
        %add3A_610 = vector.broadcast %add3A_609 : f32 to vector<16xf32>
        %add3A_611 = arith.addf %convert_element_type3A_608, %add3A_610 : vector<16xf32>
        %mul3A_612 = arith.constant 7.812500e-03 : f32
        %mul3A_613 = vector.broadcast %mul3A_612 : f32 to vector<16xf32>
        %mul3A_614 = arith.mulf %add3A_611, %mul3A_613 : vector<16xf32>
        %sub3A_615 = arith.subf %mul3A_614, %gather3A_533 : vector<16xf32>
        %convert_element_type3A_616 = arith.sitofp %add3A_607 : vector<16xi32> to vector<16xf32>
        %add3A_617 = arith.constant 5.000000e-01 : f32
        %add3A_618 = vector.broadcast %add3A_617 : f32 to vector<16xf32>
        %add3A_619 = arith.addf %convert_element_type3A_616, %add3A_618 : vector<16xf32>
        %mul3A_620 = arith.constant 7.812500e-03 : f32
        %mul3A_621 = vector.broadcast %mul3A_620 : f32 to vector<16xf32>
        %mul3A_622 = arith.mulf %add3A_619, %mul3A_621 : vector<16xf32>
        %sub3A_623 = arith.subf %mul3A_622, %gather3A_538 : vector<16xf32>
        %mul3A_624 = arith.mulf %sub3A_615, %sub3A_615 : vector<16xf32>
        %add3A_625 = arith.addf %gather3A_553, %mul3A_624 : vector<16xf32>
        %mul3A_626 = arith.mulf %sub3A_623, %sub3A_623 : vector<16xf32>
        %add3A_627 = arith.addf %add3A_625, %mul3A_626 : vector<16xf32>
        %mul3A_628 = arith.constant -3600.07202 : f32
        %mul3A_629 = vector.broadcast %mul3A_628 : f32 to vector<16xf32>
        %mul3A_630 = arith.mulf %add3A_627, %mul3A_629 : vector<16xf32>
        %exp3A_631 = math.exp %mul3A_630 : vector<16xf32>
        %mul3A_632 = arith.mulf %exp3A_631, %gather3A_558 : vector<16xf32>
        %mul3A_633 = arith.mulf %exp3A_631, %gather3A_563 : vector<16xf32>
        %mul3A_634 = arith.mulf %exp3A_631, %gather3A_568 : vector<16xf32>
        %broadcast_in_dim3A_635 = arith.constant 0 : i32
        %broadcast_in_dim3A_636 = vector.broadcast %broadcast_in_dim3A_635 : i32 to vector<16xi32>
        tpu.vector_store_idx %arg13[%broadcast_in_dim3A_636, %add3A_606, %add3A_607], %mul3A_632 masked %lt3A_103 {add = true} : memref<4x128x128xf32, #tpu.memory_space<vmem>>[vector<16xi32>, vector<16xi32>, vector<16xi32>], vector<16xf32>, vector<16xi1>
        %broadcast_in_dim3A_637 = arith.constant 1 : i32
        %broadcast_in_dim3A_638 = vector.broadcast %broadcast_in_dim3A_637 : i32 to vector<16xi32>
        tpu.vector_store_idx %arg13[%broadcast_in_dim3A_638, %add3A_606, %add3A_607], %mul3A_633 masked %lt3A_103 {add = true} : memref<4x128x128xf32, #tpu.memory_space<vmem>>[vector<16xi32>, vector<16xi32>, vector<16xi32>], vector<16xf32>, vector<16xi1>
        %broadcast_in_dim3A_639 = arith.constant 2 : i32
        %broadcast_in_dim3A_640 = vector.broadcast %broadcast_in_dim3A_639 : i32 to vector<16xi32>
        tpu.vector_store_idx %arg13[%broadcast_in_dim3A_640, %add3A_606, %add3A_607], %mul3A_634 masked %lt3A_103 {add = true} : memref<4x128x128xf32, #tpu.memory_space<vmem>>[vector<16xi32>, vector<16xi32>, vector<16xi32>], vector<16xf32>, vector<16xi1>
        %broadcast_in_dim3A_641 = arith.constant 3 : i32
        %broadcast_in_dim3A_642 = vector.broadcast %broadcast_in_dim3A_641 : i32 to vector<16xi32>
        tpu.vector_store_idx %arg13[%broadcast_in_dim3A_642, %add3A_606, %add3A_607], %exp3A_631 masked %lt3A_103 {add = true} : memref<4x128x128xf32, #tpu.memory_space<vmem>>[vector<16xi32>, vector<16xi32>, vector<16xi32>], vector<16xf32>, vector<16xi1>
        %broadcast_in_dim3A_643 = arith.constant 3 : i32
        %broadcast_in_dim3A_644 = vector.broadcast %broadcast_in_dim3A_643 : i32 to vector<16xi32>
        %broadcast_in_dim3A_645 = vector.shape_cast %broadcast_in_dim3A_644 : vector<16xi32> to vector<16x1xi32>
        %gather3A_646 = vector.shape_cast %broadcast_in_dim3A_645 : vector<16x1xi32> to vector<16xi32>
        %gather3A_647 = tpu.dynamic_gather %gather3A_280[%gather3A_646] in [0] : vector<16xf32>, vector<16xi32> -> vector<16xf32>
        %broadcast_in_dim3A_648 = arith.constant 3 : i32
        %broadcast_in_dim3A_649 = vector.broadcast %broadcast_in_dim3A_648 : i32 to vector<16xi32>
        %broadcast_in_dim3A_650 = vector.shape_cast %broadcast_in_dim3A_649 : vector<16xi32> to vector<16x1xi32>
        %gather3A_651 = vector.shape_cast %broadcast_in_dim3A_650 : vector<16x1xi32> to vector<16xi32>
        %gather3A_652 = tpu.dynamic_gather %gather3A_281[%gather3A_651] in [0] : vector<16xf32>, vector<16xi32> -> vector<16xf32>
        %broadcast_in_dim3A_653 = arith.constant 3 : i32
        %broadcast_in_dim3A_654 = vector.broadcast %broadcast_in_dim3A_653 : i32 to vector<16xi32>
        %broadcast_in_dim3A_655 = vector.shape_cast %broadcast_in_dim3A_654 : vector<16xi32> to vector<16x1xi32>
        %gather3A_656 = vector.shape_cast %broadcast_in_dim3A_655 : vector<16x1xi32> to vector<16xi32>
        %gather3A_657 = tpu.dynamic_gather %convert_element_type3A_291[%gather3A_656] in [0] : vector<16xi32>, vector<16xi32> -> vector<16xi32>
        %broadcast_in_dim3A_658 = arith.constant 3 : i32
        %broadcast_in_dim3A_659 = vector.broadcast %broadcast_in_dim3A_658 : i32 to vector<16xi32>
        %broadcast_in_dim3A_660 = vector.shape_cast %broadcast_in_dim3A_659 : vector<16xi32> to vector<16x1xi32>
        %gather3A_661 = vector.shape_cast %broadcast_in_dim3A_660 : vector<16x1xi32> to vector<16xi32>
        %gather3A_662 = tpu.dynamic_gather %convert_element_type3A_298[%gather3A_661] in [0] : vector<16xi32>, vector<16xi32> -> vector<16xi32>
        %broadcast_in_dim3A_663 = arith.constant 3 : i32
        %broadcast_in_dim3A_664 = vector.broadcast %broadcast_in_dim3A_663 : i32 to vector<16xi32>
        %broadcast_in_dim3A_665 = vector.shape_cast %broadcast_in_dim3A_664 : vector<16xi32> to vector<16x1xi32>
        %gather3A_666 = vector.shape_cast %broadcast_in_dim3A_665 : vector<16x1xi32> to vector<16xi32>
        %gather3A_667 = tpu.dynamic_gather %mul3A_301[%gather3A_666] in [0] : vector<16xf32>, vector<16xi32> -> vector<16xf32>
        %broadcast_in_dim3A_668 = arith.constant 3 : i32
        %broadcast_in_dim3A_669 = vector.broadcast %broadcast_in_dim3A_668 : i32 to vector<16xi32>
        %broadcast_in_dim3A_670 = vector.shape_cast %broadcast_in_dim3A_669 : vector<16xi32> to vector<16x1xi32>
        %gather3A_671 = vector.shape_cast %broadcast_in_dim3A_670 : vector<16x1xi32> to vector<16xi32>
        %gather3A_672 = tpu.dynamic_gather %gather3A_282[%gather3A_671] in [0] : vector<16xf32>, vector<16xi32> -> vector<16xf32>
        %broadcast_in_dim3A_673 = arith.constant 3 : i32
        %broadcast_in_dim3A_674 = vector.broadcast %broadcast_in_dim3A_673 : i32 to vector<16xi32>
        %broadcast_in_dim3A_675 = vector.shape_cast %broadcast_in_dim3A_674 : vector<16xi32> to vector<16x1xi32>
        %gather3A_676 = vector.shape_cast %broadcast_in_dim3A_675 : vector<16x1xi32> to vector<16xi32>
        %gather3A_677 = tpu.dynamic_gather %gather3A_283[%gather3A_676] in [0] : vector<16xf32>, vector<16xi32> -> vector<16xf32>
        %broadcast_in_dim3A_678 = arith.constant 3 : i32
        %broadcast_in_dim3A_679 = vector.broadcast %broadcast_in_dim3A_678 : i32 to vector<16xi32>
        %broadcast_in_dim3A_680 = vector.shape_cast %broadcast_in_dim3A_679 : vector<16xi32> to vector<16x1xi32>
        %gather3A_681 = vector.shape_cast %broadcast_in_dim3A_680 : vector<16x1xi32> to vector<16xi32>
        %gather3A_682 = tpu.dynamic_gather %gather3A_284[%gather3A_681] in [0] : vector<16xf32>, vector<16xi32> -> vector<16xf32>
        %add3A_683 = arith.addi %gather3A_657, %sub3A_72 : vector<16xi32>
        %add3A_684 = arith.addi %gather3A_662, %sub3A_97 : vector<16xi32>
        %convert_element_type3A_685 = arith.sitofp %add3A_683 : vector<16xi32> to vector<16xf32>
        %add3A_686 = arith.constant 5.000000e-01 : f32
        %add3A_687 = vector.broadcast %add3A_686 : f32 to vector<16xf32>
        %add3A_688 = arith.addf %convert_element_type3A_685, %add3A_687 : vector<16xf32>
        %mul3A_689 = arith.constant 7.812500e-03 : f32
        %mul3A_690 = vector.broadcast %mul3A_689 : f32 to vector<16xf32>
        %mul3A_691 = arith.mulf %add3A_688, %mul3A_690 : vector<16xf32>
        %sub3A_692 = arith.subf %mul3A_691, %gather3A_647 : vector<16xf32>
        %convert_element_type3A_693 = arith.sitofp %add3A_684 : vector<16xi32> to vector<16xf32>
        %add3A_694 = arith.constant 5.000000e-01 : f32
        %add3A_695 = vector.broadcast %add3A_694 : f32 to vector<16xf32>
        %add3A_696 = arith.addf %convert_element_type3A_693, %add3A_695 : vector<16xf32>
        %mul3A_697 = arith.constant 7.812500e-03 : f32
        %mul3A_698 = vector.broadcast %mul3A_697 : f32 to vector<16xf32>
        %mul3A_699 = arith.mulf %add3A_696, %mul3A_698 : vector<16xf32>
        %sub3A_700 = arith.subf %mul3A_699, %gather3A_652 : vector<16xf32>
        %mul3A_701 = arith.mulf %sub3A_692, %sub3A_692 : vector<16xf32>
        %add3A_702 = arith.addf %gather3A_667, %mul3A_701 : vector<16xf32>
        %mul3A_703 = arith.mulf %sub3A_700, %sub3A_700 : vector<16xf32>
        %add3A_704 = arith.addf %add3A_702, %mul3A_703 : vector<16xf32>
        %mul3A_705 = arith.constant -3600.07202 : f32
        %mul3A_706 = vector.broadcast %mul3A_705 : f32 to vector<16xf32>
        %mul3A_707 = arith.mulf %add3A_704, %mul3A_706 : vector<16xf32>
        %exp3A_708 = math.exp %mul3A_707 : vector<16xf32>
        %mul3A_709 = arith.mulf %exp3A_708, %gather3A_672 : vector<16xf32>
        %mul3A_710 = arith.mulf %exp3A_708, %gather3A_677 : vector<16xf32>
        %mul3A_711 = arith.mulf %exp3A_708, %gather3A_682 : vector<16xf32>
        %broadcast_in_dim3A_712 = arith.constant 0 : i32
        %broadcast_in_dim3A_713 = vector.broadcast %broadcast_in_dim3A_712 : i32 to vector<16xi32>
        tpu.vector_store_idx %arg13[%broadcast_in_dim3A_713, %add3A_683, %add3A_684], %mul3A_709 {add = true} : memref<4x128x128xf32, #tpu.memory_space<vmem>>[vector<16xi32>, vector<16xi32>, vector<16xi32>], vector<16xf32>,
        %broadcast_in_dim3A_714 = arith.constant 1 : i32
        %broadcast_in_dim3A_715 = vector.broadcast %broadcast_in_dim3A_714 : i32 to vector<16xi32>
        tpu.vector_store_idx %arg13[%broadcast_in_dim3A_715, %add3A_683, %add3A_684], %mul3A_710 {add = true} : memref<4x128x128xf32, #tpu.memory_space<vmem>>[vector<16xi32>, vector<16xi32>, vector<16xi32>], vector<16xf32>,
        %broadcast_in_dim3A_716 = arith.constant 2 : i32
        %broadcast_in_dim3A_717 = vector.broadcast %broadcast_in_dim3A_716 : i32 to vector<16xi32>
        tpu.vector_store_idx %arg13[%broadcast_in_dim3A_717, %add3A_683, %add3A_684], %mul3A_711 {add = true} : memref<4x128x128xf32, #tpu.memory_space<vmem>>[vector<16xi32>, vector<16xi32>, vector<16xi32>], vector<16xf32>,
        %broadcast_in_dim3A_718 = arith.constant 3 : i32
        %broadcast_in_dim3A_719 = vector.broadcast %broadcast_in_dim3A_718 : i32 to vector<16xi32>
        tpu.vector_store_idx %arg13[%broadcast_in_dim3A_719, %add3A_683, %add3A_684], %exp3A_708 {add = true} : memref<4x128x128xf32, #tpu.memory_space<vmem>>[vector<16xi32>, vector<16xi32>, vector<16xi32>], vector<16xf32>,
        %add3A_720 = arith.addi %gather3A_657, %select_n3A_140 : vector<16xi32>
        %add3A_721 = arith.addi %gather3A_662, %select_n3A_168 : vector<16xi32>
        %convert_element_type3A_722 = arith.sitofp %add3A_720 : vector<16xi32> to vector<16xf32>
        %add3A_723 = arith.constant 5.000000e-01 : f32
        %add3A_724 = vector.broadcast %add3A_723 : f32 to vector<16xf32>
        %add3A_725 = arith.addf %convert_element_type3A_722, %add3A_724 : vector<16xf32>
        %mul3A_726 = arith.constant 7.812500e-03 : f32
        %mul3A_727 = vector.broadcast %mul3A_726 : f32 to vector<16xf32>
        %mul3A_728 = arith.mulf %add3A_725, %mul3A_727 : vector<16xf32>
        %sub3A_729 = arith.subf %mul3A_728, %gather3A_647 : vector<16xf32>
        %convert_element_type3A_730 = arith.sitofp %add3A_721 : vector<16xi32> to vector<16xf32>
        %add3A_731 = arith.constant 5.000000e-01 : f32
        %add3A_732 = vector.broadcast %add3A_731 : f32 to vector<16xf32>
        %add3A_733 = arith.addf %convert_element_type3A_730, %add3A_732 : vector<16xf32>
        %mul3A_734 = arith.constant 7.812500e-03 : f32
        %mul3A_735 = vector.broadcast %mul3A_734 : f32 to vector<16xf32>
        %mul3A_736 = arith.mulf %add3A_733, %mul3A_735 : vector<16xf32>
        %sub3A_737 = arith.subf %mul3A_736, %gather3A_652 : vector<16xf32>
        %mul3A_738 = arith.mulf %sub3A_729, %sub3A_729 : vector<16xf32>
        %add3A_739 = arith.addf %gather3A_667, %mul3A_738 : vector<16xf32>
        %mul3A_740 = arith.mulf %sub3A_737, %sub3A_737 : vector<16xf32>
        %add3A_741 = arith.addf %add3A_739, %mul3A_740 : vector<16xf32>
        %mul3A_742 = arith.constant -3600.07202 : f32
        %mul3A_743 = vector.broadcast %mul3A_742 : f32 to vector<16xf32>
        %mul3A_744 = arith.mulf %add3A_741, %mul3A_743 : vector<16xf32>
        %exp3A_745 = math.exp %mul3A_744 : vector<16xf32>
        %mul3A_746 = arith.mulf %exp3A_745, %gather3A_672 : vector<16xf32>
        %mul3A_747 = arith.mulf %exp3A_745, %gather3A_677 : vector<16xf32>
        %mul3A_748 = arith.mulf %exp3A_745, %gather3A_682 : vector<16xf32>
        %broadcast_in_dim3A_749 = arith.constant 0 : i32
        %broadcast_in_dim3A_750 = vector.broadcast %broadcast_in_dim3A_749 : i32 to vector<16xi32>
        tpu.vector_store_idx %arg13[%broadcast_in_dim3A_750, %add3A_720, %add3A_721], %mul3A_746 masked %lt3A_103 {add = true} : memref<4x128x128xf32, #tpu.memory_space<vmem>>[vector<16xi32>, vector<16xi32>, vector<16xi32>], vector<16xf32>, vector<16xi1>
        %broadcast_in_dim3A_751 = arith.constant 1 : i32
        %broadcast_in_dim3A_752 = vector.broadcast %broadcast_in_dim3A_751 : i32 to vector<16xi32>
        tpu.vector_store_idx %arg13[%broadcast_in_dim3A_752, %add3A_720, %add3A_721], %mul3A_747 masked %lt3A_103 {add = true} : memref<4x128x128xf32, #tpu.memory_space<vmem>>[vector<16xi32>, vector<16xi32>, vector<16xi32>], vector<16xf32>, vector<16xi1>
        %broadcast_in_dim3A_753 = arith.constant 2 : i32
        %broadcast_in_dim3A_754 = vector.broadcast %broadcast_in_dim3A_753 : i32 to vector<16xi32>
        tpu.vector_store_idx %arg13[%broadcast_in_dim3A_754, %add3A_720, %add3A_721], %mul3A_748 masked %lt3A_103 {add = true} : memref<4x128x128xf32, #tpu.memory_space<vmem>>[vector<16xi32>, vector<16xi32>, vector<16xi32>], vector<16xf32>, vector<16xi1>
        %broadcast_in_dim3A_755 = arith.constant 3 : i32
        %broadcast_in_dim3A_756 = vector.broadcast %broadcast_in_dim3A_755 : i32 to vector<16xi32>
        tpu.vector_store_idx %arg13[%broadcast_in_dim3A_756, %add3A_720, %add3A_721], %exp3A_745 masked %lt3A_103 {add = true} : memref<4x128x128xf32, #tpu.memory_space<vmem>>[vector<16xi32>, vector<16xi32>, vector<16xi32>], vector<16xf32>, vector<16xi1>
        %broadcast_in_dim3A_757 = arith.constant 4 : i32
        %broadcast_in_dim3A_758 = vector.broadcast %broadcast_in_dim3A_757 : i32 to vector<16xi32>
        %broadcast_in_dim3A_759 = vector.shape_cast %broadcast_in_dim3A_758 : vector<16xi32> to vector<16x1xi32>
        %gather3A_760 = vector.shape_cast %broadcast_in_dim3A_759 : vector<16x1xi32> to vector<16xi32>
        %gather3A_761 = tpu.dynamic_gather %gather3A_280[%gather3A_760] in [0] : vector<16xf32>, vector<16xi32> -> vector<16xf32>
        %broadcast_in_dim3A_762 = arith.constant 4 : i32
        %broadcast_in_dim3A_763 = vector.broadcast %broadcast_in_dim3A_762 : i32 to vector<16xi32>
        %broadcast_in_dim3A_764 = vector.shape_cast %broadcast_in_dim3A_763 : vector<16xi32> to vector<16x1xi32>
        %gather3A_765 = vector.shape_cast %broadcast_in_dim3A_764 : vector<16x1xi32> to vector<16xi32>
        %gather3A_766 = tpu.dynamic_gather %gather3A_281[%gather3A_765] in [0] : vector<16xf32>, vector<16xi32> -> vector<16xf32>
        %broadcast_in_dim3A_767 = arith.constant 4 : i32
        %broadcast_in_dim3A_768 = vector.broadcast %broadcast_in_dim3A_767 : i32 to vector<16xi32>
        %broadcast_in_dim3A_769 = vector.shape_cast %broadcast_in_dim3A_768 : vector<16xi32> to vector<16x1xi32>
        %gather3A_770 = vector.shape_cast %broadcast_in_dim3A_769 : vector<16x1xi32> to vector<16xi32>
        %gather3A_771 = tpu.dynamic_gather %convert_element_type3A_291[%gather3A_770] in [0] : vector<16xi32>, vector<16xi32> -> vector<16xi32>
        %broadcast_in_dim3A_772 = arith.constant 4 : i32
        %broadcast_in_dim3A_773 = vector.broadcast %broadcast_in_dim3A_772 : i32 to vector<16xi32>
        %broadcast_in_dim3A_774 = vector.shape_cast %broadcast_in_dim3A_773 : vector<16xi32> to vector<16x1xi32>
        %gather3A_775 = vector.shape_cast %broadcast_in_dim3A_774 : vector<16x1xi32> to vector<16xi32>
        %gather3A_776 = tpu.dynamic_gather %convert_element_type3A_298[%gather3A_775] in [0] : vector<16xi32>, vector<16xi32> -> vector<16xi32>
        %broadcast_in_dim3A_777 = arith.constant 4 : i32
        %broadcast_in_dim3A_778 = vector.broadcast %broadcast_in_dim3A_777 : i32 to vector<16xi32>
        %broadcast_in_dim3A_779 = vector.shape_cast %broadcast_in_dim3A_778 : vector<16xi32> to vector<16x1xi32>
        %gather3A_780 = vector.shape_cast %broadcast_in_dim3A_779 : vector<16x1xi32> to vector<16xi32>
        %gather3A_781 = tpu.dynamic_gather %mul3A_301[%gather3A_780] in [0] : vector<16xf32>, vector<16xi32> -> vector<16xf32>
        %broadcast_in_dim3A_782 = arith.constant 4 : i32
        %broadcast_in_dim3A_783 = vector.broadcast %broadcast_in_dim3A_782 : i32 to vector<16xi32>
        %broadcast_in_dim3A_784 = vector.shape_cast %broadcast_in_dim3A_783 : vector<16xi32> to vector<16x1xi32>
        %gather3A_785 = vector.shape_cast %broadcast_in_dim3A_784 : vector<16x1xi32> to vector<16xi32>
        %gather3A_786 = tpu.dynamic_gather %gather3A_282[%gather3A_785] in [0] : vector<16xf32>, vector<16xi32> -> vector<16xf32>
        %broadcast_in_dim3A_787 = arith.constant 4 : i32
        %broadcast_in_dim3A_788 = vector.broadcast %broadcast_in_dim3A_787 : i32 to vector<16xi32>
        %broadcast_in_dim3A_789 = vector.shape_cast %broadcast_in_dim3A_788 : vector<16xi32> to vector<16x1xi32>
        %gather3A_790 = vector.shape_cast %broadcast_in_dim3A_789 : vector<16x1xi32> to vector<16xi32>
        %gather3A_791 = tpu.dynamic_gather %gather3A_283[%gather3A_790] in [0] : vector<16xf32>, vector<16xi32> -> vector<16xf32>
        %broadcast_in_dim3A_792 = arith.constant 4 : i32
        %broadcast_in_dim3A_793 = vector.broadcast %broadcast_in_dim3A_792 : i32 to vector<16xi32>
        %broadcast_in_dim3A_794 = vector.shape_cast %broadcast_in_dim3A_793 : vector<16xi32> to vector<16x1xi32>
        %gather3A_795 = vector.shape_cast %broadcast_in_dim3A_794 : vector<16x1xi32> to vector<16xi32>
        %gather3A_796 = tpu.dynamic_gather %gather3A_284[%gather3A_795] in [0] : vector<16xf32>, vector<16xi32> -> vector<16xf32>
        %add3A_797 = arith.addi %gather3A_771, %sub3A_72 : vector<16xi32>
        %add3A_798 = arith.addi %gather3A_776, %sub3A_97 : vector<16xi32>
        %convert_element_type3A_799 = arith.sitofp %add3A_797 : vector<16xi32> to vector<16xf32>
        %add3A_800 = arith.constant 5.000000e-01 : f32
        %add3A_801 = vector.broadcast %add3A_800 : f32 to vector<16xf32>
        %add3A_802 = arith.addf %convert_element_type3A_799, %add3A_801 : vector<16xf32>
        %mul3A_803 = arith.constant 7.812500e-03 : f32
        %mul3A_804 = vector.broadcast %mul3A_803 : f32 to vector<16xf32>
        %mul3A_805 = arith.mulf %add3A_802, %mul3A_804 : vector<16xf32>
        %sub3A_806 = arith.subf %mul3A_805, %gather3A_761 : vector<16xf32>
        %convert_element_type3A_807 = arith.sitofp %add3A_798 : vector<16xi32> to vector<16xf32>
        %add3A_808 = arith.constant 5.000000e-01 : f32
        %add3A_809 = vector.broadcast %add3A_808 : f32 to vector<16xf32>
        %add3A_810 = arith.addf %convert_element_type3A_807, %add3A_809 : vector<16xf32>
        %mul3A_811 = arith.constant 7.812500e-03 : f32
        %mul3A_812 = vector.broadcast %mul3A_811 : f32 to vector<16xf32>
        %mul3A_813 = arith.mulf %add3A_810, %mul3A_812 : vector<16xf32>
        %sub3A_814 = arith.subf %mul3A_813, %gather3A_766 : vector<16xf32>
        %mul3A_815 = arith.mulf %sub3A_806, %sub3A_806 : vector<16xf32>
        %add3A_816 = arith.addf %gather3A_781, %mul3A_815 : vector<16xf32>
        %mul3A_817 = arith.mulf %sub3A_814, %sub3A_814 : vector<16xf32>
        %add3A_818 = arith.addf %add3A_816, %mul3A_817 : vector<16xf32>
        %mul3A_819 = arith.constant -3600.07202 : f32
        %mul3A_820 = vector.broadcast %mul3A_819 : f32 to vector<16xf32>
        %mul3A_821 = arith.mulf %add3A_818, %mul3A_820 : vector<16xf32>
        %exp3A_822 = math.exp %mul3A_821 : vector<16xf32>
        %mul3A_823 = arith.mulf %exp3A_822, %gather3A_786 : vector<16xf32>
        %mul3A_824 = arith.mulf %exp3A_822, %gather3A_791 : vector<16xf32>
        %mul3A_825 = arith.mulf %exp3A_822, %gather3A_796 : vector<16xf32>
        %broadcast_in_dim3A_826 = arith.constant 0 : i32
        %broadcast_in_dim3A_827 = vector.broadcast %broadcast_in_dim3A_826 : i32 to vector<16xi32>
        tpu.vector_store_idx %arg13[%broadcast_in_dim3A_827, %add3A_797, %add3A_798], %mul3A_823 {add = true} : memref<4x128x128xf32, #tpu.memory_space<vmem>>[vector<16xi32>, vector<16xi32>, vector<16xi32>], vector<16xf32>,
        %broadcast_in_dim3A_828 = arith.constant 1 : i32
        %broadcast_in_dim3A_829 = vector.broadcast %broadcast_in_dim3A_828 : i32 to vector<16xi32>
        tpu.vector_store_idx %arg13[%broadcast_in_dim3A_829, %add3A_797, %add3A_798], %mul3A_824 {add = true} : memref<4x128x128xf32, #tpu.memory_space<vmem>>[vector<16xi32>, vector<16xi32>, vector<16xi32>], vector<16xf32>,
        %broadcast_in_dim3A_830 = arith.constant 2 : i32
        %broadcast_in_dim3A_831 = vector.broadcast %broadcast_in_dim3A_830 : i32 to vector<16xi32>
        tpu.vector_store_idx %arg13[%broadcast_in_dim3A_831, %add3A_797, %add3A_798], %mul3A_825 {add = true} : memref<4x128x128xf32, #tpu.memory_space<vmem>>[vector<16xi32>, vector<16xi32>, vector<16xi32>], vector<16xf32>,
        %broadcast_in_dim3A_832 = arith.constant 3 : i32
        %broadcast_in_dim3A_833 = vector.broadcast %broadcast_in_dim3A_832 : i32 to vector<16xi32>
        tpu.vector_store_idx %arg13[%broadcast_in_dim3A_833, %add3A_797, %add3A_798], %exp3A_822 {add = true} : memref<4x128x128xf32, #tpu.memory_space<vmem>>[vector<16xi32>, vector<16xi32>, vector<16xi32>], vector<16xf32>,
        %add3A_834 = arith.addi %gather3A_771, %select_n3A_140 : vector<16xi32>
        %add3A_835 = arith.addi %gather3A_776, %select_n3A_168 : vector<16xi32>
        %convert_element_type3A_836 = arith.sitofp %add3A_834 : vector<16xi32> to vector<16xf32>
        %add3A_837 = arith.constant 5.000000e-01 : f32
        %add3A_838 = vector.broadcast %add3A_837 : f32 to vector<16xf32>
        %add3A_839 = arith.addf %convert_element_type3A_836, %add3A_838 : vector<16xf32>
        %mul3A_840 = arith.constant 7.812500e-03 : f32
        %mul3A_841 = vector.broadcast %mul3A_840 : f32 to vector<16xf32>
        %mul3A_842 = arith.mulf %add3A_839, %mul3A_841 : vector<16xf32>
        %sub3A_843 = arith.subf %mul3A_842, %gather3A_761 : vector<16xf32>
        %convert_element_type3A_844 = arith.sitofp %add3A_835 : vector<16xi32> to vector<16xf32>
        %add3A_845 = arith.constant 5.000000e-01 : f32
        %add3A_846 = vector.broadcast %add3A_845 : f32 to vector<16xf32>
        %add3A_847 = arith.addf %convert_element_type3A_844, %add3A_846 : vector<16xf32>
        %mul3A_848 = arith.constant 7.812500e-03 : f32
        %mul3A_849 = vector.broadcast %mul3A_848 : f32 to vector<16xf32>
        %mul3A_850 = arith.mulf %add3A_847, %mul3A_849 : vector<16xf32>
        %sub3A_851 = arith.subf %mul3A_850, %gather3A_766 : vector<16xf32>
        %mul3A_852 = arith.mulf %sub3A_843, %sub3A_843 : vector<16xf32>
        %add3A_853 = arith.addf %gather3A_781, %mul3A_852 : vector<16xf32>
        %mul3A_854 = arith.mulf %sub3A_851, %sub3A_851 : vector<16xf32>
        %add3A_855 = arith.addf %add3A_853, %mul3A_854 : vector<16xf32>
        %mul3A_856 = arith.constant -3600.07202 : f32
        %mul3A_857 = vector.broadcast %mul3A_856 : f32 to vector<16xf32>
        %mul3A_858 = arith.mulf %add3A_855, %mul3A_857 : vector<16xf32>
        %exp3A_859 = math.exp %mul3A_858 : vector<16xf32>
        %mul3A_860 = arith.mulf %exp3A_859, %gather3A_786 : vector<16xf32>
        %mul3A_861 = arith.mulf %exp3A_859, %gather3A_791 : vector<16xf32>
        %mul3A_862 = arith.mulf %exp3A_859, %gather3A_796 : vector<16xf32>
        %broadcast_in_dim3A_863 = arith.constant 0 : i32
        %broadcast_in_dim3A_864 = vector.broadcast %broadcast_in_dim3A_863 : i32 to vector<16xi32>
        tpu.vector_store_idx %arg13[%broadcast_in_dim3A_864, %add3A_834, %add3A_835], %mul3A_860 masked %lt3A_103 {add = true} : memref<4x128x128xf32, #tpu.memory_space<vmem>>[vector<16xi32>, vector<16xi32>, vector<16xi32>], vector<16xf32>, vector<16xi1>
        %broadcast_in_dim3A_865 = arith.constant 1 : i32
        %broadcast_in_dim3A_866 = vector.broadcast %broadcast_in_dim3A_865 : i32 to vector<16xi32>
        tpu.vector_store_idx %arg13[%broadcast_in_dim3A_866, %add3A_834, %add3A_835], %mul3A_861 masked %lt3A_103 {add = true} : memref<4x128x128xf32, #tpu.memory_space<vmem>>[vector<16xi32>, vector<16xi32>, vector<16xi32>], vector<16xf32>, vector<16xi1>
        %broadcast_in_dim3A_867 = arith.constant 2 : i32
        %broadcast_in_dim3A_868 = vector.broadcast %broadcast_in_dim3A_867 : i32 to vector<16xi32>
        tpu.vector_store_idx %arg13[%broadcast_in_dim3A_868, %add3A_834, %add3A_835], %mul3A_862 masked %lt3A_103 {add = true} : memref<4x128x128xf32, #tpu.memory_space<vmem>>[vector<16xi32>, vector<16xi32>, vector<16xi32>], vector<16xf32>, vector<16xi1>
        %broadcast_in_dim3A_869 = arith.constant 3 : i32
        %broadcast_in_dim3A_870 = vector.broadcast %broadcast_in_dim3A_869 : i32 to vector<16xi32>
        tpu.vector_store_idx %arg13[%broadcast_in_dim3A_870, %add3A_834, %add3A_835], %exp3A_859 masked %lt3A_103 {add = true} : memref<4x128x128xf32, #tpu.memory_space<vmem>>[vector<16xi32>, vector<16xi32>, vector<16xi32>], vector<16xf32>, vector<16xi1>
        %broadcast_in_dim3A_871 = arith.constant 5 : i32
        %broadcast_in_dim3A_872 = vector.broadcast %broadcast_in_dim3A_871 : i32 to vector<16xi32>
        %broadcast_in_dim3A_873 = vector.shape_cast %broadcast_in_dim3A_872 : vector<16xi32> to vector<16x1xi32>
        %gather3A_874 = vector.shape_cast %broadcast_in_dim3A_873 : vector<16x1xi32> to vector<16xi32>
        %gather3A_875 = tpu.dynamic_gather %gather3A_280[%gather3A_874] in [0] : vector<16xf32>, vector<16xi32> -> vector<16xf32>
        %broadcast_in_dim3A_876 = arith.constant 5 : i32
        %broadcast_in_dim3A_877 = vector.broadcast %broadcast_in_dim3A_876 : i32 to vector<16xi32>
        %broadcast_in_dim3A_878 = vector.shape_cast %broadcast_in_dim3A_877 : vector<16xi32> to vector<16x1xi32>
        %gather3A_879 = vector.shape_cast %broadcast_in_dim3A_878 : vector<16x1xi32> to vector<16xi32>
        %gather3A_880 = tpu.dynamic_gather %gather3A_281[%gather3A_879] in [0] : vector<16xf32>, vector<16xi32> -> vector<16xf32>
        %broadcast_in_dim3A_881 = arith.constant 5 : i32
        %broadcast_in_dim3A_882 = vector.broadcast %broadcast_in_dim3A_881 : i32 to vector<16xi32>
        %broadcast_in_dim3A_883 = vector.shape_cast %broadcast_in_dim3A_882 : vector<16xi32> to vector<16x1xi32>
        %gather3A_884 = vector.shape_cast %broadcast_in_dim3A_883 : vector<16x1xi32> to vector<16xi32>
        %gather3A_885 = tpu.dynamic_gather %convert_element_type3A_291[%gather3A_884] in [0] : vector<16xi32>, vector<16xi32> -> vector<16xi32>
        %broadcast_in_dim3A_886 = arith.constant 5 : i32
        %broadcast_in_dim3A_887 = vector.broadcast %broadcast_in_dim3A_886 : i32 to vector<16xi32>
        %broadcast_in_dim3A_888 = vector.shape_cast %broadcast_in_dim3A_887 : vector<16xi32> to vector<16x1xi32>
        %gather3A_889 = vector.shape_cast %broadcast_in_dim3A_888 : vector<16x1xi32> to vector<16xi32>
        %gather3A_890 = tpu.dynamic_gather %convert_element_type3A_298[%gather3A_889] in [0] : vector<16xi32>, vector<16xi32> -> vector<16xi32>
        %broadcast_in_dim3A_891 = arith.constant 5 : i32
        %broadcast_in_dim3A_892 = vector.broadcast %broadcast_in_dim3A_891 : i32 to vector<16xi32>
        %broadcast_in_dim3A_893 = vector.shape_cast %broadcast_in_dim3A_892 : vector<16xi32> to vector<16x1xi32>
        %gather3A_894 = vector.shape_cast %broadcast_in_dim3A_893 : vector<16x1xi32> to vector<16xi32>
        %gather3A_895 = tpu.dynamic_gather %mul3A_301[%gather3A_894] in [0] : vector<16xf32>, vector<16xi32> -> vector<16xf32>
        %broadcast_in_dim3A_896 = arith.constant 5 : i32
        %broadcast_in_dim3A_897 = vector.broadcast %broadcast_in_dim3A_896 : i32 to vector<16xi32>
        %broadcast_in_dim3A_898 = vector.shape_cast %broadcast_in_dim3A_897 : vector<16xi32> to vector<16x1xi32>
        %gather3A_899 = vector.shape_cast %broadcast_in_dim3A_898 : vector<16x1xi32> to vector<16xi32>
        %gather3A_900 = tpu.dynamic_gather %gather3A_282[%gather3A_899] in [0] : vector<16xf32>, vector<16xi32> -> vector<16xf32>
        %broadcast_in_dim3A_901 = arith.constant 5 : i32
        %broadcast_in_dim3A_902 = vector.broadcast %broadcast_in_dim3A_901 : i32 to vector<16xi32>
        %broadcast_in_dim3A_903 = vector.shape_cast %broadcast_in_dim3A_902 : vector<16xi32> to vector<16x1xi32>
        %gather3A_904 = vector.shape_cast %broadcast_in_dim3A_903 : vector<16x1xi32> to vector<16xi32>
        %gather3A_905 = tpu.dynamic_gather %gather3A_283[%gather3A_904] in [0] : vector<16xf32>, vector<16xi32> -> vector<16xf32>
        %broadcast_in_dim3A_906 = arith.constant 5 : i32
        %broadcast_in_dim3A_907 = vector.broadcast %broadcast_in_dim3A_906 : i32 to vector<16xi32>
        %broadcast_in_dim3A_908 = vector.shape_cast %broadcast_in_dim3A_907 : vector<16xi32> to vector<16x1xi32>
        %gather3A_909 = vector.shape_cast %broadcast_in_dim3A_908 : vector<16x1xi32> to vector<16xi32>
        %gather3A_910 = tpu.dynamic_gather %gather3A_284[%gather3A_909] in [0] : vector<16xf32>, vector<16xi32> -> vector<16xf32>
        %add3A_911 = arith.addi %gather3A_885, %sub3A_72 : vector<16xi32>
        %add3A_912 = arith.addi %gather3A_890, %sub3A_97 : vector<16xi32>
        %convert_element_type3A_913 = arith.sitofp %add3A_911 : vector<16xi32> to vector<16xf32>
        %add3A_914 = arith.constant 5.000000e-01 : f32
        %add3A_915 = vector.broadcast %add3A_914 : f32 to vector<16xf32>
        %add3A_916 = arith.addf %convert_element_type3A_913, %add3A_915 : vector<16xf32>
        %mul3A_917 = arith.constant 7.812500e-03 : f32
        %mul3A_918 = vector.broadcast %mul3A_917 : f32 to vector<16xf32>
        %mul3A_919 = arith.mulf %add3A_916, %mul3A_918 : vector<16xf32>
        %sub3A_920 = arith.subf %mul3A_919, %gather3A_875 : vector<16xf32>
        %convert_element_type3A_921 = arith.sitofp %add3A_912 : vector<16xi32> to vector<16xf32>
        %add3A_922 = arith.constant 5.000000e-01 : f32
        %add3A_923 = vector.broadcast %add3A_922 : f32 to vector<16xf32>
        %add3A_924 = arith.addf %convert_element_type3A_921, %add3A_923 : vector<16xf32>
        %mul3A_925 = arith.constant 7.812500e-03 : f32
        %mul3A_926 = vector.broadcast %mul3A_925 : f32 to vector<16xf32>
        %mul3A_927 = arith.mulf %add3A_924, %mul3A_926 : vector<16xf32>
        %sub3A_928 = arith.subf %mul3A_927, %gather3A_880 : vector<16xf32>
        %mul3A_929 = arith.mulf %sub3A_920, %sub3A_920 : vector<16xf32>
        %add3A_930 = arith.addf %gather3A_895, %mul3A_929 : vector<16xf32>
        %mul3A_931 = arith.mulf %sub3A_928, %sub3A_928 : vector<16xf32>
        %add3A_932 = arith.addf %add3A_930, %mul3A_931 : vector<16xf32>
        %mul3A_933 = arith.constant -3600.07202 : f32
        %mul3A_934 = vector.broadcast %mul3A_933 : f32 to vector<16xf32>
        %mul3A_935 = arith.mulf %add3A_932, %mul3A_934 : vector<16xf32>
        %exp3A_936 = math.exp %mul3A_935 : vector<16xf32>
        %mul3A_937 = arith.mulf %exp3A_936, %gather3A_900 : vector<16xf32>
        %mul3A_938 = arith.mulf %exp3A_936, %gather3A_905 : vector<16xf32>
        %mul3A_939 = arith.mulf %exp3A_936, %gather3A_910 : vector<16xf32>
        %broadcast_in_dim3A_940 = arith.constant 0 : i32
        %broadcast_in_dim3A_941 = vector.broadcast %broadcast_in_dim3A_940 : i32 to vector<16xi32>
        tpu.vector_store_idx %arg13[%broadcast_in_dim3A_941, %add3A_911, %add3A_912], %mul3A_937 {add = true} : memref<4x128x128xf32, #tpu.memory_space<vmem>>[vector<16xi32>, vector<16xi32>, vector<16xi32>], vector<16xf32>,
        %broadcast_in_dim3A_942 = arith.constant 1 : i32
        %broadcast_in_dim3A_943 = vector.broadcast %broadcast_in_dim3A_942 : i32 to vector<16xi32>
        tpu.vector_store_idx %arg13[%broadcast_in_dim3A_943, %add3A_911, %add3A_912], %mul3A_938 {add = true} : memref<4x128x128xf32, #tpu.memory_space<vmem>>[vector<16xi32>, vector<16xi32>, vector<16xi32>], vector<16xf32>,
        %broadcast_in_dim3A_944 = arith.constant 2 : i32
        %broadcast_in_dim3A_945 = vector.broadcast %broadcast_in_dim3A_944 : i32 to vector<16xi32>
        tpu.vector_store_idx %arg13[%broadcast_in_dim3A_945, %add3A_911, %add3A_912], %mul3A_939 {add = true} : memref<4x128x128xf32, #tpu.memory_space<vmem>>[vector<16xi32>, vector<16xi32>, vector<16xi32>], vector<16xf32>,
        %broadcast_in_dim3A_946 = arith.constant 3 : i32
        %broadcast_in_dim3A_947 = vector.broadcast %broadcast_in_dim3A_946 : i32 to vector<16xi32>
        tpu.vector_store_idx %arg13[%broadcast_in_dim3A_947, %add3A_911, %add3A_912], %exp3A_936 {add = true} : memref<4x128x128xf32, #tpu.memory_space<vmem>>[vector<16xi32>, vector<16xi32>, vector<16xi32>], vector<16xf32>,
        %add3A_948 = arith.addi %gather3A_885, %select_n3A_140 : vector<16xi32>
        %add3A_949 = arith.addi %gather3A_890, %select_n3A_168 : vector<16xi32>
        %convert_element_type3A_950 = arith.sitofp %add3A_948 : vector<16xi32> to vector<16xf32>
        %add3A_951 = arith.constant 5.000000e-01 : f32
        %add3A_952 = vector.broadcast %add3A_951 : f32 to vector<16xf32>
        %add3A_953 = arith.addf %convert_element_type3A_950, %add3A_952 : vector<16xf32>
        %mul3A_954 = arith.constant 7.812500e-03 : f32
        %mul3A_955 = vector.broadcast %mul3A_954 : f32 to vector<16xf32>
        %mul3A_956 = arith.mulf %add3A_953, %mul3A_955 : vector<16xf32>
        %sub3A_957 = arith.subf %mul3A_956, %gather3A_875 : vector<16xf32>
        %convert_element_type3A_958 = arith.sitofp %add3A_949 : vector<16xi32> to vector<16xf32>
        %add3A_959 = arith.constant 5.000000e-01 : f32
        %add3A_960 = vector.broadcast %add3A_959 : f32 to vector<16xf32>
        %add3A_961 = arith.addf %convert_element_type3A_958, %add3A_960 : vector<16xf32>
        %mul3A_962 = arith.constant 7.812500e-03 : f32
        %mul3A_963 = vector.broadcast %mul3A_962 : f32 to vector<16xf32>
        %mul3A_964 = arith.mulf %add3A_961, %mul3A_963 : vector<16xf32>
        %sub3A_965 = arith.subf %mul3A_964, %gather3A_880 : vector<16xf32>
        %mul3A_966 = arith.mulf %sub3A_957, %sub3A_957 : vector<16xf32>
        %add3A_967 = arith.addf %gather3A_895, %mul3A_966 : vector<16xf32>
        %mul3A_968 = arith.mulf %sub3A_965, %sub3A_965 : vector<16xf32>
        %add3A_969 = arith.addf %add3A_967, %mul3A_968 : vector<16xf32>
        %mul3A_970 = arith.constant -3600.07202 : f32
        %mul3A_971 = vector.broadcast %mul3A_970 : f32 to vector<16xf32>
        %mul3A_972 = arith.mulf %add3A_969, %mul3A_971 : vector<16xf32>
        %exp3A_973 = math.exp %mul3A_972 : vector<16xf32>
        %mul3A_974 = arith.mulf %exp3A_973, %gather3A_900 : vector<16xf32>
        %mul3A_975 = arith.mulf %exp3A_973, %gather3A_905 : vector<16xf32>
        %mul3A_976 = arith.mulf %exp3A_973, %gather3A_910 : vector<16xf32>
        %broadcast_in_dim3A_977 = arith.constant 0 : i32
        %broadcast_in_dim3A_978 = vector.broadcast %broadcast_in_dim3A_977 : i32 to vector<16xi32>
        tpu.vector_store_idx %arg13[%broadcast_in_dim3A_978, %add3A_948, %add3A_949], %mul3A_974 masked %lt3A_103 {add = true} : memref<4x128x128xf32, #tpu.memory_space<vmem>>[vector<16xi32>, vector<16xi32>, vector<16xi32>], vector<16xf32>, vector<16xi1>
        %broadcast_in_dim3A_979 = arith.constant 1 : i32
        %broadcast_in_dim3A_980 = vector.broadcast %broadcast_in_dim3A_979 : i32 to vector<16xi32>
        tpu.vector_store_idx %arg13[%broadcast_in_dim3A_980, %add3A_948, %add3A_949], %mul3A_975 masked %lt3A_103 {add = true} : memref<4x128x128xf32, #tpu.memory_space<vmem>>[vector<16xi32>, vector<16xi32>, vector<16xi32>], vector<16xf32>, vector<16xi1>
        %broadcast_in_dim3A_981 = arith.constant 2 : i32
        %broadcast_in_dim3A_982 = vector.broadcast %broadcast_in_dim3A_981 : i32 to vector<16xi32>
        tpu.vector_store_idx %arg13[%broadcast_in_dim3A_982, %add3A_948, %add3A_949], %mul3A_976 masked %lt3A_103 {add = true} : memref<4x128x128xf32, #tpu.memory_space<vmem>>[vector<16xi32>, vector<16xi32>, vector<16xi32>], vector<16xf32>, vector<16xi1>
        %broadcast_in_dim3A_983 = arith.constant 3 : i32
        %broadcast_in_dim3A_984 = vector.broadcast %broadcast_in_dim3A_983 : i32 to vector<16xi32>
        tpu.vector_store_idx %arg13[%broadcast_in_dim3A_984, %add3A_948, %add3A_949], %exp3A_973 masked %lt3A_103 {add = true} : memref<4x128x128xf32, #tpu.memory_space<vmem>>[vector<16xi32>, vector<16xi32>, vector<16xi32>], vector<16xf32>, vector<16xi1>
        %broadcast_in_dim3A_985 = arith.constant 6 : i32
        %broadcast_in_dim3A_986 = vector.broadcast %broadcast_in_dim3A_985 : i32 to vector<16xi32>
        %broadcast_in_dim3A_987 = vector.shape_cast %broadcast_in_dim3A_986 : vector<16xi32> to vector<16x1xi32>
        %gather3A_988 = vector.shape_cast %broadcast_in_dim3A_987 : vector<16x1xi32> to vector<16xi32>
        %gather3A_989 = tpu.dynamic_gather %gather3A_280[%gather3A_988] in [0] : vector<16xf32>, vector<16xi32> -> vector<16xf32>
        %broadcast_in_dim3A_990 = arith.constant 6 : i32
        %broadcast_in_dim3A_991 = vector.broadcast %broadcast_in_dim3A_990 : i32 to vector<16xi32>
        %broadcast_in_dim3A_992 = vector.shape_cast %broadcast_in_dim3A_991 : vector<16xi32> to vector<16x1xi32>
        %gather3A_993 = vector.shape_cast %broadcast_in_dim3A_992 : vector<16x1xi32> to vector<16xi32>
        %gather3A_994 = tpu.dynamic_gather %gather3A_281[%gather3A_993] in [0] : vector<16xf32>, vector<16xi32> -> vector<16xf32>
        %broadcast_in_dim3A_995 = arith.constant 6 : i32
        %broadcast_in_dim3A_996 = vector.broadcast %broadcast_in_dim3A_995 : i32 to vector<16xi32>
        %broadcast_in_dim3A_997 = vector.shape_cast %broadcast_in_dim3A_996 : vector<16xi32> to vector<16x1xi32>
        %gather3A_998 = vector.shape_cast %broadcast_in_dim3A_997 : vector<16x1xi32> to vector<16xi32>
        %gather3A_999 = tpu.dynamic_gather %convert_element_type3A_291[%gather3A_998] in [0] : vector<16xi32>, vector<16xi32> -> vector<16xi32>
        %broadcast_in_dim3A_1000 = arith.constant 6 : i32
        %broadcast_in_dim3A_1001 = vector.broadcast %broadcast_in_dim3A_1000 : i32 to vector<16xi32>
        %broadcast_in_dim3A_1002 = vector.shape_cast %broadcast_in_dim3A_1001 : vector<16xi32> to vector<16x1xi32>
        %gather3A_1003 = vector.shape_cast %broadcast_in_dim3A_1002 : vector<16x1xi32> to vector<16xi32>
        %gather3A_1004 = tpu.dynamic_gather %convert_element_type3A_298[%gather3A_1003] in [0] : vector<16xi32>, vector<16xi32> -> vector<16xi32>
        %broadcast_in_dim3A_1005 = arith.constant 6 : i32
        %broadcast_in_dim3A_1006 = vector.broadcast %broadcast_in_dim3A_1005 : i32 to vector<16xi32>
        %broadcast_in_dim3A_1007 = vector.shape_cast %broadcast_in_dim3A_1006 : vector<16xi32> to vector<16x1xi32>
        %gather3A_1008 = vector.shape_cast %broadcast_in_dim3A_1007 : vector<16x1xi32> to vector<16xi32>
        %gather3A_1009 = tpu.dynamic_gather %mul3A_301[%gather3A_1008] in [0] : vector<16xf32>, vector<16xi32> -> vector<16xf32>
        %broadcast_in_dim3A_1010 = arith.constant 6 : i32
        %broadcast_in_dim3A_1011 = vector.broadcast %broadcast_in_dim3A_1010 : i32 to vector<16xi32>
        %broadcast_in_dim3A_1012 = vector.shape_cast %broadcast_in_dim3A_1011 : vector<16xi32> to vector<16x1xi32>
        %gather3A_1013 = vector.shape_cast %broadcast_in_dim3A_1012 : vector<16x1xi32> to vector<16xi32>
        %gather3A_1014 = tpu.dynamic_gather %gather3A_282[%gather3A_1013] in [0] : vector<16xf32>, vector<16xi32> -> vector<16xf32>
        %broadcast_in_dim3A_1015 = arith.constant 6 : i32
        %broadcast_in_dim3A_1016 = vector.broadcast %broadcast_in_dim3A_1015 : i32 to vector<16xi32>
        %broadcast_in_dim3A_1017 = vector.shape_cast %broadcast_in_dim3A_1016 : vector<16xi32> to vector<16x1xi32>
        %gather3A_1018 = vector.shape_cast %broadcast_in_dim3A_1017 : vector<16x1xi32> to vector<16xi32>
        %gather3A_1019 = tpu.dynamic_gather %gather3A_283[%gather3A_1018] in [0] : vector<16xf32>, vector<16xi32> -> vector<16xf32>
        %broadcast_in_dim3A_1020 = arith.constant 6 : i32
        %broadcast_in_dim3A_1021 = vector.broadcast %broadcast_in_dim3A_1020 : i32 to vector<16xi32>
        %broadcast_in_dim3A_1022 = vector.shape_cast %broadcast_in_dim3A_1021 : vector<16xi32> to vector<16x1xi32>
        %gather3A_1023 = vector.shape_cast %broadcast_in_dim3A_1022 : vector<16x1xi32> to vector<16xi32>
        %gather3A_1024 = tpu.dynamic_gather %gather3A_284[%gather3A_1023] in [0] : vector<16xf32>, vector<16xi32> -> vector<16xf32>
        %add3A_1025 = arith.addi %gather3A_999, %sub3A_72 : vector<16xi32>
        %add3A_1026 = arith.addi %gather3A_1004, %sub3A_97 : vector<16xi32>
        %convert_element_type3A_1027 = arith.sitofp %add3A_1025 : vector<16xi32> to vector<16xf32>
        %add3A_1028 = arith.constant 5.000000e-01 : f32
        %add3A_1029 = vector.broadcast %add3A_1028 : f32 to vector<16xf32>
        %add3A_1030 = arith.addf %convert_element_type3A_1027, %add3A_1029 : vector<16xf32>
        %mul3A_1031 = arith.constant 7.812500e-03 : f32
        %mul3A_1032 = vector.broadcast %mul3A_1031 : f32 to vector<16xf32>
        %mul3A_1033 = arith.mulf %add3A_1030, %mul3A_1032 : vector<16xf32>
        %sub3A_1034 = arith.subf %mul3A_1033, %gather3A_989 : vector<16xf32>
        %convert_element_type3A_1035 = arith.sitofp %add3A_1026 : vector<16xi32> to vector<16xf32>
        %add3A_1036 = arith.constant 5.000000e-01 : f32
        %add3A_1037 = vector.broadcast %add3A_1036 : f32 to vector<16xf32>
        %add3A_1038 = arith.addf %convert_element_type3A_1035, %add3A_1037 : vector<16xf32>
        %mul3A_1039 = arith.constant 7.812500e-03 : f32
        %mul3A_1040 = vector.broadcast %mul3A_1039 : f32 to vector<16xf32>
        %mul3A_1041 = arith.mulf %add3A_1038, %mul3A_1040 : vector<16xf32>
        %sub3A_1042 = arith.subf %mul3A_1041, %gather3A_994 : vector<16xf32>
        %mul3A_1043 = arith.mulf %sub3A_1034, %sub3A_1034 : vector<16xf32>
        %add3A_1044 = arith.addf %gather3A_1009, %mul3A_1043 : vector<16xf32>
        %mul3A_1045 = arith.mulf %sub3A_1042, %sub3A_1042 : vector<16xf32>
        %add3A_1046 = arith.addf %add3A_1044, %mul3A_1045 : vector<16xf32>
        %mul3A_1047 = arith.constant -3600.07202 : f32
        %mul3A_1048 = vector.broadcast %mul3A_1047 : f32 to vector<16xf32>
        %mul3A_1049 = arith.mulf %add3A_1046, %mul3A_1048 : vector<16xf32>
        %exp3A_1050 = math.exp %mul3A_1049 : vector<16xf32>
        %mul3A_1051 = arith.mulf %exp3A_1050, %gather3A_1014 : vector<16xf32>
        %mul3A_1052 = arith.mulf %exp3A_1050, %gather3A_1019 : vector<16xf32>
        %mul3A_1053 = arith.mulf %exp3A_1050, %gather3A_1024 : vector<16xf32>
        %broadcast_in_dim3A_1054 = arith.constant 0 : i32
        %broadcast_in_dim3A_1055 = vector.broadcast %broadcast_in_dim3A_1054 : i32 to vector<16xi32>
        tpu.vector_store_idx %arg13[%broadcast_in_dim3A_1055, %add3A_1025, %add3A_1026], %mul3A_1051 {add = true} : memref<4x128x128xf32, #tpu.memory_space<vmem>>[vector<16xi32>, vector<16xi32>, vector<16xi32>], vector<16xf32>,
        %broadcast_in_dim3A_1056 = arith.constant 1 : i32
        %broadcast_in_dim3A_1057 = vector.broadcast %broadcast_in_dim3A_1056 : i32 to vector<16xi32>
        tpu.vector_store_idx %arg13[%broadcast_in_dim3A_1057, %add3A_1025, %add3A_1026], %mul3A_1052 {add = true} : memref<4x128x128xf32, #tpu.memory_space<vmem>>[vector<16xi32>, vector<16xi32>, vector<16xi32>], vector<16xf32>,
        %broadcast_in_dim3A_1058 = arith.constant 2 : i32
        %broadcast_in_dim3A_1059 = vector.broadcast %broadcast_in_dim3A_1058 : i32 to vector<16xi32>
        tpu.vector_store_idx %arg13[%broadcast_in_dim3A_1059, %add3A_1025, %add3A_1026], %mul3A_1053 {add = true} : memref<4x128x128xf32, #tpu.memory_space<vmem>>[vector<16xi32>, vector<16xi32>, vector<16xi32>], vector<16xf32>,
        %broadcast_in_dim3A_1060 = arith.constant 3 : i32
        %broadcast_in_dim3A_1061 = vector.broadcast %broadcast_in_dim3A_1060 : i32 to vector<16xi32>
        tpu.vector_store_idx %arg13[%broadcast_in_dim3A_1061, %add3A_1025, %add3A_1026], %exp3A_1050 {add = true} : memref<4x128x128xf32, #tpu.memory_space<vmem>>[vector<16xi32>, vector<16xi32>, vector<16xi32>], vector<16xf32>,
        %add3A_1062 = arith.addi %gather3A_999, %select_n3A_140 : vector<16xi32>
        %add3A_1063 = arith.addi %gather3A_1004, %select_n3A_168 : vector<16xi32>
        %convert_element_type3A_1064 = arith.sitofp %add3A_1062 : vector<16xi32> to vector<16xf32>
        %add3A_1065 = arith.constant 5.000000e-01 : f32
        %add3A_1066 = vector.broadcast %add3A_1065 : f32 to vector<16xf32>
        %add3A_1067 = arith.addf %convert_element_type3A_1064, %add3A_1066 : vector<16xf32>
        %mul3A_1068 = arith.constant 7.812500e-03 : f32
        %mul3A_1069 = vector.broadcast %mul3A_1068 : f32 to vector<16xf32>
        %mul3A_1070 = arith.mulf %add3A_1067, %mul3A_1069 : vector<16xf32>
        %sub3A_1071 = arith.subf %mul3A_1070, %gather3A_989 : vector<16xf32>
        %convert_element_type3A_1072 = arith.sitofp %add3A_1063 : vector<16xi32> to vector<16xf32>
        %add3A_1073 = arith.constant 5.000000e-01 : f32
        %add3A_1074 = vector.broadcast %add3A_1073 : f32 to vector<16xf32>
        %add3A_1075 = arith.addf %convert_element_type3A_1072, %add3A_1074 : vector<16xf32>
        %mul3A_1076 = arith.constant 7.812500e-03 : f32
        %mul3A_1077 = vector.broadcast %mul3A_1076 : f32 to vector<16xf32>
        %mul3A_1078 = arith.mulf %add3A_1075, %mul3A_1077 : vector<16xf32>
        %sub3A_1079 = arith.subf %mul3A_1078, %gather3A_994 : vector<16xf32>
        %mul3A_1080 = arith.mulf %sub3A_1071, %sub3A_1071 : vector<16xf32>
        %add3A_1081 = arith.addf %gather3A_1009, %mul3A_1080 : vector<16xf32>
        %mul3A_1082 = arith.mulf %sub3A_1079, %sub3A_1079 : vector<16xf32>
        %add3A_1083 = arith.addf %add3A_1081, %mul3A_1082 : vector<16xf32>
        %mul3A_1084 = arith.constant -3600.07202 : f32
        %mul3A_1085 = vector.broadcast %mul3A_1084 : f32 to vector<16xf32>
        %mul3A_1086 = arith.mulf %add3A_1083, %mul3A_1085 : vector<16xf32>
        %exp3A_1087 = math.exp %mul3A_1086 : vector<16xf32>
        %mul3A_1088 = arith.mulf %exp3A_1087, %gather3A_1014 : vector<16xf32>
        %mul3A_1089 = arith.mulf %exp3A_1087, %gather3A_1019 : vector<16xf32>
        %mul3A_1090 = arith.mulf %exp3A_1087, %gather3A_1024 : vector<16xf32>
        %broadcast_in_dim3A_1091 = arith.constant 0 : i32
        %broadcast_in_dim3A_1092 = vector.broadcast %broadcast_in_dim3A_1091 : i32 to vector<16xi32>
        tpu.vector_store_idx %arg13[%broadcast_in_dim3A_1092, %add3A_1062, %add3A_1063], %mul3A_1088 masked %lt3A_103 {add = true} : memref<4x128x128xf32, #tpu.memory_space<vmem>>[vector<16xi32>, vector<16xi32>, vector<16xi32>], vector<16xf32>, vector<16xi1>
        %broadcast_in_dim3A_1093 = arith.constant 1 : i32
        %broadcast_in_dim3A_1094 = vector.broadcast %broadcast_in_dim3A_1093 : i32 to vector<16xi32>
        tpu.vector_store_idx %arg13[%broadcast_in_dim3A_1094, %add3A_1062, %add3A_1063], %mul3A_1089 masked %lt3A_103 {add = true} : memref<4x128x128xf32, #tpu.memory_space<vmem>>[vector<16xi32>, vector<16xi32>, vector<16xi32>], vector<16xf32>, vector<16xi1>
        %broadcast_in_dim3A_1095 = arith.constant 2 : i32
        %broadcast_in_dim3A_1096 = vector.broadcast %broadcast_in_dim3A_1095 : i32 to vector<16xi32>
        tpu.vector_store_idx %arg13[%broadcast_in_dim3A_1096, %add3A_1062, %add3A_1063], %mul3A_1090 masked %lt3A_103 {add = true} : memref<4x128x128xf32, #tpu.memory_space<vmem>>[vector<16xi32>, vector<16xi32>, vector<16xi32>], vector<16xf32>, vector<16xi1>
        %broadcast_in_dim3A_1097 = arith.constant 3 : i32
        %broadcast_in_dim3A_1098 = vector.broadcast %broadcast_in_dim3A_1097 : i32 to vector<16xi32>
        tpu.vector_store_idx %arg13[%broadcast_in_dim3A_1098, %add3A_1062, %add3A_1063], %exp3A_1087 masked %lt3A_103 {add = true} : memref<4x128x128xf32, #tpu.memory_space<vmem>>[vector<16xi32>, vector<16xi32>, vector<16xi32>], vector<16xf32>, vector<16xi1>
        %broadcast_in_dim3A_1099 = arith.constant 7 : i32
        %broadcast_in_dim3A_1100 = vector.broadcast %broadcast_in_dim3A_1099 : i32 to vector<16xi32>
        %broadcast_in_dim3A_1101 = vector.shape_cast %broadcast_in_dim3A_1100 : vector<16xi32> to vector<16x1xi32>
        %gather3A_1102 = vector.shape_cast %broadcast_in_dim3A_1101 : vector<16x1xi32> to vector<16xi32>
        %gather3A_1103 = tpu.dynamic_gather %gather3A_280[%gather3A_1102] in [0] : vector<16xf32>, vector<16xi32> -> vector<16xf32>
        %broadcast_in_dim3A_1104 = arith.constant 7 : i32
        %broadcast_in_dim3A_1105 = vector.broadcast %broadcast_in_dim3A_1104 : i32 to vector<16xi32>
        %broadcast_in_dim3A_1106 = vector.shape_cast %broadcast_in_dim3A_1105 : vector<16xi32> to vector<16x1xi32>
        %gather3A_1107 = vector.shape_cast %broadcast_in_dim3A_1106 : vector<16x1xi32> to vector<16xi32>
        %gather3A_1108 = tpu.dynamic_gather %gather3A_281[%gather3A_1107] in [0] : vector<16xf32>, vector<16xi32> -> vector<16xf32>
        %broadcast_in_dim3A_1109 = arith.constant 7 : i32
        %broadcast_in_dim3A_1110 = vector.broadcast %broadcast_in_dim3A_1109 : i32 to vector<16xi32>
        %broadcast_in_dim3A_1111 = vector.shape_cast %broadcast_in_dim3A_1110 : vector<16xi32> to vector<16x1xi32>
        %gather3A_1112 = vector.shape_cast %broadcast_in_dim3A_1111 : vector<16x1xi32> to vector<16xi32>
        %gather3A_1113 = tpu.dynamic_gather %convert_element_type3A_291[%gather3A_1112] in [0] : vector<16xi32>, vector<16xi32> -> vector<16xi32>
        %broadcast_in_dim3A_1114 = arith.constant 7 : i32
        %broadcast_in_dim3A_1115 = vector.broadcast %broadcast_in_dim3A_1114 : i32 to vector<16xi32>
        %broadcast_in_dim3A_1116 = vector.shape_cast %broadcast_in_dim3A_1115 : vector<16xi32> to vector<16x1xi32>
        %gather3A_1117 = vector.shape_cast %broadcast_in_dim3A_1116 : vector<16x1xi32> to vector<16xi32>
        %gather3A_1118 = tpu.dynamic_gather %convert_element_type3A_298[%gather3A_1117] in [0] : vector<16xi32>, vector<16xi32> -> vector<16xi32>
        %broadcast_in_dim3A_1119 = arith.constant 7 : i32
        %broadcast_in_dim3A_1120 = vector.broadcast %broadcast_in_dim3A_1119 : i32 to vector<16xi32>
        %broadcast_in_dim3A_1121 = vector.shape_cast %broadcast_in_dim3A_1120 : vector<16xi32> to vector<16x1xi32>
        %gather3A_1122 = vector.shape_cast %broadcast_in_dim3A_1121 : vector<16x1xi32> to vector<16xi32>
        %gather3A_1123 = tpu.dynamic_gather %mul3A_301[%gather3A_1122] in [0] : vector<16xf32>, vector<16xi32> -> vector<16xf32>
        %broadcast_in_dim3A_1124 = arith.constant 7 : i32
        %broadcast_in_dim3A_1125 = vector.broadcast %broadcast_in_dim3A_1124 : i32 to vector<16xi32>
        %broadcast_in_dim3A_1126 = vector.shape_cast %broadcast_in_dim3A_1125 : vector<16xi32> to vector<16x1xi32>
        %gather3A_1127 = vector.shape_cast %broadcast_in_dim3A_1126 : vector<16x1xi32> to vector<16xi32>
        %gather3A_1128 = tpu.dynamic_gather %gather3A_282[%gather3A_1127] in [0] : vector<16xf32>, vector<16xi32> -> vector<16xf32>
        %broadcast_in_dim3A_1129 = arith.constant 7 : i32
        %broadcast_in_dim3A_1130 = vector.broadcast %broadcast_in_dim3A_1129 : i32 to vector<16xi32>
        %broadcast_in_dim3A_1131 = vector.shape_cast %broadcast_in_dim3A_1130 : vector<16xi32> to vector<16x1xi32>
        %gather3A_1132 = vector.shape_cast %broadcast_in_dim3A_1131 : vector<16x1xi32> to vector<16xi32>
        %gather3A_1133 = tpu.dynamic_gather %gather3A_283[%gather3A_1132] in [0] : vector<16xf32>, vector<16xi32> -> vector<16xf32>
        %broadcast_in_dim3A_1134 = arith.constant 7 : i32
        %broadcast_in_dim3A_1135 = vector.broadcast %broadcast_in_dim3A_1134 : i32 to vector<16xi32>
        %broadcast_in_dim3A_1136 = vector.shape_cast %broadcast_in_dim3A_1135 : vector<16xi32> to vector<16x1xi32>
        %gather3A_1137 = vector.shape_cast %broadcast_in_dim3A_1136 : vector<16x1xi32> to vector<16xi32>
        %gather3A_1138 = tpu.dynamic_gather %gather3A_284[%gather3A_1137] in [0] : vector<16xf32>, vector<16xi32> -> vector<16xf32>
        %add3A_1139 = arith.addi %gather3A_1113, %sub3A_72 : vector<16xi32>
        %add3A_1140 = arith.addi %gather3A_1118, %sub3A_97 : vector<16xi32>
        %convert_element_type3A_1141 = arith.sitofp %add3A_1139 : vector<16xi32> to vector<16xf32>
        %add3A_1142 = arith.constant 5.000000e-01 : f32
        %add3A_1143 = vector.broadcast %add3A_1142 : f32 to vector<16xf32>
        %add3A_1144 = arith.addf %convert_element_type3A_1141, %add3A_1143 : vector<16xf32>
        %mul3A_1145 = arith.constant 7.812500e-03 : f32
        %mul3A_1146 = vector.broadcast %mul3A_1145 : f32 to vector<16xf32>
        %mul3A_1147 = arith.mulf %add3A_1144, %mul3A_1146 : vector<16xf32>
        %sub3A_1148 = arith.subf %mul3A_1147, %gather3A_1103 : vector<16xf32>
        %convert_element_type3A_1149 = arith.sitofp %add3A_1140 : vector<16xi32> to vector<16xf32>
        %add3A_1150 = arith.constant 5.000000e-01 : f32
        %add3A_1151 = vector.broadcast %add3A_1150 : f32 to vector<16xf32>
        %add3A_1152 = arith.addf %convert_element_type3A_1149, %add3A_1151 : vector<16xf32>
        %mul3A_1153 = arith.constant 7.812500e-03 : f32
        %mul3A_1154 = vector.broadcast %mul3A_1153 : f32 to vector<16xf32>
        %mul3A_1155 = arith.mulf %add3A_1152, %mul3A_1154 : vector<16xf32>
        %sub3A_1156 = arith.subf %mul3A_1155, %gather3A_1108 : vector<16xf32>
        %mul3A_1157 = arith.mulf %sub3A_1148, %sub3A_1148 : vector<16xf32>
        %add3A_1158 = arith.addf %gather3A_1123, %mul3A_1157 : vector<16xf32>
        %mul3A_1159 = arith.mulf %sub3A_1156, %sub3A_1156 : vector<16xf32>
        %add3A_1160 = arith.addf %add3A_1158, %mul3A_1159 : vector<16xf32>
        %mul3A_1161 = arith.constant -3600.07202 : f32
        %mul3A_1162 = vector.broadcast %mul3A_1161 : f32 to vector<16xf32>
        %mul3A_1163 = arith.mulf %add3A_1160, %mul3A_1162 : vector<16xf32>
        %exp3A_1164 = math.exp %mul3A_1163 : vector<16xf32>
        %mul3A_1165 = arith.mulf %exp3A_1164, %gather3A_1128 : vector<16xf32>
        %mul3A_1166 = arith.mulf %exp3A_1164, %gather3A_1133 : vector<16xf32>
        %mul3A_1167 = arith.mulf %exp3A_1164, %gather3A_1138 : vector<16xf32>
        %broadcast_in_dim3A_1168 = arith.constant 0 : i32
        %broadcast_in_dim3A_1169 = vector.broadcast %broadcast_in_dim3A_1168 : i32 to vector<16xi32>
        tpu.vector_store_idx %arg13[%broadcast_in_dim3A_1169, %add3A_1139, %add3A_1140], %mul3A_1165 {add = true} : memref<4x128x128xf32, #tpu.memory_space<vmem>>[vector<16xi32>, vector<16xi32>, vector<16xi32>], vector<16xf32>,
        %broadcast_in_dim3A_1170 = arith.constant 1 : i32
        %broadcast_in_dim3A_1171 = vector.broadcast %broadcast_in_dim3A_1170 : i32 to vector<16xi32>
        tpu.vector_store_idx %arg13[%broadcast_in_dim3A_1171, %add3A_1139, %add3A_1140], %mul3A_1166 {add = true} : memref<4x128x128xf32, #tpu.memory_space<vmem>>[vector<16xi32>, vector<16xi32>, vector<16xi32>], vector<16xf32>,
        %broadcast_in_dim3A_1172 = arith.constant 2 : i32
        %broadcast_in_dim3A_1173 = vector.broadcast %broadcast_in_dim3A_1172 : i32 to vector<16xi32>
        tpu.vector_store_idx %arg13[%broadcast_in_dim3A_1173, %add3A_1139, %add3A_1140], %mul3A_1167 {add = true} : memref<4x128x128xf32, #tpu.memory_space<vmem>>[vector<16xi32>, vector<16xi32>, vector<16xi32>], vector<16xf32>,
        %broadcast_in_dim3A_1174 = arith.constant 3 : i32
        %broadcast_in_dim3A_1175 = vector.broadcast %broadcast_in_dim3A_1174 : i32 to vector<16xi32>
        tpu.vector_store_idx %arg13[%broadcast_in_dim3A_1175, %add3A_1139, %add3A_1140], %exp3A_1164 {add = true} : memref<4x128x128xf32, #tpu.memory_space<vmem>>[vector<16xi32>, vector<16xi32>, vector<16xi32>], vector<16xf32>,
        %add3A_1176 = arith.addi %gather3A_1113, %select_n3A_140 : vector<16xi32>
        %add3A_1177 = arith.addi %gather3A_1118, %select_n3A_168 : vector<16xi32>
        %convert_element_type3A_1178 = arith.sitofp %add3A_1176 : vector<16xi32> to vector<16xf32>
        %add3A_1179 = arith.constant 5.000000e-01 : f32
        %add3A_1180 = vector.broadcast %add3A_1179 : f32 to vector<16xf32>
        %add3A_1181 = arith.addf %convert_element_type3A_1178, %add3A_1180 : vector<16xf32>
        %mul3A_1182 = arith.constant 7.812500e-03 : f32
        %mul3A_1183 = vector.broadcast %mul3A_1182 : f32 to vector<16xf32>
        %mul3A_1184 = arith.mulf %add3A_1181, %mul3A_1183 : vector<16xf32>
        %sub3A_1185 = arith.subf %mul3A_1184, %gather3A_1103 : vector<16xf32>
        %convert_element_type3A_1186 = arith.sitofp %add3A_1177 : vector<16xi32> to vector<16xf32>
        %add3A_1187 = arith.constant 5.000000e-01 : f32
        %add3A_1188 = vector.broadcast %add3A_1187 : f32 to vector<16xf32>
        %add3A_1189 = arith.addf %convert_element_type3A_1186, %add3A_1188 : vector<16xf32>
        %mul3A_1190 = arith.constant 7.812500e-03 : f32
        %mul3A_1191 = vector.broadcast %mul3A_1190 : f32 to vector<16xf32>
        %mul3A_1192 = arith.mulf %add3A_1189, %mul3A_1191 : vector<16xf32>
        %sub3A_1193 = arith.subf %mul3A_1192, %gather3A_1108 : vector<16xf32>
        %mul3A_1194 = arith.mulf %sub3A_1185, %sub3A_1185 : vector<16xf32>
        %add3A_1195 = arith.addf %gather3A_1123, %mul3A_1194 : vector<16xf32>
        %mul3A_1196 = arith.mulf %sub3A_1193, %sub3A_1193 : vector<16xf32>
        %add3A_1197 = arith.addf %add3A_1195, %mul3A_1196 : vector<16xf32>
        %mul3A_1198 = arith.constant -3600.07202 : f32
        %mul3A_1199 = vector.broadcast %mul3A_1198 : f32 to vector<16xf32>
        %mul3A_1200 = arith.mulf %add3A_1197, %mul3A_1199 : vector<16xf32>
        %exp3A_1201 = math.exp %mul3A_1200 : vector<16xf32>
        %mul3A_1202 = arith.mulf %exp3A_1201, %gather3A_1128 : vector<16xf32>
        %mul3A_1203 = arith.mulf %exp3A_1201, %gather3A_1133 : vector<16xf32>
        %mul3A_1204 = arith.mulf %exp3A_1201, %gather3A_1138 : vector<16xf32>
        %broadcast_in_dim3A_1205 = arith.constant 0 : i32
        %broadcast_in_dim3A_1206 = vector.broadcast %broadcast_in_dim3A_1205 : i32 to vector<16xi32>
        tpu.vector_store_idx %arg13[%broadcast_in_dim3A_1206, %add3A_1176, %add3A_1177], %mul3A_1202 masked %lt3A_103 {add = true} : memref<4x128x128xf32, #tpu.memory_space<vmem>>[vector<16xi32>, vector<16xi32>, vector<16xi32>], vector<16xf32>, vector<16xi1>
        %broadcast_in_dim3A_1207 = arith.constant 1 : i32
        %broadcast_in_dim3A_1208 = vector.broadcast %broadcast_in_dim3A_1207 : i32 to vector<16xi32>
        tpu.vector_store_idx %arg13[%broadcast_in_dim3A_1208, %add3A_1176, %add3A_1177], %mul3A_1203 masked %lt3A_103 {add = true} : memref<4x128x128xf32, #tpu.memory_space<vmem>>[vector<16xi32>, vector<16xi32>, vector<16xi32>], vector<16xf32>, vector<16xi1>
        %broadcast_in_dim3A_1209 = arith.constant 2 : i32
        %broadcast_in_dim3A_1210 = vector.broadcast %broadcast_in_dim3A_1209 : i32 to vector<16xi32>
        tpu.vector_store_idx %arg13[%broadcast_in_dim3A_1210, %add3A_1176, %add3A_1177], %mul3A_1204 masked %lt3A_103 {add = true} : memref<4x128x128xf32, #tpu.memory_space<vmem>>[vector<16xi32>, vector<16xi32>, vector<16xi32>], vector<16xf32>, vector<16xi1>
        %broadcast_in_dim3A_1211 = arith.constant 3 : i32
        %broadcast_in_dim3A_1212 = vector.broadcast %broadcast_in_dim3A_1211 : i32 to vector<16xi32>
        tpu.vector_store_idx %arg13[%broadcast_in_dim3A_1212, %add3A_1176, %add3A_1177], %exp3A_1201 masked %lt3A_103 {add = true} : memref<4x128x128xf32, #tpu.memory_space<vmem>>[vector<16xi32>, vector<16xi32>, vector<16xi32>], vector<16xf32>, vector<16xi1>
        %broadcast_in_dim3A_1213 = arith.constant 8 : i32
        %broadcast_in_dim3A_1214 = vector.broadcast %broadcast_in_dim3A_1213 : i32 to vector<16xi32>
        %broadcast_in_dim3A_1215 = vector.shape_cast %broadcast_in_dim3A_1214 : vector<16xi32> to vector<16x1xi32>
        %gather3A_1216 = vector.shape_cast %broadcast_in_dim3A_1215 : vector<16x1xi32> to vector<16xi32>
        %gather3A_1217 = tpu.dynamic_gather %gather3A_280[%gather3A_1216] in [0] : vector<16xf32>, vector<16xi32> -> vector<16xf32>
        %broadcast_in_dim3A_1218 = arith.constant 8 : i32
        %broadcast_in_dim3A_1219 = vector.broadcast %broadcast_in_dim3A_1218 : i32 to vector<16xi32>
        %broadcast_in_dim3A_1220 = vector.shape_cast %broadcast_in_dim3A_1219 : vector<16xi32> to vector<16x1xi32>
        %gather3A_1221 = vector.shape_cast %broadcast_in_dim3A_1220 : vector<16x1xi32> to vector<16xi32>
        %gather3A_1222 = tpu.dynamic_gather %gather3A_281[%gather3A_1221] in [0] : vector<16xf32>, vector<16xi32> -> vector<16xf32>
        %broadcast_in_dim3A_1223 = arith.constant 8 : i32
        %broadcast_in_dim3A_1224 = vector.broadcast %broadcast_in_dim3A_1223 : i32 to vector<16xi32>
        %broadcast_in_dim3A_1225 = vector.shape_cast %broadcast_in_dim3A_1224 : vector<16xi32> to vector<16x1xi32>
        %gather3A_1226 = vector.shape_cast %broadcast_in_dim3A_1225 : vector<16x1xi32> to vector<16xi32>
        %gather3A_1227 = tpu.dynamic_gather %convert_element_type3A_291[%gather3A_1226] in [0] : vector<16xi32>, vector<16xi32> -> vector<16xi32>
        %broadcast_in_dim3A_1228 = arith.constant 8 : i32
        %broadcast_in_dim3A_1229 = vector.broadcast %broadcast_in_dim3A_1228 : i32 to vector<16xi32>
        %broadcast_in_dim3A_1230 = vector.shape_cast %broadcast_in_dim3A_1229 : vector<16xi32> to vector<16x1xi32>
        %gather3A_1231 = vector.shape_cast %broadcast_in_dim3A_1230 : vector<16x1xi32> to vector<16xi32>
        %gather3A_1232 = tpu.dynamic_gather %convert_element_type3A_298[%gather3A_1231] in [0] : vector<16xi32>, vector<16xi32> -> vector<16xi32>
        %broadcast_in_dim3A_1233 = arith.constant 8 : i32
        %broadcast_in_dim3A_1234 = vector.broadcast %broadcast_in_dim3A_1233 : i32 to vector<16xi32>
        %broadcast_in_dim3A_1235 = vector.shape_cast %broadcast_in_dim3A_1234 : vector<16xi32> to vector<16x1xi32>
        %gather3A_1236 = vector.shape_cast %broadcast_in_dim3A_1235 : vector<16x1xi32> to vector<16xi32>
        %gather3A_1237 = tpu.dynamic_gather %mul3A_301[%gather3A_1236] in [0] : vector<16xf32>, vector<16xi32> -> vector<16xf32>
        %broadcast_in_dim3A_1238 = arith.constant 8 : i32
        %broadcast_in_dim3A_1239 = vector.broadcast %broadcast_in_dim3A_1238 : i32 to vector<16xi32>
        %broadcast_in_dim3A_1240 = vector.shape_cast %broadcast_in_dim3A_1239 : vector<16xi32> to vector<16x1xi32>
        %gather3A_1241 = vector.shape_cast %broadcast_in_dim3A_1240 : vector<16x1xi32> to vector<16xi32>
        %gather3A_1242 = tpu.dynamic_gather %gather3A_282[%gather3A_1241] in [0] : vector<16xf32>, vector<16xi32> -> vector<16xf32>
        %broadcast_in_dim3A_1243 = arith.constant 8 : i32
        %broadcast_in_dim3A_1244 = vector.broadcast %broadcast_in_dim3A_1243 : i32 to vector<16xi32>
        %broadcast_in_dim3A_1245 = vector.shape_cast %broadcast_in_dim3A_1244 : vector<16xi32> to vector<16x1xi32>
        %gather3A_1246 = vector.shape_cast %broadcast_in_dim3A_1245 : vector<16x1xi32> to vector<16xi32>
        %gather3A_1247 = tpu.dynamic_gather %gather3A_283[%gather3A_1246] in [0] : vector<16xf32>, vector<16xi32> -> vector<16xf32>
        %broadcast_in_dim3A_1248 = arith.constant 8 : i32
        %broadcast_in_dim3A_1249 = vector.broadcast %broadcast_in_dim3A_1248 : i32 to vector<16xi32>
        %broadcast_in_dim3A_1250 = vector.shape_cast %broadcast_in_dim3A_1249 : vector<16xi32> to vector<16x1xi32>
        %gather3A_1251 = vector.shape_cast %broadcast_in_dim3A_1250 : vector<16x1xi32> to vector<16xi32>
        %gather3A_1252 = tpu.dynamic_gather %gather3A_284[%gather3A_1251] in [0] : vector<16xf32>, vector<16xi32> -> vector<16xf32>
        %add3A_1253 = arith.addi %gather3A_1227, %sub3A_72 : vector<16xi32>
        %add3A_1254 = arith.addi %gather3A_1232, %sub3A_97 : vector<16xi32>
        %convert_element_type3A_1255 = arith.sitofp %add3A_1253 : vector<16xi32> to vector<16xf32>
        %add3A_1256 = arith.constant 5.000000e-01 : f32
        %add3A_1257 = vector.broadcast %add3A_1256 : f32 to vector<16xf32>
        %add3A_1258 = arith.addf %convert_element_type3A_1255, %add3A_1257 : vector<16xf32>
        %mul3A_1259 = arith.constant 7.812500e-03 : f32
        %mul3A_1260 = vector.broadcast %mul3A_1259 : f32 to vector<16xf32>
        %mul3A_1261 = arith.mulf %add3A_1258, %mul3A_1260 : vector<16xf32>
        %sub3A_1262 = arith.subf %mul3A_1261, %gather3A_1217 : vector<16xf32>
        %convert_element_type3A_1263 = arith.sitofp %add3A_1254 : vector<16xi32> to vector<16xf32>
        %add3A_1264 = arith.constant 5.000000e-01 : f32
        %add3A_1265 = vector.broadcast %add3A_1264 : f32 to vector<16xf32>
        %add3A_1266 = arith.addf %convert_element_type3A_1263, %add3A_1265 : vector<16xf32>
        %mul3A_1267 = arith.constant 7.812500e-03 : f32
        %mul3A_1268 = vector.broadcast %mul3A_1267 : f32 to vector<16xf32>
        %mul3A_1269 = arith.mulf %add3A_1266, %mul3A_1268 : vector<16xf32>
        %sub3A_1270 = arith.subf %mul3A_1269, %gather3A_1222 : vector<16xf32>
        %mul3A_1271 = arith.mulf %sub3A_1262, %sub3A_1262 : vector<16xf32>
        %add3A_1272 = arith.addf %gather3A_1237, %mul3A_1271 : vector<16xf32>
        %mul3A_1273 = arith.mulf %sub3A_1270, %sub3A_1270 : vector<16xf32>
        %add3A_1274 = arith.addf %add3A_1272, %mul3A_1273 : vector<16xf32>
        %mul3A_1275 = arith.constant -3600.07202 : f32
        %mul3A_1276 = vector.broadcast %mul3A_1275 : f32 to vector<16xf32>
        %mul3A_1277 = arith.mulf %add3A_1274, %mul3A_1276 : vector<16xf32>
        %exp3A_1278 = math.exp %mul3A_1277 : vector<16xf32>
        %mul3A_1279 = arith.mulf %exp3A_1278, %gather3A_1242 : vector<16xf32>
        %mul3A_1280 = arith.mulf %exp3A_1278, %gather3A_1247 : vector<16xf32>
        %mul3A_1281 = arith.mulf %exp3A_1278, %gather3A_1252 : vector<16xf32>
        %broadcast_in_dim3A_1282 = arith.constant 0 : i32
        %broadcast_in_dim3A_1283 = vector.broadcast %broadcast_in_dim3A_1282 : i32 to vector<16xi32>
        tpu.vector_store_idx %arg13[%broadcast_in_dim3A_1283, %add3A_1253, %add3A_1254], %mul3A_1279 {add = true} : memref<4x128x128xf32, #tpu.memory_space<vmem>>[vector<16xi32>, vector<16xi32>, vector<16xi32>], vector<16xf32>,
        %broadcast_in_dim3A_1284 = arith.constant 1 : i32
        %broadcast_in_dim3A_1285 = vector.broadcast %broadcast_in_dim3A_1284 : i32 to vector<16xi32>
        tpu.vector_store_idx %arg13[%broadcast_in_dim3A_1285, %add3A_1253, %add3A_1254], %mul3A_1280 {add = true} : memref<4x128x128xf32, #tpu.memory_space<vmem>>[vector<16xi32>, vector<16xi32>, vector<16xi32>], vector<16xf32>,
        %broadcast_in_dim3A_1286 = arith.constant 2 : i32
        %broadcast_in_dim3A_1287 = vector.broadcast %broadcast_in_dim3A_1286 : i32 to vector<16xi32>
        tpu.vector_store_idx %arg13[%broadcast_in_dim3A_1287, %add3A_1253, %add3A_1254], %mul3A_1281 {add = true} : memref<4x128x128xf32, #tpu.memory_space<vmem>>[vector<16xi32>, vector<16xi32>, vector<16xi32>], vector<16xf32>,
        %broadcast_in_dim3A_1288 = arith.constant 3 : i32
        %broadcast_in_dim3A_1289 = vector.broadcast %broadcast_in_dim3A_1288 : i32 to vector<16xi32>
        tpu.vector_store_idx %arg13[%broadcast_in_dim3A_1289, %add3A_1253, %add3A_1254], %exp3A_1278 {add = true} : memref<4x128x128xf32, #tpu.memory_space<vmem>>[vector<16xi32>, vector<16xi32>, vector<16xi32>], vector<16xf32>,
        %add3A_1290 = arith.addi %gather3A_1227, %select_n3A_140 : vector<16xi32>
        %add3A_1291 = arith.addi %gather3A_1232, %select_n3A_168 : vector<16xi32>
        %convert_element_type3A_1292 = arith.sitofp %add3A_1290 : vector<16xi32> to vector<16xf32>
        %add3A_1293 = arith.constant 5.000000e-01 : f32
        %add3A_1294 = vector.broadcast %add3A_1293 : f32 to vector<16xf32>
        %add3A_1295 = arith.addf %convert_element_type3A_1292, %add3A_1294 : vector<16xf32>
        %mul3A_1296 = arith.constant 7.812500e-03 : f32
        %mul3A_1297 = vector.broadcast %mul3A_1296 : f32 to vector<16xf32>
        %mul3A_1298 = arith.mulf %add3A_1295, %mul3A_1297 : vector<16xf32>
        %sub3A_1299 = arith.subf %mul3A_1298, %gather3A_1217 : vector<16xf32>
        %convert_element_type3A_1300 = arith.sitofp %add3A_1291 : vector<16xi32> to vector<16xf32>
        %add3A_1301 = arith.constant 5.000000e-01 : f32
        %add3A_1302 = vector.broadcast %add3A_1301 : f32 to vector<16xf32>
        %add3A_1303 = arith.addf %convert_element_type3A_1300, %add3A_1302 : vector<16xf32>
        %mul3A_1304 = arith.constant 7.812500e-03 : f32
        %mul3A_1305 = vector.broadcast %mul3A_1304 : f32 to vector<16xf32>
        %mul3A_1306 = arith.mulf %add3A_1303, %mul3A_1305 : vector<16xf32>
        %sub3A_1307 = arith.subf %mul3A_1306, %gather3A_1222 : vector<16xf32>
        %mul3A_1308 = arith.mulf %sub3A_1299, %sub3A_1299 : vector<16xf32>
        %add3A_1309 = arith.addf %gather3A_1237, %mul3A_1308 : vector<16xf32>
        %mul3A_1310 = arith.mulf %sub3A_1307, %sub3A_1307 : vector<16xf32>
        %add3A_1311 = arith.addf %add3A_1309, %mul3A_1310 : vector<16xf32>
        %mul3A_1312 = arith.constant -3600.07202 : f32
        %mul3A_1313 = vector.broadcast %mul3A_1312 : f32 to vector<16xf32>
        %mul3A_1314 = arith.mulf %add3A_1311, %mul3A_1313 : vector<16xf32>
        %exp3A_1315 = math.exp %mul3A_1314 : vector<16xf32>
        %mul3A_1316 = arith.mulf %exp3A_1315, %gather3A_1242 : vector<16xf32>
        %mul3A_1317 = arith.mulf %exp3A_1315, %gather3A_1247 : vector<16xf32>
        %mul3A_1318 = arith.mulf %exp3A_1315, %gather3A_1252 : vector<16xf32>
        %broadcast_in_dim3A_1319 = arith.constant 0 : i32
        %broadcast_in_dim3A_1320 = vector.broadcast %broadcast_in_dim3A_1319 : i32 to vector<16xi32>
        tpu.vector_store_idx %arg13[%broadcast_in_dim3A_1320, %add3A_1290, %add3A_1291], %mul3A_1316 masked %lt3A_103 {add = true} : memref<4x128x128xf32, #tpu.memory_space<vmem>>[vector<16xi32>, vector<16xi32>, vector<16xi32>], vector<16xf32>, vector<16xi1>
        %broadcast_in_dim3A_1321 = arith.constant 1 : i32
        %broadcast_in_dim3A_1322 = vector.broadcast %broadcast_in_dim3A_1321 : i32 to vector<16xi32>
        tpu.vector_store_idx %arg13[%broadcast_in_dim3A_1322, %add3A_1290, %add3A_1291], %mul3A_1317 masked %lt3A_103 {add = true} : memref<4x128x128xf32, #tpu.memory_space<vmem>>[vector<16xi32>, vector<16xi32>, vector<16xi32>], vector<16xf32>, vector<16xi1>
        %broadcast_in_dim3A_1323 = arith.constant 2 : i32
        %broadcast_in_dim3A_1324 = vector.broadcast %broadcast_in_dim3A_1323 : i32 to vector<16xi32>
        tpu.vector_store_idx %arg13[%broadcast_in_dim3A_1324, %add3A_1290, %add3A_1291], %mul3A_1318 masked %lt3A_103 {add = true} : memref<4x128x128xf32, #tpu.memory_space<vmem>>[vector<16xi32>, vector<16xi32>, vector<16xi32>], vector<16xf32>, vector<16xi1>
        %broadcast_in_dim3A_1325 = arith.constant 3 : i32
        %broadcast_in_dim3A_1326 = vector.broadcast %broadcast_in_dim3A_1325 : i32 to vector<16xi32>
        tpu.vector_store_idx %arg13[%broadcast_in_dim3A_1326, %add3A_1290, %add3A_1291], %exp3A_1315 masked %lt3A_103 {add = true} : memref<4x128x128xf32, #tpu.memory_space<vmem>>[vector<16xi32>, vector<16xi32>, vector<16xi32>], vector<16xf32>, vector<16xi1>
        %broadcast_in_dim3A_1327 = arith.constant 9 : i32
        %broadcast_in_dim3A_1328 = vector.broadcast %broadcast_in_dim3A_1327 : i32 to vector<16xi32>
        %broadcast_in_dim3A_1329 = vector.shape_cast %broadcast_in_dim3A_1328 : vector<16xi32> to vector<16x1xi32>
        %gather3A_1330 = vector.shape_cast %broadcast_in_dim3A_1329 : vector<16x1xi32> to vector<16xi32>
        %gather3A_1331 = tpu.dynamic_gather %gather3A_280[%gather3A_1330] in [0] : vector<16xf32>, vector<16xi32> -> vector<16xf32>
        %broadcast_in_dim3A_1332 = arith.constant 9 : i32
        %broadcast_in_dim3A_1333 = vector.broadcast %broadcast_in_dim3A_1332 : i32 to vector<16xi32>
        %broadcast_in_dim3A_1334 = vector.shape_cast %broadcast_in_dim3A_1333 : vector<16xi32> to vector<16x1xi32>
        %gather3A_1335 = vector.shape_cast %broadcast_in_dim3A_1334 : vector<16x1xi32> to vector<16xi32>
        %gather3A_1336 = tpu.dynamic_gather %gather3A_281[%gather3A_1335] in [0] : vector<16xf32>, vector<16xi32> -> vector<16xf32>
        %broadcast_in_dim3A_1337 = arith.constant 9 : i32
        %broadcast_in_dim3A_1338 = vector.broadcast %broadcast_in_dim3A_1337 : i32 to vector<16xi32>
        %broadcast_in_dim3A_1339 = vector.shape_cast %broadcast_in_dim3A_1338 : vector<16xi32> to vector<16x1xi32>
        %gather3A_1340 = vector.shape_cast %broadcast_in_dim3A_1339 : vector<16x1xi32> to vector<16xi32>
        %gather3A_1341 = tpu.dynamic_gather %convert_element_type3A_291[%gather3A_1340] in [0] : vector<16xi32>, vector<16xi32> -> vector<16xi32>
        %broadcast_in_dim3A_1342 = arith.constant 9 : i32
        %broadcast_in_dim3A_1343 = vector.broadcast %broadcast_in_dim3A_1342 : i32 to vector<16xi32>
        %broadcast_in_dim3A_1344 = vector.shape_cast %broadcast_in_dim3A_1343 : vector<16xi32> to vector<16x1xi32>
        %gather3A_1345 = vector.shape_cast %broadcast_in_dim3A_1344 : vector<16x1xi32> to vector<16xi32>
        %gather3A_1346 = tpu.dynamic_gather %convert_element_type3A_298[%gather3A_1345] in [0] : vector<16xi32>, vector<16xi32> -> vector<16xi32>
        %broadcast_in_dim3A_1347 = arith.constant 9 : i32
        %broadcast_in_dim3A_1348 = vector.broadcast %broadcast_in_dim3A_1347 : i32 to vector<16xi32>
        %broadcast_in_dim3A_1349 = vector.shape_cast %broadcast_in_dim3A_1348 : vector<16xi32> to vector<16x1xi32>
        %gather3A_1350 = vector.shape_cast %broadcast_in_dim3A_1349 : vector<16x1xi32> to vector<16xi32>
        %gather3A_1351 = tpu.dynamic_gather %mul3A_301[%gather3A_1350] in [0] : vector<16xf32>, vector<16xi32> -> vector<16xf32>
        %broadcast_in_dim3A_1352 = arith.constant 9 : i32
        %broadcast_in_dim3A_1353 = vector.broadcast %broadcast_in_dim3A_1352 : i32 to vector<16xi32>
        %broadcast_in_dim3A_1354 = vector.shape_cast %broadcast_in_dim3A_1353 : vector<16xi32> to vector<16x1xi32>
        %gather3A_1355 = vector.shape_cast %broadcast_in_dim3A_1354 : vector<16x1xi32> to vector<16xi32>
        %gather3A_1356 = tpu.dynamic_gather %gather3A_282[%gather3A_1355] in [0] : vector<16xf32>, vector<16xi32> -> vector<16xf32>
        %broadcast_in_dim3A_1357 = arith.constant 9 : i32
        %broadcast_in_dim3A_1358 = vector.broadcast %broadcast_in_dim3A_1357 : i32 to vector<16xi32>
        %broadcast_in_dim3A_1359 = vector.shape_cast %broadcast_in_dim3A_1358 : vector<16xi32> to vector<16x1xi32>
        %gather3A_1360 = vector.shape_cast %broadcast_in_dim3A_1359 : vector<16x1xi32> to vector<16xi32>
        %gather3A_1361 = tpu.dynamic_gather %gather3A_283[%gather3A_1360] in [0] : vector<16xf32>, vector<16xi32> -> vector<16xf32>
        %broadcast_in_dim3A_1362 = arith.constant 9 : i32
        %broadcast_in_dim3A_1363 = vector.broadcast %broadcast_in_dim3A_1362 : i32 to vector<16xi32>
        %broadcast_in_dim3A_1364 = vector.shape_cast %broadcast_in_dim3A_1363 : vector<16xi32> to vector<16x1xi32>
        %gather3A_1365 = vector.shape_cast %broadcast_in_dim3A_1364 : vector<16x1xi32> to vector<16xi32>
        %gather3A_1366 = tpu.dynamic_gather %gather3A_284[%gather3A_1365] in [0] : vector<16xf32>, vector<16xi32> -> vector<16xf32>
        %add3A_1367 = arith.addi %gather3A_1341, %sub3A_72 : vector<16xi32>
        %add3A_1368 = arith.addi %gather3A_1346, %sub3A_97 : vector<16xi32>
        %convert_element_type3A_1369 = arith.sitofp %add3A_1367 : vector<16xi32> to vector<16xf32>
        %add3A_1370 = arith.constant 5.000000e-01 : f32
        %add3A_1371 = vector.broadcast %add3A_1370 : f32 to vector<16xf32>
        %add3A_1372 = arith.addf %convert_element_type3A_1369, %add3A_1371 : vector<16xf32>
        %mul3A_1373 = arith.constant 7.812500e-03 : f32
        %mul3A_1374 = vector.broadcast %mul3A_1373 : f32 to vector<16xf32>
        %mul3A_1375 = arith.mulf %add3A_1372, %mul3A_1374 : vector<16xf32>
        %sub3A_1376 = arith.subf %mul3A_1375, %gather3A_1331 : vector<16xf32>
        %convert_element_type3A_1377 = arith.sitofp %add3A_1368 : vector<16xi32> to vector<16xf32>
        %add3A_1378 = arith.constant 5.000000e-01 : f32
        %add3A_1379 = vector.broadcast %add3A_1378 : f32 to vector<16xf32>
        %add3A_1380 = arith.addf %convert_element_type3A_1377, %add3A_1379 : vector<16xf32>
        %mul3A_1381 = arith.constant 7.812500e-03 : f32
        %mul3A_1382 = vector.broadcast %mul3A_1381 : f32 to vector<16xf32>
        %mul3A_1383 = arith.mulf %add3A_1380, %mul3A_1382 : vector<16xf32>
        %sub3A_1384 = arith.subf %mul3A_1383, %gather3A_1336 : vector<16xf32>
        %mul3A_1385 = arith.mulf %sub3A_1376, %sub3A_1376 : vector<16xf32>
        %add3A_1386 = arith.addf %gather3A_1351, %mul3A_1385 : vector<16xf32>
        %mul3A_1387 = arith.mulf %sub3A_1384, %sub3A_1384 : vector<16xf32>
        %add3A_1388 = arith.addf %add3A_1386, %mul3A_1387 : vector<16xf32>
        %mul3A_1389 = arith.constant -3600.07202 : f32
        %mul3A_1390 = vector.broadcast %mul3A_1389 : f32 to vector<16xf32>
        %mul3A_1391 = arith.mulf %add3A_1388, %mul3A_1390 : vector<16xf32>
        %exp3A_1392 = math.exp %mul3A_1391 : vector<16xf32>
        %mul3A_1393 = arith.mulf %exp3A_1392, %gather3A_1356 : vector<16xf32>
        %mul3A_1394 = arith.mulf %exp3A_1392, %gather3A_1361 : vector<16xf32>
        %mul3A_1395 = arith.mulf %exp3A_1392, %gather3A_1366 : vector<16xf32>
        %broadcast_in_dim3A_1396 = arith.constant 0 : i32
        %broadcast_in_dim3A_1397 = vector.broadcast %broadcast_in_dim3A_1396 : i32 to vector<16xi32>
        tpu.vector_store_idx %arg13[%broadcast_in_dim3A_1397, %add3A_1367, %add3A_1368], %mul3A_1393 {add = true} : memref<4x128x128xf32, #tpu.memory_space<vmem>>[vector<16xi32>, vector<16xi32>, vector<16xi32>], vector<16xf32>,
        %broadcast_in_dim3A_1398 = arith.constant 1 : i32
        %broadcast_in_dim3A_1399 = vector.broadcast %broadcast_in_dim3A_1398 : i32 to vector<16xi32>
        tpu.vector_store_idx %arg13[%broadcast_in_dim3A_1399, %add3A_1367, %add3A_1368], %mul3A_1394 {add = true} : memref<4x128x128xf32, #tpu.memory_space<vmem>>[vector<16xi32>, vector<16xi32>, vector<16xi32>], vector<16xf32>,
        %broadcast_in_dim3A_1400 = arith.constant 2 : i32
        %broadcast_in_dim3A_1401 = vector.broadcast %broadcast_in_dim3A_1400 : i32 to vector<16xi32>
        tpu.vector_store_idx %arg13[%broadcast_in_dim3A_1401, %add3A_1367, %add3A_1368], %mul3A_1395 {add = true} : memref<4x128x128xf32, #tpu.memory_space<vmem>>[vector<16xi32>, vector<16xi32>, vector<16xi32>], vector<16xf32>,
        %broadcast_in_dim3A_1402 = arith.constant 3 : i32
        %broadcast_in_dim3A_1403 = vector.broadcast %broadcast_in_dim3A_1402 : i32 to vector<16xi32>
        tpu.vector_store_idx %arg13[%broadcast_in_dim3A_1403, %add3A_1367, %add3A_1368], %exp3A_1392 {add = true} : memref<4x128x128xf32, #tpu.memory_space<vmem>>[vector<16xi32>, vector<16xi32>, vector<16xi32>], vector<16xf32>,
        %add3A_1404 = arith.addi %gather3A_1341, %select_n3A_140 : vector<16xi32>
        %add3A_1405 = arith.addi %gather3A_1346, %select_n3A_168 : vector<16xi32>
        %convert_element_type3A_1406 = arith.sitofp %add3A_1404 : vector<16xi32> to vector<16xf32>
        %add3A_1407 = arith.constant 5.000000e-01 : f32
        %add3A_1408 = vector.broadcast %add3A_1407 : f32 to vector<16xf32>
        %add3A_1409 = arith.addf %convert_element_type3A_1406, %add3A_1408 : vector<16xf32>
        %mul3A_1410 = arith.constant 7.812500e-03 : f32
        %mul3A_1411 = vector.broadcast %mul3A_1410 : f32 to vector<16xf32>
        %mul3A_1412 = arith.mulf %add3A_1409, %mul3A_1411 : vector<16xf32>
        %sub3A_1413 = arith.subf %mul3A_1412, %gather3A_1331 : vector<16xf32>
        %convert_element_type3A_1414 = arith.sitofp %add3A_1405 : vector<16xi32> to vector<16xf32>
        %add3A_1415 = arith.constant 5.000000e-01 : f32
        %add3A_1416 = vector.broadcast %add3A_1415 : f32 to vector<16xf32>
        %add3A_1417 = arith.addf %convert_element_type3A_1414, %add3A_1416 : vector<16xf32>
        %mul3A_1418 = arith.constant 7.812500e-03 : f32
        %mul3A_1419 = vector.broadcast %mul3A_1418 : f32 to vector<16xf32>
        %mul3A_1420 = arith.mulf %add3A_1417, %mul3A_1419 : vector<16xf32>
        %sub3A_1421 = arith.subf %mul3A_1420, %gather3A_1336 : vector<16xf32>
        %mul3A_1422 = arith.mulf %sub3A_1413, %sub3A_1413 : vector<16xf32>
        %add3A_1423 = arith.addf %gather3A_1351, %mul3A_1422 : vector<16xf32>
        %mul3A_1424 = arith.mulf %sub3A_1421, %sub3A_1421 : vector<16xf32>
        %add3A_1425 = arith.addf %add3A_1423, %mul3A_1424 : vector<16xf32>
        %mul3A_1426 = arith.constant -3600.07202 : f32
        %mul3A_1427 = vector.broadcast %mul3A_1426 : f32 to vector<16xf32>
        %mul3A_1428 = arith.mulf %add3A_1425, %mul3A_1427 : vector<16xf32>
        %exp3A_1429 = math.exp %mul3A_1428 : vector<16xf32>
        %mul3A_1430 = arith.mulf %exp3A_1429, %gather3A_1356 : vector<16xf32>
        %mul3A_1431 = arith.mulf %exp3A_1429, %gather3A_1361 : vector<16xf32>
        %mul3A_1432 = arith.mulf %exp3A_1429, %gather3A_1366 : vector<16xf32>
        %broadcast_in_dim3A_1433 = arith.constant 0 : i32
        %broadcast_in_dim3A_1434 = vector.broadcast %broadcast_in_dim3A_1433 : i32 to vector<16xi32>
        tpu.vector_store_idx %arg13[%broadcast_in_dim3A_1434, %add3A_1404, %add3A_1405], %mul3A_1430 masked %lt3A_103 {add = true} : memref<4x128x128xf32, #tpu.memory_space<vmem>>[vector<16xi32>, vector<16xi32>, vector<16xi32>], vector<16xf32>, vector<16xi1>
        %broadcast_in_dim3A_1435 = arith.constant 1 : i32
        %broadcast_in_dim3A_1436 = vector.broadcast %broadcast_in_dim3A_1435 : i32 to vector<16xi32>
        tpu.vector_store_idx %arg13[%broadcast_in_dim3A_1436, %add3A_1404, %add3A_1405], %mul3A_1431 masked %lt3A_103 {add = true} : memref<4x128x128xf32, #tpu.memory_space<vmem>>[vector<16xi32>, vector<16xi32>, vector<16xi32>], vector<16xf32>, vector<16xi1>
        %broadcast_in_dim3A_1437 = arith.constant 2 : i32
        %broadcast_in_dim3A_1438 = vector.broadcast %broadcast_in_dim3A_1437 : i32 to vector<16xi32>
        tpu.vector_store_idx %arg13[%broadcast_in_dim3A_1438, %add3A_1404, %add3A_1405], %mul3A_1432 masked %lt3A_103 {add = true} : memref<4x128x128xf32, #tpu.memory_space<vmem>>[vector<16xi32>, vector<16xi32>, vector<16xi32>], vector<16xf32>, vector<16xi1>
        %broadcast_in_dim3A_1439 = arith.constant 3 : i32
        %broadcast_in_dim3A_1440 = vector.broadcast %broadcast_in_dim3A_1439 : i32 to vector<16xi32>
        tpu.vector_store_idx %arg13[%broadcast_in_dim3A_1440, %add3A_1404, %add3A_1405], %exp3A_1429 masked %lt3A_103 {add = true} : memref<4x128x128xf32, #tpu.memory_space<vmem>>[vector<16xi32>, vector<16xi32>, vector<16xi32>], vector<16xf32>, vector<16xi1>
        %broadcast_in_dim3A_1441 = arith.constant 10 : i32
        %broadcast_in_dim3A_1442 = vector.broadcast %broadcast_in_dim3A_1441 : i32 to vector<16xi32>
        %broadcast_in_dim3A_1443 = vector.shape_cast %broadcast_in_dim3A_1442 : vector<16xi32> to vector<16x1xi32>
        %gather3A_1444 = vector.shape_cast %broadcast_in_dim3A_1443 : vector<16x1xi32> to vector<16xi32>
        %gather3A_1445 = tpu.dynamic_gather %gather3A_280[%gather3A_1444] in [0] : vector<16xf32>, vector<16xi32> -> vector<16xf32>
        %broadcast_in_dim3A_1446 = arith.constant 10 : i32
        %broadcast_in_dim3A_1447 = vector.broadcast %broadcast_in_dim3A_1446 : i32 to vector<16xi32>
        %broadcast_in_dim3A_1448 = vector.shape_cast %broadcast_in_dim3A_1447 : vector<16xi32> to vector<16x1xi32>
        %gather3A_1449 = vector.shape_cast %broadcast_in_dim3A_1448 : vector<16x1xi32> to vector<16xi32>
        %gather3A_1450 = tpu.dynamic_gather %gather3A_281[%gather3A_1449] in [0] : vector<16xf32>, vector<16xi32> -> vector<16xf32>
        %broadcast_in_dim3A_1451 = arith.constant 10 : i32
        %broadcast_in_dim3A_1452 = vector.broadcast %broadcast_in_dim3A_1451 : i32 to vector<16xi32>
        %broadcast_in_dim3A_1453 = vector.shape_cast %broadcast_in_dim3A_1452 : vector<16xi32> to vector<16x1xi32>
        %gather3A_1454 = vector.shape_cast %broadcast_in_dim3A_1453 : vector<16x1xi32> to vector<16xi32>
        %gather3A_1455 = tpu.dynamic_gather %convert_element_type3A_291[%gather3A_1454] in [0] : vector<16xi32>, vector<16xi32> -> vector<16xi32>
        %broadcast_in_dim3A_1456 = arith.constant 10 : i32
        %broadcast_in_dim3A_1457 = vector.broadcast %broadcast_in_dim3A_1456 : i32 to vector<16xi32>
        %broadcast_in_dim3A_1458 = vector.shape_cast %broadcast_in_dim3A_1457 : vector<16xi32> to vector<16x1xi32>
        %gather3A_1459 = vector.shape_cast %broadcast_in_dim3A_1458 : vector<16x1xi32> to vector<16xi32>
        %gather3A_1460 = tpu.dynamic_gather %convert_element_type3A_298[%gather3A_1459] in [0] : vector<16xi32>, vector<16xi32> -> vector<16xi32>
        %broadcast_in_dim3A_1461 = arith.constant 10 : i32
        %broadcast_in_dim3A_1462 = vector.broadcast %broadcast_in_dim3A_1461 : i32 to vector<16xi32>
        %broadcast_in_dim3A_1463 = vector.shape_cast %broadcast_in_dim3A_1462 : vector<16xi32> to vector<16x1xi32>
        %gather3A_1464 = vector.shape_cast %broadcast_in_dim3A_1463 : vector<16x1xi32> to vector<16xi32>
        %gather3A_1465 = tpu.dynamic_gather %mul3A_301[%gather3A_1464] in [0] : vector<16xf32>, vector<16xi32> -> vector<16xf32>
        %broadcast_in_dim3A_1466 = arith.constant 10 : i32
        %broadcast_in_dim3A_1467 = vector.broadcast %broadcast_in_dim3A_1466 : i32 to vector<16xi32>
        %broadcast_in_dim3A_1468 = vector.shape_cast %broadcast_in_dim3A_1467 : vector<16xi32> to vector<16x1xi32>
        %gather3A_1469 = vector.shape_cast %broadcast_in_dim3A_1468 : vector<16x1xi32> to vector<16xi32>
        %gather3A_1470 = tpu.dynamic_gather %gather3A_282[%gather3A_1469] in [0] : vector<16xf32>, vector<16xi32> -> vector<16xf32>
        %broadcast_in_dim3A_1471 = arith.constant 10 : i32
        %broadcast_in_dim3A_1472 = vector.broadcast %broadcast_in_dim3A_1471 : i32 to vector<16xi32>
        %broadcast_in_dim3A_1473 = vector.shape_cast %broadcast_in_dim3A_1472 : vector<16xi32> to vector<16x1xi32>
        %gather3A_1474 = vector.shape_cast %broadcast_in_dim3A_1473 : vector<16x1xi32> to vector<16xi32>
        %gather3A_1475 = tpu.dynamic_gather %gather3A_283[%gather3A_1474] in [0] : vector<16xf32>, vector<16xi32> -> vector<16xf32>
        %broadcast_in_dim3A_1476 = arith.constant 10 : i32
        %broadcast_in_dim3A_1477 = vector.broadcast %broadcast_in_dim3A_1476 : i32 to vector<16xi32>
        %broadcast_in_dim3A_1478 = vector.shape_cast %broadcast_in_dim3A_1477 : vector<16xi32> to vector<16x1xi32>
        %gather3A_1479 = vector.shape_cast %broadcast_in_dim3A_1478 : vector<16x1xi32> to vector<16xi32>
        %gather3A_1480 = tpu.dynamic_gather %gather3A_284[%gather3A_1479] in [0] : vector<16xf32>, vector<16xi32> -> vector<16xf32>
        %add3A_1481 = arith.addi %gather3A_1455, %sub3A_72 : vector<16xi32>
        %add3A_1482 = arith.addi %gather3A_1460, %sub3A_97 : vector<16xi32>
        %convert_element_type3A_1483 = arith.sitofp %add3A_1481 : vector<16xi32> to vector<16xf32>
        %add3A_1484 = arith.constant 5.000000e-01 : f32
        %add3A_1485 = vector.broadcast %add3A_1484 : f32 to vector<16xf32>
        %add3A_1486 = arith.addf %convert_element_type3A_1483, %add3A_1485 : vector<16xf32>
        %mul3A_1487 = arith.constant 7.812500e-03 : f32
        %mul3A_1488 = vector.broadcast %mul3A_1487 : f32 to vector<16xf32>
        %mul3A_1489 = arith.mulf %add3A_1486, %mul3A_1488 : vector<16xf32>
        %sub3A_1490 = arith.subf %mul3A_1489, %gather3A_1445 : vector<16xf32>
        %convert_element_type3A_1491 = arith.sitofp %add3A_1482 : vector<16xi32> to vector<16xf32>
        %add3A_1492 = arith.constant 5.000000e-01 : f32
        %add3A_1493 = vector.broadcast %add3A_1492 : f32 to vector<16xf32>
        %add3A_1494 = arith.addf %convert_element_type3A_1491, %add3A_1493 : vector<16xf32>
        %mul3A_1495 = arith.constant 7.812500e-03 : f32
        %mul3A_1496 = vector.broadcast %mul3A_1495 : f32 to vector<16xf32>
        %mul3A_1497 = arith.mulf %add3A_1494, %mul3A_1496 : vector<16xf32>
        %sub3A_1498 = arith.subf %mul3A_1497, %gather3A_1450 : vector<16xf32>
        %mul3A_1499 = arith.mulf %sub3A_1490, %sub3A_1490 : vector<16xf32>
        %add3A_1500 = arith.addf %gather3A_1465, %mul3A_1499 : vector<16xf32>
        %mul3A_1501 = arith.mulf %sub3A_1498, %sub3A_1498 : vector<16xf32>
        %add3A_1502 = arith.addf %add3A_1500, %mul3A_1501 : vector<16xf32>
        %mul3A_1503 = arith.constant -3600.07202 : f32
        %mul3A_1504 = vector.broadcast %mul3A_1503 : f32 to vector<16xf32>
        %mul3A_1505 = arith.mulf %add3A_1502, %mul3A_1504 : vector<16xf32>
        %exp3A_1506 = math.exp %mul3A_1505 : vector<16xf32>
        %mul3A_1507 = arith.mulf %exp3A_1506, %gather3A_1470 : vector<16xf32>
        %mul3A_1508 = arith.mulf %exp3A_1506, %gather3A_1475 : vector<16xf32>
        %mul3A_1509 = arith.mulf %exp3A_1506, %gather3A_1480 : vector<16xf32>
        %broadcast_in_dim3A_1510 = arith.constant 0 : i32
        %broadcast_in_dim3A_1511 = vector.broadcast %broadcast_in_dim3A_1510 : i32 to vector<16xi32>
        tpu.vector_store_idx %arg13[%broadcast_in_dim3A_1511, %add3A_1481, %add3A_1482], %mul3A_1507 {add = true} : memref<4x128x128xf32, #tpu.memory_space<vmem>>[vector<16xi32>, vector<16xi32>, vector<16xi32>], vector<16xf32>,
        %broadcast_in_dim3A_1512 = arith.constant 1 : i32
        %broadcast_in_dim3A_1513 = vector.broadcast %broadcast_in_dim3A_1512 : i32 to vector<16xi32>
        tpu.vector_store_idx %arg13[%broadcast_in_dim3A_1513, %add3A_1481, %add3A_1482], %mul3A_1508 {add = true} : memref<4x128x128xf32, #tpu.memory_space<vmem>>[vector<16xi32>, vector<16xi32>, vector<16xi32>], vector<16xf32>,
        %broadcast_in_dim3A_1514 = arith.constant 2 : i32
        %broadcast_in_dim3A_1515 = vector.broadcast %broadcast_in_dim3A_1514 : i32 to vector<16xi32>
        tpu.vector_store_idx %arg13[%broadcast_in_dim3A_1515, %add3A_1481, %add3A_1482], %mul3A_1509 {add = true} : memref<4x128x128xf32, #tpu.memory_space<vmem>>[vector<16xi32>, vector<16xi32>, vector<16xi32>], vector<16xf32>,
        %broadcast_in_dim3A_1516 = arith.constant 3 : i32
        %broadcast_in_dim3A_1517 = vector.broadcast %broadcast_in_dim3A_1516 : i32 to vector<16xi32>
        tpu.vector_store_idx %arg13[%broadcast_in_dim3A_1517, %add3A_1481, %add3A_1482], %exp3A_1506 {add = true} : memref<4x128x128xf32, #tpu.memory_space<vmem>>[vector<16xi32>, vector<16xi32>, vector<16xi32>], vector<16xf32>,
        %add3A_1518 = arith.addi %gather3A_1455, %select_n3A_140 : vector<16xi32>
        %add3A_1519 = arith.addi %gather3A_1460, %select_n3A_168 : vector<16xi32>
        %convert_element_type3A_1520 = arith.sitofp %add3A_1518 : vector<16xi32> to vector<16xf32>
        %add3A_1521 = arith.constant 5.000000e-01 : f32
        %add3A_1522 = vector.broadcast %add3A_1521 : f32 to vector<16xf32>
        %add3A_1523 = arith.addf %convert_element_type3A_1520, %add3A_1522 : vector<16xf32>
        %mul3A_1524 = arith.constant 7.812500e-03 : f32
        %mul3A_1525 = vector.broadcast %mul3A_1524 : f32 to vector<16xf32>
        %mul3A_1526 = arith.mulf %add3A_1523, %mul3A_1525 : vector<16xf32>
        %sub3A_1527 = arith.subf %mul3A_1526, %gather3A_1445 : vector<16xf32>
        %convert_element_type3A_1528 = arith.sitofp %add3A_1519 : vector<16xi32> to vector<16xf32>
        %add3A_1529 = arith.constant 5.000000e-01 : f32
        %add3A_1530 = vector.broadcast %add3A_1529 : f32 to vector<16xf32>
        %add3A_1531 = arith.addf %convert_element_type3A_1528, %add3A_1530 : vector<16xf32>
        %mul3A_1532 = arith.constant 7.812500e-03 : f32
        %mul3A_1533 = vector.broadcast %mul3A_1532 : f32 to vector<16xf32>
        %mul3A_1534 = arith.mulf %add3A_1531, %mul3A_1533 : vector<16xf32>
        %sub3A_1535 = arith.subf %mul3A_1534, %gather3A_1450 : vector<16xf32>
        %mul3A_1536 = arith.mulf %sub3A_1527, %sub3A_1527 : vector<16xf32>
        %add3A_1537 = arith.addf %gather3A_1465, %mul3A_1536 : vector<16xf32>
        %mul3A_1538 = arith.mulf %sub3A_1535, %sub3A_1535 : vector<16xf32>
        %add3A_1539 = arith.addf %add3A_1537, %mul3A_1538 : vector<16xf32>
        %mul3A_1540 = arith.constant -3600.07202 : f32
        %mul3A_1541 = vector.broadcast %mul3A_1540 : f32 to vector<16xf32>
        %mul3A_1542 = arith.mulf %add3A_1539, %mul3A_1541 : vector<16xf32>
        %exp3A_1543 = math.exp %mul3A_1542 : vector<16xf32>
        %mul3A_1544 = arith.mulf %exp3A_1543, %gather3A_1470 : vector<16xf32>
        %mul3A_1545 = arith.mulf %exp3A_1543, %gather3A_1475 : vector<16xf32>
        %mul3A_1546 = arith.mulf %exp3A_1543, %gather3A_1480 : vector<16xf32>
        %broadcast_in_dim3A_1547 = arith.constant 0 : i32
        %broadcast_in_dim3A_1548 = vector.broadcast %broadcast_in_dim3A_1547 : i32 to vector<16xi32>
        tpu.vector_store_idx %arg13[%broadcast_in_dim3A_1548, %add3A_1518, %add3A_1519], %mul3A_1544 masked %lt3A_103 {add = true} : memref<4x128x128xf32, #tpu.memory_space<vmem>>[vector<16xi32>, vector<16xi32>, vector<16xi32>], vector<16xf32>, vector<16xi1>
        %broadcast_in_dim3A_1549 = arith.constant 1 : i32
        %broadcast_in_dim3A_1550 = vector.broadcast %broadcast_in_dim3A_1549 : i32 to vector<16xi32>
        tpu.vector_store_idx %arg13[%broadcast_in_dim3A_1550, %add3A_1518, %add3A_1519], %mul3A_1545 masked %lt3A_103 {add = true} : memref<4x128x128xf32, #tpu.memory_space<vmem>>[vector<16xi32>, vector<16xi32>, vector<16xi32>], vector<16xf32>, vector<16xi1>
        %broadcast_in_dim3A_1551 = arith.constant 2 : i32
        %broadcast_in_dim3A_1552 = vector.broadcast %broadcast_in_dim3A_1551 : i32 to vector<16xi32>
        tpu.vector_store_idx %arg13[%broadcast_in_dim3A_1552, %add3A_1518, %add3A_1519], %mul3A_1546 masked %lt3A_103 {add = true} : memref<4x128x128xf32, #tpu.memory_space<vmem>>[vector<16xi32>, vector<16xi32>, vector<16xi32>], vector<16xf32>, vector<16xi1>
        %broadcast_in_dim3A_1553 = arith.constant 3 : i32
        %broadcast_in_dim3A_1554 = vector.broadcast %broadcast_in_dim3A_1553 : i32 to vector<16xi32>
        tpu.vector_store_idx %arg13[%broadcast_in_dim3A_1554, %add3A_1518, %add3A_1519], %exp3A_1543 masked %lt3A_103 {add = true} : memref<4x128x128xf32, #tpu.memory_space<vmem>>[vector<16xi32>, vector<16xi32>, vector<16xi32>], vector<16xf32>, vector<16xi1>
        %broadcast_in_dim3A_1555 = arith.constant 11 : i32
        %broadcast_in_dim3A_1556 = vector.broadcast %broadcast_in_dim3A_1555 : i32 to vector<16xi32>
        %broadcast_in_dim3A_1557 = vector.shape_cast %broadcast_in_dim3A_1556 : vector<16xi32> to vector<16x1xi32>
        %gather3A_1558 = vector.shape_cast %broadcast_in_dim3A_1557 : vector<16x1xi32> to vector<16xi32>
        %gather3A_1559 = tpu.dynamic_gather %gather3A_280[%gather3A_1558] in [0] : vector<16xf32>, vector<16xi32> -> vector<16xf32>
        %broadcast_in_dim3A_1560 = arith.constant 11 : i32
        %broadcast_in_dim3A_1561 = vector.broadcast %broadcast_in_dim3A_1560 : i32 to vector<16xi32>
        %broadcast_in_dim3A_1562 = vector.shape_cast %broadcast_in_dim3A_1561 : vector<16xi32> to vector<16x1xi32>
        %gather3A_1563 = vector.shape_cast %broadcast_in_dim3A_1562 : vector<16x1xi32> to vector<16xi32>
        %gather3A_1564 = tpu.dynamic_gather %gather3A_281[%gather3A_1563] in [0] : vector<16xf32>, vector<16xi32> -> vector<16xf32>
        %broadcast_in_dim3A_1565 = arith.constant 11 : i32
        %broadcast_in_dim3A_1566 = vector.broadcast %broadcast_in_dim3A_1565 : i32 to vector<16xi32>
        %broadcast_in_dim3A_1567 = vector.shape_cast %broadcast_in_dim3A_1566 : vector<16xi32> to vector<16x1xi32>
        %gather3A_1568 = vector.shape_cast %broadcast_in_dim3A_1567 : vector<16x1xi32> to vector<16xi32>
        %gather3A_1569 = tpu.dynamic_gather %convert_element_type3A_291[%gather3A_1568] in [0] : vector<16xi32>, vector<16xi32> -> vector<16xi32>
        %broadcast_in_dim3A_1570 = arith.constant 11 : i32
        %broadcast_in_dim3A_1571 = vector.broadcast %broadcast_in_dim3A_1570 : i32 to vector<16xi32>
        %broadcast_in_dim3A_1572 = vector.shape_cast %broadcast_in_dim3A_1571 : vector<16xi32> to vector<16x1xi32>
        %gather3A_1573 = vector.shape_cast %broadcast_in_dim3A_1572 : vector<16x1xi32> to vector<16xi32>
        %gather3A_1574 = tpu.dynamic_gather %convert_element_type3A_298[%gather3A_1573] in [0] : vector<16xi32>, vector<16xi32> -> vector<16xi32>
        %broadcast_in_dim3A_1575 = arith.constant 11 : i32
        %broadcast_in_dim3A_1576 = vector.broadcast %broadcast_in_dim3A_1575 : i32 to vector<16xi32>
        %broadcast_in_dim3A_1577 = vector.shape_cast %broadcast_in_dim3A_1576 : vector<16xi32> to vector<16x1xi32>
        %gather3A_1578 = vector.shape_cast %broadcast_in_dim3A_1577 : vector<16x1xi32> to vector<16xi32>
        %gather3A_1579 = tpu.dynamic_gather %mul3A_301[%gather3A_1578] in [0] : vector<16xf32>, vector<16xi32> -> vector<16xf32>
        %broadcast_in_dim3A_1580 = arith.constant 11 : i32
        %broadcast_in_dim3A_1581 = vector.broadcast %broadcast_in_dim3A_1580 : i32 to vector<16xi32>
        %broadcast_in_dim3A_1582 = vector.shape_cast %broadcast_in_dim3A_1581 : vector<16xi32> to vector<16x1xi32>
        %gather3A_1583 = vector.shape_cast %broadcast_in_dim3A_1582 : vector<16x1xi32> to vector<16xi32>
        %gather3A_1584 = tpu.dynamic_gather %gather3A_282[%gather3A_1583] in [0] : vector<16xf32>, vector<16xi32> -> vector<16xf32>
        %broadcast_in_dim3A_1585 = arith.constant 11 : i32
        %broadcast_in_dim3A_1586 = vector.broadcast %broadcast_in_dim3A_1585 : i32 to vector<16xi32>
        %broadcast_in_dim3A_1587 = vector.shape_cast %broadcast_in_dim3A_1586 : vector<16xi32> to vector<16x1xi32>
        %gather3A_1588 = vector.shape_cast %broadcast_in_dim3A_1587 : vector<16x1xi32> to vector<16xi32>
        %gather3A_1589 = tpu.dynamic_gather %gather3A_283[%gather3A_1588] in [0] : vector<16xf32>, vector<16xi32> -> vector<16xf32>
        %broadcast_in_dim3A_1590 = arith.constant 11 : i32
        %broadcast_in_dim3A_1591 = vector.broadcast %broadcast_in_dim3A_1590 : i32 to vector<16xi32>
        %broadcast_in_dim3A_1592 = vector.shape_cast %broadcast_in_dim3A_1591 : vector<16xi32> to vector<16x1xi32>
        %gather3A_1593 = vector.shape_cast %broadcast_in_dim3A_1592 : vector<16x1xi32> to vector<16xi32>
        %gather3A_1594 = tpu.dynamic_gather %gather3A_284[%gather3A_1593] in [0] : vector<16xf32>, vector<16xi32> -> vector<16xf32>
        %add3A_1595 = arith.addi %gather3A_1569, %sub3A_72 : vector<16xi32>
        %add3A_1596 = arith.addi %gather3A_1574, %sub3A_97 : vector<16xi32>
        %convert_element_type3A_1597 = arith.sitofp %add3A_1595 : vector<16xi32> to vector<16xf32>
        %add3A_1598 = arith.constant 5.000000e-01 : f32
        %add3A_1599 = vector.broadcast %add3A_1598 : f32 to vector<16xf32>
        %add3A_1600 = arith.addf %convert_element_type3A_1597, %add3A_1599 : vector<16xf32>
        %mul3A_1601 = arith.constant 7.812500e-03 : f32
        %mul3A_1602 = vector.broadcast %mul3A_1601 : f32 to vector<16xf32>
        %mul3A_1603 = arith.mulf %add3A_1600, %mul3A_1602 : vector<16xf32>
        %sub3A_1604 = arith.subf %mul3A_1603, %gather3A_1559 : vector<16xf32>
        %convert_element_type3A_1605 = arith.sitofp %add3A_1596 : vector<16xi32> to vector<16xf32>
        %add3A_1606 = arith.constant 5.000000e-01 : f32
        %add3A_1607 = vector.broadcast %add3A_1606 : f32 to vector<16xf32>
        %add3A_1608 = arith.addf %convert_element_type3A_1605, %add3A_1607 : vector<16xf32>
        %mul3A_1609 = arith.constant 7.812500e-03 : f32
        %mul3A_1610 = vector.broadcast %mul3A_1609 : f32 to vector<16xf32>
        %mul3A_1611 = arith.mulf %add3A_1608, %mul3A_1610 : vector<16xf32>
        %sub3A_1612 = arith.subf %mul3A_1611, %gather3A_1564 : vector<16xf32>
        %mul3A_1613 = arith.mulf %sub3A_1604, %sub3A_1604 : vector<16xf32>
        %add3A_1614 = arith.addf %gather3A_1579, %mul3A_1613 : vector<16xf32>
        %mul3A_1615 = arith.mulf %sub3A_1612, %sub3A_1612 : vector<16xf32>
        %add3A_1616 = arith.addf %add3A_1614, %mul3A_1615 : vector<16xf32>
        %mul3A_1617 = arith.constant -3600.07202 : f32
        %mul3A_1618 = vector.broadcast %mul3A_1617 : f32 to vector<16xf32>
        %mul3A_1619 = arith.mulf %add3A_1616, %mul3A_1618 : vector<16xf32>
        %exp3A_1620 = math.exp %mul3A_1619 : vector<16xf32>
        %mul3A_1621 = arith.mulf %exp3A_1620, %gather3A_1584 : vector<16xf32>
        %mul3A_1622 = arith.mulf %exp3A_1620, %gather3A_1589 : vector<16xf32>
        %mul3A_1623 = arith.mulf %exp3A_1620, %gather3A_1594 : vector<16xf32>
        %broadcast_in_dim3A_1624 = arith.constant 0 : i32
        %broadcast_in_dim3A_1625 = vector.broadcast %broadcast_in_dim3A_1624 : i32 to vector<16xi32>
        tpu.vector_store_idx %arg13[%broadcast_in_dim3A_1625, %add3A_1595, %add3A_1596], %mul3A_1621 {add = true} : memref<4x128x128xf32, #tpu.memory_space<vmem>>[vector<16xi32>, vector<16xi32>, vector<16xi32>], vector<16xf32>,
        %broadcast_in_dim3A_1626 = arith.constant 1 : i32
        %broadcast_in_dim3A_1627 = vector.broadcast %broadcast_in_dim3A_1626 : i32 to vector<16xi32>
        tpu.vector_store_idx %arg13[%broadcast_in_dim3A_1627, %add3A_1595, %add3A_1596], %mul3A_1622 {add = true} : memref<4x128x128xf32, #tpu.memory_space<vmem>>[vector<16xi32>, vector<16xi32>, vector<16xi32>], vector<16xf32>,
        %broadcast_in_dim3A_1628 = arith.constant 2 : i32
        %broadcast_in_dim3A_1629 = vector.broadcast %broadcast_in_dim3A_1628 : i32 to vector<16xi32>
        tpu.vector_store_idx %arg13[%broadcast_in_dim3A_1629, %add3A_1595, %add3A_1596], %mul3A_1623 {add = true} : memref<4x128x128xf32, #tpu.memory_space<vmem>>[vector<16xi32>, vector<16xi32>, vector<16xi32>], vector<16xf32>,
        %broadcast_in_dim3A_1630 = arith.constant 3 : i32
        %broadcast_in_dim3A_1631 = vector.broadcast %broadcast_in_dim3A_1630 : i32 to vector<16xi32>
        tpu.vector_store_idx %arg13[%broadcast_in_dim3A_1631, %add3A_1595, %add3A_1596], %exp3A_1620 {add = true} : memref<4x128x128xf32, #tpu.memory_space<vmem>>[vector<16xi32>, vector<16xi32>, vector<16xi32>], vector<16xf32>,
        %add3A_1632 = arith.addi %gather3A_1569, %select_n3A_140 : vector<16xi32>
        %add3A_1633 = arith.addi %gather3A_1574, %select_n3A_168 : vector<16xi32>
        %convert_element_type3A_1634 = arith.sitofp %add3A_1632 : vector<16xi32> to vector<16xf32>
        %add3A_1635 = arith.constant 5.000000e-01 : f32
        %add3A_1636 = vector.broadcast %add3A_1635 : f32 to vector<16xf32>
        %add3A_1637 = arith.addf %convert_element_type3A_1634, %add3A_1636 : vector<16xf32>
        %mul3A_1638 = arith.constant 7.812500e-03 : f32
        %mul3A_1639 = vector.broadcast %mul3A_1638 : f32 to vector<16xf32>
        %mul3A_1640 = arith.mulf %add3A_1637, %mul3A_1639 : vector<16xf32>
        %sub3A_1641 = arith.subf %mul3A_1640, %gather3A_1559 : vector<16xf32>
        %convert_element_type3A_1642 = arith.sitofp %add3A_1633 : vector<16xi32> to vector<16xf32>
        %add3A_1643 = arith.constant 5.000000e-01 : f32
        %add3A_1644 = vector.broadcast %add3A_1643 : f32 to vector<16xf32>
        %add3A_1645 = arith.addf %convert_element_type3A_1642, %add3A_1644 : vector<16xf32>
        %mul3A_1646 = arith.constant 7.812500e-03 : f32
        %mul3A_1647 = vector.broadcast %mul3A_1646 : f32 to vector<16xf32>
        %mul3A_1648 = arith.mulf %add3A_1645, %mul3A_1647 : vector<16xf32>
        %sub3A_1649 = arith.subf %mul3A_1648, %gather3A_1564 : vector<16xf32>
        %mul3A_1650 = arith.mulf %sub3A_1641, %sub3A_1641 : vector<16xf32>
        %add3A_1651 = arith.addf %gather3A_1579, %mul3A_1650 : vector<16xf32>
        %mul3A_1652 = arith.mulf %sub3A_1649, %sub3A_1649 : vector<16xf32>
        %add3A_1653 = arith.addf %add3A_1651, %mul3A_1652 : vector<16xf32>
        %mul3A_1654 = arith.constant -3600.07202 : f32
        %mul3A_1655 = vector.broadcast %mul3A_1654 : f32 to vector<16xf32>
        %mul3A_1656 = arith.mulf %add3A_1653, %mul3A_1655 : vector<16xf32>
        %exp3A_1657 = math.exp %mul3A_1656 : vector<16xf32>
        %mul3A_1658 = arith.mulf %exp3A_1657, %gather3A_1584 : vector<16xf32>
        %mul3A_1659 = arith.mulf %exp3A_1657, %gather3A_1589 : vector<16xf32>
        %mul3A_1660 = arith.mulf %exp3A_1657, %gather3A_1594 : vector<16xf32>
        %broadcast_in_dim3A_1661 = arith.constant 0 : i32
        %broadcast_in_dim3A_1662 = vector.broadcast %broadcast_in_dim3A_1661 : i32 to vector<16xi32>
        tpu.vector_store_idx %arg13[%broadcast_in_dim3A_1662, %add3A_1632, %add3A_1633], %mul3A_1658 masked %lt3A_103 {add = true} : memref<4x128x128xf32, #tpu.memory_space<vmem>>[vector<16xi32>, vector<16xi32>, vector<16xi32>], vector<16xf32>, vector<16xi1>
        %broadcast_in_dim3A_1663 = arith.constant 1 : i32
        %broadcast_in_dim3A_1664 = vector.broadcast %broadcast_in_dim3A_1663 : i32 to vector<16xi32>
        tpu.vector_store_idx %arg13[%broadcast_in_dim3A_1664, %add3A_1632, %add3A_1633], %mul3A_1659 masked %lt3A_103 {add = true} : memref<4x128x128xf32, #tpu.memory_space<vmem>>[vector<16xi32>, vector<16xi32>, vector<16xi32>], vector<16xf32>, vector<16xi1>
        %broadcast_in_dim3A_1665 = arith.constant 2 : i32
        %broadcast_in_dim3A_1666 = vector.broadcast %broadcast_in_dim3A_1665 : i32 to vector<16xi32>
        tpu.vector_store_idx %arg13[%broadcast_in_dim3A_1666, %add3A_1632, %add3A_1633], %mul3A_1660 masked %lt3A_103 {add = true} : memref<4x128x128xf32, #tpu.memory_space<vmem>>[vector<16xi32>, vector<16xi32>, vector<16xi32>], vector<16xf32>, vector<16xi1>
        %broadcast_in_dim3A_1667 = arith.constant 3 : i32
        %broadcast_in_dim3A_1668 = vector.broadcast %broadcast_in_dim3A_1667 : i32 to vector<16xi32>
        tpu.vector_store_idx %arg13[%broadcast_in_dim3A_1668, %add3A_1632, %add3A_1633], %exp3A_1657 masked %lt3A_103 {add = true} : memref<4x128x128xf32, #tpu.memory_space<vmem>>[vector<16xi32>, vector<16xi32>, vector<16xi32>], vector<16xf32>, vector<16xi1>
        %broadcast_in_dim3A_1669 = arith.constant 12 : i32
        %broadcast_in_dim3A_1670 = vector.broadcast %broadcast_in_dim3A_1669 : i32 to vector<16xi32>
        %broadcast_in_dim3A_1671 = vector.shape_cast %broadcast_in_dim3A_1670 : vector<16xi32> to vector<16x1xi32>
        %gather3A_1672 = vector.shape_cast %broadcast_in_dim3A_1671 : vector<16x1xi32> to vector<16xi32>
        %gather3A_1673 = tpu.dynamic_gather %gather3A_280[%gather3A_1672] in [0] : vector<16xf32>, vector<16xi32> -> vector<16xf32>
        %broadcast_in_dim3A_1674 = arith.constant 12 : i32
        %broadcast_in_dim3A_1675 = vector.broadcast %broadcast_in_dim3A_1674 : i32 to vector<16xi32>
        %broadcast_in_dim3A_1676 = vector.shape_cast %broadcast_in_dim3A_1675 : vector<16xi32> to vector<16x1xi32>
        %gather3A_1677 = vector.shape_cast %broadcast_in_dim3A_1676 : vector<16x1xi32> to vector<16xi32>
        %gather3A_1678 = tpu.dynamic_gather %gather3A_281[%gather3A_1677] in [0] : vector<16xf32>, vector<16xi32> -> vector<16xf32>
        %broadcast_in_dim3A_1679 = arith.constant 12 : i32
        %broadcast_in_dim3A_1680 = vector.broadcast %broadcast_in_dim3A_1679 : i32 to vector<16xi32>
        %broadcast_in_dim3A_1681 = vector.shape_cast %broadcast_in_dim3A_1680 : vector<16xi32> to vector<16x1xi32>
        %gather3A_1682 = vector.shape_cast %broadcast_in_dim3A_1681 : vector<16x1xi32> to vector<16xi32>
        %gather3A_1683 = tpu.dynamic_gather %convert_element_type3A_291[%gather3A_1682] in [0] : vector<16xi32>, vector<16xi32> -> vector<16xi32>
        %broadcast_in_dim3A_1684 = arith.constant 12 : i32
        %broadcast_in_dim3A_1685 = vector.broadcast %broadcast_in_dim3A_1684 : i32 to vector<16xi32>
        %broadcast_in_dim3A_1686 = vector.shape_cast %broadcast_in_dim3A_1685 : vector<16xi32> to vector<16x1xi32>
        %gather3A_1687 = vector.shape_cast %broadcast_in_dim3A_1686 : vector<16x1xi32> to vector<16xi32>
        %gather3A_1688 = tpu.dynamic_gather %convert_element_type3A_298[%gather3A_1687] in [0] : vector<16xi32>, vector<16xi32> -> vector<16xi32>
        %broadcast_in_dim3A_1689 = arith.constant 12 : i32
        %broadcast_in_dim3A_1690 = vector.broadcast %broadcast_in_dim3A_1689 : i32 to vector<16xi32>
        %broadcast_in_dim3A_1691 = vector.shape_cast %broadcast_in_dim3A_1690 : vector<16xi32> to vector<16x1xi32>
        %gather3A_1692 = vector.shape_cast %broadcast_in_dim3A_1691 : vector<16x1xi32> to vector<16xi32>
        %gather3A_1693 = tpu.dynamic_gather %mul3A_301[%gather3A_1692] in [0] : vector<16xf32>, vector<16xi32> -> vector<16xf32>
        %broadcast_in_dim3A_1694 = arith.constant 12 : i32
        %broadcast_in_dim3A_1695 = vector.broadcast %broadcast_in_dim3A_1694 : i32 to vector<16xi32>
        %broadcast_in_dim3A_1696 = vector.shape_cast %broadcast_in_dim3A_1695 : vector<16xi32> to vector<16x1xi32>
        %gather3A_1697 = vector.shape_cast %broadcast_in_dim3A_1696 : vector<16x1xi32> to vector<16xi32>
        %gather3A_1698 = tpu.dynamic_gather %gather3A_282[%gather3A_1697] in [0] : vector<16xf32>, vector<16xi32> -> vector<16xf32>
        %broadcast_in_dim3A_1699 = arith.constant 12 : i32
        %broadcast_in_dim3A_1700 = vector.broadcast %broadcast_in_dim3A_1699 : i32 to vector<16xi32>
        %broadcast_in_dim3A_1701 = vector.shape_cast %broadcast_in_dim3A_1700 : vector<16xi32> to vector<16x1xi32>
        %gather3A_1702 = vector.shape_cast %broadcast_in_dim3A_1701 : vector<16x1xi32> to vector<16xi32>
        %gather3A_1703 = tpu.dynamic_gather %gather3A_283[%gather3A_1702] in [0] : vector<16xf32>, vector<16xi32> -> vector<16xf32>
        %broadcast_in_dim3A_1704 = arith.constant 12 : i32
        %broadcast_in_dim3A_1705 = vector.broadcast %broadcast_in_dim3A_1704 : i32 to vector<16xi32>
        %broadcast_in_dim3A_1706 = vector.shape_cast %broadcast_in_dim3A_1705 : vector<16xi32> to vector<16x1xi32>
        %gather3A_1707 = vector.shape_cast %broadcast_in_dim3A_1706 : vector<16x1xi32> to vector<16xi32>
        %gather3A_1708 = tpu.dynamic_gather %gather3A_284[%gather3A_1707] in [0] : vector<16xf32>, vector<16xi32> -> vector<16xf32>
        %add3A_1709 = arith.addi %gather3A_1683, %sub3A_72 : vector<16xi32>
        %add3A_1710 = arith.addi %gather3A_1688, %sub3A_97 : vector<16xi32>
        %convert_element_type3A_1711 = arith.sitofp %add3A_1709 : vector<16xi32> to vector<16xf32>
        %add3A_1712 = arith.constant 5.000000e-01 : f32
        %add3A_1713 = vector.broadcast %add3A_1712 : f32 to vector<16xf32>
        %add3A_1714 = arith.addf %convert_element_type3A_1711, %add3A_1713 : vector<16xf32>
        %mul3A_1715 = arith.constant 7.812500e-03 : f32
        %mul3A_1716 = vector.broadcast %mul3A_1715 : f32 to vector<16xf32>
        %mul3A_1717 = arith.mulf %add3A_1714, %mul3A_1716 : vector<16xf32>
        %sub3A_1718 = arith.subf %mul3A_1717, %gather3A_1673 : vector<16xf32>
        %convert_element_type3A_1719 = arith.sitofp %add3A_1710 : vector<16xi32> to vector<16xf32>
        %add3A_1720 = arith.constant 5.000000e-01 : f32
        %add3A_1721 = vector.broadcast %add3A_1720 : f32 to vector<16xf32>
        %add3A_1722 = arith.addf %convert_element_type3A_1719, %add3A_1721 : vector<16xf32>
        %mul3A_1723 = arith.constant 7.812500e-03 : f32
        %mul3A_1724 = vector.broadcast %mul3A_1723 : f32 to vector<16xf32>
        %mul3A_1725 = arith.mulf %add3A_1722, %mul3A_1724 : vector<16xf32>
        %sub3A_1726 = arith.subf %mul3A_1725, %gather3A_1678 : vector<16xf32>
        %mul3A_1727 = arith.mulf %sub3A_1718, %sub3A_1718 : vector<16xf32>
        %add3A_1728 = arith.addf %gather3A_1693, %mul3A_1727 : vector<16xf32>
        %mul3A_1729 = arith.mulf %sub3A_1726, %sub3A_1726 : vector<16xf32>
        %add3A_1730 = arith.addf %add3A_1728, %mul3A_1729 : vector<16xf32>
        %mul3A_1731 = arith.constant -3600.07202 : f32
        %mul3A_1732 = vector.broadcast %mul3A_1731 : f32 to vector<16xf32>
        %mul3A_1733 = arith.mulf %add3A_1730, %mul3A_1732 : vector<16xf32>
        %exp3A_1734 = math.exp %mul3A_1733 : vector<16xf32>
        %mul3A_1735 = arith.mulf %exp3A_1734, %gather3A_1698 : vector<16xf32>
        %mul3A_1736 = arith.mulf %exp3A_1734, %gather3A_1703 : vector<16xf32>
        %mul3A_1737 = arith.mulf %exp3A_1734, %gather3A_1708 : vector<16xf32>
        %broadcast_in_dim3A_1738 = arith.constant 0 : i32
        %broadcast_in_dim3A_1739 = vector.broadcast %broadcast_in_dim3A_1738 : i32 to vector<16xi32>
        tpu.vector_store_idx %arg13[%broadcast_in_dim3A_1739, %add3A_1709, %add3A_1710], %mul3A_1735 {add = true} : memref<4x128x128xf32, #tpu.memory_space<vmem>>[vector<16xi32>, vector<16xi32>, vector<16xi32>], vector<16xf32>,
        %broadcast_in_dim3A_1740 = arith.constant 1 : i32
        %broadcast_in_dim3A_1741 = vector.broadcast %broadcast_in_dim3A_1740 : i32 to vector<16xi32>
        tpu.vector_store_idx %arg13[%broadcast_in_dim3A_1741, %add3A_1709, %add3A_1710], %mul3A_1736 {add = true} : memref<4x128x128xf32, #tpu.memory_space<vmem>>[vector<16xi32>, vector<16xi32>, vector<16xi32>], vector<16xf32>,
        %broadcast_in_dim3A_1742 = arith.constant 2 : i32
        %broadcast_in_dim3A_1743 = vector.broadcast %broadcast_in_dim3A_1742 : i32 to vector<16xi32>
        tpu.vector_store_idx %arg13[%broadcast_in_dim3A_1743, %add3A_1709, %add3A_1710], %mul3A_1737 {add = true} : memref<4x128x128xf32, #tpu.memory_space<vmem>>[vector<16xi32>, vector<16xi32>, vector<16xi32>], vector<16xf32>,
        %broadcast_in_dim3A_1744 = arith.constant 3 : i32
        %broadcast_in_dim3A_1745 = vector.broadcast %broadcast_in_dim3A_1744 : i32 to vector<16xi32>
        tpu.vector_store_idx %arg13[%broadcast_in_dim3A_1745, %add3A_1709, %add3A_1710], %exp3A_1734 {add = true} : memref<4x128x128xf32, #tpu.memory_space<vmem>>[vector<16xi32>, vector<16xi32>, vector<16xi32>], vector<16xf32>,
        %add3A_1746 = arith.addi %gather3A_1683, %select_n3A_140 : vector<16xi32>
        %add3A_1747 = arith.addi %gather3A_1688, %select_n3A_168 : vector<16xi32>
        %convert_element_type3A_1748 = arith.sitofp %add3A_1746 : vector<16xi32> to vector<16xf32>
        %add3A_1749 = arith.constant 5.000000e-01 : f32
        %add3A_1750 = vector.broadcast %add3A_1749 : f32 to vector<16xf32>
        %add3A_1751 = arith.addf %convert_element_type3A_1748, %add3A_1750 : vector<16xf32>
        %mul3A_1752 = arith.constant 7.812500e-03 : f32
        %mul3A_1753 = vector.broadcast %mul3A_1752 : f32 to vector<16xf32>
        %mul3A_1754 = arith.mulf %add3A_1751, %mul3A_1753 : vector<16xf32>
        %sub3A_1755 = arith.subf %mul3A_1754, %gather3A_1673 : vector<16xf32>
        %convert_element_type3A_1756 = arith.sitofp %add3A_1747 : vector<16xi32> to vector<16xf32>
        %add3A_1757 = arith.constant 5.000000e-01 : f32
        %add3A_1758 = vector.broadcast %add3A_1757 : f32 to vector<16xf32>
        %add3A_1759 = arith.addf %convert_element_type3A_1756, %add3A_1758 : vector<16xf32>
        %mul3A_1760 = arith.constant 7.812500e-03 : f32
        %mul3A_1761 = vector.broadcast %mul3A_1760 : f32 to vector<16xf32>
        %mul3A_1762 = arith.mulf %add3A_1759, %mul3A_1761 : vector<16xf32>
        %sub3A_1763 = arith.subf %mul3A_1762, %gather3A_1678 : vector<16xf32>
        %mul3A_1764 = arith.mulf %sub3A_1755, %sub3A_1755 : vector<16xf32>
        %add3A_1765 = arith.addf %gather3A_1693, %mul3A_1764 : vector<16xf32>
        %mul3A_1766 = arith.mulf %sub3A_1763, %sub3A_1763 : vector<16xf32>
        %add3A_1767 = arith.addf %add3A_1765, %mul3A_1766 : vector<16xf32>
        %mul3A_1768 = arith.constant -3600.07202 : f32
        %mul3A_1769 = vector.broadcast %mul3A_1768 : f32 to vector<16xf32>
        %mul3A_1770 = arith.mulf %add3A_1767, %mul3A_1769 : vector<16xf32>
        %exp3A_1771 = math.exp %mul3A_1770 : vector<16xf32>
        %mul3A_1772 = arith.mulf %exp3A_1771, %gather3A_1698 : vector<16xf32>
        %mul3A_1773 = arith.mulf %exp3A_1771, %gather3A_1703 : vector<16xf32>
        %mul3A_1774 = arith.mulf %exp3A_1771, %gather3A_1708 : vector<16xf32>
        %broadcast_in_dim3A_1775 = arith.constant 0 : i32
        %broadcast_in_dim3A_1776 = vector.broadcast %broadcast_in_dim3A_1775 : i32 to vector<16xi32>
        tpu.vector_store_idx %arg13[%broadcast_in_dim3A_1776, %add3A_1746, %add3A_1747], %mul3A_1772 masked %lt3A_103 {add = true} : memref<4x128x128xf32, #tpu.memory_space<vmem>>[vector<16xi32>, vector<16xi32>, vector<16xi32>], vector<16xf32>, vector<16xi1>
        %broadcast_in_dim3A_1777 = arith.constant 1 : i32
        %broadcast_in_dim3A_1778 = vector.broadcast %broadcast_in_dim3A_1777 : i32 to vector<16xi32>
        tpu.vector_store_idx %arg13[%broadcast_in_dim3A_1778, %add3A_1746, %add3A_1747], %mul3A_1773 masked %lt3A_103 {add = true} : memref<4x128x128xf32, #tpu.memory_space<vmem>>[vector<16xi32>, vector<16xi32>, vector<16xi32>], vector<16xf32>, vector<16xi1>
        %broadcast_in_dim3A_1779 = arith.constant 2 : i32
        %broadcast_in_dim3A_1780 = vector.broadcast %broadcast_in_dim3A_1779 : i32 to vector<16xi32>
        tpu.vector_store_idx %arg13[%broadcast_in_dim3A_1780, %add3A_1746, %add3A_1747], %mul3A_1774 masked %lt3A_103 {add = true} : memref<4x128x128xf32, #tpu.memory_space<vmem>>[vector<16xi32>, vector<16xi32>, vector<16xi32>], vector<16xf32>, vector<16xi1>
        %broadcast_in_dim3A_1781 = arith.constant 3 : i32
        %broadcast_in_dim3A_1782 = vector.broadcast %broadcast_in_dim3A_1781 : i32 to vector<16xi32>
        tpu.vector_store_idx %arg13[%broadcast_in_dim3A_1782, %add3A_1746, %add3A_1747], %exp3A_1771 masked %lt3A_103 {add = true} : memref<4x128x128xf32, #tpu.memory_space<vmem>>[vector<16xi32>, vector<16xi32>, vector<16xi32>], vector<16xf32>, vector<16xi1>
        %broadcast_in_dim3A_1783 = arith.constant 13 : i32
        %broadcast_in_dim3A_1784 = vector.broadcast %broadcast_in_dim3A_1783 : i32 to vector<16xi32>
        %broadcast_in_dim3A_1785 = vector.shape_cast %broadcast_in_dim3A_1784 : vector<16xi32> to vector<16x1xi32>
        %gather3A_1786 = vector.shape_cast %broadcast_in_dim3A_1785 : vector<16x1xi32> to vector<16xi32>
        %gather3A_1787 = tpu.dynamic_gather %gather3A_280[%gather3A_1786] in [0] : vector<16xf32>, vector<16xi32> -> vector<16xf32>
        %broadcast_in_dim3A_1788 = arith.constant 13 : i32
        %broadcast_in_dim3A_1789 = vector.broadcast %broadcast_in_dim3A_1788 : i32 to vector<16xi32>
        %broadcast_in_dim3A_1790 = vector.shape_cast %broadcast_in_dim3A_1789 : vector<16xi32> to vector<16x1xi32>
        %gather3A_1791 = vector.shape_cast %broadcast_in_dim3A_1790 : vector<16x1xi32> to vector<16xi32>
        %gather3A_1792 = tpu.dynamic_gather %gather3A_281[%gather3A_1791] in [0] : vector<16xf32>, vector<16xi32> -> vector<16xf32>
        %broadcast_in_dim3A_1793 = arith.constant 13 : i32
        %broadcast_in_dim3A_1794 = vector.broadcast %broadcast_in_dim3A_1793 : i32 to vector<16xi32>
        %broadcast_in_dim3A_1795 = vector.shape_cast %broadcast_in_dim3A_1794 : vector<16xi32> to vector<16x1xi32>
        %gather3A_1796 = vector.shape_cast %broadcast_in_dim3A_1795 : vector<16x1xi32> to vector<16xi32>
        %gather3A_1797 = tpu.dynamic_gather %convert_element_type3A_291[%gather3A_1796] in [0] : vector<16xi32>, vector<16xi32> -> vector<16xi32>
        %broadcast_in_dim3A_1798 = arith.constant 13 : i32
        %broadcast_in_dim3A_1799 = vector.broadcast %broadcast_in_dim3A_1798 : i32 to vector<16xi32>
        %broadcast_in_dim3A_1800 = vector.shape_cast %broadcast_in_dim3A_1799 : vector<16xi32> to vector<16x1xi32>
        %gather3A_1801 = vector.shape_cast %broadcast_in_dim3A_1800 : vector<16x1xi32> to vector<16xi32>
        %gather3A_1802 = tpu.dynamic_gather %convert_element_type3A_298[%gather3A_1801] in [0] : vector<16xi32>, vector<16xi32> -> vector<16xi32>
        %broadcast_in_dim3A_1803 = arith.constant 13 : i32
        %broadcast_in_dim3A_1804 = vector.broadcast %broadcast_in_dim3A_1803 : i32 to vector<16xi32>
        %broadcast_in_dim3A_1805 = vector.shape_cast %broadcast_in_dim3A_1804 : vector<16xi32> to vector<16x1xi32>
        %gather3A_1806 = vector.shape_cast %broadcast_in_dim3A_1805 : vector<16x1xi32> to vector<16xi32>
        %gather3A_1807 = tpu.dynamic_gather %mul3A_301[%gather3A_1806] in [0] : vector<16xf32>, vector<16xi32> -> vector<16xf32>
        %broadcast_in_dim3A_1808 = arith.constant 13 : i32
        %broadcast_in_dim3A_1809 = vector.broadcast %broadcast_in_dim3A_1808 : i32 to vector<16xi32>
        %broadcast_in_dim3A_1810 = vector.shape_cast %broadcast_in_dim3A_1809 : vector<16xi32> to vector<16x1xi32>
        %gather3A_1811 = vector.shape_cast %broadcast_in_dim3A_1810 : vector<16x1xi32> to vector<16xi32>
        %gather3A_1812 = tpu.dynamic_gather %gather3A_282[%gather3A_1811] in [0] : vector<16xf32>, vector<16xi32> -> vector<16xf32>
        %broadcast_in_dim3A_1813 = arith.constant 13 : i32
        %broadcast_in_dim3A_1814 = vector.broadcast %broadcast_in_dim3A_1813 : i32 to vector<16xi32>
        %broadcast_in_dim3A_1815 = vector.shape_cast %broadcast_in_dim3A_1814 : vector<16xi32> to vector<16x1xi32>
        %gather3A_1816 = vector.shape_cast %broadcast_in_dim3A_1815 : vector<16x1xi32> to vector<16xi32>
        %gather3A_1817 = tpu.dynamic_gather %gather3A_283[%gather3A_1816] in [0] : vector<16xf32>, vector<16xi32> -> vector<16xf32>
        %broadcast_in_dim3A_1818 = arith.constant 13 : i32
        %broadcast_in_dim3A_1819 = vector.broadcast %broadcast_in_dim3A_1818 : i32 to vector<16xi32>
        %broadcast_in_dim3A_1820 = vector.shape_cast %broadcast_in_dim3A_1819 : vector<16xi32> to vector<16x1xi32>
        %gather3A_1821 = vector.shape_cast %broadcast_in_dim3A_1820 : vector<16x1xi32> to vector<16xi32>
        %gather3A_1822 = tpu.dynamic_gather %gather3A_284[%gather3A_1821] in [0] : vector<16xf32>, vector<16xi32> -> vector<16xf32>
        %add3A_1823 = arith.addi %gather3A_1797, %sub3A_72 : vector<16xi32>
        %add3A_1824 = arith.addi %gather3A_1802, %sub3A_97 : vector<16xi32>
        %convert_element_type3A_1825 = arith.sitofp %add3A_1823 : vector<16xi32> to vector<16xf32>
        %add3A_1826 = arith.constant 5.000000e-01 : f32
        %add3A_1827 = vector.broadcast %add3A_1826 : f32 to vector<16xf32>
        %add3A_1828 = arith.addf %convert_element_type3A_1825, %add3A_1827 : vector<16xf32>
        %mul3A_1829 = arith.constant 7.812500e-03 : f32
        %mul3A_1830 = vector.broadcast %mul3A_1829 : f32 to vector<16xf32>
        %mul3A_1831 = arith.mulf %add3A_1828, %mul3A_1830 : vector<16xf32>
        %sub3A_1832 = arith.subf %mul3A_1831, %gather3A_1787 : vector<16xf32>
        %convert_element_type3A_1833 = arith.sitofp %add3A_1824 : vector<16xi32> to vector<16xf32>
        %add3A_1834 = arith.constant 5.000000e-01 : f32
        %add3A_1835 = vector.broadcast %add3A_1834 : f32 to vector<16xf32>
        %add3A_1836 = arith.addf %convert_element_type3A_1833, %add3A_1835 : vector<16xf32>
        %mul3A_1837 = arith.constant 7.812500e-03 : f32
        %mul3A_1838 = vector.broadcast %mul3A_1837 : f32 to vector<16xf32>
        %mul3A_1839 = arith.mulf %add3A_1836, %mul3A_1838 : vector<16xf32>
        %sub3A_1840 = arith.subf %mul3A_1839, %gather3A_1792 : vector<16xf32>
        %mul3A_1841 = arith.mulf %sub3A_1832, %sub3A_1832 : vector<16xf32>
        %add3A_1842 = arith.addf %gather3A_1807, %mul3A_1841 : vector<16xf32>
        %mul3A_1843 = arith.mulf %sub3A_1840, %sub3A_1840 : vector<16xf32>
        %add3A_1844 = arith.addf %add3A_1842, %mul3A_1843 : vector<16xf32>
        %mul3A_1845 = arith.constant -3600.07202 : f32
        %mul3A_1846 = vector.broadcast %mul3A_1845 : f32 to vector<16xf32>
        %mul3A_1847 = arith.mulf %add3A_1844, %mul3A_1846 : vector<16xf32>
        %exp3A_1848 = math.exp %mul3A_1847 : vector<16xf32>
        %mul3A_1849 = arith.mulf %exp3A_1848, %gather3A_1812 : vector<16xf32>
        %mul3A_1850 = arith.mulf %exp3A_1848, %gather3A_1817 : vector<16xf32>
        %mul3A_1851 = arith.mulf %exp3A_1848, %gather3A_1822 : vector<16xf32>
        %broadcast_in_dim3A_1852 = arith.constant 0 : i32
        %broadcast_in_dim3A_1853 = vector.broadcast %broadcast_in_dim3A_1852 : i32 to vector<16xi32>
        tpu.vector_store_idx %arg13[%broadcast_in_dim3A_1853, %add3A_1823, %add3A_1824], %mul3A_1849 {add = true} : memref<4x128x128xf32, #tpu.memory_space<vmem>>[vector<16xi32>, vector<16xi32>, vector<16xi32>], vector<16xf32>,
        %broadcast_in_dim3A_1854 = arith.constant 1 : i32
        %broadcast_in_dim3A_1855 = vector.broadcast %broadcast_in_dim3A_1854 : i32 to vector<16xi32>
        tpu.vector_store_idx %arg13[%broadcast_in_dim3A_1855, %add3A_1823, %add3A_1824], %mul3A_1850 {add = true} : memref<4x128x128xf32, #tpu.memory_space<vmem>>[vector<16xi32>, vector<16xi32>, vector<16xi32>], vector<16xf32>,
        %broadcast_in_dim3A_1856 = arith.constant 2 : i32
        %broadcast_in_dim3A_1857 = vector.broadcast %broadcast_in_dim3A_1856 : i32 to vector<16xi32>
        tpu.vector_store_idx %arg13[%broadcast_in_dim3A_1857, %add3A_1823, %add3A_1824], %mul3A_1851 {add = true} : memref<4x128x128xf32, #tpu.memory_space<vmem>>[vector<16xi32>, vector<16xi32>, vector<16xi32>], vector<16xf32>,
        %broadcast_in_dim3A_1858 = arith.constant 3 : i32
        %broadcast_in_dim3A_1859 = vector.broadcast %broadcast_in_dim3A_1858 : i32 to vector<16xi32>
        tpu.vector_store_idx %arg13[%broadcast_in_dim3A_1859, %add3A_1823, %add3A_1824], %exp3A_1848 {add = true} : memref<4x128x128xf32, #tpu.memory_space<vmem>>[vector<16xi32>, vector<16xi32>, vector<16xi32>], vector<16xf32>,
        %add3A_1860 = arith.addi %gather3A_1797, %select_n3A_140 : vector<16xi32>
        %add3A_1861 = arith.addi %gather3A_1802, %select_n3A_168 : vector<16xi32>
        %convert_element_type3A_1862 = arith.sitofp %add3A_1860 : vector<16xi32> to vector<16xf32>
        %add3A_1863 = arith.constant 5.000000e-01 : f32
        %add3A_1864 = vector.broadcast %add3A_1863 : f32 to vector<16xf32>
        %add3A_1865 = arith.addf %convert_element_type3A_1862, %add3A_1864 : vector<16xf32>
        %mul3A_1866 = arith.constant 7.812500e-03 : f32
        %mul3A_1867 = vector.broadcast %mul3A_1866 : f32 to vector<16xf32>
        %mul3A_1868 = arith.mulf %add3A_1865, %mul3A_1867 : vector<16xf32>
        %sub3A_1869 = arith.subf %mul3A_1868, %gather3A_1787 : vector<16xf32>
        %convert_element_type3A_1870 = arith.sitofp %add3A_1861 : vector<16xi32> to vector<16xf32>
        %add3A_1871 = arith.constant 5.000000e-01 : f32
        %add3A_1872 = vector.broadcast %add3A_1871 : f32 to vector<16xf32>
        %add3A_1873 = arith.addf %convert_element_type3A_1870, %add3A_1872 : vector<16xf32>
        %mul3A_1874 = arith.constant 7.812500e-03 : f32
        %mul3A_1875 = vector.broadcast %mul3A_1874 : f32 to vector<16xf32>
        %mul3A_1876 = arith.mulf %add3A_1873, %mul3A_1875 : vector<16xf32>
        %sub3A_1877 = arith.subf %mul3A_1876, %gather3A_1792 : vector<16xf32>
        %mul3A_1878 = arith.mulf %sub3A_1869, %sub3A_1869 : vector<16xf32>
        %add3A_1879 = arith.addf %gather3A_1807, %mul3A_1878 : vector<16xf32>
        %mul3A_1880 = arith.mulf %sub3A_1877, %sub3A_1877 : vector<16xf32>
        %add3A_1881 = arith.addf %add3A_1879, %mul3A_1880 : vector<16xf32>
        %mul3A_1882 = arith.constant -3600.07202 : f32
        %mul3A_1883 = vector.broadcast %mul3A_1882 : f32 to vector<16xf32>
        %mul3A_1884 = arith.mulf %add3A_1881, %mul3A_1883 : vector<16xf32>
        %exp3A_1885 = math.exp %mul3A_1884 : vector<16xf32>
        %mul3A_1886 = arith.mulf %exp3A_1885, %gather3A_1812 : vector<16xf32>
        %mul3A_1887 = arith.mulf %exp3A_1885, %gather3A_1817 : vector<16xf32>
        %mul3A_1888 = arith.mulf %exp3A_1885, %gather3A_1822 : vector<16xf32>
        %broadcast_in_dim3A_1889 = arith.constant 0 : i32
        %broadcast_in_dim3A_1890 = vector.broadcast %broadcast_in_dim3A_1889 : i32 to vector<16xi32>
        tpu.vector_store_idx %arg13[%broadcast_in_dim3A_1890, %add3A_1860, %add3A_1861], %mul3A_1886 masked %lt3A_103 {add = true} : memref<4x128x128xf32, #tpu.memory_space<vmem>>[vector<16xi32>, vector<16xi32>, vector<16xi32>], vector<16xf32>, vector<16xi1>
        %broadcast_in_dim3A_1891 = arith.constant 1 : i32
        %broadcast_in_dim3A_1892 = vector.broadcast %broadcast_in_dim3A_1891 : i32 to vector<16xi32>
        tpu.vector_store_idx %arg13[%broadcast_in_dim3A_1892, %add3A_1860, %add3A_1861], %mul3A_1887 masked %lt3A_103 {add = true} : memref<4x128x128xf32, #tpu.memory_space<vmem>>[vector<16xi32>, vector<16xi32>, vector<16xi32>], vector<16xf32>, vector<16xi1>
        %broadcast_in_dim3A_1893 = arith.constant 2 : i32
        %broadcast_in_dim3A_1894 = vector.broadcast %broadcast_in_dim3A_1893 : i32 to vector<16xi32>
        tpu.vector_store_idx %arg13[%broadcast_in_dim3A_1894, %add3A_1860, %add3A_1861], %mul3A_1888 masked %lt3A_103 {add = true} : memref<4x128x128xf32, #tpu.memory_space<vmem>>[vector<16xi32>, vector<16xi32>, vector<16xi32>], vector<16xf32>, vector<16xi1>
        %broadcast_in_dim3A_1895 = arith.constant 3 : i32
        %broadcast_in_dim3A_1896 = vector.broadcast %broadcast_in_dim3A_1895 : i32 to vector<16xi32>
        tpu.vector_store_idx %arg13[%broadcast_in_dim3A_1896, %add3A_1860, %add3A_1861], %exp3A_1885 masked %lt3A_103 {add = true} : memref<4x128x128xf32, #tpu.memory_space<vmem>>[vector<16xi32>, vector<16xi32>, vector<16xi32>], vector<16xf32>, vector<16xi1>
        %broadcast_in_dim3A_1897 = arith.constant 14 : i32
        %broadcast_in_dim3A_1898 = vector.broadcast %broadcast_in_dim3A_1897 : i32 to vector<16xi32>
        %broadcast_in_dim3A_1899 = vector.shape_cast %broadcast_in_dim3A_1898 : vector<16xi32> to vector<16x1xi32>
        %gather3A_1900 = vector.shape_cast %broadcast_in_dim3A_1899 : vector<16x1xi32> to vector<16xi32>
        %gather3A_1901 = tpu.dynamic_gather %gather3A_280[%gather3A_1900] in [0] : vector<16xf32>, vector<16xi32> -> vector<16xf32>
        %broadcast_in_dim3A_1902 = arith.constant 14 : i32
        %broadcast_in_dim3A_1903 = vector.broadcast %broadcast_in_dim3A_1902 : i32 to vector<16xi32>
        %broadcast_in_dim3A_1904 = vector.shape_cast %broadcast_in_dim3A_1903 : vector<16xi32> to vector<16x1xi32>
        %gather3A_1905 = vector.shape_cast %broadcast_in_dim3A_1904 : vector<16x1xi32> to vector<16xi32>
        %gather3A_1906 = tpu.dynamic_gather %gather3A_281[%gather3A_1905] in [0] : vector<16xf32>, vector<16xi32> -> vector<16xf32>
        %broadcast_in_dim3A_1907 = arith.constant 14 : i32
        %broadcast_in_dim3A_1908 = vector.broadcast %broadcast_in_dim3A_1907 : i32 to vector<16xi32>
        %broadcast_in_dim3A_1909 = vector.shape_cast %broadcast_in_dim3A_1908 : vector<16xi32> to vector<16x1xi32>
        %gather3A_1910 = vector.shape_cast %broadcast_in_dim3A_1909 : vector<16x1xi32> to vector<16xi32>
        %gather3A_1911 = tpu.dynamic_gather %convert_element_type3A_291[%gather3A_1910] in [0] : vector<16xi32>, vector<16xi32> -> vector<16xi32>
        %broadcast_in_dim3A_1912 = arith.constant 14 : i32
        %broadcast_in_dim3A_1913 = vector.broadcast %broadcast_in_dim3A_1912 : i32 to vector<16xi32>
        %broadcast_in_dim3A_1914 = vector.shape_cast %broadcast_in_dim3A_1913 : vector<16xi32> to vector<16x1xi32>
        %gather3A_1915 = vector.shape_cast %broadcast_in_dim3A_1914 : vector<16x1xi32> to vector<16xi32>
        %gather3A_1916 = tpu.dynamic_gather %convert_element_type3A_298[%gather3A_1915] in [0] : vector<16xi32>, vector<16xi32> -> vector<16xi32>
        %broadcast_in_dim3A_1917 = arith.constant 14 : i32
        %broadcast_in_dim3A_1918 = vector.broadcast %broadcast_in_dim3A_1917 : i32 to vector<16xi32>
        %broadcast_in_dim3A_1919 = vector.shape_cast %broadcast_in_dim3A_1918 : vector<16xi32> to vector<16x1xi32>
        %gather3A_1920 = vector.shape_cast %broadcast_in_dim3A_1919 : vector<16x1xi32> to vector<16xi32>
        %gather3A_1921 = tpu.dynamic_gather %mul3A_301[%gather3A_1920] in [0] : vector<16xf32>, vector<16xi32> -> vector<16xf32>
        %broadcast_in_dim3A_1922 = arith.constant 14 : i32
        %broadcast_in_dim3A_1923 = vector.broadcast %broadcast_in_dim3A_1922 : i32 to vector<16xi32>
        %broadcast_in_dim3A_1924 = vector.shape_cast %broadcast_in_dim3A_1923 : vector<16xi32> to vector<16x1xi32>
        %gather3A_1925 = vector.shape_cast %broadcast_in_dim3A_1924 : vector<16x1xi32> to vector<16xi32>
        %gather3A_1926 = tpu.dynamic_gather %gather3A_282[%gather3A_1925] in [0] : vector<16xf32>, vector<16xi32> -> vector<16xf32>
        %broadcast_in_dim3A_1927 = arith.constant 14 : i32
        %broadcast_in_dim3A_1928 = vector.broadcast %broadcast_in_dim3A_1927 : i32 to vector<16xi32>
        %broadcast_in_dim3A_1929 = vector.shape_cast %broadcast_in_dim3A_1928 : vector<16xi32> to vector<16x1xi32>
        %gather3A_1930 = vector.shape_cast %broadcast_in_dim3A_1929 : vector<16x1xi32> to vector<16xi32>
        %gather3A_1931 = tpu.dynamic_gather %gather3A_283[%gather3A_1930] in [0] : vector<16xf32>, vector<16xi32> -> vector<16xf32>
        %broadcast_in_dim3A_1932 = arith.constant 14 : i32
        %broadcast_in_dim3A_1933 = vector.broadcast %broadcast_in_dim3A_1932 : i32 to vector<16xi32>
        %broadcast_in_dim3A_1934 = vector.shape_cast %broadcast_in_dim3A_1933 : vector<16xi32> to vector<16x1xi32>
        %gather3A_1935 = vector.shape_cast %broadcast_in_dim3A_1934 : vector<16x1xi32> to vector<16xi32>
        %gather3A_1936 = tpu.dynamic_gather %gather3A_284[%gather3A_1935] in [0] : vector<16xf32>, vector<16xi32> -> vector<16xf32>
        %add3A_1937 = arith.addi %gather3A_1911, %sub3A_72 : vector<16xi32>
        %add3A_1938 = arith.addi %gather3A_1916, %sub3A_97 : vector<16xi32>
        %convert_element_type3A_1939 = arith.sitofp %add3A_1937 : vector<16xi32> to vector<16xf32>
        %add3A_1940 = arith.constant 5.000000e-01 : f32
        %add3A_1941 = vector.broadcast %add3A_1940 : f32 to vector<16xf32>
        %add3A_1942 = arith.addf %convert_element_type3A_1939, %add3A_1941 : vector<16xf32>
        %mul3A_1943 = arith.constant 7.812500e-03 : f32
        %mul3A_1944 = vector.broadcast %mul3A_1943 : f32 to vector<16xf32>
        %mul3A_1945 = arith.mulf %add3A_1942, %mul3A_1944 : vector<16xf32>
        %sub3A_1946 = arith.subf %mul3A_1945, %gather3A_1901 : vector<16xf32>
        %convert_element_type3A_1947 = arith.sitofp %add3A_1938 : vector<16xi32> to vector<16xf32>
        %add3A_1948 = arith.constant 5.000000e-01 : f32
        %add3A_1949 = vector.broadcast %add3A_1948 : f32 to vector<16xf32>
        %add3A_1950 = arith.addf %convert_element_type3A_1947, %add3A_1949 : vector<16xf32>
        %mul3A_1951 = arith.constant 7.812500e-03 : f32
        %mul3A_1952 = vector.broadcast %mul3A_1951 : f32 to vector<16xf32>
        %mul3A_1953 = arith.mulf %add3A_1950, %mul3A_1952 : vector<16xf32>
        %sub3A_1954 = arith.subf %mul3A_1953, %gather3A_1906 : vector<16xf32>
        %mul3A_1955 = arith.mulf %sub3A_1946, %sub3A_1946 : vector<16xf32>
        %add3A_1956 = arith.addf %gather3A_1921, %mul3A_1955 : vector<16xf32>
        %mul3A_1957 = arith.mulf %sub3A_1954, %sub3A_1954 : vector<16xf32>
        %add3A_1958 = arith.addf %add3A_1956, %mul3A_1957 : vector<16xf32>
        %mul3A_1959 = arith.constant -3600.07202 : f32
        %mul3A_1960 = vector.broadcast %mul3A_1959 : f32 to vector<16xf32>
        %mul3A_1961 = arith.mulf %add3A_1958, %mul3A_1960 : vector<16xf32>
        %exp3A_1962 = math.exp %mul3A_1961 : vector<16xf32>
        %mul3A_1963 = arith.mulf %exp3A_1962, %gather3A_1926 : vector<16xf32>
        %mul3A_1964 = arith.mulf %exp3A_1962, %gather3A_1931 : vector<16xf32>
        %mul3A_1965 = arith.mulf %exp3A_1962, %gather3A_1936 : vector<16xf32>
        %broadcast_in_dim3A_1966 = arith.constant 0 : i32
        %broadcast_in_dim3A_1967 = vector.broadcast %broadcast_in_dim3A_1966 : i32 to vector<16xi32>
        tpu.vector_store_idx %arg13[%broadcast_in_dim3A_1967, %add3A_1937, %add3A_1938], %mul3A_1963 {add = true} : memref<4x128x128xf32, #tpu.memory_space<vmem>>[vector<16xi32>, vector<16xi32>, vector<16xi32>], vector<16xf32>,
        %broadcast_in_dim3A_1968 = arith.constant 1 : i32
        %broadcast_in_dim3A_1969 = vector.broadcast %broadcast_in_dim3A_1968 : i32 to vector<16xi32>
        tpu.vector_store_idx %arg13[%broadcast_in_dim3A_1969, %add3A_1937, %add3A_1938], %mul3A_1964 {add = true} : memref<4x128x128xf32, #tpu.memory_space<vmem>>[vector<16xi32>, vector<16xi32>, vector<16xi32>], vector<16xf32>,
        %broadcast_in_dim3A_1970 = arith.constant 2 : i32
        %broadcast_in_dim3A_1971 = vector.broadcast %broadcast_in_dim3A_1970 : i32 to vector<16xi32>
        tpu.vector_store_idx %arg13[%broadcast_in_dim3A_1971, %add3A_1937, %add3A_1938], %mul3A_1965 {add = true} : memref<4x128x128xf32, #tpu.memory_space<vmem>>[vector<16xi32>, vector<16xi32>, vector<16xi32>], vector<16xf32>,
        %broadcast_in_dim3A_1972 = arith.constant 3 : i32
        %broadcast_in_dim3A_1973 = vector.broadcast %broadcast_in_dim3A_1972 : i32 to vector<16xi32>
        tpu.vector_store_idx %arg13[%broadcast_in_dim3A_1973, %add3A_1937, %add3A_1938], %exp3A_1962 {add = true} : memref<4x128x128xf32, #tpu.memory_space<vmem>>[vector<16xi32>, vector<16xi32>, vector<16xi32>], vector<16xf32>,
        %add3A_1974 = arith.addi %gather3A_1911, %select_n3A_140 : vector<16xi32>
        %add3A_1975 = arith.addi %gather3A_1916, %select_n3A_168 : vector<16xi32>
        %convert_element_type3A_1976 = arith.sitofp %add3A_1974 : vector<16xi32> to vector<16xf32>
        %add3A_1977 = arith.constant 5.000000e-01 : f32
        %add3A_1978 = vector.broadcast %add3A_1977 : f32 to vector<16xf32>
        %add3A_1979 = arith.addf %convert_element_type3A_1976, %add3A_1978 : vector<16xf32>
        %mul3A_1980 = arith.constant 7.812500e-03 : f32
        %mul3A_1981 = vector.broadcast %mul3A_1980 : f32 to vector<16xf32>
        %mul3A_1982 = arith.mulf %add3A_1979, %mul3A_1981 : vector<16xf32>
        %sub3A_1983 = arith.subf %mul3A_1982, %gather3A_1901 : vector<16xf32>
        %convert_element_type3A_1984 = arith.sitofp %add3A_1975 : vector<16xi32> to vector<16xf32>
        %add3A_1985 = arith.constant 5.000000e-01 : f32
        %add3A_1986 = vector.broadcast %add3A_1985 : f32 to vector<16xf32>
        %add3A_1987 = arith.addf %convert_element_type3A_1984, %add3A_1986 : vector<16xf32>
        %mul3A_1988 = arith.constant 7.812500e-03 : f32
        %mul3A_1989 = vector.broadcast %mul3A_1988 : f32 to vector<16xf32>
        %mul3A_1990 = arith.mulf %add3A_1987, %mul3A_1989 : vector<16xf32>
        %sub3A_1991 = arith.subf %mul3A_1990, %gather3A_1906 : vector<16xf32>
        %mul3A_1992 = arith.mulf %sub3A_1983, %sub3A_1983 : vector<16xf32>
        %add3A_1993 = arith.addf %gather3A_1921, %mul3A_1992 : vector<16xf32>
        %mul3A_1994 = arith.mulf %sub3A_1991, %sub3A_1991 : vector<16xf32>
        %add3A_1995 = arith.addf %add3A_1993, %mul3A_1994 : vector<16xf32>
        %mul3A_1996 = arith.constant -3600.07202 : f32
        %mul3A_1997 = vector.broadcast %mul3A_1996 : f32 to vector<16xf32>
        %mul3A_1998 = arith.mulf %add3A_1995, %mul3A_1997 : vector<16xf32>
        %exp3A_1999 = math.exp %mul3A_1998 : vector<16xf32>
        %mul3A_2000 = arith.mulf %exp3A_1999, %gather3A_1926 : vector<16xf32>
        %mul3A_2001 = arith.mulf %exp3A_1999, %gather3A_1931 : vector<16xf32>
        %mul3A_2002 = arith.mulf %exp3A_1999, %gather3A_1936 : vector<16xf32>
        %broadcast_in_dim3A_2003 = arith.constant 0 : i32
        %broadcast_in_dim3A_2004 = vector.broadcast %broadcast_in_dim3A_2003 : i32 to vector<16xi32>
        tpu.vector_store_idx %arg13[%broadcast_in_dim3A_2004, %add3A_1974, %add3A_1975], %mul3A_2000 masked %lt3A_103 {add = true} : memref<4x128x128xf32, #tpu.memory_space<vmem>>[vector<16xi32>, vector<16xi32>, vector<16xi32>], vector<16xf32>, vector<16xi1>
        %broadcast_in_dim3A_2005 = arith.constant 1 : i32
        %broadcast_in_dim3A_2006 = vector.broadcast %broadcast_in_dim3A_2005 : i32 to vector<16xi32>
        tpu.vector_store_idx %arg13[%broadcast_in_dim3A_2006, %add3A_1974, %add3A_1975], %mul3A_2001 masked %lt3A_103 {add = true} : memref<4x128x128xf32, #tpu.memory_space<vmem>>[vector<16xi32>, vector<16xi32>, vector<16xi32>], vector<16xf32>, vector<16xi1>
        %broadcast_in_dim3A_2007 = arith.constant 2 : i32
        %broadcast_in_dim3A_2008 = vector.broadcast %broadcast_in_dim3A_2007 : i32 to vector<16xi32>
        tpu.vector_store_idx %arg13[%broadcast_in_dim3A_2008, %add3A_1974, %add3A_1975], %mul3A_2002 masked %lt3A_103 {add = true} : memref<4x128x128xf32, #tpu.memory_space<vmem>>[vector<16xi32>, vector<16xi32>, vector<16xi32>], vector<16xf32>, vector<16xi1>
        %broadcast_in_dim3A_2009 = arith.constant 3 : i32
        %broadcast_in_dim3A_2010 = vector.broadcast %broadcast_in_dim3A_2009 : i32 to vector<16xi32>
        tpu.vector_store_idx %arg13[%broadcast_in_dim3A_2010, %add3A_1974, %add3A_1975], %exp3A_1999 masked %lt3A_103 {add = true} : memref<4x128x128xf32, #tpu.memory_space<vmem>>[vector<16xi32>, vector<16xi32>, vector<16xi32>], vector<16xf32>, vector<16xi1>
        %broadcast_in_dim3A_2011 = arith.constant 15 : i32
        %broadcast_in_dim3A_2012 = vector.broadcast %broadcast_in_dim3A_2011 : i32 to vector<16xi32>
        %broadcast_in_dim3A_2013 = vector.shape_cast %broadcast_in_dim3A_2012 : vector<16xi32> to vector<16x1xi32>
        %gather3A_2014 = vector.shape_cast %broadcast_in_dim3A_2013 : vector<16x1xi32> to vector<16xi32>
        %gather3A_2015 = tpu.dynamic_gather %gather3A_280[%gather3A_2014] in [0] : vector<16xf32>, vector<16xi32> -> vector<16xf32>
        %broadcast_in_dim3A_2016 = arith.constant 15 : i32
        %broadcast_in_dim3A_2017 = vector.broadcast %broadcast_in_dim3A_2016 : i32 to vector<16xi32>
        %broadcast_in_dim3A_2018 = vector.shape_cast %broadcast_in_dim3A_2017 : vector<16xi32> to vector<16x1xi32>
        %gather3A_2019 = vector.shape_cast %broadcast_in_dim3A_2018 : vector<16x1xi32> to vector<16xi32>
        %gather3A_2020 = tpu.dynamic_gather %gather3A_281[%gather3A_2019] in [0] : vector<16xf32>, vector<16xi32> -> vector<16xf32>
        %broadcast_in_dim3A_2021 = arith.constant 15 : i32
        %broadcast_in_dim3A_2022 = vector.broadcast %broadcast_in_dim3A_2021 : i32 to vector<16xi32>
        %broadcast_in_dim3A_2023 = vector.shape_cast %broadcast_in_dim3A_2022 : vector<16xi32> to vector<16x1xi32>
        %gather3A_2024 = vector.shape_cast %broadcast_in_dim3A_2023 : vector<16x1xi32> to vector<16xi32>
        %gather3A_2025 = tpu.dynamic_gather %convert_element_type3A_291[%gather3A_2024] in [0] : vector<16xi32>, vector<16xi32> -> vector<16xi32>
        %broadcast_in_dim3A_2026 = arith.constant 15 : i32
        %broadcast_in_dim3A_2027 = vector.broadcast %broadcast_in_dim3A_2026 : i32 to vector<16xi32>
        %broadcast_in_dim3A_2028 = vector.shape_cast %broadcast_in_dim3A_2027 : vector<16xi32> to vector<16x1xi32>
        %gather3A_2029 = vector.shape_cast %broadcast_in_dim3A_2028 : vector<16x1xi32> to vector<16xi32>
        %gather3A_2030 = tpu.dynamic_gather %convert_element_type3A_298[%gather3A_2029] in [0] : vector<16xi32>, vector<16xi32> -> vector<16xi32>
        %broadcast_in_dim3A_2031 = arith.constant 15 : i32
        %broadcast_in_dim3A_2032 = vector.broadcast %broadcast_in_dim3A_2031 : i32 to vector<16xi32>
        %broadcast_in_dim3A_2033 = vector.shape_cast %broadcast_in_dim3A_2032 : vector<16xi32> to vector<16x1xi32>
        %gather3A_2034 = vector.shape_cast %broadcast_in_dim3A_2033 : vector<16x1xi32> to vector<16xi32>
        %gather3A_2035 = tpu.dynamic_gather %mul3A_301[%gather3A_2034] in [0] : vector<16xf32>, vector<16xi32> -> vector<16xf32>
        %broadcast_in_dim3A_2036 = arith.constant 15 : i32
        %broadcast_in_dim3A_2037 = vector.broadcast %broadcast_in_dim3A_2036 : i32 to vector<16xi32>
        %broadcast_in_dim3A_2038 = vector.shape_cast %broadcast_in_dim3A_2037 : vector<16xi32> to vector<16x1xi32>
        %gather3A_2039 = vector.shape_cast %broadcast_in_dim3A_2038 : vector<16x1xi32> to vector<16xi32>
        %gather3A_2040 = tpu.dynamic_gather %gather3A_282[%gather3A_2039] in [0] : vector<16xf32>, vector<16xi32> -> vector<16xf32>
        %broadcast_in_dim3A_2041 = arith.constant 15 : i32
        %broadcast_in_dim3A_2042 = vector.broadcast %broadcast_in_dim3A_2041 : i32 to vector<16xi32>
        %broadcast_in_dim3A_2043 = vector.shape_cast %broadcast_in_dim3A_2042 : vector<16xi32> to vector<16x1xi32>
        %gather3A_2044 = vector.shape_cast %broadcast_in_dim3A_2043 : vector<16x1xi32> to vector<16xi32>
        %gather3A_2045 = tpu.dynamic_gather %gather3A_283[%gather3A_2044] in [0] : vector<16xf32>, vector<16xi32> -> vector<16xf32>
        %broadcast_in_dim3A_2046 = arith.constant 15 : i32
        %broadcast_in_dim3A_2047 = vector.broadcast %broadcast_in_dim3A_2046 : i32 to vector<16xi32>
        %broadcast_in_dim3A_2048 = vector.shape_cast %broadcast_in_dim3A_2047 : vector<16xi32> to vector<16x1xi32>
        %gather3A_2049 = vector.shape_cast %broadcast_in_dim3A_2048 : vector<16x1xi32> to vector<16xi32>
        %gather3A_2050 = tpu.dynamic_gather %gather3A_284[%gather3A_2049] in [0] : vector<16xf32>, vector<16xi32> -> vector<16xf32>
        %add3A_2051 = arith.addi %gather3A_2025, %sub3A_72 : vector<16xi32>
        %add3A_2052 = arith.addi %gather3A_2030, %sub3A_97 : vector<16xi32>
        %convert_element_type3A_2053 = arith.sitofp %add3A_2051 : vector<16xi32> to vector<16xf32>
        %add3A_2054 = arith.constant 5.000000e-01 : f32
        %add3A_2055 = vector.broadcast %add3A_2054 : f32 to vector<16xf32>
        %add3A_2056 = arith.addf %convert_element_type3A_2053, %add3A_2055 : vector<16xf32>
        %mul3A_2057 = arith.constant 7.812500e-03 : f32
        %mul3A_2058 = vector.broadcast %mul3A_2057 : f32 to vector<16xf32>
        %mul3A_2059 = arith.mulf %add3A_2056, %mul3A_2058 : vector<16xf32>
        %sub3A_2060 = arith.subf %mul3A_2059, %gather3A_2015 : vector<16xf32>
        %convert_element_type3A_2061 = arith.sitofp %add3A_2052 : vector<16xi32> to vector<16xf32>
        %add3A_2062 = arith.constant 5.000000e-01 : f32
        %add3A_2063 = vector.broadcast %add3A_2062 : f32 to vector<16xf32>
        %add3A_2064 = arith.addf %convert_element_type3A_2061, %add3A_2063 : vector<16xf32>
        %mul3A_2065 = arith.constant 7.812500e-03 : f32
        %mul3A_2066 = vector.broadcast %mul3A_2065 : f32 to vector<16xf32>
        %mul3A_2067 = arith.mulf %add3A_2064, %mul3A_2066 : vector<16xf32>
        %sub3A_2068 = arith.subf %mul3A_2067, %gather3A_2020 : vector<16xf32>
        %mul3A_2069 = arith.mulf %sub3A_2060, %sub3A_2060 : vector<16xf32>
        %add3A_2070 = arith.addf %gather3A_2035, %mul3A_2069 : vector<16xf32>
        %mul3A_2071 = arith.mulf %sub3A_2068, %sub3A_2068 : vector<16xf32>
        %add3A_2072 = arith.addf %add3A_2070, %mul3A_2071 : vector<16xf32>
        %mul3A_2073 = arith.constant -3600.07202 : f32
        %mul3A_2074 = vector.broadcast %mul3A_2073 : f32 to vector<16xf32>
        %mul3A_2075 = arith.mulf %add3A_2072, %mul3A_2074 : vector<16xf32>
        %exp3A_2076 = math.exp %mul3A_2075 : vector<16xf32>
        %mul3A_2077 = arith.mulf %exp3A_2076, %gather3A_2040 : vector<16xf32>
        %mul3A_2078 = arith.mulf %exp3A_2076, %gather3A_2045 : vector<16xf32>
        %mul3A_2079 = arith.mulf %exp3A_2076, %gather3A_2050 : vector<16xf32>
        %broadcast_in_dim3A_2080 = arith.constant 0 : i32
        %broadcast_in_dim3A_2081 = vector.broadcast %broadcast_in_dim3A_2080 : i32 to vector<16xi32>
        tpu.vector_store_idx %arg13[%broadcast_in_dim3A_2081, %add3A_2051, %add3A_2052], %mul3A_2077 {add = true} : memref<4x128x128xf32, #tpu.memory_space<vmem>>[vector<16xi32>, vector<16xi32>, vector<16xi32>], vector<16xf32>,
        %broadcast_in_dim3A_2082 = arith.constant 1 : i32
        %broadcast_in_dim3A_2083 = vector.broadcast %broadcast_in_dim3A_2082 : i32 to vector<16xi32>
        tpu.vector_store_idx %arg13[%broadcast_in_dim3A_2083, %add3A_2051, %add3A_2052], %mul3A_2078 {add = true} : memref<4x128x128xf32, #tpu.memory_space<vmem>>[vector<16xi32>, vector<16xi32>, vector<16xi32>], vector<16xf32>,
        %broadcast_in_dim3A_2084 = arith.constant 2 : i32
        %broadcast_in_dim3A_2085 = vector.broadcast %broadcast_in_dim3A_2084 : i32 to vector<16xi32>
        tpu.vector_store_idx %arg13[%broadcast_in_dim3A_2085, %add3A_2051, %add3A_2052], %mul3A_2079 {add = true} : memref<4x128x128xf32, #tpu.memory_space<vmem>>[vector<16xi32>, vector<16xi32>, vector<16xi32>], vector<16xf32>,
        %broadcast_in_dim3A_2086 = arith.constant 3 : i32
        %broadcast_in_dim3A_2087 = vector.broadcast %broadcast_in_dim3A_2086 : i32 to vector<16xi32>
        tpu.vector_store_idx %arg13[%broadcast_in_dim3A_2087, %add3A_2051, %add3A_2052], %exp3A_2076 {add = true} : memref<4x128x128xf32, #tpu.memory_space<vmem>>[vector<16xi32>, vector<16xi32>, vector<16xi32>], vector<16xf32>,
        %add3A_2088 = arith.addi %gather3A_2025, %select_n3A_140 : vector<16xi32>
        %add3A_2089 = arith.addi %gather3A_2030, %select_n3A_168 : vector<16xi32>
        %convert_element_type3A_2090 = arith.sitofp %add3A_2088 : vector<16xi32> to vector<16xf32>
        %add3A_2091 = arith.constant 5.000000e-01 : f32
        %add3A_2092 = vector.broadcast %add3A_2091 : f32 to vector<16xf32>
        %add3A_2093 = arith.addf %convert_element_type3A_2090, %add3A_2092 : vector<16xf32>
        %mul3A_2094 = arith.constant 7.812500e-03 : f32
        %mul3A_2095 = vector.broadcast %mul3A_2094 : f32 to vector<16xf32>
        %mul3A_2096 = arith.mulf %add3A_2093, %mul3A_2095 : vector<16xf32>
        %sub3A_2097 = arith.subf %mul3A_2096, %gather3A_2015 : vector<16xf32>
        %convert_element_type3A_2098 = arith.sitofp %add3A_2089 : vector<16xi32> to vector<16xf32>
        %add3A_2099 = arith.constant 5.000000e-01 : f32
        %add3A_2100 = vector.broadcast %add3A_2099 : f32 to vector<16xf32>
        %add3A_2101 = arith.addf %convert_element_type3A_2098, %add3A_2100 : vector<16xf32>
        %mul3A_2102 = arith.constant 7.812500e-03 : f32
        %mul3A_2103 = vector.broadcast %mul3A_2102 : f32 to vector<16xf32>
        %mul3A_2104 = arith.mulf %add3A_2101, %mul3A_2103 : vector<16xf32>
        %sub3A_2105 = arith.subf %mul3A_2104, %gather3A_2020 : vector<16xf32>
        %mul3A_2106 = arith.mulf %sub3A_2097, %sub3A_2097 : vector<16xf32>
        %add3A_2107 = arith.addf %gather3A_2035, %mul3A_2106 : vector<16xf32>
        %mul3A_2108 = arith.mulf %sub3A_2105, %sub3A_2105 : vector<16xf32>
        %add3A_2109 = arith.addf %add3A_2107, %mul3A_2108 : vector<16xf32>
        %mul3A_2110 = arith.constant -3600.07202 : f32
        %mul3A_2111 = vector.broadcast %mul3A_2110 : f32 to vector<16xf32>
        %mul3A_2112 = arith.mulf %add3A_2109, %mul3A_2111 : vector<16xf32>
        %exp3A_2113 = math.exp %mul3A_2112 : vector<16xf32>
        %mul3A_2114 = arith.mulf %exp3A_2113, %gather3A_2040 : vector<16xf32>
        %mul3A_2115 = arith.mulf %exp3A_2113, %gather3A_2045 : vector<16xf32>
        %mul3A_2116 = arith.mulf %exp3A_2113, %gather3A_2050 : vector<16xf32>
        %broadcast_in_dim3A_2117 = arith.constant 0 : i32
        %broadcast_in_dim3A_2118 = vector.broadcast %broadcast_in_dim3A_2117 : i32 to vector<16xi32>
        tpu.vector_store_idx %arg13[%broadcast_in_dim3A_2118, %add3A_2088, %add3A_2089], %mul3A_2114 masked %lt3A_103 {add = true} : memref<4x128x128xf32, #tpu.memory_space<vmem>>[vector<16xi32>, vector<16xi32>, vector<16xi32>], vector<16xf32>, vector<16xi1>
        %broadcast_in_dim3A_2119 = arith.constant 1 : i32
        %broadcast_in_dim3A_2120 = vector.broadcast %broadcast_in_dim3A_2119 : i32 to vector<16xi32>
        tpu.vector_store_idx %arg13[%broadcast_in_dim3A_2120, %add3A_2088, %add3A_2089], %mul3A_2115 masked %lt3A_103 {add = true} : memref<4x128x128xf32, #tpu.memory_space<vmem>>[vector<16xi32>, vector<16xi32>, vector<16xi32>], vector<16xf32>, vector<16xi1>
        %broadcast_in_dim3A_2121 = arith.constant 2 : i32
        %broadcast_in_dim3A_2122 = vector.broadcast %broadcast_in_dim3A_2121 : i32 to vector<16xi32>
        tpu.vector_store_idx %arg13[%broadcast_in_dim3A_2122, %add3A_2088, %add3A_2089], %mul3A_2116 masked %lt3A_103 {add = true} : memref<4x128x128xf32, #tpu.memory_space<vmem>>[vector<16xi32>, vector<16xi32>, vector<16xi32>], vector<16xf32>, vector<16xi1>
        %broadcast_in_dim3A_2123 = arith.constant 3 : i32
        %broadcast_in_dim3A_2124 = vector.broadcast %broadcast_in_dim3A_2123 : i32 to vector<16xi32>
        tpu.vector_store_idx %arg13[%broadcast_in_dim3A_2124, %add3A_2088, %add3A_2089], %exp3A_2113 masked %lt3A_103 {add = true} : memref<4x128x128xf32, #tpu.memory_space<vmem>>[vector<16xi32>, vector<16xi32>, vector<16xi32>], vector<16xf32>, vector<16xi1>
      }
      %while3A_258 = arith.constant 1 : i32
      scf.for %while3A_276 = %while3A_256 to %while3A_252 step %while3A_258  : i32 {
        %mul3A_277 = arith.constant 16 : i32
        %mul3A_278 = arith.muli %while3A_276, %mul3A_277 : i32
        %get3A = arith.index_cast %mul3A_278 : i32 to index
        %get3A_279 = tpu.vector_load %arg12[%get3A] {strides = array<i32>} : memref<6928xi32, #tpu.memory_space<vmem>>, vector<16xi32>,
        %gather3A = tpu.vector_load_idx %arg6[%get3A_279] : memref<6912xf32, #tpu.memory_space<vmem>>[vector<16xi32>], vector<16xf32>,
        %gather3A_280 = tpu.vector_load_idx %arg7[%get3A_279] : memref<6912xf32, #tpu.memory_space<vmem>>[vector<16xi32>], vector<16xf32>,
        %gather3A_281 = tpu.vector_load_idx %arg8[%get3A_279] : memref<6912xf32, #tpu.memory_space<vmem>>[vector<16xi32>], vector<16xf32>,
        %gather3A_282 = tpu.vector_load_idx %arg9[%get3A_279] : memref<6912xf32, #tpu.memory_space<vmem>>[vector<16xi32>], vector<16xf32>,
        %gather3A_283 = tpu.vector_load_idx %arg10[%get3A_279] : memref<6912xf32, #tpu.memory_space<vmem>>[vector<16xi32>], vector<16xf32>,
        %gather3A_284 = tpu.vector_load_idx %arg11[%get3A_279] : memref<6912xf32, #tpu.memory_space<vmem>>[vector<16xi32>], vector<16xf32>,
        %mul3A_285 = arith.constant 1.280000e+02 : f32
        %mul3A_286 = vector.broadcast %mul3A_285 : f32 to vector<16xf32>
        %mul3A_287 = arith.mulf %gather3A_280, %mul3A_286 : vector<16xf32>
        %sub3A_288 = arith.constant 5.000000e-01 : f32
        %sub3A_289 = vector.broadcast %sub3A_288 : f32 to vector<16xf32>
        %sub3A_290 = arith.subf %mul3A_287, %sub3A_289 : vector<16xf32>
        %convert_element_type3A_291 = arith.fptosi %sub3A_290 : vector<16xf32> to vector<16xi32>
        %mul3A_292 = arith.constant 1.280000e+02 : f32
        %mul3A_293 = vector.broadcast %mul3A_292 : f32 to vector<16xf32>
        %mul3A_294 = arith.mulf %gather3A_281, %mul3A_293 : vector<16xf32>
        %sub3A_295 = arith.constant 5.000000e-01 : f32
        %sub3A_296 = vector.broadcast %sub3A_295 : f32 to vector<16xf32>
        %sub3A_297 = arith.subf %mul3A_294, %sub3A_296 : vector<16xf32>
        %convert_element_type3A_298 = arith.fptosi %sub3A_297 : vector<16xf32> to vector<16xi32>
        %sub3A_299 = vector.broadcast %mul3A_238 : f32 to vector<16xf32>
        %sub3A_300 = arith.subf %sub3A_299, %gather3A : vector<16xf32>
        %mul3A_301 = arith.mulf %sub3A_300, %sub3A_300 : vector<16xf32>
        %broadcast_in_dim3A_302 = arith.constant 0 : i32
        %broadcast_in_dim3A_303 = vector.broadcast %broadcast_in_dim3A_302 : i32 to vector<16xi32>
        %broadcast_in_dim3A_304 = vector.shape_cast %broadcast_in_dim3A_303 : vector<16xi32> to vector<16x1xi32>
        %gather3A_305 = vector.shape_cast %broadcast_in_dim3A_304 : vector<16x1xi32> to vector<16xi32>
        %gather3A_306 = tpu.dynamic_gather %gather3A_280[%gather3A_305] in [0] : vector<16xf32>, vector<16xi32> -> vector<16xf32>
        %broadcast_in_dim3A_307 = arith.constant 0 : i32
        %broadcast_in_dim3A_308 = vector.broadcast %broadcast_in_dim3A_307 : i32 to vector<16xi32>
        %broadcast_in_dim3A_309 = vector.shape_cast %broadcast_in_dim3A_308 : vector<16xi32> to vector<16x1xi32>
        %gather3A_310 = vector.shape_cast %broadcast_in_dim3A_309 : vector<16x1xi32> to vector<16xi32>
        %gather3A_311 = tpu.dynamic_gather %gather3A_281[%gather3A_310] in [0] : vector<16xf32>, vector<16xi32> -> vector<16xf32>
        %broadcast_in_dim3A_312 = arith.constant 0 : i32
        %broadcast_in_dim3A_313 = vector.broadcast %broadcast_in_dim3A_312 : i32 to vector<16xi32>
        %broadcast_in_dim3A_314 = vector.shape_cast %broadcast_in_dim3A_313 : vector<16xi32> to vector<16x1xi32>
        %gather3A_315 = vector.shape_cast %broadcast_in_dim3A_314 : vector<16x1xi32> to vector<16xi32>
        %gather3A_316 = tpu.dynamic_gather %convert_element_type3A_291[%gather3A_315] in [0] : vector<16xi32>, vector<16xi32> -> vector<16xi32>
        %broadcast_in_dim3A_317 = arith.constant 0 : i32
        %broadcast_in_dim3A_318 = vector.broadcast %broadcast_in_dim3A_317 : i32 to vector<16xi32>
        %broadcast_in_dim3A_319 = vector.shape_cast %broadcast_in_dim3A_318 : vector<16xi32> to vector<16x1xi32>
        %gather3A_320 = vector.shape_cast %broadcast_in_dim3A_319 : vector<16x1xi32> to vector<16xi32>
        %gather3A_321 = tpu.dynamic_gather %convert_element_type3A_298[%gather3A_320] in [0] : vector<16xi32>, vector<16xi32> -> vector<16xi32>
        %broadcast_in_dim3A_322 = arith.constant 0 : i32
        %broadcast_in_dim3A_323 = vector.broadcast %broadcast_in_dim3A_322 : i32 to vector<16xi32>
        %broadcast_in_dim3A_324 = vector.shape_cast %broadcast_in_dim3A_323 : vector<16xi32> to vector<16x1xi32>
        %gather3A_325 = vector.shape_cast %broadcast_in_dim3A_324 : vector<16x1xi32> to vector<16xi32>
        %gather3A_326 = tpu.dynamic_gather %mul3A_301[%gather3A_325] in [0] : vector<16xf32>, vector<16xi32> -> vector<16xf32>
        %broadcast_in_dim3A_327 = arith.constant 0 : i32
        %broadcast_in_dim3A_328 = vector.broadcast %broadcast_in_dim3A_327 : i32 to vector<16xi32>
        %broadcast_in_dim3A_329 = vector.shape_cast %broadcast_in_dim3A_328 : vector<16xi32> to vector<16x1xi32>
        %gather3A_330 = vector.shape_cast %broadcast_in_dim3A_329 : vector<16x1xi32> to vector<16xi32>
        %gather3A_331 = tpu.dynamic_gather %gather3A_282[%gather3A_330] in [0] : vector<16xf32>, vector<16xi32> -> vector<16xf32>
        %broadcast_in_dim3A_332 = arith.constant 0 : i32
        %broadcast_in_dim3A_333 = vector.broadcast %broadcast_in_dim3A_332 : i32 to vector<16xi32>
        %broadcast_in_dim3A_334 = vector.shape_cast %broadcast_in_dim3A_333 : vector<16xi32> to vector<16x1xi32>
        %gather3A_335 = vector.shape_cast %broadcast_in_dim3A_334 : vector<16x1xi32> to vector<16xi32>
        %gather3A_336 = tpu.dynamic_gather %gather3A_283[%gather3A_335] in [0] : vector<16xf32>, vector<16xi32> -> vector<16xf32>
        %broadcast_in_dim3A_337 = arith.constant 0 : i32
        %broadcast_in_dim3A_338 = vector.broadcast %broadcast_in_dim3A_337 : i32 to vector<16xi32>
        %broadcast_in_dim3A_339 = vector.shape_cast %broadcast_in_dim3A_338 : vector<16xi32> to vector<16x1xi32>
        %gather3A_340 = vector.shape_cast %broadcast_in_dim3A_339 : vector<16x1xi32> to vector<16xi32>
        %gather3A_341 = tpu.dynamic_gather %gather3A_284[%gather3A_340] in [0] : vector<16xf32>, vector<16xi32> -> vector<16xf32>
        %add3A_342 = arith.addi %gather3A_316, %sub3A_72 : vector<16xi32>
        %add3A_343 = arith.addi %gather3A_321, %sub3A_97 : vector<16xi32>
        %convert_element_type3A_344 = arith.sitofp %add3A_342 : vector<16xi32> to vector<16xf32>
        %add3A_345 = arith.constant 5.000000e-01 : f32
        %add3A_346 = vector.broadcast %add3A_345 : f32 to vector<16xf32>
        %add3A_347 = arith.addf %convert_element_type3A_344, %add3A_346 : vector<16xf32>
        %mul3A_348 = arith.constant 7.812500e-03 : f32
        %mul3A_349 = vector.broadcast %mul3A_348 : f32 to vector<16xf32>
        %mul3A_350 = arith.mulf %add3A_347, %mul3A_349 : vector<16xf32>
        %sub3A_351 = arith.subf %mul3A_350, %gather3A_306 : vector<16xf32>
        %convert_element_type3A_352 = arith.sitofp %add3A_343 : vector<16xi32> to vector<16xf32>
        %add3A_353 = arith.constant 5.000000e-01 : f32
        %add3A_354 = vector.broadcast %add3A_353 : f32 to vector<16xf32>
        %add3A_355 = arith.addf %convert_element_type3A_352, %add3A_354 : vector<16xf32>
        %mul3A_356 = arith.constant 7.812500e-03 : f32
        %mul3A_357 = vector.broadcast %mul3A_356 : f32 to vector<16xf32>
        %mul3A_358 = arith.mulf %add3A_355, %mul3A_357 : vector<16xf32>
        %sub3A_359 = arith.subf %mul3A_358, %gather3A_311 : vector<16xf32>
        %mul3A_360 = arith.mulf %sub3A_351, %sub3A_351 : vector<16xf32>
        %add3A_361 = arith.addf %gather3A_326, %mul3A_360 : vector<16xf32>
        %mul3A_362 = arith.mulf %sub3A_359, %sub3A_359 : vector<16xf32>
        %add3A_363 = arith.addf %add3A_361, %mul3A_362 : vector<16xf32>
        %mul3A_364 = arith.constant -3600.07202 : f32
        %mul3A_365 = vector.broadcast %mul3A_364 : f32 to vector<16xf32>
        %mul3A_366 = arith.mulf %add3A_363, %mul3A_365 : vector<16xf32>
        %exp3A = math.exp %mul3A_366 : vector<16xf32>
        %mul3A_367 = arith.mulf %exp3A, %gather3A_331 : vector<16xf32>
        %mul3A_368 = arith.mulf %exp3A, %gather3A_336 : vector<16xf32>
        %mul3A_369 = arith.mulf %exp3A, %gather3A_341 : vector<16xf32>
        %broadcast_in_dim3A_370 = arith.constant 0 : i32
        %broadcast_in_dim3A_371 = vector.broadcast %broadcast_in_dim3A_370 : i32 to vector<16xi32>
        tpu.vector_store_idx %arg13[%broadcast_in_dim3A_371, %add3A_342, %add3A_343], %mul3A_367 {add = true} : memref<4x128x128xf32, #tpu.memory_space<vmem>>[vector<16xi32>, vector<16xi32>, vector<16xi32>], vector<16xf32>,
        %broadcast_in_dim3A_372 = arith.constant 1 : i32
        %broadcast_in_dim3A_373 = vector.broadcast %broadcast_in_dim3A_372 : i32 to vector<16xi32>
        tpu.vector_store_idx %arg13[%broadcast_in_dim3A_373, %add3A_342, %add3A_343], %mul3A_368 {add = true} : memref<4x128x128xf32, #tpu.memory_space<vmem>>[vector<16xi32>, vector<16xi32>, vector<16xi32>], vector<16xf32>,
        %broadcast_in_dim3A_374 = arith.constant 2 : i32
        %broadcast_in_dim3A_375 = vector.broadcast %broadcast_in_dim3A_374 : i32 to vector<16xi32>
        tpu.vector_store_idx %arg13[%broadcast_in_dim3A_375, %add3A_342, %add3A_343], %mul3A_369 {add = true} : memref<4x128x128xf32, #tpu.memory_space<vmem>>[vector<16xi32>, vector<16xi32>, vector<16xi32>], vector<16xf32>,
        %broadcast_in_dim3A_376 = arith.constant 3 : i32
        %broadcast_in_dim3A_377 = vector.broadcast %broadcast_in_dim3A_376 : i32 to vector<16xi32>
        tpu.vector_store_idx %arg13[%broadcast_in_dim3A_377, %add3A_342, %add3A_343], %exp3A {add = true} : memref<4x128x128xf32, #tpu.memory_space<vmem>>[vector<16xi32>, vector<16xi32>, vector<16xi32>], vector<16xf32>,
        %add3A_378 = arith.addi %gather3A_316, %select_n3A_140 : vector<16xi32>
        %add3A_379 = arith.addi %gather3A_321, %select_n3A_168 : vector<16xi32>
        %convert_element_type3A_380 = arith.sitofp %add3A_378 : vector<16xi32> to vector<16xf32>
        %add3A_381 = arith.constant 5.000000e-01 : f32
        %add3A_382 = vector.broadcast %add3A_381 : f32 to vector<16xf32>
        %add3A_383 = arith.addf %convert_element_type3A_380, %add3A_382 : vector<16xf32>
        %mul3A_384 = arith.constant 7.812500e-03 : f32
        %mul3A_385 = vector.broadcast %mul3A_384 : f32 to vector<16xf32>
        %mul3A_386 = arith.mulf %add3A_383, %mul3A_385 : vector<16xf32>
        %sub3A_387 = arith.subf %mul3A_386, %gather3A_306 : vector<16xf32>
        %convert_element_type3A_388 = arith.sitofp %add3A_379 : vector<16xi32> to vector<16xf32>
        %add3A_389 = arith.constant 5.000000e-01 : f32
        %add3A_390 = vector.broadcast %add3A_389 : f32 to vector<16xf32>
        %add3A_391 = arith.addf %convert_element_type3A_388, %add3A_390 : vector<16xf32>
        %mul3A_392 = arith.constant 7.812500e-03 : f32
        %mul3A_393 = vector.broadcast %mul3A_392 : f32 to vector<16xf32>
        %mul3A_394 = arith.mulf %add3A_391, %mul3A_393 : vector<16xf32>
        %sub3A_395 = arith.subf %mul3A_394, %gather3A_311 : vector<16xf32>
        %mul3A_396 = arith.mulf %sub3A_387, %sub3A_387 : vector<16xf32>
        %add3A_397 = arith.addf %gather3A_326, %mul3A_396 : vector<16xf32>
        %mul3A_398 = arith.mulf %sub3A_395, %sub3A_395 : vector<16xf32>
        %add3A_399 = arith.addf %add3A_397, %mul3A_398 : vector<16xf32>
        %mul3A_400 = arith.constant -3600.07202 : f32
        %mul3A_401 = vector.broadcast %mul3A_400 : f32 to vector<16xf32>
        %mul3A_402 = arith.mulf %add3A_399, %mul3A_401 : vector<16xf32>
        %exp3A_403 = math.exp %mul3A_402 : vector<16xf32>
        %mul3A_404 = arith.mulf %exp3A_403, %gather3A_331 : vector<16xf32>
        %mul3A_405 = arith.mulf %exp3A_403, %gather3A_336 : vector<16xf32>
        %mul3A_406 = arith.mulf %exp3A_403, %gather3A_341 : vector<16xf32>
        %broadcast_in_dim3A_407 = arith.constant 0 : i32
        %broadcast_in_dim3A_408 = vector.broadcast %broadcast_in_dim3A_407 : i32 to vector<16xi32>
        tpu.vector_store_idx %arg13[%broadcast_in_dim3A_408, %add3A_378, %add3A_379], %mul3A_404 masked %lt3A_103 {add = true} : memref<4x128x128xf32, #tpu.memory_space<vmem>>[vector<16xi32>, vector<16xi32>, vector<16xi32>], vector<16xf32>, vector<16xi1>
        %broadcast_in_dim3A_409 = arith.constant 1 : i32
        %broadcast_in_dim3A_410 = vector.broadcast %broadcast_in_dim3A_409 : i32 to vector<16xi32>
        tpu.vector_store_idx %arg13[%broadcast_in_dim3A_410, %add3A_378, %add3A_379], %mul3A_405 masked %lt3A_103 {add = true} : memref<4x128x128xf32, #tpu.memory_space<vmem>>[vector<16xi32>, vector<16xi32>, vector<16xi32>], vector<16xf32>, vector<16xi1>
        %broadcast_in_dim3A_411 = arith.constant 2 : i32
        %broadcast_in_dim3A_412 = vector.broadcast %broadcast_in_dim3A_411 : i32 to vector<16xi32>
        tpu.vector_store_idx %arg13[%broadcast_in_dim3A_412, %add3A_378, %add3A_379], %mul3A_406 masked %lt3A_103 {add = true} : memref<4x128x128xf32, #tpu.memory_space<vmem>>[vector<16xi32>, vector<16xi32>, vector<16xi32>], vector<16xf32>, vector<16xi1>
        %broadcast_in_dim3A_413 = arith.constant 3 : i32
        %broadcast_in_dim3A_414 = vector.broadcast %broadcast_in_dim3A_413 : i32 to vector<16xi32>
        tpu.vector_store_idx %arg13[%broadcast_in_dim3A_414, %add3A_378, %add3A_379], %exp3A_403 masked %lt3A_103 {add = true} : memref<4x128x128xf32, #tpu.memory_space<vmem>>[vector<16xi32>, vector<16xi32>, vector<16xi32>], vector<16xf32>, vector<16xi1>
        %broadcast_in_dim3A_415 = arith.constant 1 : i32
        %broadcast_in_dim3A_416 = vector.broadcast %broadcast_in_dim3A_415 : i32 to vector<16xi32>
        %broadcast_in_dim3A_417 = vector.shape_cast %broadcast_in_dim3A_416 : vector<16xi32> to vector<16x1xi32>
        %gather3A_418 = vector.shape_cast %broadcast_in_dim3A_417 : vector<16x1xi32> to vector<16xi32>
        %gather3A_419 = tpu.dynamic_gather %gather3A_280[%gather3A_418] in [0] : vector<16xf32>, vector<16xi32> -> vector<16xf32>
        %broadcast_in_dim3A_420 = arith.constant 1 : i32
        %broadcast_in_dim3A_421 = vector.broadcast %broadcast_in_dim3A_420 : i32 to vector<16xi32>
        %broadcast_in_dim3A_422 = vector.shape_cast %broadcast_in_dim3A_421 : vector<16xi32> to vector<16x1xi32>
        %gather3A_423 = vector.shape_cast %broadcast_in_dim3A_422 : vector<16x1xi32> to vector<16xi32>
        %gather3A_424 = tpu.dynamic_gather %gather3A_281[%gather3A_423] in [0] : vector<16xf32>, vector<16xi32> -> vector<16xf32>
        %broadcast_in_dim3A_425 = arith.constant 1 : i32
        %broadcast_in_dim3A_426 = vector.broadcast %broadcast_in_dim3A_425 : i32 to vector<16xi32>
        %broadcast_in_dim3A_427 = vector.shape_cast %broadcast_in_dim3A_426 : vector<16xi32> to vector<16x1xi32>
        %gather3A_428 = vector.shape_cast %broadcast_in_dim3A_427 : vector<16x1xi32> to vector<16xi32>
        %gather3A_429 = tpu.dynamic_gather %convert_element_type3A_291[%gather3A_428] in [0] : vector<16xi32>, vector<16xi32> -> vector<16xi32>
        %broadcast_in_dim3A_430 = arith.constant 1 : i32
        %broadcast_in_dim3A_431 = vector.broadcast %broadcast_in_dim3A_430 : i32 to vector<16xi32>
        %broadcast_in_dim3A_432 = vector.shape_cast %broadcast_in_dim3A_431 : vector<16xi32> to vector<16x1xi32>
        %gather3A_433 = vector.shape_cast %broadcast_in_dim3A_432 : vector<16x1xi32> to vector<16xi32>
        %gather3A_434 = tpu.dynamic_gather %convert_element_type3A_298[%gather3A_433] in [0] : vector<16xi32>, vector<16xi32> -> vector<16xi32>
        %broadcast_in_dim3A_435 = arith.constant 1 : i32
        %broadcast_in_dim3A_436 = vector.broadcast %broadcast_in_dim3A_435 : i32 to vector<16xi32>
        %broadcast_in_dim3A_437 = vector.shape_cast %broadcast_in_dim3A_436 : vector<16xi32> to vector<16x1xi32>
        %gather3A_438 = vector.shape_cast %broadcast_in_dim3A_437 : vector<16x1xi32> to vector<16xi32>
        %gather3A_439 = tpu.dynamic_gather %mul3A_301[%gather3A_438] in [0] : vector<16xf32>, vector<16xi32> -> vector<16xf32>
        %broadcast_in_dim3A_440 = arith.constant 1 : i32
        %broadcast_in_dim3A_441 = vector.broadcast %broadcast_in_dim3A_440 : i32 to vector<16xi32>
        %broadcast_in_dim3A_442 = vector.shape_cast %broadcast_in_dim3A_441 : vector<16xi32> to vector<16x1xi32>
        %gather3A_443 = vector.shape_cast %broadcast_in_dim3A_442 : vector<16x1xi32> to vector<16xi32>
        %gather3A_444 = tpu.dynamic_gather %gather3A_282[%gather3A_443] in [0] : vector<16xf32>, vector<16xi32> -> vector<16xf32>
        %broadcast_in_dim3A_445 = arith.constant 1 : i32
        %broadcast_in_dim3A_446 = vector.broadcast %broadcast_in_dim3A_445 : i32 to vector<16xi32>
        %broadcast_in_dim3A_447 = vector.shape_cast %broadcast_in_dim3A_446 : vector<16xi32> to vector<16x1xi32>
        %gather3A_448 = vector.shape_cast %broadcast_in_dim3A_447 : vector<16x1xi32> to vector<16xi32>
        %gather3A_449 = tpu.dynamic_gather %gather3A_283[%gather3A_448] in [0] : vector<16xf32>, vector<16xi32> -> vector<16xf32>
        %broadcast_in_dim3A_450 = arith.constant 1 : i32
        %broadcast_in_dim3A_451 = vector.broadcast %broadcast_in_dim3A_450 : i32 to vector<16xi32>
        %broadcast_in_dim3A_452 = vector.shape_cast %broadcast_in_dim3A_451 : vector<16xi32> to vector<16x1xi32>
        %gather3A_453 = vector.shape_cast %broadcast_in_dim3A_452 : vector<16x1xi32> to vector<16xi32>
        %gather3A_454 = tpu.dynamic_gather %gather3A_284[%gather3A_453] in [0] : vector<16xf32>, vector<16xi32> -> vector<16xf32>
        %add3A_455 = arith.addi %gather3A_429, %sub3A_72 : vector<16xi32>
        %add3A_456 = arith.addi %gather3A_434, %sub3A_97 : vector<16xi32>
        %convert_element_type3A_457 = arith.sitofp %add3A_455 : vector<16xi32> to vector<16xf32>
        %add3A_458 = arith.constant 5.000000e-01 : f32
        %add3A_459 = vector.broadcast %add3A_458 : f32 to vector<16xf32>
        %add3A_460 = arith.addf %convert_element_type3A_457, %add3A_459 : vector<16xf32>
        %mul3A_461 = arith.constant 7.812500e-03 : f32
        %mul3A_462 = vector.broadcast %mul3A_461 : f32 to vector<16xf32>
        %mul3A_463 = arith.mulf %add3A_460, %mul3A_462 : vector<16xf32>
        %sub3A_464 = arith.subf %mul3A_463, %gather3A_419 : vector<16xf32>
        %convert_element_type3A_465 = arith.sitofp %add3A_456 : vector<16xi32> to vector<16xf32>
        %add3A_466 = arith.constant 5.000000e-01 : f32
        %add3A_467 = vector.broadcast %add3A_466 : f32 to vector<16xf32>
        %add3A_468 = arith.addf %convert_element_type3A_465, %add3A_467 : vector<16xf32>
        %mul3A_469 = arith.constant 7.812500e-03 : f32
        %mul3A_470 = vector.broadcast %mul3A_469 : f32 to vector<16xf32>
        %mul3A_471 = arith.mulf %add3A_468, %mul3A_470 : vector<16xf32>
        %sub3A_472 = arith.subf %mul3A_471, %gather3A_424 : vector<16xf32>
        %mul3A_473 = arith.mulf %sub3A_464, %sub3A_464 : vector<16xf32>
        %add3A_474 = arith.addf %gather3A_439, %mul3A_473 : vector<16xf32>
        %mul3A_475 = arith.mulf %sub3A_472, %sub3A_472 : vector<16xf32>
        %add3A_476 = arith.addf %add3A_474, %mul3A_475 : vector<16xf32>
        %mul3A_477 = arith.constant -3600.07202 : f32
        %mul3A_478 = vector.broadcast %mul3A_477 : f32 to vector<16xf32>
        %mul3A_479 = arith.mulf %add3A_476, %mul3A_478 : vector<16xf32>
        %exp3A_480 = math.exp %mul3A_479 : vector<16xf32>
        %mul3A_481 = arith.mulf %exp3A_480, %gather3A_444 : vector<16xf32>
        %mul3A_482 = arith.mulf %exp3A_480, %gather3A_449 : vector<16xf32>
        %mul3A_483 = arith.mulf %exp3A_480, %gather3A_454 : vector<16xf32>
        %broadcast_in_dim3A_484 = arith.constant 0 : i32
        %broadcast_in_dim3A_485 = vector.broadcast %broadcast_in_dim3A_484 : i32 to vector<16xi32>
        tpu.vector_store_idx %arg13[%broadcast_in_dim3A_485, %add3A_455, %add3A_456], %mul3A_481 {add = true} : memref<4x128x128xf32, #tpu.memory_space<vmem>>[vector<16xi32>, vector<16xi32>, vector<16xi32>], vector<16xf32>,
        %broadcast_in_dim3A_486 = arith.constant 1 : i32
        %broadcast_in_dim3A_487 = vector.broadcast %broadcast_in_dim3A_486 : i32 to vector<16xi32>
        tpu.vector_store_idx %arg13[%broadcast_in_dim3A_487, %add3A_455, %add3A_456], %mul3A_482 {add = true} : memref<4x128x128xf32, #tpu.memory_space<vmem>>[vector<16xi32>, vector<16xi32>, vector<16xi32>], vector<16xf32>,
        %broadcast_in_dim3A_488 = arith.constant 2 : i32
        %broadcast_in_dim3A_489 = vector.broadcast %broadcast_in_dim3A_488 : i32 to vector<16xi32>
        tpu.vector_store_idx %arg13[%broadcast_in_dim3A_489, %add3A_455, %add3A_456], %mul3A_483 {add = true} : memref<4x128x128xf32, #tpu.memory_space<vmem>>[vector<16xi32>, vector<16xi32>, vector<16xi32>], vector<16xf32>,
        %broadcast_in_dim3A_490 = arith.constant 3 : i32
        %broadcast_in_dim3A_491 = vector.broadcast %broadcast_in_dim3A_490 : i32 to vector<16xi32>
        tpu.vector_store_idx %arg13[%broadcast_in_dim3A_491, %add3A_455, %add3A_456], %exp3A_480 {add = true} : memref<4x128x128xf32, #tpu.memory_space<vmem>>[vector<16xi32>, vector<16xi32>, vector<16xi32>], vector<16xf32>,
        %add3A_492 = arith.addi %gather3A_429, %select_n3A_140 : vector<16xi32>
        %add3A_493 = arith.addi %gather3A_434, %select_n3A_168 : vector<16xi32>
        %convert_element_type3A_494 = arith.sitofp %add3A_492 : vector<16xi32> to vector<16xf32>
        %add3A_495 = arith.constant 5.000000e-01 : f32
        %add3A_496 = vector.broadcast %add3A_495 : f32 to vector<16xf32>
        %add3A_497 = arith.addf %convert_element_type3A_494, %add3A_496 : vector<16xf32>
        %mul3A_498 = arith.constant 7.812500e-03 : f32
        %mul3A_499 = vector.broadcast %mul3A_498 : f32 to vector<16xf32>
        %mul3A_500 = arith.mulf %add3A_497, %mul3A_499 : vector<16xf32>
        %sub3A_501 = arith.subf %mul3A_500, %gather3A_419 : vector<16xf32>
        %convert_element_type3A_502 = arith.sitofp %add3A_493 : vector<16xi32> to vector<16xf32>
        %add3A_503 = arith.constant 5.000000e-01 : f32
        %add3A_504 = vector.broadcast %add3A_503 : f32 to vector<16xf32>
        %add3A_505 = arith.addf %convert_element_type3A_502, %add3A_504 : vector<16xf32>
        %mul3A_506 = arith.constant 7.812500e-03 : f32
        %mul3A_507 = vector.broadcast %mul3A_506 : f32 to vector<16xf32>
        %mul3A_508 = arith.mulf %add3A_505, %mul3A_507 : vector<16xf32>
        %sub3A_509 = arith.subf %mul3A_508, %gather3A_424 : vector<16xf32>
        %mul3A_510 = arith.mulf %sub3A_501, %sub3A_501 : vector<16xf32>
        %add3A_511 = arith.addf %gather3A_439, %mul3A_510 : vector<16xf32>
        %mul3A_512 = arith.mulf %sub3A_509, %sub3A_509 : vector<16xf32>
        %add3A_513 = arith.addf %add3A_511, %mul3A_512 : vector<16xf32>
        %mul3A_514 = arith.constant -3600.07202 : f32
        %mul3A_515 = vector.broadcast %mul3A_514 : f32 to vector<16xf32>
        %mul3A_516 = arith.mulf %add3A_513, %mul3A_515 : vector<16xf32>
        %exp3A_517 = math.exp %mul3A_516 : vector<16xf32>
        %mul3A_518 = arith.mulf %exp3A_517, %gather3A_444 : vector<16xf32>
        %mul3A_519 = arith.mulf %exp3A_517, %gather3A_449 : vector<16xf32>
        %mul3A_520 = arith.mulf %exp3A_517, %gather3A_454 : vector<16xf32>
        %broadcast_in_dim3A_521 = arith.constant 0 : i32
        %broadcast_in_dim3A_522 = vector.broadcast %broadcast_in_dim3A_521 : i32 to vector<16xi32>
        tpu.vector_store_idx %arg13[%broadcast_in_dim3A_522, %add3A_492, %add3A_493], %mul3A_518 masked %lt3A_103 {add = true} : memref<4x128x128xf32, #tpu.memory_space<vmem>>[vector<16xi32>, vector<16xi32>, vector<16xi32>], vector<16xf32>, vector<16xi1>
        %broadcast_in_dim3A_523 = arith.constant 1 : i32
        %broadcast_in_dim3A_524 = vector.broadcast %broadcast_in_dim3A_523 : i32 to vector<16xi32>
        tpu.vector_store_idx %arg13[%broadcast_in_dim3A_524, %add3A_492, %add3A_493], %mul3A_519 masked %lt3A_103 {add = true} : memref<4x128x128xf32, #tpu.memory_space<vmem>>[vector<16xi32>, vector<16xi32>, vector<16xi32>], vector<16xf32>, vector<16xi1>
        %broadcast_in_dim3A_525 = arith.constant 2 : i32
        %broadcast_in_dim3A_526 = vector.broadcast %broadcast_in_dim3A_525 : i32 to vector<16xi32>
        tpu.vector_store_idx %arg13[%broadcast_in_dim3A_526, %add3A_492, %add3A_493], %mul3A_520 masked %lt3A_103 {add = true} : memref<4x128x128xf32, #tpu.memory_space<vmem>>[vector<16xi32>, vector<16xi32>, vector<16xi32>], vector<16xf32>, vector<16xi1>
        %broadcast_in_dim3A_527 = arith.constant 3 : i32
        %broadcast_in_dim3A_528 = vector.broadcast %broadcast_in_dim3A_527 : i32 to vector<16xi32>
        tpu.vector_store_idx %arg13[%broadcast_in_dim3A_528, %add3A_492, %add3A_493], %exp3A_517 masked %lt3A_103 {add = true} : memref<4x128x128xf32, #tpu.memory_space<vmem>>[vector<16xi32>, vector<16xi32>, vector<16xi32>], vector<16xf32>, vector<16xi1>
        %broadcast_in_dim3A_529 = arith.constant 2 : i32
        %broadcast_in_dim3A_530 = vector.broadcast %broadcast_in_dim3A_529 : i32 to vector<16xi32>
        %broadcast_in_dim3A_531 = vector.shape_cast %broadcast_in_dim3A_530 : vector<16xi32> to vector<16x1xi32>
        %gather3A_532 = vector.shape_cast %broadcast_in_dim3A_531 : vector<16x1xi32> to vector<16xi32>
        %gather3A_533 = tpu.dynamic_gather %gather3A_280[%gather3A_532] in [0] : vector<16xf32>, vector<16xi32> -> vector<16xf32>
        %broadcast_in_dim3A_534 = arith.constant 2 : i32
        %broadcast_in_dim3A_535 = vector.broadcast %broadcast_in_dim3A_534 : i32 to vector<16xi32>
        %broadcast_in_dim3A_536 = vector.shape_cast %broadcast_in_dim3A_535 : vector<16xi32> to vector<16x1xi32>
        %gather3A_537 = vector.shape_cast %broadcast_in_dim3A_536 : vector<16x1xi32> to vector<16xi32>
        %gather3A_538 = tpu.dynamic_gather %gather3A_281[%gather3A_537] in [0] : vector<16xf32>, vector<16xi32> -> vector<16xf32>
        %broadcast_in_dim3A_539 = arith.constant 2 : i32
        %broadcast_in_dim3A_540 = vector.broadcast %broadcast_in_dim3A_539 : i32 to vector<16xi32>
        %broadcast_in_dim3A_541 = vector.shape_cast %broadcast_in_dim3A_540 : vector<16xi32> to vector<16x1xi32>
        %gather3A_542 = vector.shape_cast %broadcast_in_dim3A_541 : vector<16x1xi32> to vector<16xi32>
        %gather3A_543 = tpu.dynamic_gather %convert_element_type3A_291[%gather3A_542] in [0] : vector<16xi32>, vector<16xi32> -> vector<16xi32>
        %broadcast_in_dim3A_544 = arith.constant 2 : i32
        %broadcast_in_dim3A_545 = vector.broadcast %broadcast_in_dim3A_544 : i32 to vector<16xi32>
        %broadcast_in_dim3A_546 = vector.shape_cast %broadcast_in_dim3A_545 : vector<16xi32> to vector<16x1xi32>
        %gather3A_547 = vector.shape_cast %broadcast_in_dim3A_546 : vector<16x1xi32> to vector<16xi32>
        %gather3A_548 = tpu.dynamic_gather %convert_element_type3A_298[%gather3A_547] in [0] : vector<16xi32>, vector<16xi32> -> vector<16xi32>
        %broadcast_in_dim3A_549 = arith.constant 2 : i32
        %broadcast_in_dim3A_550 = vector.broadcast %broadcast_in_dim3A_549 : i32 to vector<16xi32>
        %broadcast_in_dim3A_551 = vector.shape_cast %broadcast_in_dim3A_550 : vector<16xi32> to vector<16x1xi32>
        %gather3A_552 = vector.shape_cast %broadcast_in_dim3A_551 : vector<16x1xi32> to vector<16xi32>
        %gather3A_553 = tpu.dynamic_gather %mul3A_301[%gather3A_552] in [0] : vector<16xf32>, vector<16xi32> -> vector<16xf32>
        %broadcast_in_dim3A_554 = arith.constant 2 : i32
        %broadcast_in_dim3A_555 = vector.broadcast %broadcast_in_dim3A_554 : i32 to vector<16xi32>
        %broadcast_in_dim3A_556 = vector.shape_cast %broadcast_in_dim3A_555 : vector<16xi32> to vector<16x1xi32>
        %gather3A_557 = vector.shape_cast %broadcast_in_dim3A_556 : vector<16x1xi32> to vector<16xi32>
        %gather3A_558 = tpu.dynamic_gather %gather3A_282[%gather3A_557] in [0] : vector<16xf32>, vector<16xi32> -> vector<16xf32>
        %broadcast_in_dim3A_559 = arith.constant 2 : i32
        %broadcast_in_dim3A_560 = vector.broadcast %broadcast_in_dim3A_559 : i32 to vector<16xi32>
        %broadcast_in_dim3A_561 = vector.shape_cast %broadcast_in_dim3A_560 : vector<16xi32> to vector<16x1xi32>
        %gather3A_562 = vector.shape_cast %broadcast_in_dim3A_561 : vector<16x1xi32> to vector<16xi32>
        %gather3A_563 = tpu.dynamic_gather %gather3A_283[%gather3A_562] in [0] : vector<16xf32>, vector<16xi32> -> vector<16xf32>
        %broadcast_in_dim3A_564 = arith.constant 2 : i32
        %broadcast_in_dim3A_565 = vector.broadcast %broadcast_in_dim3A_564 : i32 to vector<16xi32>
        %broadcast_in_dim3A_566 = vector.shape_cast %broadcast_in_dim3A_565 : vector<16xi32> to vector<16x1xi32>
        %gather3A_567 = vector.shape_cast %broadcast_in_dim3A_566 : vector<16x1xi32> to vector<16xi32>
        %gather3A_568 = tpu.dynamic_gather %gather3A_284[%gather3A_567] in [0] : vector<16xf32>, vector<16xi32> -> vector<16xf32>
        %add3A_569 = arith.addi %gather3A_543, %sub3A_72 : vector<16xi32>
        %add3A_570 = arith.addi %gather3A_548, %sub3A_97 : vector<16xi32>
        %convert_element_type3A_571 = arith.sitofp %add3A_569 : vector<16xi32> to vector<16xf32>
        %add3A_572 = arith.constant 5.000000e-01 : f32
        %add3A_573 = vector.broadcast %add3A_572 : f32 to vector<16xf32>
        %add3A_574 = arith.addf %convert_element_type3A_571, %add3A_573 : vector<16xf32>
        %mul3A_575 = arith.constant 7.812500e-03 : f32
        %mul3A_576 = vector.broadcast %mul3A_575 : f32 to vector<16xf32>
        %mul3A_577 = arith.mulf %add3A_574, %mul3A_576 : vector<16xf32>
        %sub3A_578 = arith.subf %mul3A_577, %gather3A_533 : vector<16xf32>
        %convert_element_type3A_579 = arith.sitofp %add3A_570 : vector<16xi32> to vector<16xf32>
        %add3A_580 = arith.constant 5.000000e-01 : f32
        %add3A_581 = vector.broadcast %add3A_580 : f32 to vector<16xf32>
        %add3A_582 = arith.addf %convert_element_type3A_579, %add3A_581 : vector<16xf32>
        %mul3A_583 = arith.constant 7.812500e-03 : f32
        %mul3A_584 = vector.broadcast %mul3A_583 : f32 to vector<16xf32>
        %mul3A_585 = arith.mulf %add3A_582, %mul3A_584 : vector<16xf32>
        %sub3A_586 = arith.subf %mul3A_585, %gather3A_538 : vector<16xf32>
        %mul3A_587 = arith.mulf %sub3A_578, %sub3A_578 : vector<16xf32>
        %add3A_588 = arith.addf %gather3A_553, %mul3A_587 : vector<16xf32>
        %mul3A_589 = arith.mulf %sub3A_586, %sub3A_586 : vector<16xf32>
        %add3A_590 = arith.addf %add3A_588, %mul3A_589 : vector<16xf32>
        %mul3A_591 = arith.constant -3600.07202 : f32
        %mul3A_592 = vector.broadcast %mul3A_591 : f32 to vector<16xf32>
        %mul3A_593 = arith.mulf %add3A_590, %mul3A_592 : vector<16xf32>
        %exp3A_594 = math.exp %mul3A_593 : vector<16xf32>
        %mul3A_595 = arith.mulf %exp3A_594, %gather3A_558 : vector<16xf32>
        %mul3A_596 = arith.mulf %exp3A_594, %gather3A_563 : vector<16xf32>
        %mul3A_597 = arith.mulf %exp3A_594, %gather3A_568 : vector<16xf32>
        %broadcast_in_dim3A_598 = arith.constant 0 : i32
        %broadcast_in_dim3A_599 = vector.broadcast %broadcast_in_dim3A_598 : i32 to vector<16xi32>
        tpu.vector_store_idx %arg13[%broadcast_in_dim3A_599, %add3A_569, %add3A_570], %mul3A_595 {add = true} : memref<4x128x128xf32, #tpu.memory_space<vmem>>[vector<16xi32>, vector<16xi32>, vector<16xi32>], vector<16xf32>,
        %broadcast_in_dim3A_600 = arith.constant 1 : i32
        %broadcast_in_dim3A_601 = vector.broadcast %broadcast_in_dim3A_600 : i32 to vector<16xi32>
        tpu.vector_store_idx %arg13[%broadcast_in_dim3A_601, %add3A_569, %add3A_570], %mul3A_596 {add = true} : memref<4x128x128xf32, #tpu.memory_space<vmem>>[vector<16xi32>, vector<16xi32>, vector<16xi32>], vector<16xf32>,
        %broadcast_in_dim3A_602 = arith.constant 2 : i32
        %broadcast_in_dim3A_603 = vector.broadcast %broadcast_in_dim3A_602 : i32 to vector<16xi32>
        tpu.vector_store_idx %arg13[%broadcast_in_dim3A_603, %add3A_569, %add3A_570], %mul3A_597 {add = true} : memref<4x128x128xf32, #tpu.memory_space<vmem>>[vector<16xi32>, vector<16xi32>, vector<16xi32>], vector<16xf32>,
        %broadcast_in_dim3A_604 = arith.constant 3 : i32
        %broadcast_in_dim3A_605 = vector.broadcast %broadcast_in_dim3A_604 : i32 to vector<16xi32>
        tpu.vector_store_idx %arg13[%broadcast_in_dim3A_605, %add3A_569, %add3A_570], %exp3A_594 {add = true} : memref<4x128x128xf32, #tpu.memory_space<vmem>>[vector<16xi32>, vector<16xi32>, vector<16xi32>], vector<16xf32>,
        %add3A_606 = arith.addi %gather3A_543, %select_n3A_140 : vector<16xi32>
        %add3A_607 = arith.addi %gather3A_548, %select_n3A_168 : vector<16xi32>
        %convert_element_type3A_608 = arith.sitofp %add3A_606 : vector<16xi32> to vector<16xf32>
        %add3A_609 = arith.constant 5.000000e-01 : f32
        %add3A_610 = vector.broadcast %add3A_609 : f32 to vector<16xf32>
        %add3A_611 = arith.addf %convert_element_type3A_608, %add3A_610 : vector<16xf32>
        %mul3A_612 = arith.constant 7.812500e-03 : f32
        %mul3A_613 = vector.broadcast %mul3A_612 : f32 to vector<16xf32>
        %mul3A_614 = arith.mulf %add3A_611, %mul3A_613 : vector<16xf32>
        %sub3A_615 = arith.subf %mul3A_614, %gather3A_533 : vector<16xf32>
        %convert_element_type3A_616 = arith.sitofp %add3A_607 : vector<16xi32> to vector<16xf32>
        %add3A_617 = arith.constant 5.000000e-01 : f32
        %add3A_618 = vector.broadcast %add3A_617 : f32 to vector<16xf32>
        %add3A_619 = arith.addf %convert_element_type3A_616, %add3A_618 : vector<16xf32>
        %mul3A_620 = arith.constant 7.812500e-03 : f32
        %mul3A_621 = vector.broadcast %mul3A_620 : f32 to vector<16xf32>
        %mul3A_622 = arith.mulf %add3A_619, %mul3A_621 : vector<16xf32>
        %sub3A_623 = arith.subf %mul3A_622, %gather3A_538 : vector<16xf32>
        %mul3A_624 = arith.mulf %sub3A_615, %sub3A_615 : vector<16xf32>
        %add3A_625 = arith.addf %gather3A_553, %mul3A_624 : vector<16xf32>
        %mul3A_626 = arith.mulf %sub3A_623, %sub3A_623 : vector<16xf32>
        %add3A_627 = arith.addf %add3A_625, %mul3A_626 : vector<16xf32>
        %mul3A_628 = arith.constant -3600.07202 : f32
        %mul3A_629 = vector.broadcast %mul3A_628 : f32 to vector<16xf32>
        %mul3A_630 = arith.mulf %add3A_627, %mul3A_629 : vector<16xf32>
        %exp3A_631 = math.exp %mul3A_630 : vector<16xf32>
        %mul3A_632 = arith.mulf %exp3A_631, %gather3A_558 : vector<16xf32>
        %mul3A_633 = arith.mulf %exp3A_631, %gather3A_563 : vector<16xf32>
        %mul3A_634 = arith.mulf %exp3A_631, %gather3A_568 : vector<16xf32>
        %broadcast_in_dim3A_635 = arith.constant 0 : i32
        %broadcast_in_dim3A_636 = vector.broadcast %broadcast_in_dim3A_635 : i32 to vector<16xi32>
        tpu.vector_store_idx %arg13[%broadcast_in_dim3A_636, %add3A_606, %add3A_607], %mul3A_632 masked %lt3A_103 {add = true} : memref<4x128x128xf32, #tpu.memory_space<vmem>>[vector<16xi32>, vector<16xi32>, vector<16xi32>], vector<16xf32>, vector<16xi1>
        %broadcast_in_dim3A_637 = arith.constant 1 : i32
        %broadcast_in_dim3A_638 = vector.broadcast %broadcast_in_dim3A_637 : i32 to vector<16xi32>
        tpu.vector_store_idx %arg13[%broadcast_in_dim3A_638, %add3A_606, %add3A_607], %mul3A_633 masked %lt3A_103 {add = true} : memref<4x128x128xf32, #tpu.memory_space<vmem>>[vector<16xi32>, vector<16xi32>, vector<16xi32>], vector<16xf32>, vector<16xi1>
        %broadcast_in_dim3A_639 = arith.constant 2 : i32
        %broadcast_in_dim3A_640 = vector.broadcast %broadcast_in_dim3A_639 : i32 to vector<16xi32>
        tpu.vector_store_idx %arg13[%broadcast_in_dim3A_640, %add3A_606, %add3A_607], %mul3A_634 masked %lt3A_103 {add = true} : memref<4x128x128xf32, #tpu.memory_space<vmem>>[vector<16xi32>, vector<16xi32>, vector<16xi32>], vector<16xf32>, vector<16xi1>
        %broadcast_in_dim3A_641 = arith.constant 3 : i32
        %broadcast_in_dim3A_642 = vector.broadcast %broadcast_in_dim3A_641 : i32 to vector<16xi32>
        tpu.vector_store_idx %arg13[%broadcast_in_dim3A_642, %add3A_606, %add3A_607], %exp3A_631 masked %lt3A_103 {add = true} : memref<4x128x128xf32, #tpu.memory_space<vmem>>[vector<16xi32>, vector<16xi32>, vector<16xi32>], vector<16xf32>, vector<16xi1>
        %broadcast_in_dim3A_643 = arith.constant 3 : i32
        %broadcast_in_dim3A_644 = vector.broadcast %broadcast_in_dim3A_643 : i32 to vector<16xi32>
        %broadcast_in_dim3A_645 = vector.shape_cast %broadcast_in_dim3A_644 : vector<16xi32> to vector<16x1xi32>
        %gather3A_646 = vector.shape_cast %broadcast_in_dim3A_645 : vector<16x1xi32> to vector<16xi32>
        %gather3A_647 = tpu.dynamic_gather %gather3A_280[%gather3A_646] in [0] : vector<16xf32>, vector<16xi32> -> vector<16xf32>
        %broadcast_in_dim3A_648 = arith.constant 3 : i32
        %broadcast_in_dim3A_649 = vector.broadcast %broadcast_in_dim3A_648 : i32 to vector<16xi32>
        %broadcast_in_dim3A_650 = vector.shape_cast %broadcast_in_dim3A_649 : vector<16xi32> to vector<16x1xi32>
        %gather3A_651 = vector.shape_cast %broadcast_in_dim3A_650 : vector<16x1xi32> to vector<16xi32>
        %gather3A_652 = tpu.dynamic_gather %gather3A_281[%gather3A_651] in [0] : vector<16xf32>, vector<16xi32> -> vector<16xf32>
        %broadcast_in_dim3A_653 = arith.constant 3 : i32
        %broadcast_in_dim3A_654 = vector.broadcast %broadcast_in_dim3A_653 : i32 to vector<16xi32>
        %broadcast_in_dim3A_655 = vector.shape_cast %broadcast_in_dim3A_654 : vector<16xi32> to vector<16x1xi32>
        %gather3A_656 = vector.shape_cast %broadcast_in_dim3A_655 : vector<16x1xi32> to vector<16xi32>
        %gather3A_657 = tpu.dynamic_gather %convert_element_type3A_291[%gather3A_656] in [0] : vector<16xi32>, vector<16xi32> -> vector<16xi32>
        %broadcast_in_dim3A_658 = arith.constant 3 : i32
        %broadcast_in_dim3A_659 = vector.broadcast %broadcast_in_dim3A_658 : i32 to vector<16xi32>
        %broadcast_in_dim3A_660 = vector.shape_cast %broadcast_in_dim3A_659 : vector<16xi32> to vector<16x1xi32>
        %gather3A_661 = vector.shape_cast %broadcast_in_dim3A_660 : vector<16x1xi32> to vector<16xi32>
        %gather3A_662 = tpu.dynamic_gather %convert_element_type3A_298[%gather3A_661] in [0] : vector<16xi32>, vector<16xi32> -> vector<16xi32>
        %broadcast_in_dim3A_663 = arith.constant 3 : i32
        %broadcast_in_dim3A_664 = vector.broadcast %broadcast_in_dim3A_663 : i32 to vector<16xi32>
        %broadcast_in_dim3A_665 = vector.shape_cast %broadcast_in_dim3A_664 : vector<16xi32> to vector<16x1xi32>
        %gather3A_666 = vector.shape_cast %broadcast_in_dim3A_665 : vector<16x1xi32> to vector<16xi32>
        %gather3A_667 = tpu.dynamic_gather %mul3A_301[%gather3A_666] in [0] : vector<16xf32>, vector<16xi32> -> vector<16xf32>
        %broadcast_in_dim3A_668 = arith.constant 3 : i32
        %broadcast_in_dim3A_669 = vector.broadcast %broadcast_in_dim3A_668 : i32 to vector<16xi32>
        %broadcast_in_dim3A_670 = vector.shape_cast %broadcast_in_dim3A_669 : vector<16xi32> to vector<16x1xi32>
        %gather3A_671 = vector.shape_cast %broadcast_in_dim3A_670 : vector<16x1xi32> to vector<16xi32>
        %gather3A_672 = tpu.dynamic_gather %gather3A_282[%gather3A_671] in [0] : vector<16xf32>, vector<16xi32> -> vector<16xf32>
        %broadcast_in_dim3A_673 = arith.constant 3 : i32
        %broadcast_in_dim3A_674 = vector.broadcast %broadcast_in_dim3A_673 : i32 to vector<16xi32>
        %broadcast_in_dim3A_675 = vector.shape_cast %broadcast_in_dim3A_674 : vector<16xi32> to vector<16x1xi32>
        %gather3A_676 = vector.shape_cast %broadcast_in_dim3A_675 : vector<16x1xi32> to vector<16xi32>
        %gather3A_677 = tpu.dynamic_gather %gather3A_283[%gather3A_676] in [0] : vector<16xf32>, vector<16xi32> -> vector<16xf32>
        %broadcast_in_dim3A_678 = arith.constant 3 : i32
        %broadcast_in_dim3A_679 = vector.broadcast %broadcast_in_dim3A_678 : i32 to vector<16xi32>
        %broadcast_in_dim3A_680 = vector.shape_cast %broadcast_in_dim3A_679 : vector<16xi32> to vector<16x1xi32>
        %gather3A_681 = vector.shape_cast %broadcast_in_dim3A_680 : vector<16x1xi32> to vector<16xi32>
        %gather3A_682 = tpu.dynamic_gather %gather3A_284[%gather3A_681] in [0] : vector<16xf32>, vector<16xi32> -> vector<16xf32>
        %add3A_683 = arith.addi %gather3A_657, %sub3A_72 : vector<16xi32>
        %add3A_684 = arith.addi %gather3A_662, %sub3A_97 : vector<16xi32>
        %convert_element_type3A_685 = arith.sitofp %add3A_683 : vector<16xi32> to vector<16xf32>
        %add3A_686 = arith.constant 5.000000e-01 : f32
        %add3A_687 = vector.broadcast %add3A_686 : f32 to vector<16xf32>
        %add3A_688 = arith.addf %convert_element_type3A_685, %add3A_687 : vector<16xf32>
        %mul3A_689 = arith.constant 7.812500e-03 : f32
        %mul3A_690 = vector.broadcast %mul3A_689 : f32 to vector<16xf32>
        %mul3A_691 = arith.mulf %add3A_688, %mul3A_690 : vector<16xf32>
        %sub3A_692 = arith.subf %mul3A_691, %gather3A_647 : vector<16xf32>
        %convert_element_type3A_693 = arith.sitofp %add3A_684 : vector<16xi32> to vector<16xf32>
        %add3A_694 = arith.constant 5.000000e-01 : f32
        %add3A_695 = vector.broadcast %add3A_694 : f32 to vector<16xf32>
        %add3A_696 = arith.addf %convert_element_type3A_693, %add3A_695 : vector<16xf32>
        %mul3A_697 = arith.constant 7.812500e-03 : f32
        %mul3A_698 = vector.broadcast %mul3A_697 : f32 to vector<16xf32>
        %mul3A_699 = arith.mulf %add3A_696, %mul3A_698 : vector<16xf32>
        %sub3A_700 = arith.subf %mul3A_699, %gather3A_652 : vector<16xf32>
        %mul3A_701 = arith.mulf %sub3A_692, %sub3A_692 : vector<16xf32>
        %add3A_702 = arith.addf %gather3A_667, %mul3A_701 : vector<16xf32>
        %mul3A_703 = arith.mulf %sub3A_700, %sub3A_700 : vector<16xf32>
        %add3A_704 = arith.addf %add3A_702, %mul3A_703 : vector<16xf32>
        %mul3A_705 = arith.constant -3600.07202 : f32
        %mul3A_706 = vector.broadcast %mul3A_705 : f32 to vector<16xf32>
        %mul3A_707 = arith.mulf %add3A_704, %mul3A_706 : vector<16xf32>
        %exp3A_708 = math.exp %mul3A_707 : vector<16xf32>
        %mul3A_709 = arith.mulf %exp3A_708, %gather3A_672 : vector<16xf32>
        %mul3A_710 = arith.mulf %exp3A_708, %gather3A_677 : vector<16xf32>
        %mul3A_711 = arith.mulf %exp3A_708, %gather3A_682 : vector<16xf32>
        %broadcast_in_dim3A_712 = arith.constant 0 : i32
        %broadcast_in_dim3A_713 = vector.broadcast %broadcast_in_dim3A_712 : i32 to vector<16xi32>
        tpu.vector_store_idx %arg13[%broadcast_in_dim3A_713, %add3A_683, %add3A_684], %mul3A_709 {add = true} : memref<4x128x128xf32, #tpu.memory_space<vmem>>[vector<16xi32>, vector<16xi32>, vector<16xi32>], vector<16xf32>,
        %broadcast_in_dim3A_714 = arith.constant 1 : i32
        %broadcast_in_dim3A_715 = vector.broadcast %broadcast_in_dim3A_714 : i32 to vector<16xi32>
        tpu.vector_store_idx %arg13[%broadcast_in_dim3A_715, %add3A_683, %add3A_684], %mul3A_710 {add = true} : memref<4x128x128xf32, #tpu.memory_space<vmem>>[vector<16xi32>, vector<16xi32>, vector<16xi32>], vector<16xf32>,
        %broadcast_in_dim3A_716 = arith.constant 2 : i32
        %broadcast_in_dim3A_717 = vector.broadcast %broadcast_in_dim3A_716 : i32 to vector<16xi32>
        tpu.vector_store_idx %arg13[%broadcast_in_dim3A_717, %add3A_683, %add3A_684], %mul3A_711 {add = true} : memref<4x128x128xf32, #tpu.memory_space<vmem>>[vector<16xi32>, vector<16xi32>, vector<16xi32>], vector<16xf32>,
        %broadcast_in_dim3A_718 = arith.constant 3 : i32
        %broadcast_in_dim3A_719 = vector.broadcast %broadcast_in_dim3A_718 : i32 to vector<16xi32>
        tpu.vector_store_idx %arg13[%broadcast_in_dim3A_719, %add3A_683, %add3A_684], %exp3A_708 {add = true} : memref<4x128x128xf32, #tpu.memory_space<vmem>>[vector<16xi32>, vector<16xi32>, vector<16xi32>], vector<16xf32>,
        %add3A_720 = arith.addi %gather3A_657, %select_n3A_140 : vector<16xi32>
        %add3A_721 = arith.addi %gather3A_662, %select_n3A_168 : vector<16xi32>
        %convert_element_type3A_722 = arith.sitofp %add3A_720 : vector<16xi32> to vector<16xf32>
        %add3A_723 = arith.constant 5.000000e-01 : f32
        %add3A_724 = vector.broadcast %add3A_723 : f32 to vector<16xf32>
        %add3A_725 = arith.addf %convert_element_type3A_722, %add3A_724 : vector<16xf32>
        %mul3A_726 = arith.constant 7.812500e-03 : f32
        %mul3A_727 = vector.broadcast %mul3A_726 : f32 to vector<16xf32>
        %mul3A_728 = arith.mulf %add3A_725, %mul3A_727 : vector<16xf32>
        %sub3A_729 = arith.subf %mul3A_728, %gather3A_647 : vector<16xf32>
        %convert_element_type3A_730 = arith.sitofp %add3A_721 : vector<16xi32> to vector<16xf32>
        %add3A_731 = arith.constant 5.000000e-01 : f32
        %add3A_732 = vector.broadcast %add3A_731 : f32 to vector<16xf32>
        %add3A_733 = arith.addf %convert_element_type3A_730, %add3A_732 : vector<16xf32>
        %mul3A_734 = arith.constant 7.812500e-03 : f32
        %mul3A_735 = vector.broadcast %mul3A_734 : f32 to vector<16xf32>
        %mul3A_736 = arith.mulf %add3A_733, %mul3A_735 : vector<16xf32>
        %sub3A_737 = arith.subf %mul3A_736, %gather3A_652 : vector<16xf32>
        %mul3A_738 = arith.mulf %sub3A_729, %sub3A_729 : vector<16xf32>
        %add3A_739 = arith.addf %gather3A_667, %mul3A_738 : vector<16xf32>
        %mul3A_740 = arith.mulf %sub3A_737, %sub3A_737 : vector<16xf32>
        %add3A_741 = arith.addf %add3A_739, %mul3A_740 : vector<16xf32>
        %mul3A_742 = arith.constant -3600.07202 : f32
        %mul3A_743 = vector.broadcast %mul3A_742 : f32 to vector<16xf32>
        %mul3A_744 = arith.mulf %add3A_741, %mul3A_743 : vector<16xf32>
        %exp3A_745 = math.exp %mul3A_744 : vector<16xf32>
        %mul3A_746 = arith.mulf %exp3A_745, %gather3A_672 : vector<16xf32>
        %mul3A_747 = arith.mulf %exp3A_745, %gather3A_677 : vector<16xf32>
        %mul3A_748 = arith.mulf %exp3A_745, %gather3A_682 : vector<16xf32>
        %broadcast_in_dim3A_749 = arith.constant 0 : i32
        %broadcast_in_dim3A_750 = vector.broadcast %broadcast_in_dim3A_749 : i32 to vector<16xi32>
        tpu.vector_store_idx %arg13[%broadcast_in_dim3A_750, %add3A_720, %add3A_721], %mul3A_746 masked %lt3A_103 {add = true} : memref<4x128x128xf32, #tpu.memory_space<vmem>>[vector<16xi32>, vector<16xi32>, vector<16xi32>], vector<16xf32>, vector<16xi1>
        %broadcast_in_dim3A_751 = arith.constant 1 : i32
        %broadcast_in_dim3A_752 = vector.broadcast %broadcast_in_dim3A_751 : i32 to vector<16xi32>
        tpu.vector_store_idx %arg13[%broadcast_in_dim3A_752, %add3A_720, %add3A_721], %mul3A_747 masked %lt3A_103 {add = true} : memref<4x128x128xf32, #tpu.memory_space<vmem>>[vector<16xi32>, vector<16xi32>, vector<16xi32>], vector<16xf32>, vector<16xi1>
        %broadcast_in_dim3A_753 = arith.constant 2 : i32
        %broadcast_in_dim3A_754 = vector.broadcast %broadcast_in_dim3A_753 : i32 to vector<16xi32>
        tpu.vector_store_idx %arg13[%broadcast_in_dim3A_754, %add3A_720, %add3A_721], %mul3A_748 masked %lt3A_103 {add = true} : memref<4x128x128xf32, #tpu.memory_space<vmem>>[vector<16xi32>, vector<16xi32>, vector<16xi32>], vector<16xf32>, vector<16xi1>
        %broadcast_in_dim3A_755 = arith.constant 3 : i32
        %broadcast_in_dim3A_756 = vector.broadcast %broadcast_in_dim3A_755 : i32 to vector<16xi32>
        tpu.vector_store_idx %arg13[%broadcast_in_dim3A_756, %add3A_720, %add3A_721], %exp3A_745 masked %lt3A_103 {add = true} : memref<4x128x128xf32, #tpu.memory_space<vmem>>[vector<16xi32>, vector<16xi32>, vector<16xi32>], vector<16xf32>, vector<16xi1>
        %broadcast_in_dim3A_757 = arith.constant 4 : i32
        %broadcast_in_dim3A_758 = vector.broadcast %broadcast_in_dim3A_757 : i32 to vector<16xi32>
        %broadcast_in_dim3A_759 = vector.shape_cast %broadcast_in_dim3A_758 : vector<16xi32> to vector<16x1xi32>
        %gather3A_760 = vector.shape_cast %broadcast_in_dim3A_759 : vector<16x1xi32> to vector<16xi32>
        %gather3A_761 = tpu.dynamic_gather %gather3A_280[%gather3A_760] in [0] : vector<16xf32>, vector<16xi32> -> vector<16xf32>
        %broadcast_in_dim3A_762 = arith.constant 4 : i32
        %broadcast_in_dim3A_763 = vector.broadcast %broadcast_in_dim3A_762 : i32 to vector<16xi32>
        %broadcast_in_dim3A_764 = vector.shape_cast %broadcast_in_dim3A_763 : vector<16xi32> to vector<16x1xi32>
        %gather3A_765 = vector.shape_cast %broadcast_in_dim3A_764 : vector<16x1xi32> to vector<16xi32>
        %gather3A_766 = tpu.dynamic_gather %gather3A_281[%gather3A_765] in [0] : vector<16xf32>, vector<16xi32> -> vector<16xf32>
        %broadcast_in_dim3A_767 = arith.constant 4 : i32
        %broadcast_in_dim3A_768 = vector.broadcast %broadcast_in_dim3A_767 : i32 to vector<16xi32>
        %broadcast_in_dim3A_769 = vector.shape_cast %broadcast_in_dim3A_768 : vector<16xi32> to vector<16x1xi32>
        %gather3A_770 = vector.shape_cast %broadcast_in_dim3A_769 : vector<16x1xi32> to vector<16xi32>
        %gather3A_771 = tpu.dynamic_gather %convert_element_type3A_291[%gather3A_770] in [0] : vector<16xi32>, vector<16xi32> -> vector<16xi32>
        %broadcast_in_dim3A_772 = arith.constant 4 : i32
        %broadcast_in_dim3A_773 = vector.broadcast %broadcast_in_dim3A_772 : i32 to vector<16xi32>
        %broadcast_in_dim3A_774 = vector.shape_cast %broadcast_in_dim3A_773 : vector<16xi32> to vector<16x1xi32>
        %gather3A_775 = vector.shape_cast %broadcast_in_dim3A_774 : vector<16x1xi32> to vector<16xi32>
        %gather3A_776 = tpu.dynamic_gather %convert_element_type3A_298[%gather3A_775] in [0] : vector<16xi32>, vector<16xi32> -> vector<16xi32>
        %broadcast_in_dim3A_777 = arith.constant 4 : i32
        %broadcast_in_dim3A_778 = vector.broadcast %broadcast_in_dim3A_777 : i32 to vector<16xi32>
        %broadcast_in_dim3A_779 = vector.shape_cast %broadcast_in_dim3A_778 : vector<16xi32> to vector<16x1xi32>
        %gather3A_780 = vector.shape_cast %broadcast_in_dim3A_779 : vector<16x1xi32> to vector<16xi32>
        %gather3A_781 = tpu.dynamic_gather %mul3A_301[%gather3A_780] in [0] : vector<16xf32>, vector<16xi32> -> vector<16xf32>
        %broadcast_in_dim3A_782 = arith.constant 4 : i32
        %broadcast_in_dim3A_783 = vector.broadcast %broadcast_in_dim3A_782 : i32 to vector<16xi32>
        %broadcast_in_dim3A_784 = vector.shape_cast %broadcast_in_dim3A_783 : vector<16xi32> to vector<16x1xi32>
        %gather3A_785 = vector.shape_cast %broadcast_in_dim3A_784 : vector<16x1xi32> to vector<16xi32>
        %gather3A_786 = tpu.dynamic_gather %gather3A_282[%gather3A_785] in [0] : vector<16xf32>, vector<16xi32> -> vector<16xf32>
        %broadcast_in_dim3A_787 = arith.constant 4 : i32
        %broadcast_in_dim3A_788 = vector.broadcast %broadcast_in_dim3A_787 : i32 to vector<16xi32>
        %broadcast_in_dim3A_789 = vector.shape_cast %broadcast_in_dim3A_788 : vector<16xi32> to vector<16x1xi32>
        %gather3A_790 = vector.shape_cast %broadcast_in_dim3A_789 : vector<16x1xi32> to vector<16xi32>
        %gather3A_791 = tpu.dynamic_gather %gather3A_283[%gather3A_790] in [0] : vector<16xf32>, vector<16xi32> -> vector<16xf32>
        %broadcast_in_dim3A_792 = arith.constant 4 : i32
        %broadcast_in_dim3A_793 = vector.broadcast %broadcast_in_dim3A_792 : i32 to vector<16xi32>
        %broadcast_in_dim3A_794 = vector.shape_cast %broadcast_in_dim3A_793 : vector<16xi32> to vector<16x1xi32>
        %gather3A_795 = vector.shape_cast %broadcast_in_dim3A_794 : vector<16x1xi32> to vector<16xi32>
        %gather3A_796 = tpu.dynamic_gather %gather3A_284[%gather3A_795] in [0] : vector<16xf32>, vector<16xi32> -> vector<16xf32>
        %add3A_797 = arith.addi %gather3A_771, %sub3A_72 : vector<16xi32>
        %add3A_798 = arith.addi %gather3A_776, %sub3A_97 : vector<16xi32>
        %convert_element_type3A_799 = arith.sitofp %add3A_797 : vector<16xi32> to vector<16xf32>
        %add3A_800 = arith.constant 5.000000e-01 : f32
        %add3A_801 = vector.broadcast %add3A_800 : f32 to vector<16xf32>
        %add3A_802 = arith.addf %convert_element_type3A_799, %add3A_801 : vector<16xf32>
        %mul3A_803 = arith.constant 7.812500e-03 : f32
        %mul3A_804 = vector.broadcast %mul3A_803 : f32 to vector<16xf32>
        %mul3A_805 = arith.mulf %add3A_802, %mul3A_804 : vector<16xf32>
        %sub3A_806 = arith.subf %mul3A_805, %gather3A_761 : vector<16xf32>
        %convert_element_type3A_807 = arith.sitofp %add3A_798 : vector<16xi32> to vector<16xf32>
        %add3A_808 = arith.constant 5.000000e-01 : f32
        %add3A_809 = vector.broadcast %add3A_808 : f32 to vector<16xf32>
        %add3A_810 = arith.addf %convert_element_type3A_807, %add3A_809 : vector<16xf32>
        %mul3A_811 = arith.constant 7.812500e-03 : f32
        %mul3A_812 = vector.broadcast %mul3A_811 : f32 to vector<16xf32>
        %mul3A_813 = arith.mulf %add3A_810, %mul3A_812 : vector<16xf32>
        %sub3A_814 = arith.subf %mul3A_813, %gather3A_766 : vector<16xf32>
        %mul3A_815 = arith.mulf %sub3A_806, %sub3A_806 : vector<16xf32>
        %add3A_816 = arith.addf %gather3A_781, %mul3A_815 : vector<16xf32>
        %mul3A_817 = arith.mulf %sub3A_814, %sub3A_814 : vector<16xf32>
        %add3A_818 = arith.addf %add3A_816, %mul3A_817 : vector<16xf32>
        %mul3A_819 = arith.constant -3600.07202 : f32
        %mul3A_820 = vector.broadcast %mul3A_819 : f32 to vector<16xf32>
        %mul3A_821 = arith.mulf %add3A_818, %mul3A_820 : vector<16xf32>
        %exp3A_822 = math.exp %mul3A_821 : vector<16xf32>
        %mul3A_823 = arith.mulf %exp3A_822, %gather3A_786 : vector<16xf32>
        %mul3A_824 = arith.mulf %exp3A_822, %gather3A_791 : vector<16xf32>
        %mul3A_825 = arith.mulf %exp3A_822, %gather3A_796 : vector<16xf32>
        %broadcast_in_dim3A_826 = arith.constant 0 : i32
        %broadcast_in_dim3A_827 = vector.broadcast %broadcast_in_dim3A_826 : i32 to vector<16xi32>
        tpu.vector_store_idx %arg13[%broadcast_in_dim3A_827, %add3A_797, %add3A_798], %mul3A_823 {add = true} : memref<4x128x128xf32, #tpu.memory_space<vmem>>[vector<16xi32>, vector<16xi32>, vector<16xi32>], vector<16xf32>,
        %broadcast_in_dim3A_828 = arith.constant 1 : i32
        %broadcast_in_dim3A_829 = vector.broadcast %broadcast_in_dim3A_828 : i32 to vector<16xi32>
        tpu.vector_store_idx %arg13[%broadcast_in_dim3A_829, %add3A_797, %add3A_798], %mul3A_824 {add = true} : memref<4x128x128xf32, #tpu.memory_space<vmem>>[vector<16xi32>, vector<16xi32>, vector<16xi32>], vector<16xf32>,
        %broadcast_in_dim3A_830 = arith.constant 2 : i32
        %broadcast_in_dim3A_831 = vector.broadcast %broadcast_in_dim3A_830 : i32 to vector<16xi32>
        tpu.vector_store_idx %arg13[%broadcast_in_dim3A_831, %add3A_797, %add3A_798], %mul3A_825 {add = true} : memref<4x128x128xf32, #tpu.memory_space<vmem>>[vector<16xi32>, vector<16xi32>, vector<16xi32>], vector<16xf32>,
        %broadcast_in_dim3A_832 = arith.constant 3 : i32
        %broadcast_in_dim3A_833 = vector.broadcast %broadcast_in_dim3A_832 : i32 to vector<16xi32>
        tpu.vector_store_idx %arg13[%broadcast_in_dim3A_833, %add3A_797, %add3A_798], %exp3A_822 {add = true} : memref<4x128x128xf32, #tpu.memory_space<vmem>>[vector<16xi32>, vector<16xi32>, vector<16xi32>], vector<16xf32>,
        %add3A_834 = arith.addi %gather3A_771, %select_n3A_140 : vector<16xi32>
        %add3A_835 = arith.addi %gather3A_776, %select_n3A_168 : vector<16xi32>
        %convert_element_type3A_836 = arith.sitofp %add3A_834 : vector<16xi32> to vector<16xf32>
        %add3A_837 = arith.constant 5.000000e-01 : f32
        %add3A_838 = vector.broadcast %add3A_837 : f32 to vector<16xf32>
        %add3A_839 = arith.addf %convert_element_type3A_836, %add3A_838 : vector<16xf32>
        %mul3A_840 = arith.constant 7.812500e-03 : f32
        %mul3A_841 = vector.broadcast %mul3A_840 : f32 to vector<16xf32>
        %mul3A_842 = arith.mulf %add3A_839, %mul3A_841 : vector<16xf32>
        %sub3A_843 = arith.subf %mul3A_842, %gather3A_761 : vector<16xf32>
        %convert_element_type3A_844 = arith.sitofp %add3A_835 : vector<16xi32> to vector<16xf32>
        %add3A_845 = arith.constant 5.000000e-01 : f32
        %add3A_846 = vector.broadcast %add3A_845 : f32 to vector<16xf32>
        %add3A_847 = arith.addf %convert_element_type3A_844, %add3A_846 : vector<16xf32>
        %mul3A_848 = arith.constant 7.812500e-03 : f32
        %mul3A_849 = vector.broadcast %mul3A_848 : f32 to vector<16xf32>
        %mul3A_850 = arith.mulf %add3A_847, %mul3A_849 : vector<16xf32>
        %sub3A_851 = arith.subf %mul3A_850, %gather3A_766 : vector<16xf32>
        %mul3A_852 = arith.mulf %sub3A_843, %sub3A_843 : vector<16xf32>
        %add3A_853 = arith.addf %gather3A_781, %mul3A_852 : vector<16xf32>
        %mul3A_854 = arith.mulf %sub3A_851, %sub3A_851 : vector<16xf32>
        %add3A_855 = arith.addf %add3A_853, %mul3A_854 : vector<16xf32>
        %mul3A_856 = arith.constant -3600.07202 : f32
        %mul3A_857 = vector.broadcast %mul3A_856 : f32 to vector<16xf32>
        %mul3A_858 = arith.mulf %add3A_855, %mul3A_857 : vector<16xf32>
        %exp3A_859 = math.exp %mul3A_858 : vector<16xf32>
        %mul3A_860 = arith.mulf %exp3A_859, %gather3A_786 : vector<16xf32>
        %mul3A_861 = arith.mulf %exp3A_859, %gather3A_791 : vector<16xf32>
        %mul3A_862 = arith.mulf %exp3A_859, %gather3A_796 : vector<16xf32>
        %broadcast_in_dim3A_863 = arith.constant 0 : i32
        %broadcast_in_dim3A_864 = vector.broadcast %broadcast_in_dim3A_863 : i32 to vector<16xi32>
        tpu.vector_store_idx %arg13[%broadcast_in_dim3A_864, %add3A_834, %add3A_835], %mul3A_860 masked %lt3A_103 {add = true} : memref<4x128x128xf32, #tpu.memory_space<vmem>>[vector<16xi32>, vector<16xi32>, vector<16xi32>], vector<16xf32>, vector<16xi1>
        %broadcast_in_dim3A_865 = arith.constant 1 : i32
        %broadcast_in_dim3A_866 = vector.broadcast %broadcast_in_dim3A_865 : i32 to vector<16xi32>
        tpu.vector_store_idx %arg13[%broadcast_in_dim3A_866, %add3A_834, %add3A_835], %mul3A_861 masked %lt3A_103 {add = true} : memref<4x128x128xf32, #tpu.memory_space<vmem>>[vector<16xi32>, vector<16xi32>, vector<16xi32>], vector<16xf32>, vector<16xi1>
        %broadcast_in_dim3A_867 = arith.constant 2 : i32
        %broadcast_in_dim3A_868 = vector.broadcast %broadcast_in_dim3A_867 : i32 to vector<16xi32>
        tpu.vector_store_idx %arg13[%broadcast_in_dim3A_868, %add3A_834, %add3A_835], %mul3A_862 masked %lt3A_103 {add = true} : memref<4x128x128xf32, #tpu.memory_space<vmem>>[vector<16xi32>, vector<16xi32>, vector<16xi32>], vector<16xf32>, vector<16xi1>
        %broadcast_in_dim3A_869 = arith.constant 3 : i32
        %broadcast_in_dim3A_870 = vector.broadcast %broadcast_in_dim3A_869 : i32 to vector<16xi32>
        tpu.vector_store_idx %arg13[%broadcast_in_dim3A_870, %add3A_834, %add3A_835], %exp3A_859 masked %lt3A_103 {add = true} : memref<4x128x128xf32, #tpu.memory_space<vmem>>[vector<16xi32>, vector<16xi32>, vector<16xi32>], vector<16xf32>, vector<16xi1>
        %broadcast_in_dim3A_871 = arith.constant 5 : i32
        %broadcast_in_dim3A_872 = vector.broadcast %broadcast_in_dim3A_871 : i32 to vector<16xi32>
        %broadcast_in_dim3A_873 = vector.shape_cast %broadcast_in_dim3A_872 : vector<16xi32> to vector<16x1xi32>
        %gather3A_874 = vector.shape_cast %broadcast_in_dim3A_873 : vector<16x1xi32> to vector<16xi32>
        %gather3A_875 = tpu.dynamic_gather %gather3A_280[%gather3A_874] in [0] : vector<16xf32>, vector<16xi32> -> vector<16xf32>
        %broadcast_in_dim3A_876 = arith.constant 5 : i32
        %broadcast_in_dim3A_877 = vector.broadcast %broadcast_in_dim3A_876 : i32 to vector<16xi32>
        %broadcast_in_dim3A_878 = vector.shape_cast %broadcast_in_dim3A_877 : vector<16xi32> to vector<16x1xi32>
        %gather3A_879 = vector.shape_cast %broadcast_in_dim3A_878 : vector<16x1xi32> to vector<16xi32>
        %gather3A_880 = tpu.dynamic_gather %gather3A_281[%gather3A_879] in [0] : vector<16xf32>, vector<16xi32> -> vector<16xf32>
        %broadcast_in_dim3A_881 = arith.constant 5 : i32
        %broadcast_in_dim3A_882 = vector.broadcast %broadcast_in_dim3A_881 : i32 to vector<16xi32>
        %broadcast_in_dim3A_883 = vector.shape_cast %broadcast_in_dim3A_882 : vector<16xi32> to vector<16x1xi32>
        %gather3A_884 = vector.shape_cast %broadcast_in_dim3A_883 : vector<16x1xi32> to vector<16xi32>
        %gather3A_885 = tpu.dynamic_gather %convert_element_type3A_291[%gather3A_884] in [0] : vector<16xi32>, vector<16xi32> -> vector<16xi32>
        %broadcast_in_dim3A_886 = arith.constant 5 : i32
        %broadcast_in_dim3A_887 = vector.broadcast %broadcast_in_dim3A_886 : i32 to vector<16xi32>
        %broadcast_in_dim3A_888 = vector.shape_cast %broadcast_in_dim3A_887 : vector<16xi32> to vector<16x1xi32>
        %gather3A_889 = vector.shape_cast %broadcast_in_dim3A_888 : vector<16x1xi32> to vector<16xi32>
        %gather3A_890 = tpu.dynamic_gather %convert_element_type3A_298[%gather3A_889] in [0] : vector<16xi32>, vector<16xi32> -> vector<16xi32>
        %broadcast_in_dim3A_891 = arith.constant 5 : i32
        %broadcast_in_dim3A_892 = vector.broadcast %broadcast_in_dim3A_891 : i32 to vector<16xi32>
        %broadcast_in_dim3A_893 = vector.shape_cast %broadcast_in_dim3A_892 : vector<16xi32> to vector<16x1xi32>
        %gather3A_894 = vector.shape_cast %broadcast_in_dim3A_893 : vector<16x1xi32> to vector<16xi32>
        %gather3A_895 = tpu.dynamic_gather %mul3A_301[%gather3A_894] in [0] : vector<16xf32>, vector<16xi32> -> vector<16xf32>
        %broadcast_in_dim3A_896 = arith.constant 5 : i32
        %broadcast_in_dim3A_897 = vector.broadcast %broadcast_in_dim3A_896 : i32 to vector<16xi32>
        %broadcast_in_dim3A_898 = vector.shape_cast %broadcast_in_dim3A_897 : vector<16xi32> to vector<16x1xi32>
        %gather3A_899 = vector.shape_cast %broadcast_in_dim3A_898 : vector<16x1xi32> to vector<16xi32>
        %gather3A_900 = tpu.dynamic_gather %gather3A_282[%gather3A_899] in [0] : vector<16xf32>, vector<16xi32> -> vector<16xf32>
        %broadcast_in_dim3A_901 = arith.constant 5 : i32
        %broadcast_in_dim3A_902 = vector.broadcast %broadcast_in_dim3A_901 : i32 to vector<16xi32>
        %broadcast_in_dim3A_903 = vector.shape_cast %broadcast_in_dim3A_902 : vector<16xi32> to vector<16x1xi32>
        %gather3A_904 = vector.shape_cast %broadcast_in_dim3A_903 : vector<16x1xi32> to vector<16xi32>
        %gather3A_905 = tpu.dynamic_gather %gather3A_283[%gather3A_904] in [0] : vector<16xf32>, vector<16xi32> -> vector<16xf32>
        %broadcast_in_dim3A_906 = arith.constant 5 : i32
        %broadcast_in_dim3A_907 = vector.broadcast %broadcast_in_dim3A_906 : i32 to vector<16xi32>
        %broadcast_in_dim3A_908 = vector.shape_cast %broadcast_in_dim3A_907 : vector<16xi32> to vector<16x1xi32>
        %gather3A_909 = vector.shape_cast %broadcast_in_dim3A_908 : vector<16x1xi32> to vector<16xi32>
        %gather3A_910 = tpu.dynamic_gather %gather3A_284[%gather3A_909] in [0] : vector<16xf32>, vector<16xi32> -> vector<16xf32>
        %add3A_911 = arith.addi %gather3A_885, %sub3A_72 : vector<16xi32>
        %add3A_912 = arith.addi %gather3A_890, %sub3A_97 : vector<16xi32>
        %convert_element_type3A_913 = arith.sitofp %add3A_911 : vector<16xi32> to vector<16xf32>
        %add3A_914 = arith.constant 5.000000e-01 : f32
        %add3A_915 = vector.broadcast %add3A_914 : f32 to vector<16xf32>
        %add3A_916 = arith.addf %convert_element_type3A_913, %add3A_915 : vector<16xf32>
        %mul3A_917 = arith.constant 7.812500e-03 : f32
        %mul3A_918 = vector.broadcast %mul3A_917 : f32 to vector<16xf32>
        %mul3A_919 = arith.mulf %add3A_916, %mul3A_918 : vector<16xf32>
        %sub3A_920 = arith.subf %mul3A_919, %gather3A_875 : vector<16xf32>
        %convert_element_type3A_921 = arith.sitofp %add3A_912 : vector<16xi32> to vector<16xf32>
        %add3A_922 = arith.constant 5.000000e-01 : f32
        %add3A_923 = vector.broadcast %add3A_922 : f32 to vector<16xf32>
        %add3A_924 = arith.addf %convert_element_type3A_921, %add3A_923 : vector<16xf32>
        %mul3A_925 = arith.constant 7.812500e-03 : f32
        %mul3A_926 = vector.broadcast %mul3A_925 : f32 to vector<16xf32>
        %mul3A_927 = arith.mulf %add3A_924, %mul3A_926 : vector<16xf32>
        %sub3A_928 = arith.subf %mul3A_927, %gather3A_880 : vector<16xf32>
        %mul3A_929 = arith.mulf %sub3A_920, %sub3A_920 : vector<16xf32>
        %add3A_930 = arith.addf %gather3A_895, %mul3A_929 : vector<16xf32>
        %mul3A_931 = arith.mulf %sub3A_928, %sub3A_928 : vector<16xf32>
        %add3A_932 = arith.addf %add3A_930, %mul3A_931 : vector<16xf32>
        %mul3A_933 = arith.constant -3600.07202 : f32
        %mul3A_934 = vector.broadcast %mul3A_933 : f32 to vector<16xf32>
        %mul3A_935 = arith.mulf %add3A_932, %mul3A_934 : vector<16xf32>
        %exp3A_936 = math.exp %mul3A_935 : vector<16xf32>
        %mul3A_937 = arith.mulf %exp3A_936, %gather3A_900 : vector<16xf32>
        %mul3A_938 = arith.mulf %exp3A_936, %gather3A_905 : vector<16xf32>
        %mul3A_939 = arith.mulf %exp3A_936, %gather3A_910 : vector<16xf32>
        %broadcast_in_dim3A_940 = arith.constant 0 : i32
        %broadcast_in_dim3A_941 = vector.broadcast %broadcast_in_dim3A_940 : i32 to vector<16xi32>
        tpu.vector_store_idx %arg13[%broadcast_in_dim3A_941, %add3A_911, %add3A_912], %mul3A_937 {add = true} : memref<4x128x128xf32, #tpu.memory_space<vmem>>[vector<16xi32>, vector<16xi32>, vector<16xi32>], vector<16xf32>,
        %broadcast_in_dim3A_942 = arith.constant 1 : i32
        %broadcast_in_dim3A_943 = vector.broadcast %broadcast_in_dim3A_942 : i32 to vector<16xi32>
        tpu.vector_store_idx %arg13[%broadcast_in_dim3A_943, %add3A_911, %add3A_912], %mul3A_938 {add = true} : memref<4x128x128xf32, #tpu.memory_space<vmem>>[vector<16xi32>, vector<16xi32>, vector<16xi32>], vector<16xf32>,
        %broadcast_in_dim3A_944 = arith.constant 2 : i32
        %broadcast_in_dim3A_945 = vector.broadcast %broadcast_in_dim3A_944 : i32 to vector<16xi32>
        tpu.vector_store_idx %arg13[%broadcast_in_dim3A_945, %add3A_911, %add3A_912], %mul3A_939 {add = true} : memref<4x128x128xf32, #tpu.memory_space<vmem>>[vector<16xi32>, vector<16xi32>, vector<16xi32>], vector<16xf32>,
        %broadcast_in_dim3A_946 = arith.constant 3 : i32
        %broadcast_in_dim3A_947 = vector.broadcast %broadcast_in_dim3A_946 : i32 to vector<16xi32>
        tpu.vector_store_idx %arg13[%broadcast_in_dim3A_947, %add3A_911, %add3A_912], %exp3A_936 {add = true} : memref<4x128x128xf32, #tpu.memory_space<vmem>>[vector<16xi32>, vector<16xi32>, vector<16xi32>], vector<16xf32>,
        %add3A_948 = arith.addi %gather3A_885, %select_n3A_140 : vector<16xi32>
        %add3A_949 = arith.addi %gather3A_890, %select_n3A_168 : vector<16xi32>
        %convert_element_type3A_950 = arith.sitofp %add3A_948 : vector<16xi32> to vector<16xf32>
        %add3A_951 = arith.constant 5.000000e-01 : f32
        %add3A_952 = vector.broadcast %add3A_951 : f32 to vector<16xf32>
        %add3A_953 = arith.addf %convert_element_type3A_950, %add3A_952 : vector<16xf32>
        %mul3A_954 = arith.constant 7.812500e-03 : f32
        %mul3A_955 = vector.broadcast %mul3A_954 : f32 to vector<16xf32>
        %mul3A_956 = arith.mulf %add3A_953, %mul3A_955 : vector<16xf32>
        %sub3A_957 = arith.subf %mul3A_956, %gather3A_875 : vector<16xf32>
        %convert_element_type3A_958 = arith.sitofp %add3A_949 : vector<16xi32> to vector<16xf32>
        %add3A_959 = arith.constant 5.000000e-01 : f32
        %add3A_960 = vector.broadcast %add3A_959 : f32 to vector<16xf32>
        %add3A_961 = arith.addf %convert_element_type3A_958, %add3A_960 : vector<16xf32>
        %mul3A_962 = arith.constant 7.812500e-03 : f32
        %mul3A_963 = vector.broadcast %mul3A_962 : f32 to vector<16xf32>
        %mul3A_964 = arith.mulf %add3A_961, %mul3A_963 : vector<16xf32>
        %sub3A_965 = arith.subf %mul3A_964, %gather3A_880 : vector<16xf32>
        %mul3A_966 = arith.mulf %sub3A_957, %sub3A_957 : vector<16xf32>
        %add3A_967 = arith.addf %gather3A_895, %mul3A_966 : vector<16xf32>
        %mul3A_968 = arith.mulf %sub3A_965, %sub3A_965 : vector<16xf32>
        %add3A_969 = arith.addf %add3A_967, %mul3A_968 : vector<16xf32>
        %mul3A_970 = arith.constant -3600.07202 : f32
        %mul3A_971 = vector.broadcast %mul3A_970 : f32 to vector<16xf32>
        %mul3A_972 = arith.mulf %add3A_969, %mul3A_971 : vector<16xf32>
        %exp3A_973 = math.exp %mul3A_972 : vector<16xf32>
        %mul3A_974 = arith.mulf %exp3A_973, %gather3A_900 : vector<16xf32>
        %mul3A_975 = arith.mulf %exp3A_973, %gather3A_905 : vector<16xf32>
        %mul3A_976 = arith.mulf %exp3A_973, %gather3A_910 : vector<16xf32>
        %broadcast_in_dim3A_977 = arith.constant 0 : i32
        %broadcast_in_dim3A_978 = vector.broadcast %broadcast_in_dim3A_977 : i32 to vector<16xi32>
        tpu.vector_store_idx %arg13[%broadcast_in_dim3A_978, %add3A_948, %add3A_949], %mul3A_974 masked %lt3A_103 {add = true} : memref<4x128x128xf32, #tpu.memory_space<vmem>>[vector<16xi32>, vector<16xi32>, vector<16xi32>], vector<16xf32>, vector<16xi1>
        %broadcast_in_dim3A_979 = arith.constant 1 : i32
        %broadcast_in_dim3A_980 = vector.broadcast %broadcast_in_dim3A_979 : i32 to vector<16xi32>
        tpu.vector_store_idx %arg13[%broadcast_in_dim3A_980, %add3A_948, %add3A_949], %mul3A_975 masked %lt3A_103 {add = true} : memref<4x128x128xf32, #tpu.memory_space<vmem>>[vector<16xi32>, vector<16xi32>, vector<16xi32>], vector<16xf32>, vector<16xi1>
        %broadcast_in_dim3A_981 = arith.constant 2 : i32
        %broadcast_in_dim3A_982 = vector.broadcast %broadcast_in_dim3A_981 : i32 to vector<16xi32>
        tpu.vector_store_idx %arg13[%broadcast_in_dim3A_982, %add3A_948, %add3A_949], %mul3A_976 masked %lt3A_103 {add = true} : memref<4x128x128xf32, #tpu.memory_space<vmem>>[vector<16xi32>, vector<16xi32>, vector<16xi32>], vector<16xf32>, vector<16xi1>
        %broadcast_in_dim3A_983 = arith.constant 3 : i32
        %broadcast_in_dim3A_984 = vector.broadcast %broadcast_in_dim3A_983 : i32 to vector<16xi32>
        tpu.vector_store_idx %arg13[%broadcast_in_dim3A_984, %add3A_948, %add3A_949], %exp3A_973 masked %lt3A_103 {add = true} : memref<4x128x128xf32, #tpu.memory_space<vmem>>[vector<16xi32>, vector<16xi32>, vector<16xi32>], vector<16xf32>, vector<16xi1>
        %broadcast_in_dim3A_985 = arith.constant 6 : i32
        %broadcast_in_dim3A_986 = vector.broadcast %broadcast_in_dim3A_985 : i32 to vector<16xi32>
        %broadcast_in_dim3A_987 = vector.shape_cast %broadcast_in_dim3A_986 : vector<16xi32> to vector<16x1xi32>
        %gather3A_988 = vector.shape_cast %broadcast_in_dim3A_987 : vector<16x1xi32> to vector<16xi32>
        %gather3A_989 = tpu.dynamic_gather %gather3A_280[%gather3A_988] in [0] : vector<16xf32>, vector<16xi32> -> vector<16xf32>
        %broadcast_in_dim3A_990 = arith.constant 6 : i32
        %broadcast_in_dim3A_991 = vector.broadcast %broadcast_in_dim3A_990 : i32 to vector<16xi32>
        %broadcast_in_dim3A_992 = vector.shape_cast %broadcast_in_dim3A_991 : vector<16xi32> to vector<16x1xi32>
        %gather3A_993 = vector.shape_cast %broadcast_in_dim3A_992 : vector<16x1xi32> to vector<16xi32>
        %gather3A_994 = tpu.dynamic_gather %gather3A_281[%gather3A_993] in [0] : vector<16xf32>, vector<16xi32> -> vector<16xf32>
        %broadcast_in_dim3A_995 = arith.constant 6 : i32
        %broadcast_in_dim3A_996 = vector.broadcast %broadcast_in_dim3A_995 : i32 to vector<16xi32>
        %broadcast_in_dim3A_997 = vector.shape_cast %broadcast_in_dim3A_996 : vector<16xi32> to vector<16x1xi32>
        %gather3A_998 = vector.shape_cast %broadcast_in_dim3A_997 : vector<16x1xi32> to vector<16xi32>
        %gather3A_999 = tpu.dynamic_gather %convert_element_type3A_291[%gather3A_998] in [0] : vector<16xi32>, vector<16xi32> -> vector<16xi32>
        %broadcast_in_dim3A_1000 = arith.constant 6 : i32
        %broadcast_in_dim3A_1001 = vector.broadcast %broadcast_in_dim3A_1000 : i32 to vector<16xi32>
        %broadcast_in_dim3A_1002 = vector.shape_cast %broadcast_in_dim3A_1001 : vector<16xi32> to vector<16x1xi32>
        %gather3A_1003 = vector.shape_cast %broadcast_in_dim3A_1002 : vector<16x1xi32> to vector<16xi32>
        %gather3A_1004 = tpu.dynamic_gather %convert_element_type3A_298[%gather3A_1003] in [0] : vector<16xi32>, vector<16xi32> -> vector<16xi32>
        %broadcast_in_dim3A_1005 = arith.constant 6 : i32
        %broadcast_in_dim3A_1006 = vector.broadcast %broadcast_in_dim3A_1005 : i32 to vector<16xi32>
        %broadcast_in_dim3A_1007 = vector.shape_cast %broadcast_in_dim3A_1006 : vector<16xi32> to vector<16x1xi32>
        %gather3A_1008 = vector.shape_cast %broadcast_in_dim3A_1007 : vector<16x1xi32> to vector<16xi32>
        %gather3A_1009 = tpu.dynamic_gather %mul3A_301[%gather3A_1008] in [0] : vector<16xf32>, vector<16xi32> -> vector<16xf32>
        %broadcast_in_dim3A_1010 = arith.constant 6 : i32
        %broadcast_in_dim3A_1011 = vector.broadcast %broadcast_in_dim3A_1010 : i32 to vector<16xi32>
        %broadcast_in_dim3A_1012 = vector.shape_cast %broadcast_in_dim3A_1011 : vector<16xi32> to vector<16x1xi32>
        %gather3A_1013 = vector.shape_cast %broadcast_in_dim3A_1012 : vector<16x1xi32> to vector<16xi32>
        %gather3A_1014 = tpu.dynamic_gather %gather3A_282[%gather3A_1013] in [0] : vector<16xf32>, vector<16xi32> -> vector<16xf32>
        %broadcast_in_dim3A_1015 = arith.constant 6 : i32
        %broadcast_in_dim3A_1016 = vector.broadcast %broadcast_in_dim3A_1015 : i32 to vector<16xi32>
        %broadcast_in_dim3A_1017 = vector.shape_cast %broadcast_in_dim3A_1016 : vector<16xi32> to vector<16x1xi32>
        %gather3A_1018 = vector.shape_cast %broadcast_in_dim3A_1017 : vector<16x1xi32> to vector<16xi32>
        %gather3A_1019 = tpu.dynamic_gather %gather3A_283[%gather3A_1018] in [0] : vector<16xf32>, vector<16xi32> -> vector<16xf32>
        %broadcast_in_dim3A_1020 = arith.constant 6 : i32
        %broadcast_in_dim3A_1021 = vector.broadcast %broadcast_in_dim3A_1020 : i32 to vector<16xi32>
        %broadcast_in_dim3A_1022 = vector.shape_cast %broadcast_in_dim3A_1021 : vector<16xi32> to vector<16x1xi32>
        %gather3A_1023 = vector.shape_cast %broadcast_in_dim3A_1022 : vector<16x1xi32> to vector<16xi32>
        %gather3A_1024 = tpu.dynamic_gather %gather3A_284[%gather3A_1023] in [0] : vector<16xf32>, vector<16xi32> -> vector<16xf32>
        %add3A_1025 = arith.addi %gather3A_999, %sub3A_72 : vector<16xi32>
        %add3A_1026 = arith.addi %gather3A_1004, %sub3A_97 : vector<16xi32>
        %convert_element_type3A_1027 = arith.sitofp %add3A_1025 : vector<16xi32> to vector<16xf32>
        %add3A_1028 = arith.constant 5.000000e-01 : f32
        %add3A_1029 = vector.broadcast %add3A_1028 : f32 to vector<16xf32>
        %add3A_1030 = arith.addf %convert_element_type3A_1027, %add3A_1029 : vector<16xf32>
        %mul3A_1031 = arith.constant 7.812500e-03 : f32
        %mul3A_1032 = vector.broadcast %mul3A_1031 : f32 to vector<16xf32>
        %mul3A_1033 = arith.mulf %add3A_1030, %mul3A_1032 : vector<16xf32>
        %sub3A_1034 = arith.subf %mul3A_1033, %gather3A_989 : vector<16xf32>
        %convert_element_type3A_1035 = arith.sitofp %add3A_1026 : vector<16xi32> to vector<16xf32>
        %add3A_1036 = arith.constant 5.000000e-01 : f32
        %add3A_1037 = vector.broadcast %add3A_1036 : f32 to vector<16xf32>
        %add3A_1038 = arith.addf %convert_element_type3A_1035, %add3A_1037 : vector<16xf32>
        %mul3A_1039 = arith.constant 7.812500e-03 : f32
        %mul3A_1040 = vector.broadcast %mul3A_1039 : f32 to vector<16xf32>
        %mul3A_1041 = arith.mulf %add3A_1038, %mul3A_1040 : vector<16xf32>
        %sub3A_1042 = arith.subf %mul3A_1041, %gather3A_994 : vector<16xf32>
        %mul3A_1043 = arith.mulf %sub3A_1034, %sub3A_1034 : vector<16xf32>
        %add3A_1044 = arith.addf %gather3A_1009, %mul3A_1043 : vector<16xf32>
        %mul3A_1045 = arith.mulf %sub3A_1042, %sub3A_1042 : vector<16xf32>
        %add3A_1046 = arith.addf %add3A_1044, %mul3A_1045 : vector<16xf32>
        %mul3A_1047 = arith.constant -3600.07202 : f32
        %mul3A_1048 = vector.broadcast %mul3A_1047 : f32 to vector<16xf32>
        %mul3A_1049 = arith.mulf %add3A_1046, %mul3A_1048 : vector<16xf32>
        %exp3A_1050 = math.exp %mul3A_1049 : vector<16xf32>
        %mul3A_1051 = arith.mulf %exp3A_1050, %gather3A_1014 : vector<16xf32>
        %mul3A_1052 = arith.mulf %exp3A_1050, %gather3A_1019 : vector<16xf32>
        %mul3A_1053 = arith.mulf %exp3A_1050, %gather3A_1024 : vector<16xf32>
        %broadcast_in_dim3A_1054 = arith.constant 0 : i32
        %broadcast_in_dim3A_1055 = vector.broadcast %broadcast_in_dim3A_1054 : i32 to vector<16xi32>
        tpu.vector_store_idx %arg13[%broadcast_in_dim3A_1055, %add3A_1025, %add3A_1026], %mul3A_1051 {add = true} : memref<4x128x128xf32, #tpu.memory_space<vmem>>[vector<16xi32>, vector<16xi32>, vector<16xi32>], vector<16xf32>,
        %broadcast_in_dim3A_1056 = arith.constant 1 : i32
        %broadcast_in_dim3A_1057 = vector.broadcast %broadcast_in_dim3A_1056 : i32 to vector<16xi32>
        tpu.vector_store_idx %arg13[%broadcast_in_dim3A_1057, %add3A_1025, %add3A_1026], %mul3A_1052 {add = true} : memref<4x128x128xf32, #tpu.memory_space<vmem>>[vector<16xi32>, vector<16xi32>, vector<16xi32>], vector<16xf32>,
        %broadcast_in_dim3A_1058 = arith.constant 2 : i32
        %broadcast_in_dim3A_1059 = vector.broadcast %broadcast_in_dim3A_1058 : i32 to vector<16xi32>
        tpu.vector_store_idx %arg13[%broadcast_in_dim3A_1059, %add3A_1025, %add3A_1026], %mul3A_1053 {add = true} : memref<4x128x128xf32, #tpu.memory_space<vmem>>[vector<16xi32>, vector<16xi32>, vector<16xi32>], vector<16xf32>,
        %broadcast_in_dim3A_1060 = arith.constant 3 : i32
        %broadcast_in_dim3A_1061 = vector.broadcast %broadcast_in_dim3A_1060 : i32 to vector<16xi32>
        tpu.vector_store_idx %arg13[%broadcast_in_dim3A_1061, %add3A_1025, %add3A_1026], %exp3A_1050 {add = true} : memref<4x128x128xf32, #tpu.memory_space<vmem>>[vector<16xi32>, vector<16xi32>, vector<16xi32>], vector<16xf32>,
        %add3A_1062 = arith.addi %gather3A_999, %select_n3A_140 : vector<16xi32>
        %add3A_1063 = arith.addi %gather3A_1004, %select_n3A_168 : vector<16xi32>
        %convert_element_type3A_1064 = arith.sitofp %add3A_1062 : vector<16xi32> to vector<16xf32>
        %add3A_1065 = arith.constant 5.000000e-01 : f32
        %add3A_1066 = vector.broadcast %add3A_1065 : f32 to vector<16xf32>
        %add3A_1067 = arith.addf %convert_element_type3A_1064, %add3A_1066 : vector<16xf32>
        %mul3A_1068 = arith.constant 7.812500e-03 : f32
        %mul3A_1069 = vector.broadcast %mul3A_1068 : f32 to vector<16xf32>
        %mul3A_1070 = arith.mulf %add3A_1067, %mul3A_1069 : vector<16xf32>
        %sub3A_1071 = arith.subf %mul3A_1070, %gather3A_989 : vector<16xf32>
        %convert_element_type3A_1072 = arith.sitofp %add3A_1063 : vector<16xi32> to vector<16xf32>
        %add3A_1073 = arith.constant 5.000000e-01 : f32
        %add3A_1074 = vector.broadcast %add3A_1073 : f32 to vector<16xf32>
        %add3A_1075 = arith.addf %convert_element_type3A_1072, %add3A_1074 : vector<16xf32>
        %mul3A_1076 = arith.constant 7.812500e-03 : f32
        %mul3A_1077 = vector.broadcast %mul3A_1076 : f32 to vector<16xf32>
        %mul3A_1078 = arith.mulf %add3A_1075, %mul3A_1077 : vector<16xf32>
        %sub3A_1079 = arith.subf %mul3A_1078, %gather3A_994 : vector<16xf32>
        %mul3A_1080 = arith.mulf %sub3A_1071, %sub3A_1071 : vector<16xf32>
        %add3A_1081 = arith.addf %gather3A_1009, %mul3A_1080 : vector<16xf32>
        %mul3A_1082 = arith.mulf %sub3A_1079, %sub3A_1079 : vector<16xf32>
        %add3A_1083 = arith.addf %add3A_1081, %mul3A_1082 : vector<16xf32>
        %mul3A_1084 = arith.constant -3600.07202 : f32
        %mul3A_1085 = vector.broadcast %mul3A_1084 : f32 to vector<16xf32>
        %mul3A_1086 = arith.mulf %add3A_1083, %mul3A_1085 : vector<16xf32>
        %exp3A_1087 = math.exp %mul3A_1086 : vector<16xf32>
        %mul3A_1088 = arith.mulf %exp3A_1087, %gather3A_1014 : vector<16xf32>
        %mul3A_1089 = arith.mulf %exp3A_1087, %gather3A_1019 : vector<16xf32>
        %mul3A_1090 = arith.mulf %exp3A_1087, %gather3A_1024 : vector<16xf32>
        %broadcast_in_dim3A_1091 = arith.constant 0 : i32
        %broadcast_in_dim3A_1092 = vector.broadcast %broadcast_in_dim3A_1091 : i32 to vector<16xi32>
        tpu.vector_store_idx %arg13[%broadcast_in_dim3A_1092, %add3A_1062, %add3A_1063], %mul3A_1088 masked %lt3A_103 {add = true} : memref<4x128x128xf32, #tpu.memory_space<vmem>>[vector<16xi32>, vector<16xi32>, vector<16xi32>], vector<16xf32>, vector<16xi1>
        %broadcast_in_dim3A_1093 = arith.constant 1 : i32
        %broadcast_in_dim3A_1094 = vector.broadcast %broadcast_in_dim3A_1093 : i32 to vector<16xi32>
        tpu.vector_store_idx %arg13[%broadcast_in_dim3A_1094, %add3A_1062, %add3A_1063], %mul3A_1089 masked %lt3A_103 {add = true} : memref<4x128x128xf32, #tpu.memory_space<vmem>>[vector<16xi32>, vector<16xi32>, vector<16xi32>], vector<16xf32>, vector<16xi1>
        %broadcast_in_dim3A_1095 = arith.constant 2 : i32
        %broadcast_in_dim3A_1096 = vector.broadcast %broadcast_in_dim3A_1095 : i32 to vector<16xi32>
        tpu.vector_store_idx %arg13[%broadcast_in_dim3A_1096, %add3A_1062, %add3A_1063], %mul3A_1090 masked %lt3A_103 {add = true} : memref<4x128x128xf32, #tpu.memory_space<vmem>>[vector<16xi32>, vector<16xi32>, vector<16xi32>], vector<16xf32>, vector<16xi1>
        %broadcast_in_dim3A_1097 = arith.constant 3 : i32
        %broadcast_in_dim3A_1098 = vector.broadcast %broadcast_in_dim3A_1097 : i32 to vector<16xi32>
        tpu.vector_store_idx %arg13[%broadcast_in_dim3A_1098, %add3A_1062, %add3A_1063], %exp3A_1087 masked %lt3A_103 {add = true} : memref<4x128x128xf32, #tpu.memory_space<vmem>>[vector<16xi32>, vector<16xi32>, vector<16xi32>], vector<16xf32>, vector<16xi1>
        %broadcast_in_dim3A_1099 = arith.constant 7 : i32
        %broadcast_in_dim3A_1100 = vector.broadcast %broadcast_in_dim3A_1099 : i32 to vector<16xi32>
        %broadcast_in_dim3A_1101 = vector.shape_cast %broadcast_in_dim3A_1100 : vector<16xi32> to vector<16x1xi32>
        %gather3A_1102 = vector.shape_cast %broadcast_in_dim3A_1101 : vector<16x1xi32> to vector<16xi32>
        %gather3A_1103 = tpu.dynamic_gather %gather3A_280[%gather3A_1102] in [0] : vector<16xf32>, vector<16xi32> -> vector<16xf32>
        %broadcast_in_dim3A_1104 = arith.constant 7 : i32
        %broadcast_in_dim3A_1105 = vector.broadcast %broadcast_in_dim3A_1104 : i32 to vector<16xi32>
        %broadcast_in_dim3A_1106 = vector.shape_cast %broadcast_in_dim3A_1105 : vector<16xi32> to vector<16x1xi32>
        %gather3A_1107 = vector.shape_cast %broadcast_in_dim3A_1106 : vector<16x1xi32> to vector<16xi32>
        %gather3A_1108 = tpu.dynamic_gather %gather3A_281[%gather3A_1107] in [0] : vector<16xf32>, vector<16xi32> -> vector<16xf32>
        %broadcast_in_dim3A_1109 = arith.constant 7 : i32
        %broadcast_in_dim3A_1110 = vector.broadcast %broadcast_in_dim3A_1109 : i32 to vector<16xi32>
        %broadcast_in_dim3A_1111 = vector.shape_cast %broadcast_in_dim3A_1110 : vector<16xi32> to vector<16x1xi32>
        %gather3A_1112 = vector.shape_cast %broadcast_in_dim3A_1111 : vector<16x1xi32> to vector<16xi32>
        %gather3A_1113 = tpu.dynamic_gather %convert_element_type3A_291[%gather3A_1112] in [0] : vector<16xi32>, vector<16xi32> -> vector<16xi32>
        %broadcast_in_dim3A_1114 = arith.constant 7 : i32
        %broadcast_in_dim3A_1115 = vector.broadcast %broadcast_in_dim3A_1114 : i32 to vector<16xi32>
        %broadcast_in_dim3A_1116 = vector.shape_cast %broadcast_in_dim3A_1115 : vector<16xi32> to vector<16x1xi32>
        %gather3A_1117 = vector.shape_cast %broadcast_in_dim3A_1116 : vector<16x1xi32> to vector<16xi32>
        %gather3A_1118 = tpu.dynamic_gather %convert_element_type3A_298[%gather3A_1117] in [0] : vector<16xi32>, vector<16xi32> -> vector<16xi32>
        %broadcast_in_dim3A_1119 = arith.constant 7 : i32
        %broadcast_in_dim3A_1120 = vector.broadcast %broadcast_in_dim3A_1119 : i32 to vector<16xi32>
        %broadcast_in_dim3A_1121 = vector.shape_cast %broadcast_in_dim3A_1120 : vector<16xi32> to vector<16x1xi32>
        %gather3A_1122 = vector.shape_cast %broadcast_in_dim3A_1121 : vector<16x1xi32> to vector<16xi32>
        %gather3A_1123 = tpu.dynamic_gather %mul3A_301[%gather3A_1122] in [0] : vector<16xf32>, vector<16xi32> -> vector<16xf32>
        %broadcast_in_dim3A_1124 = arith.constant 7 : i32
        %broadcast_in_dim3A_1125 = vector.broadcast %broadcast_in_dim3A_1124 : i32 to vector<16xi32>
        %broadcast_in_dim3A_1126 = vector.shape_cast %broadcast_in_dim3A_1125 : vector<16xi32> to vector<16x1xi32>
        %gather3A_1127 = vector.shape_cast %broadcast_in_dim3A_1126 : vector<16x1xi32> to vector<16xi32>
        %gather3A_1128 = tpu.dynamic_gather %gather3A_282[%gather3A_1127] in [0] : vector<16xf32>, vector<16xi32> -> vector<16xf32>
        %broadcast_in_dim3A_1129 = arith.constant 7 : i32
        %broadcast_in_dim3A_1130 = vector.broadcast %broadcast_in_dim3A_1129 : i32 to vector<16xi32>
        %broadcast_in_dim3A_1131 = vector.shape_cast %broadcast_in_dim3A_1130 : vector<16xi32> to vector<16x1xi32>
        %gather3A_1132 = vector.shape_cast %broadcast_in_dim3A_1131 : vector<16x1xi32> to vector<16xi32>
        %gather3A_1133 = tpu.dynamic_gather %gather3A_283[%gather3A_1132] in [0] : vector<16xf32>, vector<16xi32> -> vector<16xf32>
        %broadcast_in_dim3A_1134 = arith.constant 7 : i32
        %broadcast_in_dim3A_1135 = vector.broadcast %broadcast_in_dim3A_1134 : i32 to vector<16xi32>
        %broadcast_in_dim3A_1136 = vector.shape_cast %broadcast_in_dim3A_1135 : vector<16xi32> to vector<16x1xi32>
        %gather3A_1137 = vector.shape_cast %broadcast_in_dim3A_1136 : vector<16x1xi32> to vector<16xi32>
        %gather3A_1138 = tpu.dynamic_gather %gather3A_284[%gather3A_1137] in [0] : vector<16xf32>, vector<16xi32> -> vector<16xf32>
        %add3A_1139 = arith.addi %gather3A_1113, %sub3A_72 : vector<16xi32>
        %add3A_1140 = arith.addi %gather3A_1118, %sub3A_97 : vector<16xi32>
        %convert_element_type3A_1141 = arith.sitofp %add3A_1139 : vector<16xi32> to vector<16xf32>
        %add3A_1142 = arith.constant 5.000000e-01 : f32
        %add3A_1143 = vector.broadcast %add3A_1142 : f32 to vector<16xf32>
        %add3A_1144 = arith.addf %convert_element_type3A_1141, %add3A_1143 : vector<16xf32>
        %mul3A_1145 = arith.constant 7.812500e-03 : f32
        %mul3A_1146 = vector.broadcast %mul3A_1145 : f32 to vector<16xf32>
        %mul3A_1147 = arith.mulf %add3A_1144, %mul3A_1146 : vector<16xf32>
        %sub3A_1148 = arith.subf %mul3A_1147, %gather3A_1103 : vector<16xf32>
        %convert_element_type3A_1149 = arith.sitofp %add3A_1140 : vector<16xi32> to vector<16xf32>
        %add3A_1150 = arith.constant 5.000000e-01 : f32
        %add3A_1151 = vector.broadcast %add3A_1150 : f32 to vector<16xf32>
        %add3A_1152 = arith.addf %convert_element_type3A_1149, %add3A_1151 : vector<16xf32>
        %mul3A_1153 = arith.constant 7.812500e-03 : f32
        %mul3A_1154 = vector.broadcast %mul3A_1153 : f32 to vector<16xf32>
        %mul3A_1155 = arith.mulf %add3A_1152, %mul3A_1154 : vector<16xf32>
        %sub3A_1156 = arith.subf %mul3A_1155, %gather3A_1108 : vector<16xf32>
        %mul3A_1157 = arith.mulf %sub3A_1148, %sub3A_1148 : vector<16xf32>
        %add3A_1158 = arith.addf %gather3A_1123, %mul3A_1157 : vector<16xf32>
        %mul3A_1159 = arith.mulf %sub3A_1156, %sub3A_1156 : vector<16xf32>
        %add3A_1160 = arith.addf %add3A_1158, %mul3A_1159 : vector<16xf32>
        %mul3A_1161 = arith.constant -3600.07202 : f32
        %mul3A_1162 = vector.broadcast %mul3A_1161 : f32 to vector<16xf32>
        %mul3A_1163 = arith.mulf %add3A_1160, %mul3A_1162 : vector<16xf32>
        %exp3A_1164 = math.exp %mul3A_1163 : vector<16xf32>
        %mul3A_1165 = arith.mulf %exp3A_1164, %gather3A_1128 : vector<16xf32>
        %mul3A_1166 = arith.mulf %exp3A_1164, %gather3A_1133 : vector<16xf32>
        %mul3A_1167 = arith.mulf %exp3A_1164, %gather3A_1138 : vector<16xf32>
        %broadcast_in_dim3A_1168 = arith.constant 0 : i32
        %broadcast_in_dim3A_1169 = vector.broadcast %broadcast_in_dim3A_1168 : i32 to vector<16xi32>
        tpu.vector_store_idx %arg13[%broadcast_in_dim3A_1169, %add3A_1139, %add3A_1140], %mul3A_1165 {add = true} : memref<4x128x128xf32, #tpu.memory_space<vmem>>[vector<16xi32>, vector<16xi32>, vector<16xi32>], vector<16xf32>,
        %broadcast_in_dim3A_1170 = arith.constant 1 : i32
        %broadcast_in_dim3A_1171 = vector.broadcast %broadcast_in_dim3A_1170 : i32 to vector<16xi32>
        tpu.vector_store_idx %arg13[%broadcast_in_dim3A_1171, %add3A_1139, %add3A_1140], %mul3A_1166 {add = true} : memref<4x128x128xf32, #tpu.memory_space<vmem>>[vector<16xi32>, vector<16xi32>, vector<16xi32>], vector<16xf32>,
        %broadcast_in_dim3A_1172 = arith.constant 2 : i32
        %broadcast_in_dim3A_1173 = vector.broadcast %broadcast_in_dim3A_1172 : i32 to vector<16xi32>
        tpu.vector_store_idx %arg13[%broadcast_in_dim3A_1173, %add3A_1139, %add3A_1140], %mul3A_1167 {add = true} : memref<4x128x128xf32, #tpu.memory_space<vmem>>[vector<16xi32>, vector<16xi32>, vector<16xi32>], vector<16xf32>,
        %broadcast_in_dim3A_1174 = arith.constant 3 : i32
        %broadcast_in_dim3A_1175 = vector.broadcast %broadcast_in_dim3A_1174 : i32 to vector<16xi32>
        tpu.vector_store_idx %arg13[%broadcast_in_dim3A_1175, %add3A_1139, %add3A_1140], %exp3A_1164 {add = true} : memref<4x128x128xf32, #tpu.memory_space<vmem>>[vector<16xi32>, vector<16xi32>, vector<16xi32>], vector<16xf32>,
        %add3A_1176 = arith.addi %gather3A_1113, %select_n3A_140 : vector<16xi32>
        %add3A_1177 = arith.addi %gather3A_1118, %select_n3A_168 : vector<16xi32>
        %convert_element_type3A_1178 = arith.sitofp %add3A_1176 : vector<16xi32> to vector<16xf32>
        %add3A_1179 = arith.constant 5.000000e-01 : f32
        %add3A_1180 = vector.broadcast %add3A_1179 : f32 to vector<16xf32>
        %add3A_1181 = arith.addf %convert_element_type3A_1178, %add3A_1180 : vector<16xf32>
        %mul3A_1182 = arith.constant 7.812500e-03 : f32
        %mul3A_1183 = vector.broadcast %mul3A_1182 : f32 to vector<16xf32>
        %mul3A_1184 = arith.mulf %add3A_1181, %mul3A_1183 : vector<16xf32>
        %sub3A_1185 = arith.subf %mul3A_1184, %gather3A_1103 : vector<16xf32>
        %convert_element_type3A_1186 = arith.sitofp %add3A_1177 : vector<16xi32> to vector<16xf32>
        %add3A_1187 = arith.constant 5.000000e-01 : f32
        %add3A_1188 = vector.broadcast %add3A_1187 : f32 to vector<16xf32>
        %add3A_1189 = arith.addf %convert_element_type3A_1186, %add3A_1188 : vector<16xf32>
        %mul3A_1190 = arith.constant 7.812500e-03 : f32
        %mul3A_1191 = vector.broadcast %mul3A_1190 : f32 to vector<16xf32>
        %mul3A_1192 = arith.mulf %add3A_1189, %mul3A_1191 : vector<16xf32>
        %sub3A_1193 = arith.subf %mul3A_1192, %gather3A_1108 : vector<16xf32>
        %mul3A_1194 = arith.mulf %sub3A_1185, %sub3A_1185 : vector<16xf32>
        %add3A_1195 = arith.addf %gather3A_1123, %mul3A_1194 : vector<16xf32>
        %mul3A_1196 = arith.mulf %sub3A_1193, %sub3A_1193 : vector<16xf32>
        %add3A_1197 = arith.addf %add3A_1195, %mul3A_1196 : vector<16xf32>
        %mul3A_1198 = arith.constant -3600.07202 : f32
        %mul3A_1199 = vector.broadcast %mul3A_1198 : f32 to vector<16xf32>
        %mul3A_1200 = arith.mulf %add3A_1197, %mul3A_1199 : vector<16xf32>
        %exp3A_1201 = math.exp %mul3A_1200 : vector<16xf32>
        %mul3A_1202 = arith.mulf %exp3A_1201, %gather3A_1128 : vector<16xf32>
        %mul3A_1203 = arith.mulf %exp3A_1201, %gather3A_1133 : vector<16xf32>
        %mul3A_1204 = arith.mulf %exp3A_1201, %gather3A_1138 : vector<16xf32>
        %broadcast_in_dim3A_1205 = arith.constant 0 : i32
        %broadcast_in_dim3A_1206 = vector.broadcast %broadcast_in_dim3A_1205 : i32 to vector<16xi32>
        tpu.vector_store_idx %arg13[%broadcast_in_dim3A_1206, %add3A_1176, %add3A_1177], %mul3A_1202 masked %lt3A_103 {add = true} : memref<4x128x128xf32, #tpu.memory_space<vmem>>[vector<16xi32>, vector<16xi32>, vector<16xi32>], vector<16xf32>, vector<16xi1>
        %broadcast_in_dim3A_1207 = arith.constant 1 : i32
        %broadcast_in_dim3A_1208 = vector.broadcast %broadcast_in_dim3A_1207 : i32 to vector<16xi32>
        tpu.vector_store_idx %arg13[%broadcast_in_dim3A_1208, %add3A_1176, %add3A_1177], %mul3A_1203 masked %lt3A_103 {add = true} : memref<4x128x128xf32, #tpu.memory_space<vmem>>[vector<16xi32>, vector<16xi32>, vector<16xi32>], vector<16xf32>, vector<16xi1>
        %broadcast_in_dim3A_1209 = arith.constant 2 : i32
        %broadcast_in_dim3A_1210 = vector.broadcast %broadcast_in_dim3A_1209 : i32 to vector<16xi32>
        tpu.vector_store_idx %arg13[%broadcast_in_dim3A_1210, %add3A_1176, %add3A_1177], %mul3A_1204 masked %lt3A_103 {add = true} : memref<4x128x128xf32, #tpu.memory_space<vmem>>[vector<16xi32>, vector<16xi32>, vector<16xi32>], vector<16xf32>, vector<16xi1>
        %broadcast_in_dim3A_1211 = arith.constant 3 : i32
        %broadcast_in_dim3A_1212 = vector.broadcast %broadcast_in_dim3A_1211 : i32 to vector<16xi32>
        tpu.vector_store_idx %arg13[%broadcast_in_dim3A_1212, %add3A_1176, %add3A_1177], %exp3A_1201 masked %lt3A_103 {add = true} : memref<4x128x128xf32, #tpu.memory_space<vmem>>[vector<16xi32>, vector<16xi32>, vector<16xi32>], vector<16xf32>, vector<16xi1>
        %broadcast_in_dim3A_1213 = arith.constant 8 : i32
        %broadcast_in_dim3A_1214 = vector.broadcast %broadcast_in_dim3A_1213 : i32 to vector<16xi32>
        %broadcast_in_dim3A_1215 = vector.shape_cast %broadcast_in_dim3A_1214 : vector<16xi32> to vector<16x1xi32>
        %gather3A_1216 = vector.shape_cast %broadcast_in_dim3A_1215 : vector<16x1xi32> to vector<16xi32>
        %gather3A_1217 = tpu.dynamic_gather %gather3A_280[%gather3A_1216] in [0] : vector<16xf32>, vector<16xi32> -> vector<16xf32>
        %broadcast_in_dim3A_1218 = arith.constant 8 : i32
        %broadcast_in_dim3A_1219 = vector.broadcast %broadcast_in_dim3A_1218 : i32 to vector<16xi32>
        %broadcast_in_dim3A_1220 = vector.shape_cast %broadcast_in_dim3A_1219 : vector<16xi32> to vector<16x1xi32>
        %gather3A_1221 = vector.shape_cast %broadcast_in_dim3A_1220 : vector<16x1xi32> to vector<16xi32>
        %gather3A_1222 = tpu.dynamic_gather %gather3A_281[%gather3A_1221] in [0] : vector<16xf32>, vector<16xi32> -> vector<16xf32>
        %broadcast_in_dim3A_1223 = arith.constant 8 : i32
        %broadcast_in_dim3A_1224 = vector.broadcast %broadcast_in_dim3A_1223 : i32 to vector<16xi32>
        %broadcast_in_dim3A_1225 = vector.shape_cast %broadcast_in_dim3A_1224 : vector<16xi32> to vector<16x1xi32>
        %gather3A_1226 = vector.shape_cast %broadcast_in_dim3A_1225 : vector<16x1xi32> to vector<16xi32>
        %gather3A_1227 = tpu.dynamic_gather %convert_element_type3A_291[%gather3A_1226] in [0] : vector<16xi32>, vector<16xi32> -> vector<16xi32>
        %broadcast_in_dim3A_1228 = arith.constant 8 : i32
        %broadcast_in_dim3A_1229 = vector.broadcast %broadcast_in_dim3A_1228 : i32 to vector<16xi32>
        %broadcast_in_dim3A_1230 = vector.shape_cast %broadcast_in_dim3A_1229 : vector<16xi32> to vector<16x1xi32>
        %gather3A_1231 = vector.shape_cast %broadcast_in_dim3A_1230 : vector<16x1xi32> to vector<16xi32>
        %gather3A_1232 = tpu.dynamic_gather %convert_element_type3A_298[%gather3A_1231] in [0] : vector<16xi32>, vector<16xi32> -> vector<16xi32>
        %broadcast_in_dim3A_1233 = arith.constant 8 : i32
        %broadcast_in_dim3A_1234 = vector.broadcast %broadcast_in_dim3A_1233 : i32 to vector<16xi32>
        %broadcast_in_dim3A_1235 = vector.shape_cast %broadcast_in_dim3A_1234 : vector<16xi32> to vector<16x1xi32>
        %gather3A_1236 = vector.shape_cast %broadcast_in_dim3A_1235 : vector<16x1xi32> to vector<16xi32>
        %gather3A_1237 = tpu.dynamic_gather %mul3A_301[%gather3A_1236] in [0] : vector<16xf32>, vector<16xi32> -> vector<16xf32>
        %broadcast_in_dim3A_1238 = arith.constant 8 : i32
        %broadcast_in_dim3A_1239 = vector.broadcast %broadcast_in_dim3A_1238 : i32 to vector<16xi32>
        %broadcast_in_dim3A_1240 = vector.shape_cast %broadcast_in_dim3A_1239 : vector<16xi32> to vector<16x1xi32>
        %gather3A_1241 = vector.shape_cast %broadcast_in_dim3A_1240 : vector<16x1xi32> to vector<16xi32>
        %gather3A_1242 = tpu.dynamic_gather %gather3A_282[%gather3A_1241] in [0] : vector<16xf32>, vector<16xi32> -> vector<16xf32>
        %broadcast_in_dim3A_1243 = arith.constant 8 : i32
        %broadcast_in_dim3A_1244 = vector.broadcast %broadcast_in_dim3A_1243 : i32 to vector<16xi32>
        %broadcast_in_dim3A_1245 = vector.shape_cast %broadcast_in_dim3A_1244 : vector<16xi32> to vector<16x1xi32>
        %gather3A_1246 = vector.shape_cast %broadcast_in_dim3A_1245 : vector<16x1xi32> to vector<16xi32>
        %gather3A_1247 = tpu.dynamic_gather %gather3A_283[%gather3A_1246] in [0] : vector<16xf32>, vector<16xi32> -> vector<16xf32>
        %broadcast_in_dim3A_1248 = arith.constant 8 : i32
        %broadcast_in_dim3A_1249 = vector.broadcast %broadcast_in_dim3A_1248 : i32 to vector<16xi32>
        %broadcast_in_dim3A_1250 = vector.shape_cast %broadcast_in_dim3A_1249 : vector<16xi32> to vector<16x1xi32>
        %gather3A_1251 = vector.shape_cast %broadcast_in_dim3A_1250 : vector<16x1xi32> to vector<16xi32>
        %gather3A_1252 = tpu.dynamic_gather %gather3A_284[%gather3A_1251] in [0] : vector<16xf32>, vector<16xi32> -> vector<16xf32>
        %add3A_1253 = arith.addi %gather3A_1227, %sub3A_72 : vector<16xi32>
        %add3A_1254 = arith.addi %gather3A_1232, %sub3A_97 : vector<16xi32>
        %convert_element_type3A_1255 = arith.sitofp %add3A_1253 : vector<16xi32> to vector<16xf32>
        %add3A_1256 = arith.constant 5.000000e-01 : f32
        %add3A_1257 = vector.broadcast %add3A_1256 : f32 to vector<16xf32>
        %add3A_1258 = arith.addf %convert_element_type3A_1255, %add3A_1257 : vector<16xf32>
        %mul3A_1259 = arith.constant 7.812500e-03 : f32
        %mul3A_1260 = vector.broadcast %mul3A_1259 : f32 to vector<16xf32>
        %mul3A_1261 = arith.mulf %add3A_1258, %mul3A_1260 : vector<16xf32>
        %sub3A_1262 = arith.subf %mul3A_1261, %gather3A_1217 : vector<16xf32>
        %convert_element_type3A_1263 = arith.sitofp %add3A_1254 : vector<16xi32> to vector<16xf32>
        %add3A_1264 = arith.constant 5.000000e-01 : f32
        %add3A_1265 = vector.broadcast %add3A_1264 : f32 to vector<16xf32>
        %add3A_1266 = arith.addf %convert_element_type3A_1263, %add3A_1265 : vector<16xf32>
        %mul3A_1267 = arith.constant 7.812500e-03 : f32
        %mul3A_1268 = vector.broadcast %mul3A_1267 : f32 to vector<16xf32>
        %mul3A_1269 = arith.mulf %add3A_1266, %mul3A_1268 : vector<16xf32>
        %sub3A_1270 = arith.subf %mul3A_1269, %gather3A_1222 : vector<16xf32>
        %mul3A_1271 = arith.mulf %sub3A_1262, %sub3A_1262 : vector<16xf32>
        %add3A_1272 = arith.addf %gather3A_1237, %mul3A_1271 : vector<16xf32>
        %mul3A_1273 = arith.mulf %sub3A_1270, %sub3A_1270 : vector<16xf32>
        %add3A_1274 = arith.addf %add3A_1272, %mul3A_1273 : vector<16xf32>
        %mul3A_1275 = arith.constant -3600.07202 : f32
        %mul3A_1276 = vector.broadcast %mul3A_1275 : f32 to vector<16xf32>
        %mul3A_1277 = arith.mulf %add3A_1274, %mul3A_1276 : vector<16xf32>
        %exp3A_1278 = math.exp %mul3A_1277 : vector<16xf32>
        %mul3A_1279 = arith.mulf %exp3A_1278, %gather3A_1242 : vector<16xf32>
        %mul3A_1280 = arith.mulf %exp3A_1278, %gather3A_1247 : vector<16xf32>
        %mul3A_1281 = arith.mulf %exp3A_1278, %gather3A_1252 : vector<16xf32>
        %broadcast_in_dim3A_1282 = arith.constant 0 : i32
        %broadcast_in_dim3A_1283 = vector.broadcast %broadcast_in_dim3A_1282 : i32 to vector<16xi32>
        tpu.vector_store_idx %arg13[%broadcast_in_dim3A_1283, %add3A_1253, %add3A_1254], %mul3A_1279 {add = true} : memref<4x128x128xf32, #tpu.memory_space<vmem>>[vector<16xi32>, vector<16xi32>, vector<16xi32>], vector<16xf32>,
        %broadcast_in_dim3A_1284 = arith.constant 1 : i32
        %broadcast_in_dim3A_1285 = vector.broadcast %broadcast_in_dim3A_1284 : i32 to vector<16xi32>
        tpu.vector_store_idx %arg13[%broadcast_in_dim3A_1285, %add3A_1253, %add3A_1254], %mul3A_1280 {add = true} : memref<4x128x128xf32, #tpu.memory_space<vmem>>[vector<16xi32>, vector<16xi32>, vector<16xi32>], vector<16xf32>,
        %broadcast_in_dim3A_1286 = arith.constant 2 : i32
        %broadcast_in_dim3A_1287 = vector.broadcast %broadcast_in_dim3A_1286 : i32 to vector<16xi32>
        tpu.vector_store_idx %arg13[%broadcast_in_dim3A_1287, %add3A_1253, %add3A_1254], %mul3A_1281 {add = true} : memref<4x128x128xf32, #tpu.memory_space<vmem>>[vector<16xi32>, vector<16xi32>, vector<16xi32>], vector<16xf32>,
        %broadcast_in_dim3A_1288 = arith.constant 3 : i32
        %broadcast_in_dim3A_1289 = vector.broadcast %broadcast_in_dim3A_1288 : i32 to vector<16xi32>
        tpu.vector_store_idx %arg13[%broadcast_in_dim3A_1289, %add3A_1253, %add3A_1254], %exp3A_1278 {add = true} : memref<4x128x128xf32, #tpu.memory_space<vmem>>[vector<16xi32>, vector<16xi32>, vector<16xi32>], vector<16xf32>,
        %add3A_1290 = arith.addi %gather3A_1227, %select_n3A_140 : vector<16xi32>
        %add3A_1291 = arith.addi %gather3A_1232, %select_n3A_168 : vector<16xi32>
        %convert_element_type3A_1292 = arith.sitofp %add3A_1290 : vector<16xi32> to vector<16xf32>
        %add3A_1293 = arith.constant 5.000000e-01 : f32
        %add3A_1294 = vector.broadcast %add3A_1293 : f32 to vector<16xf32>
        %add3A_1295 = arith.addf %convert_element_type3A_1292, %add3A_1294 : vector<16xf32>
        %mul3A_1296 = arith.constant 7.812500e-03 : f32
        %mul3A_1297 = vector.broadcast %mul3A_1296 : f32 to vector<16xf32>
        %mul3A_1298 = arith.mulf %add3A_1295, %mul3A_1297 : vector<16xf32>
        %sub3A_1299 = arith.subf %mul3A_1298, %gather3A_1217 : vector<16xf32>
        %convert_element_type3A_1300 = arith.sitofp %add3A_1291 : vector<16xi32> to vector<16xf32>
        %add3A_1301 = arith.constant 5.000000e-01 : f32
        %add3A_1302 = vector.broadcast %add3A_1301 : f32 to vector<16xf32>
        %add3A_1303 = arith.addf %convert_element_type3A_1300, %add3A_1302 : vector<16xf32>
        %mul3A_1304 = arith.constant 7.812500e-03 : f32
        %mul3A_1305 = vector.broadcast %mul3A_1304 : f32 to vector<16xf32>
        %mul3A_1306 = arith.mulf %add3A_1303, %mul3A_1305 : vector<16xf32>
        %sub3A_1307 = arith.subf %mul3A_1306, %gather3A_1222 : vector<16xf32>
        %mul3A_1308 = arith.mulf %sub3A_1299, %sub3A_1299 : vector<16xf32>
        %add3A_1309 = arith.addf %gather3A_1237, %mul3A_1308 : vector<16xf32>
        %mul3A_1310 = arith.mulf %sub3A_1307, %sub3A_1307 : vector<16xf32>
        %add3A_1311 = arith.addf %add3A_1309, %mul3A_1310 : vector<16xf32>
        %mul3A_1312 = arith.constant -3600.07202 : f32
        %mul3A_1313 = vector.broadcast %mul3A_1312 : f32 to vector<16xf32>
        %mul3A_1314 = arith.mulf %add3A_1311, %mul3A_1313 : vector<16xf32>
        %exp3A_1315 = math.exp %mul3A_1314 : vector<16xf32>
        %mul3A_1316 = arith.mulf %exp3A_1315, %gather3A_1242 : vector<16xf32>
        %mul3A_1317 = arith.mulf %exp3A_1315, %gather3A_1247 : vector<16xf32>
        %mul3A_1318 = arith.mulf %exp3A_1315, %gather3A_1252 : vector<16xf32>
        %broadcast_in_dim3A_1319 = arith.constant 0 : i32
        %broadcast_in_dim3A_1320 = vector.broadcast %broadcast_in_dim3A_1319 : i32 to vector<16xi32>
        tpu.vector_store_idx %arg13[%broadcast_in_dim3A_1320, %add3A_1290, %add3A_1291], %mul3A_1316 masked %lt3A_103 {add = true} : memref<4x128x128xf32, #tpu.memory_space<vmem>>[vector<16xi32>, vector<16xi32>, vector<16xi32>], vector<16xf32>, vector<16xi1>
        %broadcast_in_dim3A_1321 = arith.constant 1 : i32
        %broadcast_in_dim3A_1322 = vector.broadcast %broadcast_in_dim3A_1321 : i32 to vector<16xi32>
        tpu.vector_store_idx %arg13[%broadcast_in_dim3A_1322, %add3A_1290, %add3A_1291], %mul3A_1317 masked %lt3A_103 {add = true} : memref<4x128x128xf32, #tpu.memory_space<vmem>>[vector<16xi32>, vector<16xi32>, vector<16xi32>], vector<16xf32>, vector<16xi1>
        %broadcast_in_dim3A_1323 = arith.constant 2 : i32
        %broadcast_in_dim3A_1324 = vector.broadcast %broadcast_in_dim3A_1323 : i32 to vector<16xi32>
        tpu.vector_store_idx %arg13[%broadcast_in_dim3A_1324, %add3A_1290, %add3A_1291], %mul3A_1318 masked %lt3A_103 {add = true} : memref<4x128x128xf32, #tpu.memory_space<vmem>>[vector<16xi32>, vector<16xi32>, vector<16xi32>], vector<16xf32>, vector<16xi1>
        %broadcast_in_dim3A_1325 = arith.constant 3 : i32
        %broadcast_in_dim3A_1326 = vector.broadcast %broadcast_in_dim3A_1325 : i32 to vector<16xi32>
        tpu.vector_store_idx %arg13[%broadcast_in_dim3A_1326, %add3A_1290, %add3A_1291], %exp3A_1315 masked %lt3A_103 {add = true} : memref<4x128x128xf32, #tpu.memory_space<vmem>>[vector<16xi32>, vector<16xi32>, vector<16xi32>], vector<16xf32>, vector<16xi1>
        %broadcast_in_dim3A_1327 = arith.constant 9 : i32
        %broadcast_in_dim3A_1328 = vector.broadcast %broadcast_in_dim3A_1327 : i32 to vector<16xi32>
        %broadcast_in_dim3A_1329 = vector.shape_cast %broadcast_in_dim3A_1328 : vector<16xi32> to vector<16x1xi32>
        %gather3A_1330 = vector.shape_cast %broadcast_in_dim3A_1329 : vector<16x1xi32> to vector<16xi32>
        %gather3A_1331 = tpu.dynamic_gather %gather3A_280[%gather3A_1330] in [0] : vector<16xf32>, vector<16xi32> -> vector<16xf32>
        %broadcast_in_dim3A_1332 = arith.constant 9 : i32
        %broadcast_in_dim3A_1333 = vector.broadcast %broadcast_in_dim3A_1332 : i32 to vector<16xi32>
        %broadcast_in_dim3A_1334 = vector.shape_cast %broadcast_in_dim3A_1333 : vector<16xi32> to vector<16x1xi32>
        %gather3A_1335 = vector.shape_cast %broadcast_in_dim3A_1334 : vector<16x1xi32> to vector<16xi32>
        %gather3A_1336 = tpu.dynamic_gather %gather3A_281[%gather3A_1335] in [0] : vector<16xf32>, vector<16xi32> -> vector<16xf32>
        %broadcast_in_dim3A_1337 = arith.constant 9 : i32
        %broadcast_in_dim3A_1338 = vector.broadcast %broadcast_in_dim3A_1337 : i32 to vector<16xi32>
        %broadcast_in_dim3A_1339 = vector.shape_cast %broadcast_in_dim3A_1338 : vector<16xi32> to vector<16x1xi32>
        %gather3A_1340 = vector.shape_cast %broadcast_in_dim3A_1339 : vector<16x1xi32> to vector<16xi32>
        %gather3A_1341 = tpu.dynamic_gather %convert_element_type3A_291[%gather3A_1340] in [0] : vector<16xi32>, vector<16xi32> -> vector<16xi32>
        %broadcast_in_dim3A_1342 = arith.constant 9 : i32
        %broadcast_in_dim3A_1343 = vector.broadcast %broadcast_in_dim3A_1342 : i32 to vector<16xi32>
        %broadcast_in_dim3A_1344 = vector.shape_cast %broadcast_in_dim3A_1343 : vector<16xi32> to vector<16x1xi32>
        %gather3A_1345 = vector.shape_cast %broadcast_in_dim3A_1344 : vector<16x1xi32> to vector<16xi32>
        %gather3A_1346 = tpu.dynamic_gather %convert_element_type3A_298[%gather3A_1345] in [0] : vector<16xi32>, vector<16xi32> -> vector<16xi32>
        %broadcast_in_dim3A_1347 = arith.constant 9 : i32
        %broadcast_in_dim3A_1348 = vector.broadcast %broadcast_in_dim3A_1347 : i32 to vector<16xi32>
        %broadcast_in_dim3A_1349 = vector.shape_cast %broadcast_in_dim3A_1348 : vector<16xi32> to vector<16x1xi32>
        %gather3A_1350 = vector.shape_cast %broadcast_in_dim3A_1349 : vector<16x1xi32> to vector<16xi32>
        %gather3A_1351 = tpu.dynamic_gather %mul3A_301[%gather3A_1350] in [0] : vector<16xf32>, vector<16xi32> -> vector<16xf32>
        %broadcast_in_dim3A_1352 = arith.constant 9 : i32
        %broadcast_in_dim3A_1353 = vector.broadcast %broadcast_in_dim3A_1352 : i32 to vector<16xi32>
        %broadcast_in_dim3A_1354 = vector.shape_cast %broadcast_in_dim3A_1353 : vector<16xi32> to vector<16x1xi32>
        %gather3A_1355 = vector.shape_cast %broadcast_in_dim3A_1354 : vector<16x1xi32> to vector<16xi32>
        %gather3A_1356 = tpu.dynamic_gather %gather3A_282[%gather3A_1355] in [0] : vector<16xf32>, vector<16xi32> -> vector<16xf32>
        %broadcast_in_dim3A_1357 = arith.constant 9 : i32
        %broadcast_in_dim3A_1358 = vector.broadcast %broadcast_in_dim3A_1357 : i32 to vector<16xi32>
        %broadcast_in_dim3A_1359 = vector.shape_cast %broadcast_in_dim3A_1358 : vector<16xi32> to vector<16x1xi32>
        %gather3A_1360 = vector.shape_cast %broadcast_in_dim3A_1359 : vector<16x1xi32> to vector<16xi32>
        %gather3A_1361 = tpu.dynamic_gather %gather3A_283[%gather3A_1360] in [0] : vector<16xf32>, vector<16xi32> -> vector<16xf32>
        %broadcast_in_dim3A_1362 = arith.constant 9 : i32
        %broadcast_in_dim3A_1363 = vector.broadcast %broadcast_in_dim3A_1362 : i32 to vector<16xi32>
        %broadcast_in_dim3A_1364 = vector.shape_cast %broadcast_in_dim3A_1363 : vector<16xi32> to vector<16x1xi32>
        %gather3A_1365 = vector.shape_cast %broadcast_in_dim3A_1364 : vector<16x1xi32> to vector<16xi32>
        %gather3A_1366 = tpu.dynamic_gather %gather3A_284[%gather3A_1365] in [0] : vector<16xf32>, vector<16xi32> -> vector<16xf32>
        %add3A_1367 = arith.addi %gather3A_1341, %sub3A_72 : vector<16xi32>
        %add3A_1368 = arith.addi %gather3A_1346, %sub3A_97 : vector<16xi32>
        %convert_element_type3A_1369 = arith.sitofp %add3A_1367 : vector<16xi32> to vector<16xf32>
        %add3A_1370 = arith.constant 5.000000e-01 : f32
        %add3A_1371 = vector.broadcast %add3A_1370 : f32 to vector<16xf32>
        %add3A_1372 = arith.addf %convert_element_type3A_1369, %add3A_1371 : vector<16xf32>
        %mul3A_1373 = arith.constant 7.812500e-03 : f32
        %mul3A_1374 = vector.broadcast %mul3A_1373 : f32 to vector<16xf32>
        %mul3A_1375 = arith.mulf %add3A_1372, %mul3A_1374 : vector<16xf32>
        %sub3A_1376 = arith.subf %mul3A_1375, %gather3A_1331 : vector<16xf32>
        %convert_element_type3A_1377 = arith.sitofp %add3A_1368 : vector<16xi32> to vector<16xf32>
        %add3A_1378 = arith.constant 5.000000e-01 : f32
        %add3A_1379 = vector.broadcast %add3A_1378 : f32 to vector<16xf32>
        %add3A_1380 = arith.addf %convert_element_type3A_1377, %add3A_1379 : vector<16xf32>
        %mul3A_1381 = arith.constant 7.812500e-03 : f32
        %mul3A_1382 = vector.broadcast %mul3A_1381 : f32 to vector<16xf32>
        %mul3A_1383 = arith.mulf %add3A_1380, %mul3A_1382 : vector<16xf32>
        %sub3A_1384 = arith.subf %mul3A_1383, %gather3A_1336 : vector<16xf32>
        %mul3A_1385 = arith.mulf %sub3A_1376, %sub3A_1376 : vector<16xf32>
        %add3A_1386 = arith.addf %gather3A_1351, %mul3A_1385 : vector<16xf32>
        %mul3A_1387 = arith.mulf %sub3A_1384, %sub3A_1384 : vector<16xf32>
        %add3A_1388 = arith.addf %add3A_1386, %mul3A_1387 : vector<16xf32>
        %mul3A_1389 = arith.constant -3600.07202 : f32
        %mul3A_1390 = vector.broadcast %mul3A_1389 : f32 to vector<16xf32>
        %mul3A_1391 = arith.mulf %add3A_1388, %mul3A_1390 : vector<16xf32>
        %exp3A_1392 = math.exp %mul3A_1391 : vector<16xf32>
        %mul3A_1393 = arith.mulf %exp3A_1392, %gather3A_1356 : vector<16xf32>
        %mul3A_1394 = arith.mulf %exp3A_1392, %gather3A_1361 : vector<16xf32>
        %mul3A_1395 = arith.mulf %exp3A_1392, %gather3A_1366 : vector<16xf32>
        %broadcast_in_dim3A_1396 = arith.constant 0 : i32
        %broadcast_in_dim3A_1397 = vector.broadcast %broadcast_in_dim3A_1396 : i32 to vector<16xi32>
        tpu.vector_store_idx %arg13[%broadcast_in_dim3A_1397, %add3A_1367, %add3A_1368], %mul3A_1393 {add = true} : memref<4x128x128xf32, #tpu.memory_space<vmem>>[vector<16xi32>, vector<16xi32>, vector<16xi32>], vector<16xf32>,
        %broadcast_in_dim3A_1398 = arith.constant 1 : i32
        %broadcast_in_dim3A_1399 = vector.broadcast %broadcast_in_dim3A_1398 : i32 to vector<16xi32>
        tpu.vector_store_idx %arg13[%broadcast_in_dim3A_1399, %add3A_1367, %add3A_1368], %mul3A_1394 {add = true} : memref<4x128x128xf32, #tpu.memory_space<vmem>>[vector<16xi32>, vector<16xi32>, vector<16xi32>], vector<16xf32>,
        %broadcast_in_dim3A_1400 = arith.constant 2 : i32
        %broadcast_in_dim3A_1401 = vector.broadcast %broadcast_in_dim3A_1400 : i32 to vector<16xi32>
        tpu.vector_store_idx %arg13[%broadcast_in_dim3A_1401, %add3A_1367, %add3A_1368], %mul3A_1395 {add = true} : memref<4x128x128xf32, #tpu.memory_space<vmem>>[vector<16xi32>, vector<16xi32>, vector<16xi32>], vector<16xf32>,
        %broadcast_in_dim3A_1402 = arith.constant 3 : i32
        %broadcast_in_dim3A_1403 = vector.broadcast %broadcast_in_dim3A_1402 : i32 to vector<16xi32>
        tpu.vector_store_idx %arg13[%broadcast_in_dim3A_1403, %add3A_1367, %add3A_1368], %exp3A_1392 {add = true} : memref<4x128x128xf32, #tpu.memory_space<vmem>>[vector<16xi32>, vector<16xi32>, vector<16xi32>], vector<16xf32>,
        %add3A_1404 = arith.addi %gather3A_1341, %select_n3A_140 : vector<16xi32>
        %add3A_1405 = arith.addi %gather3A_1346, %select_n3A_168 : vector<16xi32>
        %convert_element_type3A_1406 = arith.sitofp %add3A_1404 : vector<16xi32> to vector<16xf32>
        %add3A_1407 = arith.constant 5.000000e-01 : f32
        %add3A_1408 = vector.broadcast %add3A_1407 : f32 to vector<16xf32>
        %add3A_1409 = arith.addf %convert_element_type3A_1406, %add3A_1408 : vector<16xf32>
        %mul3A_1410 = arith.constant 7.812500e-03 : f32
        %mul3A_1411 = vector.broadcast %mul3A_1410 : f32 to vector<16xf32>
        %mul3A_1412 = arith.mulf %add3A_1409, %mul3A_1411 : vector<16xf32>
        %sub3A_1413 = arith.subf %mul3A_1412, %gather3A_1331 : vector<16xf32>
        %convert_element_type3A_1414 = arith.sitofp %add3A_1405 : vector<16xi32> to vector<16xf32>
        %add3A_1415 = arith.constant 5.000000e-01 : f32
        %add3A_1416 = vector.broadcast %add3A_1415 : f32 to vector<16xf32>
        %add3A_1417 = arith.addf %convert_element_type3A_1414, %add3A_1416 : vector<16xf32>
        %mul3A_1418 = arith.constant 7.812500e-03 : f32
        %mul3A_1419 = vector.broadcast %mul3A_1418 : f32 to vector<16xf32>
        %mul3A_1420 = arith.mulf %add3A_1417, %mul3A_1419 : vector<16xf32>
        %sub3A_1421 = arith.subf %mul3A_1420, %gather3A_1336 : vector<16xf32>
        %mul3A_1422 = arith.mulf %sub3A_1413, %sub3A_1413 : vector<16xf32>
        %add3A_1423 = arith.addf %gather3A_1351, %mul3A_1422 : vector<16xf32>
        %mul3A_1424 = arith.mulf %sub3A_1421, %sub3A_1421 : vector<16xf32>
        %add3A_1425 = arith.addf %add3A_1423, %mul3A_1424 : vector<16xf32>
        %mul3A_1426 = arith.constant -3600.07202 : f32
        %mul3A_1427 = vector.broadcast %mul3A_1426 : f32 to vector<16xf32>
        %mul3A_1428 = arith.mulf %add3A_1425, %mul3A_1427 : vector<16xf32>
        %exp3A_1429 = math.exp %mul3A_1428 : vector<16xf32>
        %mul3A_1430 = arith.mulf %exp3A_1429, %gather3A_1356 : vector<16xf32>
        %mul3A_1431 = arith.mulf %exp3A_1429, %gather3A_1361 : vector<16xf32>
        %mul3A_1432 = arith.mulf %exp3A_1429, %gather3A_1366 : vector<16xf32>
        %broadcast_in_dim3A_1433 = arith.constant 0 : i32
        %broadcast_in_dim3A_1434 = vector.broadcast %broadcast_in_dim3A_1433 : i32 to vector<16xi32>
        tpu.vector_store_idx %arg13[%broadcast_in_dim3A_1434, %add3A_1404, %add3A_1405], %mul3A_1430 masked %lt3A_103 {add = true} : memref<4x128x128xf32, #tpu.memory_space<vmem>>[vector<16xi32>, vector<16xi32>, vector<16xi32>], vector<16xf32>, vector<16xi1>
        %broadcast_in_dim3A_1435 = arith.constant 1 : i32
        %broadcast_in_dim3A_1436 = vector.broadcast %broadcast_in_dim3A_1435 : i32 to vector<16xi32>
        tpu.vector_store_idx %arg13[%broadcast_in_dim3A_1436, %add3A_1404, %add3A_1405], %mul3A_1431 masked %lt3A_103 {add = true} : memref<4x128x128xf32, #tpu.memory_space<vmem>>[vector<16xi32>, vector<16xi32>, vector<16xi32>], vector<16xf32>, vector<16xi1>
        %broadcast_in_dim3A_1437 = arith.constant 2 : i32
        %broadcast_in_dim3A_1438 = vector.broadcast %broadcast_in_dim3A_1437 : i32 to vector<16xi32>
        tpu.vector_store_idx %arg13[%broadcast_in_dim3A_1438, %add3A_1404, %add3A_1405], %mul3A_1432 masked %lt3A_103 {add = true} : memref<4x128x128xf32, #tpu.memory_space<vmem>>[vector<16xi32>, vector<16xi32>, vector<16xi32>], vector<16xf32>, vector<16xi1>
        %broadcast_in_dim3A_1439 = arith.constant 3 : i32
        %broadcast_in_dim3A_1440 = vector.broadcast %broadcast_in_dim3A_1439 : i32 to vector<16xi32>
        tpu.vector_store_idx %arg13[%broadcast_in_dim3A_1440, %add3A_1404, %add3A_1405], %exp3A_1429 masked %lt3A_103 {add = true} : memref<4x128x128xf32, #tpu.memory_space<vmem>>[vector<16xi32>, vector<16xi32>, vector<16xi32>], vector<16xf32>, vector<16xi1>
        %broadcast_in_dim3A_1441 = arith.constant 10 : i32
        %broadcast_in_dim3A_1442 = vector.broadcast %broadcast_in_dim3A_1441 : i32 to vector<16xi32>
        %broadcast_in_dim3A_1443 = vector.shape_cast %broadcast_in_dim3A_1442 : vector<16xi32> to vector<16x1xi32>
        %gather3A_1444 = vector.shape_cast %broadcast_in_dim3A_1443 : vector<16x1xi32> to vector<16xi32>
        %gather3A_1445 = tpu.dynamic_gather %gather3A_280[%gather3A_1444] in [0] : vector<16xf32>, vector<16xi32> -> vector<16xf32>
        %broadcast_in_dim3A_1446 = arith.constant 10 : i32
        %broadcast_in_dim3A_1447 = vector.broadcast %broadcast_in_dim3A_1446 : i32 to vector<16xi32>
        %broadcast_in_dim3A_1448 = vector.shape_cast %broadcast_in_dim3A_1447 : vector<16xi32> to vector<16x1xi32>
        %gather3A_1449 = vector.shape_cast %broadcast_in_dim3A_1448 : vector<16x1xi32> to vector<16xi32>
        %gather3A_1450 = tpu.dynamic_gather %gather3A_281[%gather3A_1449] in [0] : vector<16xf32>, vector<16xi32> -> vector<16xf32>
        %broadcast_in_dim3A_1451 = arith.constant 10 : i32
        %broadcast_in_dim3A_1452 = vector.broadcast %broadcast_in_dim3A_1451 : i32 to vector<16xi32>
        %broadcast_in_dim3A_1453 = vector.shape_cast %broadcast_in_dim3A_1452 : vector<16xi32> to vector<16x1xi32>
        %gather3A_1454 = vector.shape_cast %broadcast_in_dim3A_1453 : vector<16x1xi32> to vector<16xi32>
        %gather3A_1455 = tpu.dynamic_gather %convert_element_type3A_291[%gather3A_1454] in [0] : vector<16xi32>, vector<16xi32> -> vector<16xi32>
        %broadcast_in_dim3A_1456 = arith.constant 10 : i32
        %broadcast_in_dim3A_1457 = vector.broadcast %broadcast_in_dim3A_1456 : i32 to vector<16xi32>
        %broadcast_in_dim3A_1458 = vector.shape_cast %broadcast_in_dim3A_1457 : vector<16xi32> to vector<16x1xi32>
        %gather3A_1459 = vector.shape_cast %broadcast_in_dim3A_1458 : vector<16x1xi32> to vector<16xi32>
        %gather3A_1460 = tpu.dynamic_gather %convert_element_type3A_298[%gather3A_1459] in [0] : vector<16xi32>, vector<16xi32> -> vector<16xi32>
        %broadcast_in_dim3A_1461 = arith.constant 10 : i32
        %broadcast_in_dim3A_1462 = vector.broadcast %broadcast_in_dim3A_1461 : i32 to vector<16xi32>
        %broadcast_in_dim3A_1463 = vector.shape_cast %broadcast_in_dim3A_1462 : vector<16xi32> to vector<16x1xi32>
        %gather3A_1464 = vector.shape_cast %broadcast_in_dim3A_1463 : vector<16x1xi32> to vector<16xi32>
        %gather3A_1465 = tpu.dynamic_gather %mul3A_301[%gather3A_1464] in [0] : vector<16xf32>, vector<16xi32> -> vector<16xf32>
        %broadcast_in_dim3A_1466 = arith.constant 10 : i32
        %broadcast_in_dim3A_1467 = vector.broadcast %broadcast_in_dim3A_1466 : i32 to vector<16xi32>
        %broadcast_in_dim3A_1468 = vector.shape_cast %broadcast_in_dim3A_1467 : vector<16xi32> to vector<16x1xi32>
        %gather3A_1469 = vector.shape_cast %broadcast_in_dim3A_1468 : vector<16x1xi32> to vector<16xi32>
        %gather3A_1470 = tpu.dynamic_gather %gather3A_282[%gather3A_1469] in [0] : vector<16xf32>, vector<16xi32> -> vector<16xf32>
        %broadcast_in_dim3A_1471 = arith.constant 10 : i32
        %broadcast_in_dim3A_1472 = vector.broadcast %broadcast_in_dim3A_1471 : i32 to vector<16xi32>
        %broadcast_in_dim3A_1473 = vector.shape_cast %broadcast_in_dim3A_1472 : vector<16xi32> to vector<16x1xi32>
        %gather3A_1474 = vector.shape_cast %broadcast_in_dim3A_1473 : vector<16x1xi32> to vector<16xi32>
        %gather3A_1475 = tpu.dynamic_gather %gather3A_283[%gather3A_1474] in [0] : vector<16xf32>, vector<16xi32> -> vector<16xf32>
        %broadcast_in_dim3A_1476 = arith.constant 10 : i32
        %broadcast_in_dim3A_1477 = vector.broadcast %broadcast_in_dim3A_1476 : i32 to vector<16xi32>
        %broadcast_in_dim3A_1478 = vector.shape_cast %broadcast_in_dim3A_1477 : vector<16xi32> to vector<16x1xi32>
        %gather3A_1479 = vector.shape_cast %broadcast_in_dim3A_1478 : vector<16x1xi32> to vector<16xi32>
        %gather3A_1480 = tpu.dynamic_gather %gather3A_284[%gather3A_1479] in [0] : vector<16xf32>, vector<16xi32> -> vector<16xf32>
        %add3A_1481 = arith.addi %gather3A_1455, %sub3A_72 : vector<16xi32>
        %add3A_1482 = arith.addi %gather3A_1460, %sub3A_97 : vector<16xi32>
        %convert_element_type3A_1483 = arith.sitofp %add3A_1481 : vector<16xi32> to vector<16xf32>
        %add3A_1484 = arith.constant 5.000000e-01 : f32
        %add3A_1485 = vector.broadcast %add3A_1484 : f32 to vector<16xf32>
        %add3A_1486 = arith.addf %convert_element_type3A_1483, %add3A_1485 : vector<16xf32>
        %mul3A_1487 = arith.constant 7.812500e-03 : f32
        %mul3A_1488 = vector.broadcast %mul3A_1487 : f32 to vector<16xf32>
        %mul3A_1489 = arith.mulf %add3A_1486, %mul3A_1488 : vector<16xf32>
        %sub3A_1490 = arith.subf %mul3A_1489, %gather3A_1445 : vector<16xf32>
        %convert_element_type3A_1491 = arith.sitofp %add3A_1482 : vector<16xi32> to vector<16xf32>
        %add3A_1492 = arith.constant 5.000000e-01 : f32
        %add3A_1493 = vector.broadcast %add3A_1492 : f32 to vector<16xf32>
        %add3A_1494 = arith.addf %convert_element_type3A_1491, %add3A_1493 : vector<16xf32>
        %mul3A_1495 = arith.constant 7.812500e-03 : f32
        %mul3A_1496 = vector.broadcast %mul3A_1495 : f32 to vector<16xf32>
        %mul3A_1497 = arith.mulf %add3A_1494, %mul3A_1496 : vector<16xf32>
        %sub3A_1498 = arith.subf %mul3A_1497, %gather3A_1450 : vector<16xf32>
        %mul3A_1499 = arith.mulf %sub3A_1490, %sub3A_1490 : vector<16xf32>
        %add3A_1500 = arith.addf %gather3A_1465, %mul3A_1499 : vector<16xf32>
        %mul3A_1501 = arith.mulf %sub3A_1498, %sub3A_1498 : vector<16xf32>
        %add3A_1502 = arith.addf %add3A_1500, %mul3A_1501 : vector<16xf32>
        %mul3A_1503 = arith.constant -3600.07202 : f32
        %mul3A_1504 = vector.broadcast %mul3A_1503 : f32 to vector<16xf32>
        %mul3A_1505 = arith.mulf %add3A_1502, %mul3A_1504 : vector<16xf32>
        %exp3A_1506 = math.exp %mul3A_1505 : vector<16xf32>
        %mul3A_1507 = arith.mulf %exp3A_1506, %gather3A_1470 : vector<16xf32>
        %mul3A_1508 = arith.mulf %exp3A_1506, %gather3A_1475 : vector<16xf32>
        %mul3A_1509 = arith.mulf %exp3A_1506, %gather3A_1480 : vector<16xf32>
        %broadcast_in_dim3A_1510 = arith.constant 0 : i32
        %broadcast_in_dim3A_1511 = vector.broadcast %broadcast_in_dim3A_1510 : i32 to vector<16xi32>
        tpu.vector_store_idx %arg13[%broadcast_in_dim3A_1511, %add3A_1481, %add3A_1482], %mul3A_1507 {add = true} : memref<4x128x128xf32, #tpu.memory_space<vmem>>[vector<16xi32>, vector<16xi32>, vector<16xi32>], vector<16xf32>,
        %broadcast_in_dim3A_1512 = arith.constant 1 : i32
        %broadcast_in_dim3A_1513 = vector.broadcast %broadcast_in_dim3A_1512 : i32 to vector<16xi32>
        tpu.vector_store_idx %arg13[%broadcast_in_dim3A_1513, %add3A_1481, %add3A_1482], %mul3A_1508 {add = true} : memref<4x128x128xf32, #tpu.memory_space<vmem>>[vector<16xi32>, vector<16xi32>, vector<16xi32>], vector<16xf32>,
        %broadcast_in_dim3A_1514 = arith.constant 2 : i32
        %broadcast_in_dim3A_1515 = vector.broadcast %broadcast_in_dim3A_1514 : i32 to vector<16xi32>
        tpu.vector_store_idx %arg13[%broadcast_in_dim3A_1515, %add3A_1481, %add3A_1482], %mul3A_1509 {add = true} : memref<4x128x128xf32, #tpu.memory_space<vmem>>[vector<16xi32>, vector<16xi32>, vector<16xi32>], vector<16xf32>,
        %broadcast_in_dim3A_1516 = arith.constant 3 : i32
        %broadcast_in_dim3A_1517 = vector.broadcast %broadcast_in_dim3A_1516 : i32 to vector<16xi32>
        tpu.vector_store_idx %arg13[%broadcast_in_dim3A_1517, %add3A_1481, %add3A_1482], %exp3A_1506 {add = true} : memref<4x128x128xf32, #tpu.memory_space<vmem>>[vector<16xi32>, vector<16xi32>, vector<16xi32>], vector<16xf32>,
        %add3A_1518 = arith.addi %gather3A_1455, %select_n3A_140 : vector<16xi32>
        %add3A_1519 = arith.addi %gather3A_1460, %select_n3A_168 : vector<16xi32>
        %convert_element_type3A_1520 = arith.sitofp %add3A_1518 : vector<16xi32> to vector<16xf32>
        %add3A_1521 = arith.constant 5.000000e-01 : f32
        %add3A_1522 = vector.broadcast %add3A_1521 : f32 to vector<16xf32>
        %add3A_1523 = arith.addf %convert_element_type3A_1520, %add3A_1522 : vector<16xf32>
        %mul3A_1524 = arith.constant 7.812500e-03 : f32
        %mul3A_1525 = vector.broadcast %mul3A_1524 : f32 to vector<16xf32>
        %mul3A_1526 = arith.mulf %add3A_1523, %mul3A_1525 : vector<16xf32>
        %sub3A_1527 = arith.subf %mul3A_1526, %gather3A_1445 : vector<16xf32>
        %convert_element_type3A_1528 = arith.sitofp %add3A_1519 : vector<16xi32> to vector<16xf32>
        %add3A_1529 = arith.constant 5.000000e-01 : f32
        %add3A_1530 = vector.broadcast %add3A_1529 : f32 to vector<16xf32>
        %add3A_1531 = arith.addf %convert_element_type3A_1528, %add3A_1530 : vector<16xf32>
        %mul3A_1532 = arith.constant 7.812500e-03 : f32
        %mul3A_1533 = vector.broadcast %mul3A_1532 : f32 to vector<16xf32>
        %mul3A_1534 = arith.mulf %add3A_1531, %mul3A_1533 : vector<16xf32>
        %sub3A_1535 = arith.subf %mul3A_1534, %gather3A_1450 : vector<16xf32>
        %mul3A_1536 = arith.mulf %sub3A_1527, %sub3A_1527 : vector<16xf32>
        %add3A_1537 = arith.addf %gather3A_1465, %mul3A_1536 : vector<16xf32>
        %mul3A_1538 = arith.mulf %sub3A_1535, %sub3A_1535 : vector<16xf32>
        %add3A_1539 = arith.addf %add3A_1537, %mul3A_1538 : vector<16xf32>
        %mul3A_1540 = arith.constant -3600.07202 : f32
        %mul3A_1541 = vector.broadcast %mul3A_1540 : f32 to vector<16xf32>
        %mul3A_1542 = arith.mulf %add3A_1539, %mul3A_1541 : vector<16xf32>
        %exp3A_1543 = math.exp %mul3A_1542 : vector<16xf32>
        %mul3A_1544 = arith.mulf %exp3A_1543, %gather3A_1470 : vector<16xf32>
        %mul3A_1545 = arith.mulf %exp3A_1543, %gather3A_1475 : vector<16xf32>
        %mul3A_1546 = arith.mulf %exp3A_1543, %gather3A_1480 : vector<16xf32>
        %broadcast_in_dim3A_1547 = arith.constant 0 : i32
        %broadcast_in_dim3A_1548 = vector.broadcast %broadcast_in_dim3A_1547 : i32 to vector<16xi32>
        tpu.vector_store_idx %arg13[%broadcast_in_dim3A_1548, %add3A_1518, %add3A_1519], %mul3A_1544 masked %lt3A_103 {add = true} : memref<4x128x128xf32, #tpu.memory_space<vmem>>[vector<16xi32>, vector<16xi32>, vector<16xi32>], vector<16xf32>, vector<16xi1>
        %broadcast_in_dim3A_1549 = arith.constant 1 : i32
        %broadcast_in_dim3A_1550 = vector.broadcast %broadcast_in_dim3A_1549 : i32 to vector<16xi32>
        tpu.vector_store_idx %arg13[%broadcast_in_dim3A_1550, %add3A_1518, %add3A_1519], %mul3A_1545 masked %lt3A_103 {add = true} : memref<4x128x128xf32, #tpu.memory_space<vmem>>[vector<16xi32>, vector<16xi32>, vector<16xi32>], vector<16xf32>, vector<16xi1>
        %broadcast_in_dim3A_1551 = arith.constant 2 : i32
        %broadcast_in_dim3A_1552 = vector.broadcast %broadcast_in_dim3A_1551 : i32 to vector<16xi32>
        tpu.vector_store_idx %arg13[%broadcast_in_dim3A_1552, %add3A_1518, %add3A_1519], %mul3A_1546 masked %lt3A_103 {add = true} : memref<4x128x128xf32, #tpu.memory_space<vmem>>[vector<16xi32>, vector<16xi32>, vector<16xi32>], vector<16xf32>, vector<16xi1>
        %broadcast_in_dim3A_1553 = arith.constant 3 : i32
        %broadcast_in_dim3A_1554 = vector.broadcast %broadcast_in_dim3A_1553 : i32 to vector<16xi32>
        tpu.vector_store_idx %arg13[%broadcast_in_dim3A_1554, %add3A_1518, %add3A_1519], %exp3A_1543 masked %lt3A_103 {add = true} : memref<4x128x128xf32, #tpu.memory_space<vmem>>[vector<16xi32>, vector<16xi32>, vector<16xi32>], vector<16xf32>, vector<16xi1>
        %broadcast_in_dim3A_1555 = arith.constant 11 : i32
        %broadcast_in_dim3A_1556 = vector.broadcast %broadcast_in_dim3A_1555 : i32 to vector<16xi32>
        %broadcast_in_dim3A_1557 = vector.shape_cast %broadcast_in_dim3A_1556 : vector<16xi32> to vector<16x1xi32>
        %gather3A_1558 = vector.shape_cast %broadcast_in_dim3A_1557 : vector<16x1xi32> to vector<16xi32>
        %gather3A_1559 = tpu.dynamic_gather %gather3A_280[%gather3A_1558] in [0] : vector<16xf32>, vector<16xi32> -> vector<16xf32>
        %broadcast_in_dim3A_1560 = arith.constant 11 : i32
        %broadcast_in_dim3A_1561 = vector.broadcast %broadcast_in_dim3A_1560 : i32 to vector<16xi32>
        %broadcast_in_dim3A_1562 = vector.shape_cast %broadcast_in_dim3A_1561 : vector<16xi32> to vector<16x1xi32>
        %gather3A_1563 = vector.shape_cast %broadcast_in_dim3A_1562 : vector<16x1xi32> to vector<16xi32>
        %gather3A_1564 = tpu.dynamic_gather %gather3A_281[%gather3A_1563] in [0] : vector<16xf32>, vector<16xi32> -> vector<16xf32>
        %broadcast_in_dim3A_1565 = arith.constant 11 : i32
        %broadcast_in_dim3A_1566 = vector.broadcast %broadcast_in_dim3A_1565 : i32 to vector<16xi32>
        %broadcast_in_dim3A_1567 = vector.shape_cast %broadcast_in_dim3A_1566 : vector<16xi32> to vector<16x1xi32>
        %gather3A_1568 = vector.shape_cast %broadcast_in_dim3A_1567 : vector<16x1xi32> to vector<16xi32>
        %gather3A_1569 = tpu.dynamic_gather %convert_element_type3A_291[%gather3A_1568] in [0] : vector<16xi32>, vector<16xi32> -> vector<16xi32>
        %broadcast_in_dim3A_1570 = arith.constant 11 : i32
        %broadcast_in_dim3A_1571 = vector.broadcast %broadcast_in_dim3A_1570 : i32 to vector<16xi32>
        %broadcast_in_dim3A_1572 = vector.shape_cast %broadcast_in_dim3A_1571 : vector<16xi32> to vector<16x1xi32>
        %gather3A_1573 = vector.shape_cast %broadcast_in_dim3A_1572 : vector<16x1xi32> to vector<16xi32>
        %gather3A_1574 = tpu.dynamic_gather %convert_element_type3A_298[%gather3A_1573] in [0] : vector<16xi32>, vector<16xi32> -> vector<16xi32>
        %broadcast_in_dim3A_1575 = arith.constant 11 : i32
        %broadcast_in_dim3A_1576 = vector.broadcast %broadcast_in_dim3A_1575 : i32 to vector<16xi32>
        %broadcast_in_dim3A_1577 = vector.shape_cast %broadcast_in_dim3A_1576 : vector<16xi32> to vector<16x1xi32>
        %gather3A_1578 = vector.shape_cast %broadcast_in_dim3A_1577 : vector<16x1xi32> to vector<16xi32>
        %gather3A_1579 = tpu.dynamic_gather %mul3A_301[%gather3A_1578] in [0] : vector<16xf32>, vector<16xi32> -> vector<16xf32>
        %broadcast_in_dim3A_1580 = arith.constant 11 : i32
        %broadcast_in_dim3A_1581 = vector.broadcast %broadcast_in_dim3A_1580 : i32 to vector<16xi32>
        %broadcast_in_dim3A_1582 = vector.shape_cast %broadcast_in_dim3A_1581 : vector<16xi32> to vector<16x1xi32>
        %gather3A_1583 = vector.shape_cast %broadcast_in_dim3A_1582 : vector<16x1xi32> to vector<16xi32>
        %gather3A_1584 = tpu.dynamic_gather %gather3A_282[%gather3A_1583] in [0] : vector<16xf32>, vector<16xi32> -> vector<16xf32>
        %broadcast_in_dim3A_1585 = arith.constant 11 : i32
        %broadcast_in_dim3A_1586 = vector.broadcast %broadcast_in_dim3A_1585 : i32 to vector<16xi32>
        %broadcast_in_dim3A_1587 = vector.shape_cast %broadcast_in_dim3A_1586 : vector<16xi32> to vector<16x1xi32>
        %gather3A_1588 = vector.shape_cast %broadcast_in_dim3A_1587 : vector<16x1xi32> to vector<16xi32>
        %gather3A_1589 = tpu.dynamic_gather %gather3A_283[%gather3A_1588] in [0] : vector<16xf32>, vector<16xi32> -> vector<16xf32>
        %broadcast_in_dim3A_1590 = arith.constant 11 : i32
        %broadcast_in_dim3A_1591 = vector.broadcast %broadcast_in_dim3A_1590 : i32 to vector<16xi32>
        %broadcast_in_dim3A_1592 = vector.shape_cast %broadcast_in_dim3A_1591 : vector<16xi32> to vector<16x1xi32>
        %gather3A_1593 = vector.shape_cast %broadcast_in_dim3A_1592 : vector<16x1xi32> to vector<16xi32>
        %gather3A_1594 = tpu.dynamic_gather %gather3A_284[%gather3A_1593] in [0] : vector<16xf32>, vector<16xi32> -> vector<16xf32>
        %add3A_1595 = arith.addi %gather3A_1569, %sub3A_72 : vector<16xi32>
        %add3A_1596 = arith.addi %gather3A_1574, %sub3A_97 : vector<16xi32>
        %convert_element_type3A_1597 = arith.sitofp %add3A_1595 : vector<16xi32> to vector<16xf32>
        %add3A_1598 = arith.constant 5.000000e-01 : f32
        %add3A_1599 = vector.broadcast %add3A_1598 : f32 to vector<16xf32>
        %add3A_1600 = arith.addf %convert_element_type3A_1597, %add3A_1599 : vector<16xf32>
        %mul3A_1601 = arith.constant 7.812500e-03 : f32
        %mul3A_1602 = vector.broadcast %mul3A_1601 : f32 to vector<16xf32>
        %mul3A_1603 = arith.mulf %add3A_1600, %mul3A_1602 : vector<16xf32>
        %sub3A_1604 = arith.subf %mul3A_1603, %gather3A_1559 : vector<16xf32>
        %convert_element_type3A_1605 = arith.sitofp %add3A_1596 : vector<16xi32> to vector<16xf32>
        %add3A_1606 = arith.constant 5.000000e-01 : f32
        %add3A_1607 = vector.broadcast %add3A_1606 : f32 to vector<16xf32>
        %add3A_1608 = arith.addf %convert_element_type3A_1605, %add3A_1607 : vector<16xf32>
        %mul3A_1609 = arith.constant 7.812500e-03 : f32
        %mul3A_1610 = vector.broadcast %mul3A_1609 : f32 to vector<16xf32>
        %mul3A_1611 = arith.mulf %add3A_1608, %mul3A_1610 : vector<16xf32>
        %sub3A_1612 = arith.subf %mul3A_1611, %gather3A_1564 : vector<16xf32>
        %mul3A_1613 = arith.mulf %sub3A_1604, %sub3A_1604 : vector<16xf32>
        %add3A_1614 = arith.addf %gather3A_1579, %mul3A_1613 : vector<16xf32>
        %mul3A_1615 = arith.mulf %sub3A_1612, %sub3A_1612 : vector<16xf32>
        %add3A_1616 = arith.addf %add3A_1614, %mul3A_1615 : vector<16xf32>
        %mul3A_1617 = arith.constant -3600.07202 : f32
        %mul3A_1618 = vector.broadcast %mul3A_1617 : f32 to vector<16xf32>
        %mul3A_1619 = arith.mulf %add3A_1616, %mul3A_1618 : vector<16xf32>
        %exp3A_1620 = math.exp %mul3A_1619 : vector<16xf32>
        %mul3A_1621 = arith.mulf %exp3A_1620, %gather3A_1584 : vector<16xf32>
        %mul3A_1622 = arith.mulf %exp3A_1620, %gather3A_1589 : vector<16xf32>
        %mul3A_1623 = arith.mulf %exp3A_1620, %gather3A_1594 : vector<16xf32>
        %broadcast_in_dim3A_1624 = arith.constant 0 : i32
        %broadcast_in_dim3A_1625 = vector.broadcast %broadcast_in_dim3A_1624 : i32 to vector<16xi32>
        tpu.vector_store_idx %arg13[%broadcast_in_dim3A_1625, %add3A_1595, %add3A_1596], %mul3A_1621 {add = true} : memref<4x128x128xf32, #tpu.memory_space<vmem>>[vector<16xi32>, vector<16xi32>, vector<16xi32>], vector<16xf32>,
        %broadcast_in_dim3A_1626 = arith.constant 1 : i32
        %broadcast_in_dim3A_1627 = vector.broadcast %broadcast_in_dim3A_1626 : i32 to vector<16xi32>
        tpu.vector_store_idx %arg13[%broadcast_in_dim3A_1627, %add3A_1595, %add3A_1596], %mul3A_1622 {add = true} : memref<4x128x128xf32, #tpu.memory_space<vmem>>[vector<16xi32>, vector<16xi32>, vector<16xi32>], vector<16xf32>,
        %broadcast_in_dim3A_1628 = arith.constant 2 : i32
        %broadcast_in_dim3A_1629 = vector.broadcast %broadcast_in_dim3A_1628 : i32 to vector<16xi32>
        tpu.vector_store_idx %arg13[%broadcast_in_dim3A_1629, %add3A_1595, %add3A_1596], %mul3A_1623 {add = true} : memref<4x128x128xf32, #tpu.memory_space<vmem>>[vector<16xi32>, vector<16xi32>, vector<16xi32>], vector<16xf32>,
        %broadcast_in_dim3A_1630 = arith.constant 3 : i32
        %broadcast_in_dim3A_1631 = vector.broadcast %broadcast_in_dim3A_1630 : i32 to vector<16xi32>
        tpu.vector_store_idx %arg13[%broadcast_in_dim3A_1631, %add3A_1595, %add3A_1596], %exp3A_1620 {add = true} : memref<4x128x128xf32, #tpu.memory_space<vmem>>[vector<16xi32>, vector<16xi32>, vector<16xi32>], vector<16xf32>,
        %add3A_1632 = arith.addi %gather3A_1569, %select_n3A_140 : vector<16xi32>
        %add3A_1633 = arith.addi %gather3A_1574, %select_n3A_168 : vector<16xi32>
        %convert_element_type3A_1634 = arith.sitofp %add3A_1632 : vector<16xi32> to vector<16xf32>
        %add3A_1635 = arith.constant 5.000000e-01 : f32
        %add3A_1636 = vector.broadcast %add3A_1635 : f32 to vector<16xf32>
        %add3A_1637 = arith.addf %convert_element_type3A_1634, %add3A_1636 : vector<16xf32>
        %mul3A_1638 = arith.constant 7.812500e-03 : f32
        %mul3A_1639 = vector.broadcast %mul3A_1638 : f32 to vector<16xf32>
        %mul3A_1640 = arith.mulf %add3A_1637, %mul3A_1639 : vector<16xf32>
        %sub3A_1641 = arith.subf %mul3A_1640, %gather3A_1559 : vector<16xf32>
        %convert_element_type3A_1642 = arith.sitofp %add3A_1633 : vector<16xi32> to vector<16xf32>
        %add3A_1643 = arith.constant 5.000000e-01 : f32
        %add3A_1644 = vector.broadcast %add3A_1643 : f32 to vector<16xf32>
        %add3A_1645 = arith.addf %convert_element_type3A_1642, %add3A_1644 : vector<16xf32>
        %mul3A_1646 = arith.constant 7.812500e-03 : f32
        %mul3A_1647 = vector.broadcast %mul3A_1646 : f32 to vector<16xf32>
        %mul3A_1648 = arith.mulf %add3A_1645, %mul3A_1647 : vector<16xf32>
        %sub3A_1649 = arith.subf %mul3A_1648, %gather3A_1564 : vector<16xf32>
        %mul3A_1650 = arith.mulf %sub3A_1641, %sub3A_1641 : vector<16xf32>
        %add3A_1651 = arith.addf %gather3A_1579, %mul3A_1650 : vector<16xf32>
        %mul3A_1652 = arith.mulf %sub3A_1649, %sub3A_1649 : vector<16xf32>
        %add3A_1653 = arith.addf %add3A_1651, %mul3A_1652 : vector<16xf32>
        %mul3A_1654 = arith.constant -3600.07202 : f32
        %mul3A_1655 = vector.broadcast %mul3A_1654 : f32 to vector<16xf32>
        %mul3A_1656 = arith.mulf %add3A_1653, %mul3A_1655 : vector<16xf32>
        %exp3A_1657 = math.exp %mul3A_1656 : vector<16xf32>
        %mul3A_1658 = arith.mulf %exp3A_1657, %gather3A_1584 : vector<16xf32>
        %mul3A_1659 = arith.mulf %exp3A_1657, %gather3A_1589 : vector<16xf32>
        %mul3A_1660 = arith.mulf %exp3A_1657, %gather3A_1594 : vector<16xf32>
        %broadcast_in_dim3A_1661 = arith.constant 0 : i32
        %broadcast_in_dim3A_1662 = vector.broadcast %broadcast_in_dim3A_1661 : i32 to vector<16xi32>
        tpu.vector_store_idx %arg13[%broadcast_in_dim3A_1662, %add3A_1632, %add3A_1633], %mul3A_1658 masked %lt3A_103 {add = true} : memref<4x128x128xf32, #tpu.memory_space<vmem>>[vector<16xi32>, vector<16xi32>, vector<16xi32>], vector<16xf32>, vector<16xi1>
        %broadcast_in_dim3A_1663 = arith.constant 1 : i32
        %broadcast_in_dim3A_1664 = vector.broadcast %broadcast_in_dim3A_1663 : i32 to vector<16xi32>
        tpu.vector_store_idx %arg13[%broadcast_in_dim3A_1664, %add3A_1632, %add3A_1633], %mul3A_1659 masked %lt3A_103 {add = true} : memref<4x128x128xf32, #tpu.memory_space<vmem>>[vector<16xi32>, vector<16xi32>, vector<16xi32>], vector<16xf32>, vector<16xi1>
        %broadcast_in_dim3A_1665 = arith.constant 2 : i32
        %broadcast_in_dim3A_1666 = vector.broadcast %broadcast_in_dim3A_1665 : i32 to vector<16xi32>
        tpu.vector_store_idx %arg13[%broadcast_in_dim3A_1666, %add3A_1632, %add3A_1633], %mul3A_1660 masked %lt3A_103 {add = true} : memref<4x128x128xf32, #tpu.memory_space<vmem>>[vector<16xi32>, vector<16xi32>, vector<16xi32>], vector<16xf32>, vector<16xi1>
        %broadcast_in_dim3A_1667 = arith.constant 3 : i32
        %broadcast_in_dim3A_1668 = vector.broadcast %broadcast_in_dim3A_1667 : i32 to vector<16xi32>
        tpu.vector_store_idx %arg13[%broadcast_in_dim3A_1668, %add3A_1632, %add3A_1633], %exp3A_1657 masked %lt3A_103 {add = true} : memref<4x128x128xf32, #tpu.memory_space<vmem>>[vector<16xi32>, vector<16xi32>, vector<16xi32>], vector<16xf32>, vector<16xi1>
        %broadcast_in_dim3A_1669 = arith.constant 12 : i32
        %broadcast_in_dim3A_1670 = vector.broadcast %broadcast_in_dim3A_1669 : i32 to vector<16xi32>
        %broadcast_in_dim3A_1671 = vector.shape_cast %broadcast_in_dim3A_1670 : vector<16xi32> to vector<16x1xi32>
        %gather3A_1672 = vector.shape_cast %broadcast_in_dim3A_1671 : vector<16x1xi32> to vector<16xi32>
        %gather3A_1673 = tpu.dynamic_gather %gather3A_280[%gather3A_1672] in [0] : vector<16xf32>, vector<16xi32> -> vector<16xf32>
        %broadcast_in_dim3A_1674 = arith.constant 12 : i32
        %broadcast_in_dim3A_1675 = vector.broadcast %broadcast_in_dim3A_1674 : i32 to vector<16xi32>
        %broadcast_in_dim3A_1676 = vector.shape_cast %broadcast_in_dim3A_1675 : vector<16xi32> to vector<16x1xi32>
        %gather3A_1677 = vector.shape_cast %broadcast_in_dim3A_1676 : vector<16x1xi32> to vector<16xi32>
        %gather3A_1678 = tpu.dynamic_gather %gather3A_281[%gather3A_1677] in [0] : vector<16xf32>, vector<16xi32> -> vector<16xf32>
        %broadcast_in_dim3A_1679 = arith.constant 12 : i32
        %broadcast_in_dim3A_1680 = vector.broadcast %broadcast_in_dim3A_1679 : i32 to vector<16xi32>
        %broadcast_in_dim3A_1681 = vector.shape_cast %broadcast_in_dim3A_1680 : vector<16xi32> to vector<16x1xi32>
        %gather3A_1682 = vector.shape_cast %broadcast_in_dim3A_1681 : vector<16x1xi32> to vector<16xi32>
        %gather3A_1683 = tpu.dynamic_gather %convert_element_type3A_291[%gather3A_1682] in [0] : vector<16xi32>, vector<16xi32> -> vector<16xi32>
        %broadcast_in_dim3A_1684 = arith.constant 12 : i32
        %broadcast_in_dim3A_1685 = vector.broadcast %broadcast_in_dim3A_1684 : i32 to vector<16xi32>
        %broadcast_in_dim3A_1686 = vector.shape_cast %broadcast_in_dim3A_1685 : vector<16xi32> to vector<16x1xi32>
        %gather3A_1687 = vector.shape_cast %broadcast_in_dim3A_1686 : vector<16x1xi32> to vector<16xi32>
        %gather3A_1688 = tpu.dynamic_gather %convert_element_type3A_298[%gather3A_1687] in [0] : vector<16xi32>, vector<16xi32> -> vector<16xi32>
        %broadcast_in_dim3A_1689 = arith.constant 12 : i32
        %broadcast_in_dim3A_1690 = vector.broadcast %broadcast_in_dim3A_1689 : i32 to vector<16xi32>
        %broadcast_in_dim3A_1691 = vector.shape_cast %broadcast_in_dim3A_1690 : vector<16xi32> to vector<16x1xi32>
        %gather3A_1692 = vector.shape_cast %broadcast_in_dim3A_1691 : vector<16x1xi32> to vector<16xi32>
        %gather3A_1693 = tpu.dynamic_gather %mul3A_301[%gather3A_1692] in [0] : vector<16xf32>, vector<16xi32> -> vector<16xf32>
        %broadcast_in_dim3A_1694 = arith.constant 12 : i32
        %broadcast_in_dim3A_1695 = vector.broadcast %broadcast_in_dim3A_1694 : i32 to vector<16xi32>
        %broadcast_in_dim3A_1696 = vector.shape_cast %broadcast_in_dim3A_1695 : vector<16xi32> to vector<16x1xi32>
        %gather3A_1697 = vector.shape_cast %broadcast_in_dim3A_1696 : vector<16x1xi32> to vector<16xi32>
        %gather3A_1698 = tpu.dynamic_gather %gather3A_282[%gather3A_1697] in [0] : vector<16xf32>, vector<16xi32> -> vector<16xf32>
        %broadcast_in_dim3A_1699 = arith.constant 12 : i32
        %broadcast_in_dim3A_1700 = vector.broadcast %broadcast_in_dim3A_1699 : i32 to vector<16xi32>
        %broadcast_in_dim3A_1701 = vector.shape_cast %broadcast_in_dim3A_1700 : vector<16xi32> to vector<16x1xi32>
        %gather3A_1702 = vector.shape_cast %broadcast_in_dim3A_1701 : vector<16x1xi32> to vector<16xi32>
        %gather3A_1703 = tpu.dynamic_gather %gather3A_283[%gather3A_1702] in [0] : vector<16xf32>, vector<16xi32> -> vector<16xf32>
        %broadcast_in_dim3A_1704 = arith.constant 12 : i32
        %broadcast_in_dim3A_1705 = vector.broadcast %broadcast_in_dim3A_1704 : i32 to vector<16xi32>
        %broadcast_in_dim3A_1706 = vector.shape_cast %broadcast_in_dim3A_1705 : vector<16xi32> to vector<16x1xi32>
        %gather3A_1707 = vector.shape_cast %broadcast_in_dim3A_1706 : vector<16x1xi32> to vector<16xi32>
        %gather3A_1708 = tpu.dynamic_gather %gather3A_284[%gather3A_1707] in [0] : vector<16xf32>, vector<16xi32> -> vector<16xf32>
        %add3A_1709 = arith.addi %gather3A_1683, %sub3A_72 : vector<16xi32>
        %add3A_1710 = arith.addi %gather3A_1688, %sub3A_97 : vector<16xi32>
        %convert_element_type3A_1711 = arith.sitofp %add3A_1709 : vector<16xi32> to vector<16xf32>
        %add3A_1712 = arith.constant 5.000000e-01 : f32
        %add3A_1713 = vector.broadcast %add3A_1712 : f32 to vector<16xf32>
        %add3A_1714 = arith.addf %convert_element_type3A_1711, %add3A_1713 : vector<16xf32>
        %mul3A_1715 = arith.constant 7.812500e-03 : f32
        %mul3A_1716 = vector.broadcast %mul3A_1715 : f32 to vector<16xf32>
        %mul3A_1717 = arith.mulf %add3A_1714, %mul3A_1716 : vector<16xf32>
        %sub3A_1718 = arith.subf %mul3A_1717, %gather3A_1673 : vector<16xf32>
        %convert_element_type3A_1719 = arith.sitofp %add3A_1710 : vector<16xi32> to vector<16xf32>
        %add3A_1720 = arith.constant 5.000000e-01 : f32
        %add3A_1721 = vector.broadcast %add3A_1720 : f32 to vector<16xf32>
        %add3A_1722 = arith.addf %convert_element_type3A_1719, %add3A_1721 : vector<16xf32>
        %mul3A_1723 = arith.constant 7.812500e-03 : f32
        %mul3A_1724 = vector.broadcast %mul3A_1723 : f32 to vector<16xf32>
        %mul3A_1725 = arith.mulf %add3A_1722, %mul3A_1724 : vector<16xf32>
        %sub3A_1726 = arith.subf %mul3A_1725, %gather3A_1678 : vector<16xf32>
        %mul3A_1727 = arith.mulf %sub3A_1718, %sub3A_1718 : vector<16xf32>
        %add3A_1728 = arith.addf %gather3A_1693, %mul3A_1727 : vector<16xf32>
        %mul3A_1729 = arith.mulf %sub3A_1726, %sub3A_1726 : vector<16xf32>
        %add3A_1730 = arith.addf %add3A_1728, %mul3A_1729 : vector<16xf32>
        %mul3A_1731 = arith.constant -3600.07202 : f32
        %mul3A_1732 = vector.broadcast %mul3A_1731 : f32 to vector<16xf32>
        %mul3A_1733 = arith.mulf %add3A_1730, %mul3A_1732 : vector<16xf32>
        %exp3A_1734 = math.exp %mul3A_1733 : vector<16xf32>
        %mul3A_1735 = arith.mulf %exp3A_1734, %gather3A_1698 : vector<16xf32>
        %mul3A_1736 = arith.mulf %exp3A_1734, %gather3A_1703 : vector<16xf32>
        %mul3A_1737 = arith.mulf %exp3A_1734, %gather3A_1708 : vector<16xf32>
        %broadcast_in_dim3A_1738 = arith.constant 0 : i32
        %broadcast_in_dim3A_1739 = vector.broadcast %broadcast_in_dim3A_1738 : i32 to vector<16xi32>
        tpu.vector_store_idx %arg13[%broadcast_in_dim3A_1739, %add3A_1709, %add3A_1710], %mul3A_1735 {add = true} : memref<4x128x128xf32, #tpu.memory_space<vmem>>[vector<16xi32>, vector<16xi32>, vector<16xi32>], vector<16xf32>,
        %broadcast_in_dim3A_1740 = arith.constant 1 : i32
        %broadcast_in_dim3A_1741 = vector.broadcast %broadcast_in_dim3A_1740 : i32 to vector<16xi32>
        tpu.vector_store_idx %arg13[%broadcast_in_dim3A_1741, %add3A_1709, %add3A_1710], %mul3A_1736 {add = true} : memref<4x128x128xf32, #tpu.memory_space<vmem>>[vector<16xi32>, vector<16xi32>, vector<16xi32>], vector<16xf32>,
        %broadcast_in_dim3A_1742 = arith.constant 2 : i32
        %broadcast_in_dim3A_1743 = vector.broadcast %broadcast_in_dim3A_1742 : i32 to vector<16xi32>
        tpu.vector_store_idx %arg13[%broadcast_in_dim3A_1743, %add3A_1709, %add3A_1710], %mul3A_1737 {add = true} : memref<4x128x128xf32, #tpu.memory_space<vmem>>[vector<16xi32>, vector<16xi32>, vector<16xi32>], vector<16xf32>,
        %broadcast_in_dim3A_1744 = arith.constant 3 : i32
        %broadcast_in_dim3A_1745 = vector.broadcast %broadcast_in_dim3A_1744 : i32 to vector<16xi32>
        tpu.vector_store_idx %arg13[%broadcast_in_dim3A_1745, %add3A_1709, %add3A_1710], %exp3A_1734 {add = true} : memref<4x128x128xf32, #tpu.memory_space<vmem>>[vector<16xi32>, vector<16xi32>, vector<16xi32>], vector<16xf32>,
        %add3A_1746 = arith.addi %gather3A_1683, %select_n3A_140 : vector<16xi32>
        %add3A_1747 = arith.addi %gather3A_1688, %select_n3A_168 : vector<16xi32>
        %convert_element_type3A_1748 = arith.sitofp %add3A_1746 : vector<16xi32> to vector<16xf32>
        %add3A_1749 = arith.constant 5.000000e-01 : f32
        %add3A_1750 = vector.broadcast %add3A_1749 : f32 to vector<16xf32>
        %add3A_1751 = arith.addf %convert_element_type3A_1748, %add3A_1750 : vector<16xf32>
        %mul3A_1752 = arith.constant 7.812500e-03 : f32
        %mul3A_1753 = vector.broadcast %mul3A_1752 : f32 to vector<16xf32>
        %mul3A_1754 = arith.mulf %add3A_1751, %mul3A_1753 : vector<16xf32>
        %sub3A_1755 = arith.subf %mul3A_1754, %gather3A_1673 : vector<16xf32>
        %convert_element_type3A_1756 = arith.sitofp %add3A_1747 : vector<16xi32> to vector<16xf32>
        %add3A_1757 = arith.constant 5.000000e-01 : f32
        %add3A_1758 = vector.broadcast %add3A_1757 : f32 to vector<16xf32>
        %add3A_1759 = arith.addf %convert_element_type3A_1756, %add3A_1758 : vector<16xf32>
        %mul3A_1760 = arith.constant 7.812500e-03 : f32
        %mul3A_1761 = vector.broadcast %mul3A_1760 : f32 to vector<16xf32>
        %mul3A_1762 = arith.mulf %add3A_1759, %mul3A_1761 : vector<16xf32>
        %sub3A_1763 = arith.subf %mul3A_1762, %gather3A_1678 : vector<16xf32>
        %mul3A_1764 = arith.mulf %sub3A_1755, %sub3A_1755 : vector<16xf32>
        %add3A_1765 = arith.addf %gather3A_1693, %mul3A_1764 : vector<16xf32>
        %mul3A_1766 = arith.mulf %sub3A_1763, %sub3A_1763 : vector<16xf32>
        %add3A_1767 = arith.addf %add3A_1765, %mul3A_1766 : vector<16xf32>
        %mul3A_1768 = arith.constant -3600.07202 : f32
        %mul3A_1769 = vector.broadcast %mul3A_1768 : f32 to vector<16xf32>
        %mul3A_1770 = arith.mulf %add3A_1767, %mul3A_1769 : vector<16xf32>
        %exp3A_1771 = math.exp %mul3A_1770 : vector<16xf32>
        %mul3A_1772 = arith.mulf %exp3A_1771, %gather3A_1698 : vector<16xf32>
        %mul3A_1773 = arith.mulf %exp3A_1771, %gather3A_1703 : vector<16xf32>
        %mul3A_1774 = arith.mulf %exp3A_1771, %gather3A_1708 : vector<16xf32>
        %broadcast_in_dim3A_1775 = arith.constant 0 : i32
        %broadcast_in_dim3A_1776 = vector.broadcast %broadcast_in_dim3A_1775 : i32 to vector<16xi32>
        tpu.vector_store_idx %arg13[%broadcast_in_dim3A_1776, %add3A_1746, %add3A_1747], %mul3A_1772 masked %lt3A_103 {add = true} : memref<4x128x128xf32, #tpu.memory_space<vmem>>[vector<16xi32>, vector<16xi32>, vector<16xi32>], vector<16xf32>, vector<16xi1>
        %broadcast_in_dim3A_1777 = arith.constant 1 : i32
        %broadcast_in_dim3A_1778 = vector.broadcast %broadcast_in_dim3A_1777 : i32 to vector<16xi32>
        tpu.vector_store_idx %arg13[%broadcast_in_dim3A_1778, %add3A_1746, %add3A_1747], %mul3A_1773 masked %lt3A_103 {add = true} : memref<4x128x128xf32, #tpu.memory_space<vmem>>[vector<16xi32>, vector<16xi32>, vector<16xi32>], vector<16xf32>, vector<16xi1>
        %broadcast_in_dim3A_1779 = arith.constant 2 : i32
        %broadcast_in_dim3A_1780 = vector.broadcast %broadcast_in_dim3A_1779 : i32 to vector<16xi32>
        tpu.vector_store_idx %arg13[%broadcast_in_dim3A_1780, %add3A_1746, %add3A_1747], %mul3A_1774 masked %lt3A_103 {add = true} : memref<4x128x128xf32, #tpu.memory_space<vmem>>[vector<16xi32>, vector<16xi32>, vector<16xi32>], vector<16xf32>, vector<16xi1>
        %broadcast_in_dim3A_1781 = arith.constant 3 : i32
        %broadcast_in_dim3A_1782 = vector.broadcast %broadcast_in_dim3A_1781 : i32 to vector<16xi32>
        tpu.vector_store_idx %arg13[%broadcast_in_dim3A_1782, %add3A_1746, %add3A_1747], %exp3A_1771 masked %lt3A_103 {add = true} : memref<4x128x128xf32, #tpu.memory_space<vmem>>[vector<16xi32>, vector<16xi32>, vector<16xi32>], vector<16xf32>, vector<16xi1>
        %broadcast_in_dim3A_1783 = arith.constant 13 : i32
        %broadcast_in_dim3A_1784 = vector.broadcast %broadcast_in_dim3A_1783 : i32 to vector<16xi32>
        %broadcast_in_dim3A_1785 = vector.shape_cast %broadcast_in_dim3A_1784 : vector<16xi32> to vector<16x1xi32>
        %gather3A_1786 = vector.shape_cast %broadcast_in_dim3A_1785 : vector<16x1xi32> to vector<16xi32>
        %gather3A_1787 = tpu.dynamic_gather %gather3A_280[%gather3A_1786] in [0] : vector<16xf32>, vector<16xi32> -> vector<16xf32>
        %broadcast_in_dim3A_1788 = arith.constant 13 : i32
        %broadcast_in_dim3A_1789 = vector.broadcast %broadcast_in_dim3A_1788 : i32 to vector<16xi32>
        %broadcast_in_dim3A_1790 = vector.shape_cast %broadcast_in_dim3A_1789 : vector<16xi32> to vector<16x1xi32>
        %gather3A_1791 = vector.shape_cast %broadcast_in_dim3A_1790 : vector<16x1xi32> to vector<16xi32>
        %gather3A_1792 = tpu.dynamic_gather %gather3A_281[%gather3A_1791] in [0] : vector<16xf32>, vector<16xi32> -> vector<16xf32>
        %broadcast_in_dim3A_1793 = arith.constant 13 : i32
        %broadcast_in_dim3A_1794 = vector.broadcast %broadcast_in_dim3A_1793 : i32 to vector<16xi32>
        %broadcast_in_dim3A_1795 = vector.shape_cast %broadcast_in_dim3A_1794 : vector<16xi32> to vector<16x1xi32>
        %gather3A_1796 = vector.shape_cast %broadcast_in_dim3A_1795 : vector<16x1xi32> to vector<16xi32>
        %gather3A_1797 = tpu.dynamic_gather %convert_element_type3A_291[%gather3A_1796] in [0] : vector<16xi32>, vector<16xi32> -> vector<16xi32>
        %broadcast_in_dim3A_1798 = arith.constant 13 : i32
        %broadcast_in_dim3A_1799 = vector.broadcast %broadcast_in_dim3A_1798 : i32 to vector<16xi32>
        %broadcast_in_dim3A_1800 = vector.shape_cast %broadcast_in_dim3A_1799 : vector<16xi32> to vector<16x1xi32>
        %gather3A_1801 = vector.shape_cast %broadcast_in_dim3A_1800 : vector<16x1xi32> to vector<16xi32>
        %gather3A_1802 = tpu.dynamic_gather %convert_element_type3A_298[%gather3A_1801] in [0] : vector<16xi32>, vector<16xi32> -> vector<16xi32>
        %broadcast_in_dim3A_1803 = arith.constant 13 : i32
        %broadcast_in_dim3A_1804 = vector.broadcast %broadcast_in_dim3A_1803 : i32 to vector<16xi32>
        %broadcast_in_dim3A_1805 = vector.shape_cast %broadcast_in_dim3A_1804 : vector<16xi32> to vector<16x1xi32>
        %gather3A_1806 = vector.shape_cast %broadcast_in_dim3A_1805 : vector<16x1xi32> to vector<16xi32>
        %gather3A_1807 = tpu.dynamic_gather %mul3A_301[%gather3A_1806] in [0] : vector<16xf32>, vector<16xi32> -> vector<16xf32>
        %broadcast_in_dim3A_1808 = arith.constant 13 : i32
        %broadcast_in_dim3A_1809 = vector.broadcast %broadcast_in_dim3A_1808 : i32 to vector<16xi32>
        %broadcast_in_dim3A_1810 = vector.shape_cast %broadcast_in_dim3A_1809 : vector<16xi32> to vector<16x1xi32>
        %gather3A_1811 = vector.shape_cast %broadcast_in_dim3A_1810 : vector<16x1xi32> to vector<16xi32>
        %gather3A_1812 = tpu.dynamic_gather %gather3A_282[%gather3A_1811] in [0] : vector<16xf32>, vector<16xi32> -> vector<16xf32>
        %broadcast_in_dim3A_1813 = arith.constant 13 : i32
        %broadcast_in_dim3A_1814 = vector.broadcast %broadcast_in_dim3A_1813 : i32 to vector<16xi32>
        %broadcast_in_dim3A_1815 = vector.shape_cast %broadcast_in_dim3A_1814 : vector<16xi32> to vector<16x1xi32>
        %gather3A_1816 = vector.shape_cast %broadcast_in_dim3A_1815 : vector<16x1xi32> to vector<16xi32>
        %gather3A_1817 = tpu.dynamic_gather %gather3A_283[%gather3A_1816] in [0] : vector<16xf32>, vector<16xi32> -> vector<16xf32>
        %broadcast_in_dim3A_1818 = arith.constant 13 : i32
        %broadcast_in_dim3A_1819 = vector.broadcast %broadcast_in_dim3A_1818 : i32 to vector<16xi32>
        %broadcast_in_dim3A_1820 = vector.shape_cast %broadcast_in_dim3A_1819 : vector<16xi32> to vector<16x1xi32>
        %gather3A_1821 = vector.shape_cast %broadcast_in_dim3A_1820 : vector<16x1xi32> to vector<16xi32>
        %gather3A_1822 = tpu.dynamic_gather %gather3A_284[%gather3A_1821] in [0] : vector<16xf32>, vector<16xi32> -> vector<16xf32>
        %add3A_1823 = arith.addi %gather3A_1797, %sub3A_72 : vector<16xi32>
        %add3A_1824 = arith.addi %gather3A_1802, %sub3A_97 : vector<16xi32>
        %convert_element_type3A_1825 = arith.sitofp %add3A_1823 : vector<16xi32> to vector<16xf32>
        %add3A_1826 = arith.constant 5.000000e-01 : f32
        %add3A_1827 = vector.broadcast %add3A_1826 : f32 to vector<16xf32>
        %add3A_1828 = arith.addf %convert_element_type3A_1825, %add3A_1827 : vector<16xf32>
        %mul3A_1829 = arith.constant 7.812500e-03 : f32
        %mul3A_1830 = vector.broadcast %mul3A_1829 : f32 to vector<16xf32>
        %mul3A_1831 = arith.mulf %add3A_1828, %mul3A_1830 : vector<16xf32>
        %sub3A_1832 = arith.subf %mul3A_1831, %gather3A_1787 : vector<16xf32>
        %convert_element_type3A_1833 = arith.sitofp %add3A_1824 : vector<16xi32> to vector<16xf32>
        %add3A_1834 = arith.constant 5.000000e-01 : f32
        %add3A_1835 = vector.broadcast %add3A_1834 : f32 to vector<16xf32>
        %add3A_1836 = arith.addf %convert_element_type3A_1833, %add3A_1835 : vector<16xf32>
        %mul3A_1837 = arith.constant 7.812500e-03 : f32
        %mul3A_1838 = vector.broadcast %mul3A_1837 : f32 to vector<16xf32>
        %mul3A_1839 = arith.mulf %add3A_1836, %mul3A_1838 : vector<16xf32>
        %sub3A_1840 = arith.subf %mul3A_1839, %gather3A_1792 : vector<16xf32>
        %mul3A_1841 = arith.mulf %sub3A_1832, %sub3A_1832 : vector<16xf32>
        %add3A_1842 = arith.addf %gather3A_1807, %mul3A_1841 : vector<16xf32>
        %mul3A_1843 = arith.mulf %sub3A_1840, %sub3A_1840 : vector<16xf32>
        %add3A_1844 = arith.addf %add3A_1842, %mul3A_1843 : vector<16xf32>
        %mul3A_1845 = arith.constant -3600.07202 : f32
        %mul3A_1846 = vector.broadcast %mul3A_1845 : f32 to vector<16xf32>
        %mul3A_1847 = arith.mulf %add3A_1844, %mul3A_1846 : vector<16xf32>
        %exp3A_1848 = math.exp %mul3A_1847 : vector<16xf32>
        %mul3A_1849 = arith.mulf %exp3A_1848, %gather3A_1812 : vector<16xf32>
        %mul3A_1850 = arith.mulf %exp3A_1848, %gather3A_1817 : vector<16xf32>
        %mul3A_1851 = arith.mulf %exp3A_1848, %gather3A_1822 : vector<16xf32>
        %broadcast_in_dim3A_1852 = arith.constant 0 : i32
        %broadcast_in_dim3A_1853 = vector.broadcast %broadcast_in_dim3A_1852 : i32 to vector<16xi32>
        tpu.vector_store_idx %arg13[%broadcast_in_dim3A_1853, %add3A_1823, %add3A_1824], %mul3A_1849 {add = true} : memref<4x128x128xf32, #tpu.memory_space<vmem>>[vector<16xi32>, vector<16xi32>, vector<16xi32>], vector<16xf32>,
        %broadcast_in_dim3A_1854 = arith.constant 1 : i32
        %broadcast_in_dim3A_1855 = vector.broadcast %broadcast_in_dim3A_1854 : i32 to vector<16xi32>
        tpu.vector_store_idx %arg13[%broadcast_in_dim3A_1855, %add3A_1823, %add3A_1824], %mul3A_1850 {add = true} : memref<4x128x128xf32, #tpu.memory_space<vmem>>[vector<16xi32>, vector<16xi32>, vector<16xi32>], vector<16xf32>,
        %broadcast_in_dim3A_1856 = arith.constant 2 : i32
        %broadcast_in_dim3A_1857 = vector.broadcast %broadcast_in_dim3A_1856 : i32 to vector<16xi32>
        tpu.vector_store_idx %arg13[%broadcast_in_dim3A_1857, %add3A_1823, %add3A_1824], %mul3A_1851 {add = true} : memref<4x128x128xf32, #tpu.memory_space<vmem>>[vector<16xi32>, vector<16xi32>, vector<16xi32>], vector<16xf32>,
        %broadcast_in_dim3A_1858 = arith.constant 3 : i32
        %broadcast_in_dim3A_1859 = vector.broadcast %broadcast_in_dim3A_1858 : i32 to vector<16xi32>
        tpu.vector_store_idx %arg13[%broadcast_in_dim3A_1859, %add3A_1823, %add3A_1824], %exp3A_1848 {add = true} : memref<4x128x128xf32, #tpu.memory_space<vmem>>[vector<16xi32>, vector<16xi32>, vector<16xi32>], vector<16xf32>,
        %add3A_1860 = arith.addi %gather3A_1797, %select_n3A_140 : vector<16xi32>
        %add3A_1861 = arith.addi %gather3A_1802, %select_n3A_168 : vector<16xi32>
        %convert_element_type3A_1862 = arith.sitofp %add3A_1860 : vector<16xi32> to vector<16xf32>
        %add3A_1863 = arith.constant 5.000000e-01 : f32
        %add3A_1864 = vector.broadcast %add3A_1863 : f32 to vector<16xf32>
        %add3A_1865 = arith.addf %convert_element_type3A_1862, %add3A_1864 : vector<16xf32>
        %mul3A_1866 = arith.constant 7.812500e-03 : f32
        %mul3A_1867 = vector.broadcast %mul3A_1866 : f32 to vector<16xf32>
        %mul3A_1868 = arith.mulf %add3A_1865, %mul3A_1867 : vector<16xf32>
        %sub3A_1869 = arith.subf %mul3A_1868, %gather3A_1787 : vector<16xf32>
        %convert_element_type3A_1870 = arith.sitofp %add3A_1861 : vector<16xi32> to vector<16xf32>
        %add3A_1871 = arith.constant 5.000000e-01 : f32
        %add3A_1872 = vector.broadcast %add3A_1871 : f32 to vector<16xf32>
        %add3A_1873 = arith.addf %convert_element_type3A_1870, %add3A_1872 : vector<16xf32>
        %mul3A_1874 = arith.constant 7.812500e-03 : f32
        %mul3A_1875 = vector.broadcast %mul3A_1874 : f32 to vector<16xf32>
        %mul3A_1876 = arith.mulf %add3A_1873, %mul3A_1875 : vector<16xf32>
        %sub3A_1877 = arith.subf %mul3A_1876, %gather3A_1792 : vector<16xf32>
        %mul3A_1878 = arith.mulf %sub3A_1869, %sub3A_1869 : vector<16xf32>
        %add3A_1879 = arith.addf %gather3A_1807, %mul3A_1878 : vector<16xf32>
        %mul3A_1880 = arith.mulf %sub3A_1877, %sub3A_1877 : vector<16xf32>
        %add3A_1881 = arith.addf %add3A_1879, %mul3A_1880 : vector<16xf32>
        %mul3A_1882 = arith.constant -3600.07202 : f32
        %mul3A_1883 = vector.broadcast %mul3A_1882 : f32 to vector<16xf32>
        %mul3A_1884 = arith.mulf %add3A_1881, %mul3A_1883 : vector<16xf32>
        %exp3A_1885 = math.exp %mul3A_1884 : vector<16xf32>
        %mul3A_1886 = arith.mulf %exp3A_1885, %gather3A_1812 : vector<16xf32>
        %mul3A_1887 = arith.mulf %exp3A_1885, %gather3A_1817 : vector<16xf32>
        %mul3A_1888 = arith.mulf %exp3A_1885, %gather3A_1822 : vector<16xf32>
        %broadcast_in_dim3A_1889 = arith.constant 0 : i32
        %broadcast_in_dim3A_1890 = vector.broadcast %broadcast_in_dim3A_1889 : i32 to vector<16xi32>
        tpu.vector_store_idx %arg13[%broadcast_in_dim3A_1890, %add3A_1860, %add3A_1861], %mul3A_1886 masked %lt3A_103 {add = true} : memref<4x128x128xf32, #tpu.memory_space<vmem>>[vector<16xi32>, vector<16xi32>, vector<16xi32>], vector<16xf32>, vector<16xi1>
        %broadcast_in_dim3A_1891 = arith.constant 1 : i32
        %broadcast_in_dim3A_1892 = vector.broadcast %broadcast_in_dim3A_1891 : i32 to vector<16xi32>
        tpu.vector_store_idx %arg13[%broadcast_in_dim3A_1892, %add3A_1860, %add3A_1861], %mul3A_1887 masked %lt3A_103 {add = true} : memref<4x128x128xf32, #tpu.memory_space<vmem>>[vector<16xi32>, vector<16xi32>, vector<16xi32>], vector<16xf32>, vector<16xi1>
        %broadcast_in_dim3A_1893 = arith.constant 2 : i32
        %broadcast_in_dim3A_1894 = vector.broadcast %broadcast_in_dim3A_1893 : i32 to vector<16xi32>
        tpu.vector_store_idx %arg13[%broadcast_in_dim3A_1894, %add3A_1860, %add3A_1861], %mul3A_1888 masked %lt3A_103 {add = true} : memref<4x128x128xf32, #tpu.memory_space<vmem>>[vector<16xi32>, vector<16xi32>, vector<16xi32>], vector<16xf32>, vector<16xi1>
        %broadcast_in_dim3A_1895 = arith.constant 3 : i32
        %broadcast_in_dim3A_1896 = vector.broadcast %broadcast_in_dim3A_1895 : i32 to vector<16xi32>
        tpu.vector_store_idx %arg13[%broadcast_in_dim3A_1896, %add3A_1860, %add3A_1861], %exp3A_1885 masked %lt3A_103 {add = true} : memref<4x128x128xf32, #tpu.memory_space<vmem>>[vector<16xi32>, vector<16xi32>, vector<16xi32>], vector<16xf32>, vector<16xi1>
        %broadcast_in_dim3A_1897 = arith.constant 14 : i32
        %broadcast_in_dim3A_1898 = vector.broadcast %broadcast_in_dim3A_1897 : i32 to vector<16xi32>
        %broadcast_in_dim3A_1899 = vector.shape_cast %broadcast_in_dim3A_1898 : vector<16xi32> to vector<16x1xi32>
        %gather3A_1900 = vector.shape_cast %broadcast_in_dim3A_1899 : vector<16x1xi32> to vector<16xi32>
        %gather3A_1901 = tpu.dynamic_gather %gather3A_280[%gather3A_1900] in [0] : vector<16xf32>, vector<16xi32> -> vector<16xf32>
        %broadcast_in_dim3A_1902 = arith.constant 14 : i32
        %broadcast_in_dim3A_1903 = vector.broadcast %broadcast_in_dim3A_1902 : i32 to vector<16xi32>
        %broadcast_in_dim3A_1904 = vector.shape_cast %broadcast_in_dim3A_1903 : vector<16xi32> to vector<16x1xi32>
        %gather3A_1905 = vector.shape_cast %broadcast_in_dim3A_1904 : vector<16x1xi32> to vector<16xi32>
        %gather3A_1906 = tpu.dynamic_gather %gather3A_281[%gather3A_1905] in [0] : vector<16xf32>, vector<16xi32> -> vector<16xf32>
        %broadcast_in_dim3A_1907 = arith.constant 14 : i32
        %broadcast_in_dim3A_1908 = vector.broadcast %broadcast_in_dim3A_1907 : i32 to vector<16xi32>
        %broadcast_in_dim3A_1909 = vector.shape_cast %broadcast_in_dim3A_1908 : vector<16xi32> to vector<16x1xi32>
        %gather3A_1910 = vector.shape_cast %broadcast_in_dim3A_1909 : vector<16x1xi32> to vector<16xi32>
        %gather3A_1911 = tpu.dynamic_gather %convert_element_type3A_291[%gather3A_1910] in [0] : vector<16xi32>, vector<16xi32> -> vector<16xi32>
        %broadcast_in_dim3A_1912 = arith.constant 14 : i32
        %broadcast_in_dim3A_1913 = vector.broadcast %broadcast_in_dim3A_1912 : i32 to vector<16xi32>
        %broadcast_in_dim3A_1914 = vector.shape_cast %broadcast_in_dim3A_1913 : vector<16xi32> to vector<16x1xi32>
        %gather3A_1915 = vector.shape_cast %broadcast_in_dim3A_1914 : vector<16x1xi32> to vector<16xi32>
        %gather3A_1916 = tpu.dynamic_gather %convert_element_type3A_298[%gather3A_1915] in [0] : vector<16xi32>, vector<16xi32> -> vector<16xi32>
        %broadcast_in_dim3A_1917 = arith.constant 14 : i32
        %broadcast_in_dim3A_1918 = vector.broadcast %broadcast_in_dim3A_1917 : i32 to vector<16xi32>
        %broadcast_in_dim3A_1919 = vector.shape_cast %broadcast_in_dim3A_1918 : vector<16xi32> to vector<16x1xi32>
        %gather3A_1920 = vector.shape_cast %broadcast_in_dim3A_1919 : vector<16x1xi32> to vector<16xi32>
        %gather3A_1921 = tpu.dynamic_gather %mul3A_301[%gather3A_1920] in [0] : vector<16xf32>, vector<16xi32> -> vector<16xf32>
        %broadcast_in_dim3A_1922 = arith.constant 14 : i32
        %broadcast_in_dim3A_1923 = vector.broadcast %broadcast_in_dim3A_1922 : i32 to vector<16xi32>
        %broadcast_in_dim3A_1924 = vector.shape_cast %broadcast_in_dim3A_1923 : vector<16xi32> to vector<16x1xi32>
        %gather3A_1925 = vector.shape_cast %broadcast_in_dim3A_1924 : vector<16x1xi32> to vector<16xi32>
        %gather3A_1926 = tpu.dynamic_gather %gather3A_282[%gather3A_1925] in [0] : vector<16xf32>, vector<16xi32> -> vector<16xf32>
        %broadcast_in_dim3A_1927 = arith.constant 14 : i32
        %broadcast_in_dim3A_1928 = vector.broadcast %broadcast_in_dim3A_1927 : i32 to vector<16xi32>
        %broadcast_in_dim3A_1929 = vector.shape_cast %broadcast_in_dim3A_1928 : vector<16xi32> to vector<16x1xi32>
        %gather3A_1930 = vector.shape_cast %broadcast_in_dim3A_1929 : vector<16x1xi32> to vector<16xi32>
        %gather3A_1931 = tpu.dynamic_gather %gather3A_283[%gather3A_1930] in [0] : vector<16xf32>, vector<16xi32> -> vector<16xf32>
        %broadcast_in_dim3A_1932 = arith.constant 14 : i32
        %broadcast_in_dim3A_1933 = vector.broadcast %broadcast_in_dim3A_1932 : i32 to vector<16xi32>
        %broadcast_in_dim3A_1934 = vector.shape_cast %broadcast_in_dim3A_1933 : vector<16xi32> to vector<16x1xi32>
        %gather3A_1935 = vector.shape_cast %broadcast_in_dim3A_1934 : vector<16x1xi32> to vector<16xi32>
        %gather3A_1936 = tpu.dynamic_gather %gather3A_284[%gather3A_1935] in [0] : vector<16xf32>, vector<16xi32> -> vector<16xf32>
        %add3A_1937 = arith.addi %gather3A_1911, %sub3A_72 : vector<16xi32>
        %add3A_1938 = arith.addi %gather3A_1916, %sub3A_97 : vector<16xi32>
        %convert_element_type3A_1939 = arith.sitofp %add3A_1937 : vector<16xi32> to vector<16xf32>
        %add3A_1940 = arith.constant 5.000000e-01 : f32
        %add3A_1941 = vector.broadcast %add3A_1940 : f32 to vector<16xf32>
        %add3A_1942 = arith.addf %convert_element_type3A_1939, %add3A_1941 : vector<16xf32>
        %mul3A_1943 = arith.constant 7.812500e-03 : f32
        %mul3A_1944 = vector.broadcast %mul3A_1943 : f32 to vector<16xf32>
        %mul3A_1945 = arith.mulf %add3A_1942, %mul3A_1944 : vector<16xf32>
        %sub3A_1946 = arith.subf %mul3A_1945, %gather3A_1901 : vector<16xf32>
        %convert_element_type3A_1947 = arith.sitofp %add3A_1938 : vector<16xi32> to vector<16xf32>
        %add3A_1948 = arith.constant 5.000000e-01 : f32
        %add3A_1949 = vector.broadcast %add3A_1948 : f32 to vector<16xf32>
        %add3A_1950 = arith.addf %convert_element_type3A_1947, %add3A_1949 : vector<16xf32>
        %mul3A_1951 = arith.constant 7.812500e-03 : f32
        %mul3A_1952 = vector.broadcast %mul3A_1951 : f32 to vector<16xf32>
        %mul3A_1953 = arith.mulf %add3A_1950, %mul3A_1952 : vector<16xf32>
        %sub3A_1954 = arith.subf %mul3A_1953, %gather3A_1906 : vector<16xf32>
        %mul3A_1955 = arith.mulf %sub3A_1946, %sub3A_1946 : vector<16xf32>
        %add3A_1956 = arith.addf %gather3A_1921, %mul3A_1955 : vector<16xf32>
        %mul3A_1957 = arith.mulf %sub3A_1954, %sub3A_1954 : vector<16xf32>
        %add3A_1958 = arith.addf %add3A_1956, %mul3A_1957 : vector<16xf32>
        %mul3A_1959 = arith.constant -3600.07202 : f32
        %mul3A_1960 = vector.broadcast %mul3A_1959 : f32 to vector<16xf32>
        %mul3A_1961 = arith.mulf %add3A_1958, %mul3A_1960 : vector<16xf32>
        %exp3A_1962 = math.exp %mul3A_1961 : vector<16xf32>
        %mul3A_1963 = arith.mulf %exp3A_1962, %gather3A_1926 : vector<16xf32>
        %mul3A_1964 = arith.mulf %exp3A_1962, %gather3A_1931 : vector<16xf32>
        %mul3A_1965 = arith.mulf %exp3A_1962, %gather3A_1936 : vector<16xf32>
        %broadcast_in_dim3A_1966 = arith.constant 0 : i32
        %broadcast_in_dim3A_1967 = vector.broadcast %broadcast_in_dim3A_1966 : i32 to vector<16xi32>
        tpu.vector_store_idx %arg13[%broadcast_in_dim3A_1967, %add3A_1937, %add3A_1938], %mul3A_1963 {add = true} : memref<4x128x128xf32, #tpu.memory_space<vmem>>[vector<16xi32>, vector<16xi32>, vector<16xi32>], vector<16xf32>,
        %broadcast_in_dim3A_1968 = arith.constant 1 : i32
        %broadcast_in_dim3A_1969 = vector.broadcast %broadcast_in_dim3A_1968 : i32 to vector<16xi32>
        tpu.vector_store_idx %arg13[%broadcast_in_dim3A_1969, %add3A_1937, %add3A_1938], %mul3A_1964 {add = true} : memref<4x128x128xf32, #tpu.memory_space<vmem>>[vector<16xi32>, vector<16xi32>, vector<16xi32>], vector<16xf32>,
        %broadcast_in_dim3A_1970 = arith.constant 2 : i32
        %broadcast_in_dim3A_1971 = vector.broadcast %broadcast_in_dim3A_1970 : i32 to vector<16xi32>
        tpu.vector_store_idx %arg13[%broadcast_in_dim3A_1971, %add3A_1937, %add3A_1938], %mul3A_1965 {add = true} : memref<4x128x128xf32, #tpu.memory_space<vmem>>[vector<16xi32>, vector<16xi32>, vector<16xi32>], vector<16xf32>,
        %broadcast_in_dim3A_1972 = arith.constant 3 : i32
        %broadcast_in_dim3A_1973 = vector.broadcast %broadcast_in_dim3A_1972 : i32 to vector<16xi32>
        tpu.vector_store_idx %arg13[%broadcast_in_dim3A_1973, %add3A_1937, %add3A_1938], %exp3A_1962 {add = true} : memref<4x128x128xf32, #tpu.memory_space<vmem>>[vector<16xi32>, vector<16xi32>, vector<16xi32>], vector<16xf32>,
        %add3A_1974 = arith.addi %gather3A_1911, %select_n3A_140 : vector<16xi32>
        %add3A_1975 = arith.addi %gather3A_1916, %select_n3A_168 : vector<16xi32>
        %convert_element_type3A_1976 = arith.sitofp %add3A_1974 : vector<16xi32> to vector<16xf32>
        %add3A_1977 = arith.constant 5.000000e-01 : f32
        %add3A_1978 = vector.broadcast %add3A_1977 : f32 to vector<16xf32>
        %add3A_1979 = arith.addf %convert_element_type3A_1976, %add3A_1978 : vector<16xf32>
        %mul3A_1980 = arith.constant 7.812500e-03 : f32
        %mul3A_1981 = vector.broadcast %mul3A_1980 : f32 to vector<16xf32>
        %mul3A_1982 = arith.mulf %add3A_1979, %mul3A_1981 : vector<16xf32>
        %sub3A_1983 = arith.subf %mul3A_1982, %gather3A_1901 : vector<16xf32>
        %convert_element_type3A_1984 = arith.sitofp %add3A_1975 : vector<16xi32> to vector<16xf32>
        %add3A_1985 = arith.constant 5.000000e-01 : f32
        %add3A_1986 = vector.broadcast %add3A_1985 : f32 to vector<16xf32>
        %add3A_1987 = arith.addf %convert_element_type3A_1984, %add3A_1986 : vector<16xf32>
        %mul3A_1988 = arith.constant 7.812500e-03 : f32
        %mul3A_1989 = vector.broadcast %mul3A_1988 : f32 to vector<16xf32>
        %mul3A_1990 = arith.mulf %add3A_1987, %mul3A_1989 : vector<16xf32>
        %sub3A_1991 = arith.subf %mul3A_1990, %gather3A_1906 : vector<16xf32>
        %mul3A_1992 = arith.mulf %sub3A_1983, %sub3A_1983 : vector<16xf32>
        %add3A_1993 = arith.addf %gather3A_1921, %mul3A_1992 : vector<16xf32>
        %mul3A_1994 = arith.mulf %sub3A_1991, %sub3A_1991 : vector<16xf32>
        %add3A_1995 = arith.addf %add3A_1993, %mul3A_1994 : vector<16xf32>
        %mul3A_1996 = arith.constant -3600.07202 : f32
        %mul3A_1997 = vector.broadcast %mul3A_1996 : f32 to vector<16xf32>
        %mul3A_1998 = arith.mulf %add3A_1995, %mul3A_1997 : vector<16xf32>
        %exp3A_1999 = math.exp %mul3A_1998 : vector<16xf32>
        %mul3A_2000 = arith.mulf %exp3A_1999, %gather3A_1926 : vector<16xf32>
        %mul3A_2001 = arith.mulf %exp3A_1999, %gather3A_1931 : vector<16xf32>
        %mul3A_2002 = arith.mulf %exp3A_1999, %gather3A_1936 : vector<16xf32>
        %broadcast_in_dim3A_2003 = arith.constant 0 : i32
        %broadcast_in_dim3A_2004 = vector.broadcast %broadcast_in_dim3A_2003 : i32 to vector<16xi32>
        tpu.vector_store_idx %arg13[%broadcast_in_dim3A_2004, %add3A_1974, %add3A_1975], %mul3A_2000 masked %lt3A_103 {add = true} : memref<4x128x128xf32, #tpu.memory_space<vmem>>[vector<16xi32>, vector<16xi32>, vector<16xi32>], vector<16xf32>, vector<16xi1>
        %broadcast_in_dim3A_2005 = arith.constant 1 : i32
        %broadcast_in_dim3A_2006 = vector.broadcast %broadcast_in_dim3A_2005 : i32 to vector<16xi32>
        tpu.vector_store_idx %arg13[%broadcast_in_dim3A_2006, %add3A_1974, %add3A_1975], %mul3A_2001 masked %lt3A_103 {add = true} : memref<4x128x128xf32, #tpu.memory_space<vmem>>[vector<16xi32>, vector<16xi32>, vector<16xi32>], vector<16xf32>, vector<16xi1>
        %broadcast_in_dim3A_2007 = arith.constant 2 : i32
        %broadcast_in_dim3A_2008 = vector.broadcast %broadcast_in_dim3A_2007 : i32 to vector<16xi32>
        tpu.vector_store_idx %arg13[%broadcast_in_dim3A_2008, %add3A_1974, %add3A_1975], %mul3A_2002 masked %lt3A_103 {add = true} : memref<4x128x128xf32, #tpu.memory_space<vmem>>[vector<16xi32>, vector<16xi32>, vector<16xi32>], vector<16xf32>, vector<16xi1>
        %broadcast_in_dim3A_2009 = arith.constant 3 : i32
        %broadcast_in_dim3A_2010 = vector.broadcast %broadcast_in_dim3A_2009 : i32 to vector<16xi32>
        tpu.vector_store_idx %arg13[%broadcast_in_dim3A_2010, %add3A_1974, %add3A_1975], %exp3A_1999 masked %lt3A_103 {add = true} : memref<4x128x128xf32, #tpu.memory_space<vmem>>[vector<16xi32>, vector<16xi32>, vector<16xi32>], vector<16xf32>, vector<16xi1>
        %broadcast_in_dim3A_2011 = arith.constant 15 : i32
        %broadcast_in_dim3A_2012 = vector.broadcast %broadcast_in_dim3A_2011 : i32 to vector<16xi32>
        %broadcast_in_dim3A_2013 = vector.shape_cast %broadcast_in_dim3A_2012 : vector<16xi32> to vector<16x1xi32>
        %gather3A_2014 = vector.shape_cast %broadcast_in_dim3A_2013 : vector<16x1xi32> to vector<16xi32>
        %gather3A_2015 = tpu.dynamic_gather %gather3A_280[%gather3A_2014] in [0] : vector<16xf32>, vector<16xi32> -> vector<16xf32>
        %broadcast_in_dim3A_2016 = arith.constant 15 : i32
        %broadcast_in_dim3A_2017 = vector.broadcast %broadcast_in_dim3A_2016 : i32 to vector<16xi32>
        %broadcast_in_dim3A_2018 = vector.shape_cast %broadcast_in_dim3A_2017 : vector<16xi32> to vector<16x1xi32>
        %gather3A_2019 = vector.shape_cast %broadcast_in_dim3A_2018 : vector<16x1xi32> to vector<16xi32>
        %gather3A_2020 = tpu.dynamic_gather %gather3A_281[%gather3A_2019] in [0] : vector<16xf32>, vector<16xi32> -> vector<16xf32>
        %broadcast_in_dim3A_2021 = arith.constant 15 : i32
        %broadcast_in_dim3A_2022 = vector.broadcast %broadcast_in_dim3A_2021 : i32 to vector<16xi32>
        %broadcast_in_dim3A_2023 = vector.shape_cast %broadcast_in_dim3A_2022 : vector<16xi32> to vector<16x1xi32>
        %gather3A_2024 = vector.shape_cast %broadcast_in_dim3A_2023 : vector<16x1xi32> to vector<16xi32>
        %gather3A_2025 = tpu.dynamic_gather %convert_element_type3A_291[%gather3A_2024] in [0] : vector<16xi32>, vector<16xi32> -> vector<16xi32>
        %broadcast_in_dim3A_2026 = arith.constant 15 : i32
        %broadcast_in_dim3A_2027 = vector.broadcast %broadcast_in_dim3A_2026 : i32 to vector<16xi32>
        %broadcast_in_dim3A_2028 = vector.shape_cast %broadcast_in_dim3A_2027 : vector<16xi32> to vector<16x1xi32>
        %gather3A_2029 = vector.shape_cast %broadcast_in_dim3A_2028 : vector<16x1xi32> to vector<16xi32>
        %gather3A_2030 = tpu.dynamic_gather %convert_element_type3A_298[%gather3A_2029] in [0] : vector<16xi32>, vector<16xi32> -> vector<16xi32>
        %broadcast_in_dim3A_2031 = arith.constant 15 : i32
        %broadcast_in_dim3A_2032 = vector.broadcast %broadcast_in_dim3A_2031 : i32 to vector<16xi32>
        %broadcast_in_dim3A_2033 = vector.shape_cast %broadcast_in_dim3A_2032 : vector<16xi32> to vector<16x1xi32>
        %gather3A_2034 = vector.shape_cast %broadcast_in_dim3A_2033 : vector<16x1xi32> to vector<16xi32>
        %gather3A_2035 = tpu.dynamic_gather %mul3A_301[%gather3A_2034] in [0] : vector<16xf32>, vector<16xi32> -> vector<16xf32>
        %broadcast_in_dim3A_2036 = arith.constant 15 : i32
        %broadcast_in_dim3A_2037 = vector.broadcast %broadcast_in_dim3A_2036 : i32 to vector<16xi32>
        %broadcast_in_dim3A_2038 = vector.shape_cast %broadcast_in_dim3A_2037 : vector<16xi32> to vector<16x1xi32>
        %gather3A_2039 = vector.shape_cast %broadcast_in_dim3A_2038 : vector<16x1xi32> to vector<16xi32>
        %gather3A_2040 = tpu.dynamic_gather %gather3A_282[%gather3A_2039] in [0] : vector<16xf32>, vector<16xi32> -> vector<16xf32>
        %broadcast_in_dim3A_2041 = arith.constant 15 : i32
        %broadcast_in_dim3A_2042 = vector.broadcast %broadcast_in_dim3A_2041 : i32 to vector<16xi32>
        %broadcast_in_dim3A_2043 = vector.shape_cast %broadcast_in_dim3A_2042 : vector<16xi32> to vector<16x1xi32>
        %gather3A_2044 = vector.shape_cast %broadcast_in_dim3A_2043 : vector<16x1xi32> to vector<16xi32>
        %gather3A_2045 = tpu.dynamic_gather %gather3A_283[%gather3A_2044] in [0] : vector<16xf32>, vector<16xi32> -> vector<16xf32>
        %broadcast_in_dim3A_2046 = arith.constant 15 : i32
        %broadcast_in_dim3A_2047 = vector.broadcast %broadcast_in_dim3A_2046 : i32 to vector<16xi32>
        %broadcast_in_dim3A_2048 = vector.shape_cast %broadcast_in_dim3A_2047 : vector<16xi32> to vector<16x1xi32>
        %gather3A_2049 = vector.shape_cast %broadcast_in_dim3A_2048 : vector<16x1xi32> to vector<16xi32>
        %gather3A_2050 = tpu.dynamic_gather %gather3A_284[%gather3A_2049] in [0] : vector<16xf32>, vector<16xi32> -> vector<16xf32>
        %add3A_2051 = arith.addi %gather3A_2025, %sub3A_72 : vector<16xi32>
        %add3A_2052 = arith.addi %gather3A_2030, %sub3A_97 : vector<16xi32>
        %convert_element_type3A_2053 = arith.sitofp %add3A_2051 : vector<16xi32> to vector<16xf32>
        %add3A_2054 = arith.constant 5.000000e-01 : f32
        %add3A_2055 = vector.broadcast %add3A_2054 : f32 to vector<16xf32>
        %add3A_2056 = arith.addf %convert_element_type3A_2053, %add3A_2055 : vector<16xf32>
        %mul3A_2057 = arith.constant 7.812500e-03 : f32
        %mul3A_2058 = vector.broadcast %mul3A_2057 : f32 to vector<16xf32>
        %mul3A_2059 = arith.mulf %add3A_2056, %mul3A_2058 : vector<16xf32>
        %sub3A_2060 = arith.subf %mul3A_2059, %gather3A_2015 : vector<16xf32>
        %convert_element_type3A_2061 = arith.sitofp %add3A_2052 : vector<16xi32> to vector<16xf32>
        %add3A_2062 = arith.constant 5.000000e-01 : f32
        %add3A_2063 = vector.broadcast %add3A_2062 : f32 to vector<16xf32>
        %add3A_2064 = arith.addf %convert_element_type3A_2061, %add3A_2063 : vector<16xf32>
        %mul3A_2065 = arith.constant 7.812500e-03 : f32
        %mul3A_2066 = vector.broadcast %mul3A_2065 : f32 to vector<16xf32>
        %mul3A_2067 = arith.mulf %add3A_2064, %mul3A_2066 : vector<16xf32>
        %sub3A_2068 = arith.subf %mul3A_2067, %gather3A_2020 : vector<16xf32>
        %mul3A_2069 = arith.mulf %sub3A_2060, %sub3A_2060 : vector<16xf32>
        %add3A_2070 = arith.addf %gather3A_2035, %mul3A_2069 : vector<16xf32>
        %mul3A_2071 = arith.mulf %sub3A_2068, %sub3A_2068 : vector<16xf32>
        %add3A_2072 = arith.addf %add3A_2070, %mul3A_2071 : vector<16xf32>
        %mul3A_2073 = arith.constant -3600.07202 : f32
        %mul3A_2074 = vector.broadcast %mul3A_2073 : f32 to vector<16xf32>
        %mul3A_2075 = arith.mulf %add3A_2072, %mul3A_2074 : vector<16xf32>
        %exp3A_2076 = math.exp %mul3A_2075 : vector<16xf32>
        %mul3A_2077 = arith.mulf %exp3A_2076, %gather3A_2040 : vector<16xf32>
        %mul3A_2078 = arith.mulf %exp3A_2076, %gather3A_2045 : vector<16xf32>
        %mul3A_2079 = arith.mulf %exp3A_2076, %gather3A_2050 : vector<16xf32>
        %broadcast_in_dim3A_2080 = arith.constant 0 : i32
        %broadcast_in_dim3A_2081 = vector.broadcast %broadcast_in_dim3A_2080 : i32 to vector<16xi32>
        tpu.vector_store_idx %arg13[%broadcast_in_dim3A_2081, %add3A_2051, %add3A_2052], %mul3A_2077 {add = true} : memref<4x128x128xf32, #tpu.memory_space<vmem>>[vector<16xi32>, vector<16xi32>, vector<16xi32>], vector<16xf32>,
        %broadcast_in_dim3A_2082 = arith.constant 1 : i32
        %broadcast_in_dim3A_2083 = vector.broadcast %broadcast_in_dim3A_2082 : i32 to vector<16xi32>
        tpu.vector_store_idx %arg13[%broadcast_in_dim3A_2083, %add3A_2051, %add3A_2052], %mul3A_2078 {add = true} : memref<4x128x128xf32, #tpu.memory_space<vmem>>[vector<16xi32>, vector<16xi32>, vector<16xi32>], vector<16xf32>,
        %broadcast_in_dim3A_2084 = arith.constant 2 : i32
        %broadcast_in_dim3A_2085 = vector.broadcast %broadcast_in_dim3A_2084 : i32 to vector<16xi32>
        tpu.vector_store_idx %arg13[%broadcast_in_dim3A_2085, %add3A_2051, %add3A_2052], %mul3A_2079 {add = true} : memref<4x128x128xf32, #tpu.memory_space<vmem>>[vector<16xi32>, vector<16xi32>, vector<16xi32>], vector<16xf32>,
        %broadcast_in_dim3A_2086 = arith.constant 3 : i32
        %broadcast_in_dim3A_2087 = vector.broadcast %broadcast_in_dim3A_2086 : i32 to vector<16xi32>
        tpu.vector_store_idx %arg13[%broadcast_in_dim3A_2087, %add3A_2051, %add3A_2052], %exp3A_2076 {add = true} : memref<4x128x128xf32, #tpu.memory_space<vmem>>[vector<16xi32>, vector<16xi32>, vector<16xi32>], vector<16xf32>,
        %add3A_2088 = arith.addi %gather3A_2025, %select_n3A_140 : vector<16xi32>
        %add3A_2089 = arith.addi %gather3A_2030, %select_n3A_168 : vector<16xi32>
        %convert_element_type3A_2090 = arith.sitofp %add3A_2088 : vector<16xi32> to vector<16xf32>
        %add3A_2091 = arith.constant 5.000000e-01 : f32
        %add3A_2092 = vector.broadcast %add3A_2091 : f32 to vector<16xf32>
        %add3A_2093 = arith.addf %convert_element_type3A_2090, %add3A_2092 : vector<16xf32>
        %mul3A_2094 = arith.constant 7.812500e-03 : f32
        %mul3A_2095 = vector.broadcast %mul3A_2094 : f32 to vector<16xf32>
        %mul3A_2096 = arith.mulf %add3A_2093, %mul3A_2095 : vector<16xf32>
        %sub3A_2097 = arith.subf %mul3A_2096, %gather3A_2015 : vector<16xf32>
        %convert_element_type3A_2098 = arith.sitofp %add3A_2089 : vector<16xi32> to vector<16xf32>
        %add3A_2099 = arith.constant 5.000000e-01 : f32
        %add3A_2100 = vector.broadcast %add3A_2099 : f32 to vector<16xf32>
        %add3A_2101 = arith.addf %convert_element_type3A_2098, %add3A_2100 : vector<16xf32>
        %mul3A_2102 = arith.constant 7.812500e-03 : f32
        %mul3A_2103 = vector.broadcast %mul3A_2102 : f32 to vector<16xf32>
        %mul3A_2104 = arith.mulf %add3A_2101, %mul3A_2103 : vector<16xf32>
        %sub3A_2105 = arith.subf %mul3A_2104, %gather3A_2020 : vector<16xf32>
        %mul3A_2106 = arith.mulf %sub3A_2097, %sub3A_2097 : vector<16xf32>
        %add3A_2107 = arith.addf %gather3A_2035, %mul3A_2106 : vector<16xf32>
        %mul3A_2108 = arith.mulf %sub3A_2105, %sub3A_2105 : vector<16xf32>
        %add3A_2109 = arith.addf %add3A_2107, %mul3A_2108 : vector<16xf32>
        %mul3A_2110 = arith.constant -3600.07202 : f32
        %mul3A_2111 = vector.broadcast %mul3A_2110 : f32 to vector<16xf32>
        %mul3A_2112 = arith.mulf %add3A_2109, %mul3A_2111 : vector<16xf32>
        %exp3A_2113 = math.exp %mul3A_2112 : vector<16xf32>
        %mul3A_2114 = arith.mulf %exp3A_2113, %gather3A_2040 : vector<16xf32>
        %mul3A_2115 = arith.mulf %exp3A_2113, %gather3A_2045 : vector<16xf32>
        %mul3A_2116 = arith.mulf %exp3A_2113, %gather3A_2050 : vector<16xf32>
        %broadcast_in_dim3A_2117 = arith.constant 0 : i32
        %broadcast_in_dim3A_2118 = vector.broadcast %broadcast_in_dim3A_2117 : i32 to vector<16xi32>
        tpu.vector_store_idx %arg13[%broadcast_in_dim3A_2118, %add3A_2088, %add3A_2089], %mul3A_2114 masked %lt3A_103 {add = true} : memref<4x128x128xf32, #tpu.memory_space<vmem>>[vector<16xi32>, vector<16xi32>, vector<16xi32>], vector<16xf32>, vector<16xi1>
        %broadcast_in_dim3A_2119 = arith.constant 1 : i32
        %broadcast_in_dim3A_2120 = vector.broadcast %broadcast_in_dim3A_2119 : i32 to vector<16xi32>
        tpu.vector_store_idx %arg13[%broadcast_in_dim3A_2120, %add3A_2088, %add3A_2089], %mul3A_2115 masked %lt3A_103 {add = true} : memref<4x128x128xf32, #tpu.memory_space<vmem>>[vector<16xi32>, vector<16xi32>, vector<16xi32>], vector<16xf32>, vector<16xi1>
        %broadcast_in_dim3A_2121 = arith.constant 2 : i32
        %broadcast_in_dim3A_2122 = vector.broadcast %broadcast_in_dim3A_2121 : i32 to vector<16xi32>
        tpu.vector_store_idx %arg13[%broadcast_in_dim3A_2122, %add3A_2088, %add3A_2089], %mul3A_2116 masked %lt3A_103 {add = true} : memref<4x128x128xf32, #tpu.memory_space<vmem>>[vector<16xi32>, vector<16xi32>, vector<16xi32>], vector<16xf32>, vector<16xi1>
        %broadcast_in_dim3A_2123 = arith.constant 3 : i32
        %broadcast_in_dim3A_2124 = vector.broadcast %broadcast_in_dim3A_2123 : i32 to vector<16xi32>
        tpu.vector_store_idx %arg13[%broadcast_in_dim3A_2124, %add3A_2088, %add3A_2089], %exp3A_2113 masked %lt3A_103 {add = true} : memref<4x128x128xf32, #tpu.memory_space<vmem>>[vector<16xi32>, vector<16xi32>, vector<16xi32>], vector<16xf32>, vector<16xi1>
      }
      %run_scoped3A_259 = arith.constant 0 : i32
      %run_scoped3A_260 = arith.constant 0 : i32
      "tpu.region"() ({
        %run_scoped3A_276 = tpu.sem_alloc : memref<!tpu.dma_semaphore, #tpu.memory_space<semaphore_mem>>
        %dma_start3A_277 = arith.constant 0 : i32
        %dma_start3A_278 = arith.constant 0 : i32
        %dma_start3A_279 = tpu.memref_slice %arg13[%run_scoped3A_259, %dma_start3A_277, %dma_start3A_278] : memref<4x128x128xf32, #tpu.memory_space<vmem>> -> memref<1x128x128xf32, #tpu.memory_space<vmem>>
        %dma_start3A_280 = tpu.memref_squeeze %dma_start3A_279 : memref<1x128x128xf32, #tpu.memory_space<vmem>> -> memref<128x128xf32, #tpu.memory_space<vmem>>
        %dma_start3A_281 = arith.constant 0 : i32
        %dma_start3A_282 = arith.constant 0 : i32
        %dma_start3A_283 = tpu.memref_slice %arg4[%select_n3A, %run_scoped3A_260, %add3A_208, %dma_start3A_281, %dma_start3A_282] : memref<4x3x128x128x128xf32, #tpu.memory_space<hbm>> -> memref<1x1x1x128x128xf32, #tpu.memory_space<hbm>>
        %dma_start3A_284 = tpu.memref_squeeze %dma_start3A_283 : memref<1x1x1x128x128xf32, #tpu.memory_space<hbm>> -> memref<128x128xf32, #tpu.memory_space<hbm>>
        %dma_start3A_285 = arith.constant 0 : i32
        %dma_start3A_286 = arith.constant 0 : i32
        %dma_start3A_287 = tpu.memref_slice %arg4[%select_n3A, %run_scoped3A_260, %add3A_208, %dma_start3A_285, %dma_start3A_286] : memref<4x3x128x128x128xf32, #tpu.memory_space<hbm>> -> memref<1x1x1x128x128xf32, #tpu.memory_space<hbm>>
        %dma_start3A_288 = tpu.memref_squeeze %dma_start3A_287 : memref<1x1x1x128x128xf32, #tpu.memory_space<hbm>> -> memref<128x128xf32, #tpu.memory_space<hbm>>
        %dma_start3A_289 = arith.constant 0 : i32
        %dma_start3A_290 = arith.constant 0 : i32
        %dma_start3A_291 = tpu.memref_slice %arg13[%run_scoped3A_259, %dma_start3A_289, %dma_start3A_290] : memref<4x128x128xf32, #tpu.memory_space<vmem>> -> memref<1x128x128xf32, #tpu.memory_space<vmem>>
        %dma_start3A_292 = tpu.memref_squeeze %dma_start3A_291 : memref<1x128x128xf32, #tpu.memory_space<vmem>> -> memref<128x128xf32, #tpu.memory_space<vmem>>
        tpu.enqueue_dma source(%dma_start3A_292 : memref<128x128xf32, #tpu.memory_space<vmem>>) target(%dma_start3A_288 : memref<128x128xf32, #tpu.memory_space<hbm>>) target_semaphore(%run_scoped3A_276 : memref<!tpu.dma_semaphore, #tpu.memory_space<semaphore_mem>>)
        %dma_wait3A_293 = arith.constant 0 : i32
        %dma_wait3A_294 = arith.constant 0 : i32
        %dma_wait3A_295 = tpu.memref_slice %arg13[%run_scoped3A_259, %dma_wait3A_293, %dma_wait3A_294] : memref<4x128x128xf32, #tpu.memory_space<vmem>> -> memref<1x128x128xf32, #tpu.memory_space<vmem>>
        %dma_wait3A_296 = tpu.memref_squeeze %dma_wait3A_295 : memref<1x128x128xf32, #tpu.memory_space<vmem>> -> memref<128x128xf32, #tpu.memory_space<vmem>>
        %dma_wait3A_297 = arith.constant 0 : i32
        %dma_wait3A_298 = arith.constant 0 : i32
        %dma_wait3A_299 = tpu.memref_slice %arg4[%select_n3A, %run_scoped3A_260, %add3A_208, %dma_wait3A_297, %dma_wait3A_298] : memref<4x3x128x128x128xf32, #tpu.memory_space<hbm>> -> memref<1x1x1x128x128xf32, #tpu.memory_space<hbm>>
        %dma_wait3A_300 = tpu.memref_squeeze %dma_wait3A_299 : memref<1x1x1x128x128xf32, #tpu.memory_space<hbm>> -> memref<128x128xf32, #tpu.memory_space<hbm>>
        %dma_wait3A_301 = arith.constant 0 : i32
        %dma_wait3A_302 = arith.constant 0 : i32
        %dma_wait3A_303 = tpu.memref_slice %arg4[%select_n3A, %run_scoped3A_260, %add3A_208, %dma_wait3A_301, %dma_wait3A_302] : memref<4x3x128x128x128xf32, #tpu.memory_space<hbm>> -> memref<1x1x1x128x128xf32, #tpu.memory_space<hbm>>
        %dma_wait3A_304 = tpu.memref_squeeze %dma_wait3A_303 : memref<1x1x1x128x128xf32, #tpu.memory_space<hbm>> -> memref<128x128xf32, #tpu.memory_space<hbm>>
        %dma_wait3A_305 = arith.constant 0 : i32
        %dma_wait3A_306 = arith.constant 0 : i32
        %dma_wait3A_307 = tpu.memref_slice %arg13[%run_scoped3A_259, %dma_wait3A_305, %dma_wait3A_306] : memref<4x128x128xf32, #tpu.memory_space<vmem>> -> memref<1x128x128xf32, #tpu.memory_space<vmem>>
        %dma_wait3A_308 = tpu.memref_squeeze %dma_wait3A_307 : memref<1x128x128xf32, #tpu.memory_space<vmem>> -> memref<128x128xf32, #tpu.memory_space<vmem>>
        tpu.wait_dma2 semaphore(%run_scoped3A_276 : memref<!tpu.dma_semaphore, #tpu.memory_space<semaphore_mem>>) src(%dma_wait3A_308 : memref<128x128xf32, #tpu.memory_space<vmem>>) dst(%dma_wait3A_304 : memref<128x128xf32, #tpu.memory_space<hbm>>)
        tpu.yield
      }) : () -> ()
      %run_scoped3A_261 = arith.constant 1 : i32
      %run_scoped3A_262 = arith.constant 1 : i32
      "tpu.region"() ({
        %run_scoped3A_276 = tpu.sem_alloc : memref<!tpu.dma_semaphore, #tpu.memory_space<semaphore_mem>>
        %dma_start3A_277 = arith.constant 0 : i32
        %dma_start3A_278 = arith.constant 0 : i32
        %dma_start3A_279 = tpu.memref_slice %arg13[%run_scoped3A_261, %dma_start3A_277, %dma_start3A_278] : memref<4x128x128xf32, #tpu.memory_space<vmem>> -> memref<1x128x128xf32, #tpu.memory_space<vmem>>
        %dma_start3A_280 = tpu.memref_squeeze %dma_start3A_279 : memref<1x128x128xf32, #tpu.memory_space<vmem>> -> memref<128x128xf32, #tpu.memory_space<vmem>>
        %dma_start3A_281 = arith.constant 0 : i32
        %dma_start3A_282 = arith.constant 0 : i32
        %dma_start3A_283 = tpu.memref_slice %arg4[%select_n3A, %run_scoped3A_262, %add3A_208, %dma_start3A_281, %dma_start3A_282] : memref<4x3x128x128x128xf32, #tpu.memory_space<hbm>> -> memref<1x1x1x128x128xf32, #tpu.memory_space<hbm>>
        %dma_start3A_284 = tpu.memref_squeeze %dma_start3A_283 : memref<1x1x1x128x128xf32, #tpu.memory_space<hbm>> -> memref<128x128xf32, #tpu.memory_space<hbm>>
        %dma_start3A_285 = arith.constant 0 : i32
        %dma_start3A_286 = arith.constant 0 : i32
        %dma_start3A_287 = tpu.memref_slice %arg4[%select_n3A, %run_scoped3A_262, %add3A_208, %dma_start3A_285, %dma_start3A_286] : memref<4x3x128x128x128xf32, #tpu.memory_space<hbm>> -> memref<1x1x1x128x128xf32, #tpu.memory_space<hbm>>
        %dma_start3A_288 = tpu.memref_squeeze %dma_start3A_287 : memref<1x1x1x128x128xf32, #tpu.memory_space<hbm>> -> memref<128x128xf32, #tpu.memory_space<hbm>>
        %dma_start3A_289 = arith.constant 0 : i32
        %dma_start3A_290 = arith.constant 0 : i32
        %dma_start3A_291 = tpu.memref_slice %arg13[%run_scoped3A_261, %dma_start3A_289, %dma_start3A_290] : memref<4x128x128xf32, #tpu.memory_space<vmem>> -> memref<1x128x128xf32, #tpu.memory_space<vmem>>
        %dma_start3A_292 = tpu.memref_squeeze %dma_start3A_291 : memref<1x128x128xf32, #tpu.memory_space<vmem>> -> memref<128x128xf32, #tpu.memory_space<vmem>>
        tpu.enqueue_dma source(%dma_start3A_292 : memref<128x128xf32, #tpu.memory_space<vmem>>) target(%dma_start3A_288 : memref<128x128xf32, #tpu.memory_space<hbm>>) target_semaphore(%run_scoped3A_276 : memref<!tpu.dma_semaphore, #tpu.memory_space<semaphore_mem>>)
        %dma_wait3A_293 = arith.constant 0 : i32
        %dma_wait3A_294 = arith.constant 0 : i32
        %dma_wait3A_295 = tpu.memref_slice %arg13[%run_scoped3A_261, %dma_wait3A_293, %dma_wait3A_294] : memref<4x128x128xf32, #tpu.memory_space<vmem>> -> memref<1x128x128xf32, #tpu.memory_space<vmem>>
        %dma_wait3A_296 = tpu.memref_squeeze %dma_wait3A_295 : memref<1x128x128xf32, #tpu.memory_space<vmem>> -> memref<128x128xf32, #tpu.memory_space<vmem>>
        %dma_wait3A_297 = arith.constant 0 : i32
        %dma_wait3A_298 = arith.constant 0 : i32
        %dma_wait3A_299 = tpu.memref_slice %arg4[%select_n3A, %run_scoped3A_262, %add3A_208, %dma_wait3A_297, %dma_wait3A_298] : memref<4x3x128x128x128xf32, #tpu.memory_space<hbm>> -> memref<1x1x1x128x128xf32, #tpu.memory_space<hbm>>
        %dma_wait3A_300 = tpu.memref_squeeze %dma_wait3A_299 : memref<1x1x1x128x128xf32, #tpu.memory_space<hbm>> -> memref<128x128xf32, #tpu.memory_space<hbm>>
        %dma_wait3A_301 = arith.constant 0 : i32
        %dma_wait3A_302 = arith.constant 0 : i32
        %dma_wait3A_303 = tpu.memref_slice %arg4[%select_n3A, %run_scoped3A_262, %add3A_208, %dma_wait3A_301, %dma_wait3A_302] : memref<4x3x128x128x128xf32, #tpu.memory_space<hbm>> -> memref<1x1x1x128x128xf32, #tpu.memory_space<hbm>>
        %dma_wait3A_304 = tpu.memref_squeeze %dma_wait3A_303 : memref<1x1x1x128x128xf32, #tpu.memory_space<hbm>> -> memref<128x128xf32, #tpu.memory_space<hbm>>
        %dma_wait3A_305 = arith.constant 0 : i32
        %dma_wait3A_306 = arith.constant 0 : i32
        %dma_wait3A_307 = tpu.memref_slice %arg13[%run_scoped3A_261, %dma_wait3A_305, %dma_wait3A_306] : memref<4x128x128xf32, #tpu.memory_space<vmem>> -> memref<1x128x128xf32, #tpu.memory_space<vmem>>
        %dma_wait3A_308 = tpu.memref_squeeze %dma_wait3A_307 : memref<1x128x128xf32, #tpu.memory_space<vmem>> -> memref<128x128xf32, #tpu.memory_space<vmem>>
        tpu.wait_dma2 semaphore(%run_scoped3A_276 : memref<!tpu.dma_semaphore, #tpu.memory_space<semaphore_mem>>) src(%dma_wait3A_308 : memref<128x128xf32, #tpu.memory_space<vmem>>) dst(%dma_wait3A_304 : memref<128x128xf32, #tpu.memory_space<hbm>>)
        tpu.yield
      }) : () -> ()
      %run_scoped3A_263 = arith.constant 2 : i32
      %run_scoped3A_264 = arith.constant 2 : i32
      "tpu.region"() ({
        %run_scoped3A_276 = tpu.sem_alloc : memref<!tpu.dma_semaphore, #tpu.memory_space<semaphore_mem>>
        %dma_start3A_277 = arith.constant 0 : i32
        %dma_start3A_278 = arith.constant 0 : i32
        %dma_start3A_279 = tpu.memref_slice %arg13[%run_scoped3A_263, %dma_start3A_277, %dma_start3A_278] : memref<4x128x128xf32, #tpu.memory_space<vmem>> -> memref<1x128x128xf32, #tpu.memory_space<vmem>>
        %dma_start3A_280 = tpu.memref_squeeze %dma_start3A_279 : memref<1x128x128xf32, #tpu.memory_space<vmem>> -> memref<128x128xf32, #tpu.memory_space<vmem>>
        %dma_start3A_281 = arith.constant 0 : i32
        %dma_start3A_282 = arith.constant 0 : i32
        %dma_start3A_283 = tpu.memref_slice %arg4[%select_n3A, %run_scoped3A_264, %add3A_208, %dma_start3A_281, %dma_start3A_282] : memref<4x3x128x128x128xf32, #tpu.memory_space<hbm>> -> memref<1x1x1x128x128xf32, #tpu.memory_space<hbm>>
        %dma_start3A_284 = tpu.memref_squeeze %dma_start3A_283 : memref<1x1x1x128x128xf32, #tpu.memory_space<hbm>> -> memref<128x128xf32, #tpu.memory_space<hbm>>
        %dma_start3A_285 = arith.constant 0 : i32
        %dma_start3A_286 = arith.constant 0 : i32
        %dma_start3A_287 = tpu.memref_slice %arg4[%select_n3A, %run_scoped3A_264, %add3A_208, %dma_start3A_285, %dma_start3A_286] : memref<4x3x128x128x128xf32, #tpu.memory_space<hbm>> -> memref<1x1x1x128x128xf32, #tpu.memory_space<hbm>>
        %dma_start3A_288 = tpu.memref_squeeze %dma_start3A_287 : memref<1x1x1x128x128xf32, #tpu.memory_space<hbm>> -> memref<128x128xf32, #tpu.memory_space<hbm>>
        %dma_start3A_289 = arith.constant 0 : i32
        %dma_start3A_290 = arith.constant 0 : i32
        %dma_start3A_291 = tpu.memref_slice %arg13[%run_scoped3A_263, %dma_start3A_289, %dma_start3A_290] : memref<4x128x128xf32, #tpu.memory_space<vmem>> -> memref<1x128x128xf32, #tpu.memory_space<vmem>>
        %dma_start3A_292 = tpu.memref_squeeze %dma_start3A_291 : memref<1x128x128xf32, #tpu.memory_space<vmem>> -> memref<128x128xf32, #tpu.memory_space<vmem>>
        tpu.enqueue_dma source(%dma_start3A_292 : memref<128x128xf32, #tpu.memory_space<vmem>>) target(%dma_start3A_288 : memref<128x128xf32, #tpu.memory_space<hbm>>) target_semaphore(%run_scoped3A_276 : memref<!tpu.dma_semaphore, #tpu.memory_space<semaphore_mem>>)
        %dma_wait3A_293 = arith.constant 0 : i32
        %dma_wait3A_294 = arith.constant 0 : i32
        %dma_wait3A_295 = tpu.memref_slice %arg13[%run_scoped3A_263, %dma_wait3A_293, %dma_wait3A_294] : memref<4x128x128xf32, #tpu.memory_space<vmem>> -> memref<1x128x128xf32, #tpu.memory_space<vmem>>
        %dma_wait3A_296 = tpu.memref_squeeze %dma_wait3A_295 : memref<1x128x128xf32, #tpu.memory_space<vmem>> -> memref<128x128xf32, #tpu.memory_space<vmem>>
        %dma_wait3A_297 = arith.constant 0 : i32
        %dma_wait3A_298 = arith.constant 0 : i32
        %dma_wait3A_299 = tpu.memref_slice %arg4[%select_n3A, %run_scoped3A_264, %add3A_208, %dma_wait3A_297, %dma_wait3A_298] : memref<4x3x128x128x128xf32, #tpu.memory_space<hbm>> -> memref<1x1x1x128x128xf32, #tpu.memory_space<hbm>>
        %dma_wait3A_300 = tpu.memref_squeeze %dma_wait3A_299 : memref<1x1x1x128x128xf32, #tpu.memory_space<hbm>> -> memref<128x128xf32, #tpu.memory_space<hbm>>
        %dma_wait3A_301 = arith.constant 0 : i32
        %dma_wait3A_302 = arith.constant 0 : i32
        %dma_wait3A_303 = tpu.memref_slice %arg4[%select_n3A, %run_scoped3A_264, %add3A_208, %dma_wait3A_301, %dma_wait3A_302] : memref<4x3x128x128x128xf32, #tpu.memory_space<hbm>> -> memref<1x1x1x128x128xf32, #tpu.memory_space<hbm>>
        %dma_wait3A_304 = tpu.memref_squeeze %dma_wait3A_303 : memref<1x1x1x128x128xf32, #tpu.memory_space<hbm>> -> memref<128x128xf32, #tpu.memory_space<hbm>>
        %dma_wait3A_305 = arith.constant 0 : i32
        %dma_wait3A_306 = arith.constant 0 : i32
        %dma_wait3A_307 = tpu.memref_slice %arg13[%run_scoped3A_263, %dma_wait3A_305, %dma_wait3A_306] : memref<4x128x128xf32, #tpu.memory_space<vmem>> -> memref<1x128x128xf32, #tpu.memory_space<vmem>>
        %dma_wait3A_308 = tpu.memref_squeeze %dma_wait3A_307 : memref<1x128x128xf32, #tpu.memory_space<vmem>> -> memref<128x128xf32, #tpu.memory_space<vmem>>
        tpu.wait_dma2 semaphore(%run_scoped3A_276 : memref<!tpu.dma_semaphore, #tpu.memory_space<semaphore_mem>>) src(%dma_wait3A_308 : memref<128x128xf32, #tpu.memory_space<vmem>>) dst(%dma_wait3A_304 : memref<128x128xf32, #tpu.memory_space<hbm>>)
        tpu.yield
      }) : () -> ()
      %run_scoped3A_265 = arith.constant 3 : i32
      "tpu.region"() ({
        %run_scoped3A_276 = tpu.sem_alloc : memref<!tpu.dma_semaphore, #tpu.memory_space<semaphore_mem>>
        %dma_start3A_277 = arith.constant 0 : i32
        %dma_start3A_278 = arith.constant 0 : i32
        %dma_start3A_279 = tpu.memref_slice %arg13[%run_scoped3A_265, %dma_start3A_277, %dma_start3A_278] : memref<4x128x128xf32, #tpu.memory_space<vmem>> -> memref<1x128x128xf32, #tpu.memory_space<vmem>>
        %dma_start3A_280 = tpu.memref_squeeze %dma_start3A_279 : memref<1x128x128xf32, #tpu.memory_space<vmem>> -> memref<128x128xf32, #tpu.memory_space<vmem>>
        %dma_start3A_281 = arith.constant 0 : i32
        %dma_start3A_282 = arith.constant 0 : i32
        %dma_start3A_283 = tpu.memref_slice %arg5[%select_n3A, %add3A_208, %dma_start3A_281, %dma_start3A_282] : memref<4x128x128x128xf32, #tpu.memory_space<hbm>> -> memref<1x1x128x128xf32, #tpu.memory_space<hbm>>
        %dma_start3A_284 = tpu.memref_squeeze %dma_start3A_283 : memref<1x1x128x128xf32, #tpu.memory_space<hbm>> -> memref<128x128xf32, #tpu.memory_space<hbm>>
        %dma_start3A_285 = arith.constant 0 : i32
        %dma_start3A_286 = arith.constant 0 : i32
        %dma_start3A_287 = tpu.memref_slice %arg5[%select_n3A, %add3A_208, %dma_start3A_285, %dma_start3A_286] : memref<4x128x128x128xf32, #tpu.memory_space<hbm>> -> memref<1x1x128x128xf32, #tpu.memory_space<hbm>>
        %dma_start3A_288 = tpu.memref_squeeze %dma_start3A_287 : memref<1x1x128x128xf32, #tpu.memory_space<hbm>> -> memref<128x128xf32, #tpu.memory_space<hbm>>
        %dma_start3A_289 = arith.constant 0 : i32
        %dma_start3A_290 = arith.constant 0 : i32
        %dma_start3A_291 = tpu.memref_slice %arg13[%run_scoped3A_265, %dma_start3A_289, %dma_start3A_290] : memref<4x128x128xf32, #tpu.memory_space<vmem>> -> memref<1x128x128xf32, #tpu.memory_space<vmem>>
        %dma_start3A_292 = tpu.memref_squeeze %dma_start3A_291 : memref<1x128x128xf32, #tpu.memory_space<vmem>> -> memref<128x128xf32, #tpu.memory_space<vmem>>
        tpu.enqueue_dma source(%dma_start3A_292 : memref<128x128xf32, #tpu.memory_space<vmem>>) target(%dma_start3A_288 : memref<128x128xf32, #tpu.memory_space<hbm>>) target_semaphore(%run_scoped3A_276 : memref<!tpu.dma_semaphore, #tpu.memory_space<semaphore_mem>>)
        %dma_wait3A_293 = arith.constant 0 : i32
        %dma_wait3A_294 = arith.constant 0 : i32
        %dma_wait3A_295 = tpu.memref_slice %arg13[%run_scoped3A_265, %dma_wait3A_293, %dma_wait3A_294] : memref<4x128x128xf32, #tpu.memory_space<vmem>> -> memref<1x128x128xf32, #tpu.memory_space<vmem>>
        %dma_wait3A_296 = tpu.memref_squeeze %dma_wait3A_295 : memref<1x128x128xf32, #tpu.memory_space<vmem>> -> memref<128x128xf32, #tpu.memory_space<vmem>>
        %dma_wait3A_297 = arith.constant 0 : i32
        %dma_wait3A_298 = arith.constant 0 : i32
        %dma_wait3A_299 = tpu.memref_slice %arg5[%select_n3A, %add3A_208, %dma_wait3A_297, %dma_wait3A_298] : memref<4x128x128x128xf32, #tpu.memory_space<hbm>> -> memref<1x1x128x128xf32, #tpu.memory_space<hbm>>
        %dma_wait3A_300 = tpu.memref_squeeze %dma_wait3A_299 : memref<1x1x128x128xf32, #tpu.memory_space<hbm>> -> memref<128x128xf32, #tpu.memory_space<hbm>>
        %dma_wait3A_301 = arith.constant 0 : i32
        %dma_wait3A_302 = arith.constant 0 : i32
        %dma_wait3A_303 = tpu.memref_slice %arg5[%select_n3A, %add3A_208, %dma_wait3A_301, %dma_wait3A_302] : memref<4x128x128x128xf32, #tpu.memory_space<hbm>> -> memref<1x1x128x128xf32, #tpu.memory_space<hbm>>
        %dma_wait3A_304 = tpu.memref_squeeze %dma_wait3A_303 : memref<1x1x128x128xf32, #tpu.memory_space<hbm>> -> memref<128x128xf32, #tpu.memory_space<hbm>>
        %dma_wait3A_305 = arith.constant 0 : i32
        %dma_wait3A_306 = arith.constant 0 : i32
        %dma_wait3A_307 = tpu.memref_slice %arg13[%run_scoped3A_265, %dma_wait3A_305, %dma_wait3A_306] : memref<4x128x128xf32, #tpu.memory_space<vmem>> -> memref<1x128x128xf32, #tpu.memory_space<vmem>>
        %dma_wait3A_308 = tpu.memref_squeeze %dma_wait3A_307 : memref<1x128x128xf32, #tpu.memory_space<vmem>> -> memref<128x128xf32, #tpu.memory_space<vmem>>
        tpu.wait_dma2 semaphore(%run_scoped3A_276 : memref<!tpu.dma_semaphore, #tpu.memory_space<semaphore_mem>>) src(%dma_wait3A_308 : memref<128x128xf32, #tpu.memory_space<vmem>>) dst(%dma_wait3A_304 : memref<128x128xf32, #tpu.memory_space<hbm>>)
        tpu.yield
      }) : () -> ()
      %dma_start3A_266 = arith.constant 0 : i32
      %dma_start3A_267 = arith.constant 0 : i32
      %dma_start3A_268 = arith.constant 0 : i32
      %dma_start3A_269 = tpu.memref_slice %arg3[%add3A, %dma_start3A_266, %dma_start3A_267, %dma_start3A_268] : memref<32x4x128x128xf32, #tpu.memory_space<hbm>> -> memref<1x4x128x128xf32, #tpu.memory_space<hbm>>
      %dma_start3A_270 = tpu.memref_squeeze %dma_start3A_269 : memref<1x4x128x128xf32, #tpu.memory_space<hbm>> -> memref<4x128x128xf32, #tpu.memory_space<hbm>>
      %dma_start3A_271 = arith.constant 0 : i32
      %dma_start3A_272 = arith.constant 0 : i32
      %dma_start3A_273 = arith.constant 0 : i32
      %dma_start3A_274 = tpu.memref_slice %arg3[%add3A, %dma_start3A_271, %dma_start3A_272, %dma_start3A_273] : memref<32x4x128x128xf32, #tpu.memory_space<hbm>> -> memref<1x4x128x128xf32, #tpu.memory_space<hbm>>
      %dma_start3A_275 = tpu.memref_squeeze %dma_start3A_274 : memref<1x4x128x128xf32, #tpu.memory_space<hbm>> -> memref<4x128x128xf32, #tpu.memory_space<hbm>>
      tpu.enqueue_dma source(%dma_start3A_275 : memref<4x128x128xf32, #tpu.memory_space<hbm>>) target(%arg13 : memref<4x128x128xf32, #tpu.memory_space<vmem>>) target_semaphore(%arg15 : memref<!tpu.dma_semaphore, #tpu.memory_space<semaphore_mem>>)
    }
    %scan3A_196 = arith.constant 16 : i32
    %dma_wait3A = arith.constant 0 : i32
    %dma_wait3A_197 = arith.constant 0 : i32
    %dma_wait3A_198 = arith.constant 0 : i32
    %dma_wait3A_199 = arith.constant 0 : i32
    %dma_wait3A_200 = tpu.memref_slice %arg3[%dma_wait3A, %dma_wait3A_197, %dma_wait3A_198, %dma_wait3A_199] : memref<32x4x128x128xf32, #tpu.memory_space<hbm>> -> memref<1x4x128x128xf32, #tpu.memory_space<hbm>>
    %dma_wait3A_201 = tpu.memref_squeeze %dma_wait3A_200 : memref<1x4x128x128xf32, #tpu.memory_space<hbm>> -> memref<4x128x128xf32, #tpu.memory_space<hbm>>
    %dma_wait3A_202 = arith.constant 0 : i32
    %dma_wait3A_203 = arith.constant 0 : i32
    %dma_wait3A_204 = arith.constant 0 : i32
    %dma_wait3A_205 = tpu.memref_slice %arg3[%dma_wait3A, %dma_wait3A_202, %dma_wait3A_203, %dma_wait3A_204] : memref<32x4x128x128xf32, #tpu.memory_space<hbm>> -> memref<1x4x128x128xf32, #tpu.memory_space<hbm>>
    %dma_wait3A_206 = tpu.memref_squeeze %dma_wait3A_205 : memref<1x4x128x128xf32, #tpu.memory_space<hbm>> -> memref<4x128x128xf32, #tpu.memory_space<hbm>>
    tpu.wait_dma2 semaphore(%arg15 : memref<!tpu.dma_semaphore, #tpu.memory_space<semaphore_mem>>) src(%dma_wait3A_206 : memref<4x128x128xf32, #tpu.memory_space<hbm>>) dst(%arg13 : memref<4x128x128xf32, #tpu.memory_space<vmem>>)
    return
  }
}

module attributes {stable_mosaic.version = 14 : i64} {
  func.func @_norm_body(%arg0: i32, %arg1: i32, %arg2: memref<1x3x16x128x128xf32, #tpu.memory_space<vmem>>, %arg3: memref<1x16x128x128xf32, #tpu.memory_space<vmem>>, %arg4: memref<1x3x16x128x128xf32, #tpu.memory_space<vmem>>) attributes {dimension_semantics = [#tpu.dimension_semantics<arbitrary>, #tpu.dimension_semantics<arbitrary>], iteration_bounds = array<i64: 4, 8>, scalar_prefetch = 0 : i64, scratch_operands = 0 : i64, tpu.core_type = #tpu.core_type<tc>, window_params = [{transform_indices = @transform_0, window_bounds = array<i64: 1, 3, 16, 128, 128>}, {transform_indices = @transform_1, window_bounds = array<i64: 1, 16, 128, 128>}, {transform_indices = @transform_2, window_bounds = array<i64: 1, 3, 16, 128, 128>}]} {
    %get3A = arith.constant 0 : index
    %get3A_0 = arith.constant 0 : index
    %get3A_1 = arith.constant 0 : index
    %get3A_2 = arith.constant 0 : index
    %get3A_3 = vector.load %arg3[%get3A, %get3A_0, %get3A_1, %get3A_2] : memref<1x16x128x128xf32, #tpu.memory_space<vmem>>, vector<1x16x128x128xf32>
    %get3A_4 = vector.shape_cast %get3A_3 : vector<1x16x128x128xf32> to vector<16x128x128xf32>
    %add3A = arith.constant 1.000000e-03 : f32
    %add3A_5 = vector.broadcast %add3A : f32 to vector<16x128x128xf32>
    %add3A_6 = arith.addf %get3A_4, %add3A_5 : vector<16x128x128xf32>
    %div3A = arith.constant 1.000000e+00 : f32
    %div3A_7 = vector.broadcast %div3A : f32 to vector<16x128x128xf32>
    %div3A_8 = arith.divf %div3A_7, %add3A_6 : vector<16x128x128xf32>
    %get3A_9 = arith.constant 0 : index
    %get3A_10 = arith.constant 0 : index
    %get3A_11 = arith.constant 0 : index
    %get3A_12 = arith.constant 0 : index
    %get3A_13 = arith.constant 0 : index
    %get3A_14 = vector.load %arg2[%get3A_9, %get3A_10, %get3A_11, %get3A_12, %get3A_13] : memref<1x3x16x128x128xf32, #tpu.memory_space<vmem>>, vector<1x3x16x128x128xf32>
    %get3A_15 = vector.shape_cast %get3A_14 : vector<1x3x16x128x128xf32> to vector<3x16x128x128xf32>
    %broadcast_in_dim3A = vector.shape_cast %div3A_8 : vector<16x128x128xf32> to vector<1x16x128x128xf32>
    %mul3A = vector.broadcast %broadcast_in_dim3A : vector<1x16x128x128xf32> to vector<3x16x128x128xf32>
    %mul3A_16 = arith.mulf %get3A_15, %mul3A : vector<3x16x128x128xf32>
    %swap3A = arith.constant 0 : index
    %swap3A_17 = arith.constant 0 : index
    %swap3A_18 = arith.constant 0 : index
    %swap3A_19 = arith.constant 0 : index
    %swap3A_20 = arith.constant 0 : index
    %swap3A_21 = vector.load %arg4[%swap3A, %swap3A_17, %swap3A_18, %swap3A_19, %swap3A_20] : memref<1x3x16x128x128xf32, #tpu.memory_space<vmem>>, vector<1x3x16x128x128xf32>
    %swap3A_22 = vector.shape_cast %swap3A_21 : vector<1x3x16x128x128xf32> to vector<3x16x128x128xf32>
    %swap3A_23 = vector.shape_cast %mul3A_16 : vector<3x16x128x128xf32> to vector<1x3x16x128x128xf32>
    tpu.vector_store %arg4[%swap3A, %swap3A_17, %swap3A_18, %swap3A_19, %swap3A_20], %swap3A_23 {strides = array<i32>} : memref<1x3x16x128x128xf32, #tpu.memory_space<vmem>>, vector<1x3x16x128x128xf32>,
    return
  }
  func.func @transform_0(%arg0: i32, %arg1: i32) -> (i32, i32, i32, i32, i32) {
    %c0_i32 = arith.constant 0 : i32
    %c0_i32_0 = arith.constant 0 : i32
    %c0_i32_1 = arith.constant 0 : i32
    %c0_i32_2 = arith.constant 0 : i32
    return %arg0, %c0_i32, %arg1, %c0_i32_0, %c0_i32_1 : i32, i32, i32, i32, i32
  }
  func.func @transform_1(%arg0: i32, %arg1: i32) -> (i32, i32, i32, i32) {
    %c0_i32 = arith.constant 0 : i32
    %c0_i32_0 = arith.constant 0 : i32
    %c0_i32_1 = arith.constant 0 : i32
    return %arg0, %arg1, %c0_i32, %c0_i32_0 : i32, i32, i32, i32
  }
  func.func @transform_2(%arg0: i32, %arg1: i32) -> (i32, i32, i32, i32, i32) {
    %c0_i32 = arith.constant 0 : i32
    %c0_i32_0 = arith.constant 0 : i32
    %c0_i32_1 = arith.constant 0 : i32
    %c0_i32_2 = arith.constant 0 : i32
    return %arg0, %c0_i32, %arg1, %c0_i32_0, %c0_i32_1 : i32, i32, i32, i32, i32
  }
}

</mosaic_0001>

<sc_bundles>
// kernel: kernel.4.cloned.1.call-start
scs
__scs_entry_jumppad:
0x0: {  	(pc) =	sbr.rel $0x88, $3  }
0x1: {  	(tag) =	ssettag $0x0;
	lr =	simm.s32 $0x1  }
0x2: {  	[smem:$0x3F9F] =	sst lr;
	_ =	strace $0xD0000000  }
0x3: {  	_ = 	snop  }
0x4: {  	_ = 	snop  }
0x5: {  	_ = 	snop  }
0x6: {  	_ = 	snop  }
0x7: {  	_ = 	snop  }
__scs_overlays_trampoline_lowered:
0x8: {  	[smem:$0x3FAE] =	sst s0  }
0x9: {  	[smem:$0x3FAF] =	sst s1  }
0xa: {  	[smem:$0x3FB0] =	sst s2  }
0xb: {  	[smem:$0x3FB1] =	sst s3  }
0xc: {  	[smem:$0x3FB2] =	sst s4  }
0xd: {  	[smem:$0x3FB3] =	sst s5  }
0xe: {  	[smem:$0x3FB4] =	sst s6  }
0xf: {  	[smem:$0x3FB5] =	sst s7  }
0x10: {  	[smem:$0x3FB6] =	sst s8  }
0x11: {  	[smem:$0x3FB7] =	sst s9;
	s0 =	simm.s32 @!p0 $0x0  }
0x12: {  	s1 =	sld [smem:$0x3F9D];
	s0 =	simm.s32 @p0 $0x1  }
0x13: {  	[smem:$0x3FB8] =	sst s0;
	s0 =	simm.s32 @!p1 $0x0  }
0x14: {  	s2 =	sld [smem:$0x3F9C];
	s0 =	simm.s32 @p1 $0x1  }
0x15: {  	[smem:$0x3FB9] =	sst s0;
	s0 =	simm.s32 @!p2 $0x0  }
0x16: {  	s3 =	sld [smem:$0x3FDB];
	s0 =	simm.s32 @p2 $0x1  }
0x17: {  	s4 =	simm.s32 $0x1BF5;
	[smem:$0x3FBB] =	sst s0  }
0x18: {  	s0 =	sld [smem:$0x3F9E];
	_ =	swait.ge [sflag:s4], $0x0  }
0x19: {  	s7 =	sld [smem:$0x3F9F]  }
0x1a: {  	s8 =	sadd.s32 $0xFFFFE003, lr  }
0x1b: {  	s9 =	sadd.s32 $0xFFFFFEF7, lr;
	s5 =	simm.s32 $0xFFFFFFFF;
	p2 =	slt.u32 s8, $0xFFFFF086  }
0x1c: {  	p1 =	slt.u32 s9, $0xF7A;
	s5 =	simm.s32 @!p2 $0x0  }
0x1d: {  	s5 =	simm.s32 @p1 $0x1;
	p0 =	seq.s32 s7, s2  }
0x1e: {  	s7 =	smul.u32 @!p0 $0xF7A, s2;
	p2 =	seq.s32 @!p0 s5, $0x0  }
0x1f: {  	s9 =	smul.u32 $0xF7A, s1;
	s8 =	simm.s32 @!p0 $0x1BF5;
	p2 =	por !p2, p0  }
0x20: {  	[sflag:s8] =	ssyncset.s32 @!p0 $0xFFFFF086;
	s6 =	sadd.s32 @!p0 s3, s7;
	s7 =	simm.s32 @!p0 $0x108  }
0x21: {  	s3 =	sadd.s32 s3, s9;
	s6 =	sadd.s32 @!p0 $0x88, s6;
	s7 =	simm.s32 @p2 $0x1082  }
0x22: {  	[simem:s7], [sflag:s8] =	dma.local @!p0 [hbm:s6], $0xF7A  }
0x23: {  	s9 =	sor.u32 $0xD0000000, s2;
	s6 =	simm.s32 $0x108;
	_ =	swait.ge @!p0 [sflag:s8], $0x0  }
0x24: {  	s3 =	sadd.s32 $0x88, s3;
	s6 =	simm.s32 @!p1 $0x1082;
	[sflag:s4] =	ssyncset.s32 $0xFFFFF086  }
0x25: {  	[simem:s6], [sflag:s4] =	dma.local [hbm:s3], $0xF7A  }
0x26: {  	[smem:$0x3F9F] =	sst s1;
	(tag) =	ssettag s2;
	_ =	strace s9  }
0x27: {  	s1 =	sld [smem:$0x3FAF]  }
0x28: {  	s2 =	sld [smem:$0x3FB0]  }
0x29: {  	s4 =	sld [smem:$0x3FB2]  }
0x2a: {  	p0 =	seq.s32 s5, $0x0;
	s5 =	sld [smem:$0x3FB3]  }
0x2b: {  	s6 =	sld [smem:$0x3FB4]  }
0x2c: {  	s7 =	sld [smem:$0x3FB5]  }
0x2d: {  	s3 =	simm.s32 $0x108;
	s8 =	sld [smem:$0x3FB6]  }
0x2e: {  	s3 =	simm.s32 @!p0 $0x1082;
	s9 =	sld [smem:$0x3FB7]  }
0x2f: {  	lr =	sadd.s32 s0, s3;
	s0 =	sld [smem:$0x3FAE]  }
0x30: {  	s3 =	sld [smem:$0x3FB1]  }
0x31: {  	[smem:$0x3FBA] =	sst s10  }
0x32: {  	s10 =	sld [smem:$0x3FB8];
	_ =	sdelay $0x3  }
0x33: {  	p0 =	seq.s32 s10, $0x1;
	s10 =	sld [smem:$0x3FBA];
	_ =	sdelay $0x3  }
0x34: {  	[smem:$0x3FBA] =	sst s10  }
0x35: {  	s10 =	sld [smem:$0x3FB9];
	_ =	sdelay $0x3  }
0x36: {  	p1 =	seq.s32 s10, $0x1;
	s10 =	sld [smem:$0x3FBA];
	_ =	sdelay $0x3  }
0x37: {  	[smem:$0x3FBA] =	sst s10  }
0x38: {  	s10 =	sld [smem:$0x3FBB]  }
0x39: {  	_ = 	snop;
	(pc) =	sbr.ind lr, $3  }
0x3a: {  	_ = 	snop  }
0x3b: {  	_ = 	snop  }
0x3c: {  	p2 =	seq.s32 s10, $0x1;
	s10 =	sld [smem:$0x3FBA]  }
0x3d: {  	_ =	shalt  }
0x3e: {  	_ =	shalt  }
0x3f: {  	_ =	shalt  }
0x40: {  	_ =	shalt  }
0x41: {  	_ =	shalt  }
0x42: {  	_ =	shalt  }
0x43: {  	_ =	shalt  }
0x44: {  	_ =	shalt  }
0x45: {  	_ =	shalt  }
0x46: {  	_ =	shalt  }
0x47: {  	_ =	shalt  }
0x48: {  	_ =	shalt  }
0x49: {  	_ =	shalt  }
0x4a: {  	_ =	shalt  }
0x4b: {  	_ =	shalt  }
0x4c: {  	_ =	shalt  }
0x4d: {  	_ =	shalt  }
0x4e: {  	_ =	shalt  }
0x4f: {  	_ =	shalt  }
0x50: {  	_ =	shalt  }
0x51: {  	_ =	shalt  }
0x52: {  	_ =	shalt  }
0x53: {  	_ =	shalt  }
0x54: {  	_ =	shalt  }
0x55: {  	_ =	shalt  }
0x56: {  	_ =	shalt  }
0x57: {  	_ =	shalt  }
0x58: {  	_ =	shalt  }
0x59: {  	_ =	shalt  }
0x5a: {  	_ =	shalt  }
0x5b: {  	_ =	shalt  }
0x5c: {  	_ =	shalt  }
0x5d: {  	_ =	shalt  }
0x5e: {  	_ =	shalt  }
0x5f: {  	_ =	shalt  }
0x60: {  	_ =	shalt  }
0x61: {  	_ =	shalt  }
0x62: {  	_ =	shalt  }
0x63: {  	_ =	shalt  }
0x64: {  	_ =	shalt  }
0x65: {  	_ =	shalt  }
0x66: {  	_ =	shalt  }
0x67: {  	_ =	shalt  }
0x68: {  	_ =	shalt  }
0x69: {  	_ =	shalt  }
0x6a: {  	_ =	shalt  }
0x6b: {  	_ =	shalt  }
0x6c: {  	_ =	shalt  }
0x6d: {  	_ =	shalt  }
0x6e: {  	_ =	shalt  }
0x6f: {  	_ =	shalt  }
0x70: {  	_ =	shalt  }
0x71: {  	_ =	shalt  }
0x72: {  	_ =	shalt  }
0x73: {  	_ =	shalt  }
0x74: {  	_ =	shalt  }
0x75: {  	_ =	shalt  }
0x76: {  	_ =	shalt  }
0x77: {  	_ =	shalt  }
0x78: {  	_ =	shalt  }
0x79: {  	_ =	shalt  }
0x7a: {  	_ =	shalt  }
0x7b: {  	_ =	shalt  }
0x7c: {  	_ =	shalt  }
0x7d: {  	_ =	shalt  }
0x7e: {  	_ =	shalt  }
0x7f: {  	_ =	shalt  }
0x80: {  	_ =	shalt  }
0x81: {  	_ =	shalt  }
0x82: {  	_ =	shalt  }
0x83: {  	_ =	shalt  }
0x84: {  	_ =	shalt  }
0x85: {  	_ =	shalt  }
0x86: {  	_ =	shalt  }
0x87: {  	_ =	shalt  }
.Lfunc_end0:
.L_simem_size_0:
called_computation_lowered:
.L_overlay_start_0:
0x88: {  	s2 =	sld [smem:$0x3FD9]  }
0x89: {  	s3 =	sld [smem:$0x3FFE];
	_ =	sdelay $0x1  }
0x8a: {  	s1 =	srdreg.scid  }
0x8b: {  	s0 =	sand.u32 $0x1, s1  }
0x8c: {  	s17 =	sshll.u32 s0, $0xA;
	s2 =	sadd.s32 s3, s2  }
0x8d: {  	s2 =	sadd.s32 s2, s17  }
0x8e: {  	[smem:$0x3FC6] =	sst s2  }
0x8f: {  	_ = 	snop  }
0x90: {  	s2 =	sld [smem:$0x3FD0];
	(tm) =	ssettm $0x1  }
0x91: {  	s18 =	sld [smem:$0x3FFB];
	_ =	sdelay $0x3  }
0x92: {  	_ =	strace s18  }
0x93: {  	s3 =	sld [smem:$0x3FFC];
	_ =	sdelay $0x3  }
0x94: {  	_ =	strace s3  }
0x95: {  	s3 =	sld [smem:$0x3FFD];
	_ =	sdelay $0x3  }
0x96: {  	_ =	strace s3  }
0x97: {  	_ =	strace $0x8FFFFFFF  }
0x98: {  	s19 =	sld [smem:$0x3FDB];
	_ =	sdelay $0x1  }
0x99: {  	s4 =	simm.s32 $_scs_section_size  }
0x9a: {  	s5 =	simm.s32 $_size__tile_overlayer_lowered;
	s6 =	simm.s32 $_tile_overlayer_lowered  }
0x9b: {  	s22 =	simm.s32 $0x1BFF;
	s21 =	sshll.u32 s6, $0x1;
	s3 =	sadd.s32 s4, s19  }
0x9c: {  	s7 =	simm.s32 $0x0;
	s20 =	sshll.u32 s5, $0x1;
	s5 =	sadd.s32 s21, s3  }
0x9d: {  	[timem:s7], [sflag:s22] =	dma.local [hbm:s5], s20  }
0x9e: {  	_ =	swait.ge [sflag:s22], s20  }
0x9f: {  	s4 =	ssub.s32 $0x0, s20;
	[sflag:s22] =	ssyncset.done $0x0  }
0xa0: {  	[sflag:s22] =	ssyncadd.s32 s4;
	_ =	sdelay $0x1  }
0xa1: {  	s23 =	simm.s32 $0x1B8B  }
0xa2: {  	_ =	swait.ge [sflag:s23], $0x1  }
0xa3: {  	[sflag:s23] =	ssyncset.done $0x0  }
0xa4: {  	s25 =	simm.s32 $0x1B8E;
	s24 =	sld [smem:$0x3FFE];
	[sflag:s23] =	ssyncadd.s32 $0xFFFFFFFF  }
0xa5: {  	s26 =	simm.s32 $execute0_lowered;
	[smem:$0x3FD2] =	sst s25  }
0xa6: {  	s5 =	sshll.u32 s26, $0x1;
	_ =	strace $0x80000046;
	[dreg:$0x1] =	wrdreg $0xFFFFFFFF  }
0xa7: {  	s28 =	simm.s32 $_size_execute0_lowered;
	s3 =	sadd.s32 s3, s5;
	[dreg:$0x0] =	wrdreg $0x0  }
0xa8: {  	s5 =	sshll.u32 s28, $0x1;
	[dreg:$0x2] =	wrdreg s3  }
0xa9: {  	[dreg:$0x3] =	wrdreg s5  }
0xaa: {  	[dreg:$0x4] =	wrdreg $0xC0  }
0xab: {  	_ =	task [dreg:s7], $0x5FFFF  }
0xac: {  	[dreg:$0x1] =	wrdreg $0xFFFFFFFF  }
0xad: {  	[dreg:$0x0] =	wrdreg $0x60  }
0xae: {  	[dreg:$0x2] =	wrdreg s24  }
0xaf: {  	[dreg:$0x3] =	wrdreg s2  }
0xb0: {  	[dreg:$0x4] =	wrdreg $0x9  }
0xb1: {  	_ =	task.clear_ibuf [dreg:s7], $0x5FFFF;
	_ =	strace $0x90000046  }
0xb2: {  	s29 =	simm.s32 $0x9;
	_ =	strace $0x80000048  }
0xb3: {  	_ =	swait.ge [sflag:s29], $0x1  }
0xb4: {  	[sflag:s29] =	ssyncadd.s32 $0xFFFFFFFF  }
0xb5: {  	_ =	strace $0x90000048  }
0xb6: {  	_ =	sfence  }
0xb7: {  	s30 =	sld [smem:$0x0];
	_ =	sdelay $0x2  }
0xb8: {  	s31 =	sshll.u32 s1, $0xD;
	s1 =	sshrl.u32 s1, $0x2  }
0xb9: {  	s3 =	sand.u32 $0x4000, s31;
	s1 =	sadd.s32 s1, s30  }
0xba: {  	s0 =	sor.u32 s3, s0;
	s1 =	sshll.u32 s1, $0x11  }
0xbb: {  	s0 =	sor.u32 s1, s0  }
0xbc: {  	s0 =	sadd.s32 $0x8F2B, s0  }
0xbd: {  	[sflag:s0] =	ssyncadd.remote.s32 $0x1  }
0xbe: {  	_ =	sfence.sel $0xFFFF  }
0xbf: {  	[dreg:$0x0] =	wrdreg $0xFFFFFFFF;
	(pc) =	sbr.abs _section_cstart, $3  }
0xc0: {  	[dreg:$0x1] =	wrdreg $0xFFFFFFFF  }
0xc1: {  	_ =	task.clear_ibuf [dreg:s7], $0x2FFFF;
	_ =	strace $0x9FFFFFFF  }
0xc2: {  	(tm) =	ssettm $0x7FFFFFFF  }
0xc3: {  	_ =	shalt  }
tec
execute0_lowered:
.L_overlay_start_1:
0x0: {  	(tag) =	ssettag $0x1  }
0x1: {  	s7 =	stileid.u32  }
0x2: {  	s0 =	srdreg.scid;
	s5 =	rddreg [dreg:$0x0]  }
0x3: {  	s6 =	rddreg [dreg:$0x1];
	s16 =	simm.s32 $0x80;
	s17 =	simm.s32 $0x400  }
0x4: {  	s18 =	simm.s32 $0x2;
	s19 =	simm.s32 $0x1B00;
	s20 =	simm.s32 $0x3600  }
0x5: {  	s28 =	simm.s32 $0x1;
	s29 =	simm.s32 $0xFD80;
	s30 =	simm.s32 $0x13D80  }
0x6: {  	s0 =	sand.u32 $0x1, s0;
	s1 =	sshll.u32 s7, $0x1;
	s7 =	sshrl.u32 s7, $0x2  }
0x7: {  	s31 =	simm.s32 $0x17D80;
	s2 =	sor.u32 s0, s1;
	s21 =	smul.u32 $0x1B00, s7  }
0x8: {  	s0 =	ssub.s32 $0x2, s0;
	s13 =	smul.u32 $0x600000, s7;
	s1 =	sshll.u32 s2, $0x4  }
0x9: {  	v1 =	vlaneseq.u32;
	v0 =	vimm.s32 $0xFE210F1;
	s14 =	sshll.u32 s7, $0x15;
	s9 =	sshrl.u32 s0, $0x1;
	s1 =	sand.u32 $0x70, s1  }
0xa: {  	v3 =	vimm.s32 $0x400FFEAA;
	v8 =	vor.u32 $0x10000, v1;
	v0 =	vunpack.c.l.s4.s8 v0;
	s2 =	sshll.u32 s2, $0xD;
	s8 =	sadd.s32 s21, s5;
	s3 =	sadd.s32 $0xFFFFFFFE, s1  }
0xb: {  	v1 =	vimm.s32 $0xE210FE20;
	v3 =	vunpack.c.l.s2.s4 v3;
	s0 =	ssub.s32 s0, s9;
	s12 =	sadd.s32 s6, s2;
	v2 =	vmov s3;
	s3 =	simm.s32 $0x0  }
0xc: {  	v7 =	vimm.s32 $0x0;
	vm0 =	vcmask $0x2304;
	v1 =	vunpack.c.l.s4.s8 v1;
	s4 =	sadd.s32 $0x11, s1;
	s22 =	sadd.s32 $0xC00, s8;
	[smem:$0x7FF] =	sst s3  }
0xd: {  	v4 =	vimm.s32 $0x10FE210F;
	v0 =	vunpack.c.0.s8.s32 v0;
	v3 =	vunpack.c.l.s4.s8 v3;
	s23 =	sadd.s32 $0xC10, s8;
	_ =	strace $0x80000047;
	[dreg:$0x3] =	wrdreg s22  }
0xe: {  	v4 =	vunpack.c.l.s4.s8 v4;
	v1 =	vunpack.c.0.s8.s32 v1;
	s21 =	simm.s32 $0x5100;
	s24 =	sadd.s32 $0xC20, s8;
	v6 =	vmov s4;
	[dreg:$0x4] =	wrdreg s23;
	[tilespmem:$0x1FF90] =	vst v2  }
0xf: {  	vm11 =	vcmask $0x3F24;
	s2 =	simm.s32 $0x0;
	v0 =	vnsel vm0, $0xFFFFFFFE, v0;
	s25 =	sadd.s32 $0xC30, s8;
	v54 =	vunpack.c.0.s8.s32 v3;
	[dreg:$0x5] =	wrdreg s24;
	[tilespmem:$0x1FFA0] =	vst v6  }
.Ltmp0:
0x10: {  	vm12 =	vcmask $0xF00;
	s26 =	sadd.s32 $0xC40, s8;
	v44 =	vsel vm11, v1, v0;
	v1 =	vunpack.c.0.s8.s32 v4;
	[dreg:$0x6] =	wrdreg s25;
	[tilespmem:$0x1FFB0] =	vst v8;
	(pc) =	sbr.rel .LBB2_1-.Ltmp0, $4  }
0x11: {  	vm13 =	vcmask $0x2310;
	vm14 =	vcmask $0x1F00;
	s8 =	sadd.s32 $0xC50, s8;
	s0 =	smax.u32 s0, $0x1;
	v0 =	vsel vm12, $0x1, v7;
	[dreg:$0x7] =	wrdreg s26;
	[tilespmem:$0x1FFC0] =	vst v54  }
0x12: {  	vm15 =	vcmask $0x2320;
	s4 =	sadd.s32 $0x7800, s5;
	s5 =	sadd.s32 $0x307800, s5;
	v37 =	vsel vm13, $0x2, v0;
	[dreg:$0x8] =	wrdreg s8;
	v0 =	vnsel vm14, $0x0, v1;
	[tilespmem:$0x1FFE0] =	vst v44  }
0x13: {  	[dreg:$0x9] =	wrdreg s0;
	s22 =	simm.s32 $0x6C00;
	s23 =	simm.s32 $0x8700;
	[tilespmem:$0x1FFF0] =	vst v37;
	v42 =	vsel vm15, $0x2, v0  }
0x14: {  	v9 =	vimm.s32 $0x1;
	v46 =	vimm.s32 $0x2;
	v51 =	vimm.s32 $0x3;
	s24 =	simm.s32 $0x1BD80;
	s25 =	simm.s32 $0xBD80;
	s26 =	simm.s32 $0xA200;
	[tilespmem:$0x1FFD0] =	vst v42  }
.LBB2_15:
0x15: {  	_ =	swait.ge [sflag:s28], $0x10000  }
0x16: {  	s2 =	sadd.s32 $0x1, s2;
	s0 =	rddreg [dreg:$0x9]  }
0x17: {  	p0 =	sne.s32 s2, s0  }
.Ltmp1:
0x18: {  	_ = 	snop;
	(pc) =	sbr.rel @!p0 .LBB2_16-.Ltmp1, $3  }
0x19: {  	_ =	sdelay $0x1  }
0x1a: {  	[sflag:s28] =	ssyncset.done $0x0  }
0x1b: {  	[sflag:s28] =	ssyncadd.s32 $0xFFFF0000  }
.LBB2_1:
0x1c: {  	s0 =	rddreg [dreg:$0x3]  }
0x1d: {  	[tilespmem:s3], [sflag:$0x2] =	stream.strided.gather [hbm4b:s0+s16], $0x1B00, s17, s16, $0x38;
	[tilespmem:$0x1D900] =	vst v63  }
0x1e: {  	_ =	swait.ge [sflag:s18], $0x1B00  }
0x1f: {  	[sflag:s18] =	ssyncset.done $0x0  }
0x20: {  	s8 =	rddreg [dreg:$0x4];
	[sflag:s18] =	ssyncadd.s32 $0xFFFFE500  }
0x21: {  	[tilespmem:s19], [sflag:$0x2] =	stream.strided.gather [hbm4b:s8+s16], $0x1B00, s17, s16, $0x38;
	[tilespmem:$0x1D900] =	vst v63  }
0x22: {  	_ =	swait.ge [sflag:s18], $0x1B00  }
0x23: {  	[sflag:s18] =	ssyncset.done $0x0  }
0x24: {  	s9 =	rddreg [dreg:$0x5];
	[sflag:s18] =	ssyncadd.s32 $0xFFFFE500  }
0x25: {  	[tilespmem:s20], [sflag:$0x2] =	stream.strided.gather [hbm4b:s9+s16], $0x1B00, s17, s16, $0x38;
	[tilespmem:$0x1D900] =	vst v63  }
0x26: {  	_ =	swait.ge [sflag:s18], $0x1B00  }
0x27: {  	[sflag:s18] =	ssyncset.done $0x0  }
0x28: {  	s10 =	rddreg [dreg:$0x6];
	[sflag:s18] =	ssyncadd.s32 $0xFFFFE500  }
0x29: {  	[tilespmem:s21], [sflag:$0x2] =	stream.strided.gather [hbm4b:s10+s16], $0x1B00, s17, s16, $0x38;
	[tilespmem:$0x1D900] =	vst v63  }
0x2a: {  	_ =	swait.ge [sflag:s18], $0x1B00  }
0x2b: {  	[sflag:s18] =	ssyncset.done $0x0  }
0x2c: {  	s11 =	rddreg [dreg:$0x7];
	[sflag:s18] =	ssyncadd.s32 $0xFFFFE500  }
0x2d: {  	[tilespmem:s22], [sflag:$0x2] =	stream.strided.gather [hbm4b:s11+s16], $0x1B00, s17, s16, $0x38;
	[tilespmem:$0x1D900] =	vst v63  }
0x2e: {  	_ =	swait.ge [sflag:s18], $0x1B00  }
0x2f: {  	[sflag:s18] =	ssyncset.done $0x0  }
0x30: {  	s15 =	rddreg [dreg:$0x8];
	[sflag:s18] =	ssyncadd.s32 $0xFFFFE500  }
0x31: {  	[tilespmem:s23], [sflag:$0x2] =	stream.strided.gather [hbm4b:s15+s16], $0x1B00, s17, s16, $0x38;
	[tilespmem:$0x1D900] =	vst v63  }
0x32: {  	_ =	swait.ge [sflag:s18], $0x1B00  }
0x33: {  	[sflag:s18] =	ssyncset.done $0x0  }
0x34: {  	[sflag:s18] =	ssyncadd.s32 $0xFFFFE500  }
0x35: {  	v0 =	vld [tilespmem:s3+$0x0];
	_ =	sdelay $0x4  }
0x36: {  	v0 =	vmul.f32 $1.280000000e+02, v0;
	_ =	sdelay $0x1  }
0x37: {  	v0 =	vadd.f32 $-5.000000000e-01, v0;
	_ =	sdelay $0x1  }
0x38: {  	v0 =	vtrunc.f32 v0  }
0x39: {  	v0 =	vcvt.f32.s32 v0;
	_ =	sdelay $0x1  }
0x3a: {  	vm0 =	vle.s32 v2, v0;
	vm1 =	vge.s32 v6, v0  }
0x3b: {  	vm0 =	vmand vm0, vm1  }
0x3c: {  	v1 =	vsel vm0, $0x1, v7  }
0x3d: {  	(xrf0) =	vadd.scan.msk.s32 $0xffff, v1;
	_ =	sdelay $0x2  }
0x3e: {  	v1 =	vmov s3  }
0x3f: {  	v1 =	vadd.s32 $0xFFFFFFFF, v1  }
0x40: {  	v1 =	vbroadcast v1, $0x0  }
0x41: {  	v3, _, _ =	vpop (xrf0)  }
0x42: {  	v1 =	vadd.s32 v3, v1;
	(v2sf) =	vpush v3, $0xF;
	_ =	sdelay $0x1  }
0x43: {  	v0 =	vshll.u32 v0, $0xD  }
0x44: {  	v0 =	vadd.s32 s3, v0  }
0x45: {  	v0 =	vadd.s32 v8, v0  }
0x46: {  	s0 =	simm.s32 $0x10;
	[tilespmem:v1+s24+$0x0] =	vst.idx.msk vm0, v0  }
0x47: {  	s7 =	simm.s32 $0x20;
	s6 =	simm.s32 $0x0;
	s8 =	simm.s32 $0x10;
	v0 =	vld [tilespmem:s0+$0x0]  }
.LBB2_2:
0x48: {  	p0 =	sne.s32 s7, $0x1AF0;
	_ =	sdelay $0x3  }
0x49: {  	v0 =	vmul.f32 $1.280000000e+02, v0;
	_ =	sdelay $0x1  }
0x4a: {  	v0 =	vadd.f32 $-5.000000000e-01, v0;
	_ =	sdelay $0x1  }
0x4b: {  	v0 =	vtrunc.f32 v0;
	s9 =	spop (v2sf)  }
0x4c: {  	v0 =	vcvt.f32.s32 v0;
	s6 =	sadd.s32 s6, s9  }
0x4d: {  	v1 =	vmov s6  }
0x4e: {  	vm0 =	vle.s32 v2, v0;
	vm1 =	vge.s32 v6, v0;
	v1 =	vadd.s32 $0xFFFFFFFF, v1  }
0x4f: {  	v0 =	vshll.u32 v0, $0xD;
	vm0 =	vmand vm0, vm1;
	v1 =	vbroadcast v1, $0x0  }
0x50: {  	v3 =	vsel vm0, $0x1, v7  }
0x51: {  	(xrf0) =	vadd.scan.msk.s32 $0xffff, v3;
	_ =	sdelay $0x5  }
0x52: {  	v3, _, _ =	vpop (xrf0)  }
0x53: {  	v1 =	vadd.s32 v3, v1;
	(v2sf) =	vpush v3, $0xF;
	_ =	sdelay $0x1  }
.Ltmp2:
0x54: {  	(pc) =	sbr.rel @p0 .LBB2_2-.Ltmp2, $4  }
0x55: {  	v0 =	vadd.s32 s0, v0;
	s0 =	smov.u32 s7  }
0x56: {  	v0 =	vadd.s32 v8, v0  }
0x57: {  	s8 =	sadd.s32 $0x10, s8;
	[tilespmem:v1+s24+$0x0] =	vst.idx.msk vm0, v0  }
0x58: {  	s7 =	sadd.s32 $0x10, s7;
	v0 =	vld [tilespmem:s8+$0x0]  }
0x59: {  	_ =	sdelay $0x3  }
0x5a: {  	v0 =	vmul.f32 $1.280000000e+02, v0;
	_ =	sdelay $0x1  }
0x5b: {  	v0 =	vadd.f32 $-5.000000000e-01, v0;
	_ =	sdelay $0x1  }
0x5c: {  	v0 =	vtrunc.f32 v0  }
0x5d: {  	v0 =	vcvt.f32.s32 v0;
	_ =	sdelay $0x1  }
0x5e: {  	vm0 =	vle.s32 v2, v0;
	vm1 =	vge.s32 v6, v0  }
0x5f: {  	vm0 =	vmand vm0, vm1  }
0x60: {  	v1 =	vsel vm0, $0x1, v7  }
0x61: {  	(xrf0) =	vadd.scan.msk.s32 $0xffff, v1;
	_ =	sdelay $0x5  }
0x62: {  	v1, _, _ =	vpop (xrf0)  }
0x63: {  	(v2sf) =	vpush v1, $0xF;
	_ =	sdelay $0x9  }
0x64: {  	s7 =	spop (v2sf)  }
0x65: {  	s6 =	sadd.s32 s6, s7  }
0x66: {  	v3 =	vmov s6  }
0x67: {  	v3 =	vadd.s32 $0xFFFFFFFF, v3  }
0x68: {  	v3 =	vbroadcast v3, $0x0  }
0x69: {  	s15 =	spop (v2sf)  }
0x6a: {  	v62 =	vlaneseq.u32;
	v1 =	vadd.s32 v1, v3;
	s6 =	sadd.s32 s6, s15  }
0x6b: {  	v3 =	vadd.s32 s6, v62  }
0x6c: {  	v0 =	vshll.u32 v0, $0xD  }
.Ltmp3:
0x6d: {  	v0 =	vadd.s32 s0, v0;
	(pc) =	sbr.rel .LBB2_4-.Ltmp3, $4  }
0x6e: {  	v0 =	vadd.s32 v8, v0;
	s6 =	sadd.s32 $0xF, s6  }
0x6f: {  	v63 =	vimm.s32 $0x190000;
	[tilespmem:v1+s24+$0x0] =	vst.idx.msk vm0, v0;
	s6 =	sshra.s32 s6, $0x4  }
0x70: {  	s0 =	simm.s32 $0x0;
	p0 =	slt.s32 s6, $0x1;
	[tilespmem:v3+s24+$0x0] =	vst.idx.msk $0xffff, v63  }
0x71: {  	[tilespmem:s25], [sflag:$0x1] =	stream.linear.gather [hbm4b:s12+s0], $0x10000, $0x38;
	[tilespmem:$0x1D900] =	vst v63  }
.LBB2_14:
0x72: {  	s7 =	sshll.u32 s7, $0xE  }
0x73: {  	s8 =	sadd.s32 s13, s7  }
0x74: {  	s8 =	sshrl.u32 s8, $0x3  }
0x75: {  	s8 =	sadd.s32 s4, s8  }
0x76: {  	[hbm4b:s8+s3] =	stream.linear.scatter [tilespmem:s25], [sflag:$0x2], $0x4000, $0x38;
	[tilespmem:$0x1D900] =	vst v63  }
0x77: {  	_ =	swait.ge [sflag:s18], $0x4000  }
0x78: {  	[sflag:s18] =	ssyncset.done $0x0  }
0x79: {  	s9 =	sadd.s32 $0x40000, s8;
	[sflag:s18] =	ssyncadd.s32 $0xFFFFC000  }
0x7a: {  	[hbm4b:s9+s3] =	stream.linear.scatter [tilespmem:s29], [sflag:$0x2], $0x4000, $0x38;
	[tilespmem:$0x1D900] =	vst v63  }
0x7b: {  	_ =	swait.ge [sflag:s18], $0x4000  }
0x7c: {  	[sflag:s18] =	ssyncset.done $0x0  }
0x7d: {  	s8 =	sadd.s32 $0x80000, s8;
	[sflag:s18] =	ssyncadd.s32 $0xFFFFC000  }
0x7e: {  	[hbm4b:s8+s3] =	stream.linear.scatter [tilespmem:s30], [sflag:$0x2], $0x4000, $0x38;
	[tilespmem:$0x1D900] =	vst v63  }
0x7f: {  	s7 =	sadd.s32 s14, s7;
	_ =	swait.ge [sflag:s18], $0x4000  }
0x80: {  	s0 =	sadd.s32 $0x1, s0;
	s7 =	sshrl.u32 s7, $0x3;
	[sflag:s18] =	ssyncset.done $0x0  }
0x81: {  	p1 =	sne.s32 s0, $0x10;
	s7 =	sadd.s32 s5, s7;
	[sflag:s18] =	ssyncadd.s32 $0xFFFFC000  }
0x82: {  	[hbm4b:s7+s3] =	stream.linear.scatter [tilespmem:s31], [sflag:$0x2], $0x4000, $0x38;
	[tilespmem:$0x1D900] =	vst v63  }
.Ltmp4:
0x83: {  	_ = 	snop;
	(pc) =	sbr.rel @!p1 .LBB2_15-.Ltmp4, $4  }
0x84: {  	_ =	swait.ge [sflag:s18], $0x4000  }
0x85: {  	[sflag:s18] =	ssyncset.done $0x0;
	v2 =	vld [tilespmem:$0x1FF90]  }
0x86: {  	v6 =	vld [tilespmem:$0x1FFA0];
	[sflag:s18] =	ssyncadd.s32 $0xFFFFC000  }
0x87: {  	v8 =	vld [tilespmem:$0x1FFB0];
	[tilespmem:s25], [sflag:$0x1] =	stream.linear.gather [hbm4b:s12+s3], $0x10000, $0x38  }
.LBB2_4:
.Ltmp5:
0x88: {  	(pc) =	sbr.rel @p0 .LBB2_11-.Ltmp5, $2  }
0x89: {  	_ =	sdelay $0x2  }
0x8a: {  	s7 =	sor.u32 s1, s0;
	s8 =	simm.s32 $0x0  }
0x8b: {  	p2 =	sne.s32 s6, $0x1  }
.Ltmp6:
0x8c: {  	_ = 	snop;
	(pc) =	sbr.rel @!p2 .LBB2_6-.Ltmp6, $4  }
0x8d: {  	_ = 	snop  }
0x8e: {  	s8 =	sshll.u32 s7, $0xD  }
0x8f: {  	s10 =	simm.s32 $0x1BD80;
	s9 =	sadd.s32 $0x16000, s8;
	s8 =	sadd.s32 $0xC000, s8  }
0x90: {  	p1 =	por $0x0, $0x0;
	v3 =	vld [tilespmem:s10+$0x0];
	v0 =	vmov s8;
	v1 =	vmov s9;
	s8 =	simm.s32 $0x0;
	s9 =	sadd.s32 $0xFFFFFFFF, s6  }
0x91: {  	_ =	sdelay $0x3  }
0x92: {  	vm0 =	vge.s32 v3, v0;
	vm1 =	vlt.s32 v3, v1  }
0x93: {  	vm0 =	vmand vm0, vm1  }
0x94: {  	v4 =	vsel vm0, $0x1, v7  }
0x95: {  	(xrf0) =	vadd.scan.msk.s32 $0xffff, v4;
	_ =	sdelay $0x2  }
0x96: {  	v4 =	vmov s8  }
0x97: {  	v4 =	vadd.s32 $0xFFFFFFFF, v4  }
0x98: {  	v4 =	vbroadcast v4, $0x0  }
0x99: {  	v5, _, _ =	vpop (xrf0)  }
0x9a: {  	v4 =	vadd.s32 v5, v4;
	(v2sf) =	vpush v5, $0xF  }
0x9b: {  	p2 =	sne.s32 s9, $0x1  }
.Ltmp7:
0x9c: {  	_ = 	snop;
	(pc) =	sbr.rel @!p2 .LBB2_8-.Ltmp7, $4  }
0x9d: {  	_ = 	snop  }
0x9e: {  	v3 =	vand.u32 $0x1FFF, v3  }
0x9f: {  	s10 =	simm.s32 $0x1BD90;
	[tilespmem:v4+s26+$0x0] =	vst.idx.msk vm0, v3  }
0xa0: {  	s11 =	sadd.s32 $0xFFFFFFFF, s9;
	p1 =	por $0x1, $0x1;
	s9 =	simm.s32 $0x0;
	v3 =	vld [tilespmem:s10+$0x0]  }
.LBB2_9:
0xa1: {  	p2 =	sne.s32 s11, $0x1;
	_ =	sdelay $0x3  }
0xa2: {  	vm0 =	vge.s32 v3, v0;
	vm1 =	vlt.s32 v3, v1;
	v3 =	vand.u32 $0x1FFF, v3  }
0xa3: {  	vm0 =	vmand vm0, vm1  }
0xa4: {  	v4 =	vsel vm0, $0x1, v7  }
0xa5: {  	(xrf0) =	vadd.scan.msk.s32 $0xffff, v4  }
0xa6: {  	s15 =	spop (v2sf)  }
0xa7: {  	s9 =	sadd.s32 s9, s15  }
0xa8: {  	v4 =	vmov s9  }
0xa9: {  	v4 =	vadd.s32 $0xFFFFFFFF, v4  }
0xaa: {  	v4 =	vbroadcast v4, $0x0  }
0xab: {  	v5, _, _ =	vpop (xrf0)  }
0xac: {  	v4 =	vadd.s32 v5, v4;
	(v2sf) =	vpush v5, $0xF;
	_ =	sdelay $0x1  }
.Ltmp8:
0xad: {  	(pc) =	sbr.rel @p2 .LBB2_9-.Ltmp8, $3  }
0xae: {  	_ =	sdelay $0x1  }
0xaf: {  	s10 =	sadd.s32 $0x10, s10;
	[tilespmem:v4+s26+$0x0] =	vst.idx.msk vm0, v3  }
0xb0: {  	s11 =	sadd.s32 $0xFFFFFFFF, s11;
	v3 =	vld [tilespmem:s10+$0x0]  }
.LBB2_10:
0xb1: {  	_ =	sdelay $0x3  }
0xb2: {  	vm0 =	vge.s32 v3, v0;
	vm1 =	vlt.s32 v3, v1  }
0xb3: {  	vm0 =	vmand vm0, vm1  }
0xb4: {  	v61 =	vsel vm0, $0x1, v7  }
0xb5: {  	(xrf0) =	vadd.scan.msk.s32 $0xffff, v61;
	_ =	sdelay $0x5  }
0xb6: {  	v0, _, _ =	vpop (xrf0)  }
0xb7: {  	(v2sf) =	vpush v0, $0xF;
	_ =	sdelay $0x3  }
0xb8: {  	s10 =	spop @p1 (v2sf)  }
0xb9: {  	s9 =	sadd.s32 @p1 s9, s10  }
0xba: {  	s8 =	smov.u32 @p1 s9  }
0xbb: {  	v62 =	vmov s8  }
0xbc: {  	v1 =	vadd.s32 $0xFFFFFFFF, v62  }
0xbd: {  	v1 =	vbroadcast v1, $0x0;
	_ =	sdelay $0x1  }
0xbe: {  	v0 =	vadd.s32 v0, v1;
	_ =	sdelay $0x3  }
0xbf: {  	v63 =	vand.u32 $0x1FFF, v3;
	s15 =	spop (v2sf)  }
0xc0: {  	[tilespmem:v0+s26+$0x0] =	vst.idx.msk vm0, v63;
	s8 =	sadd.s32 s8, s15  }
.LBB2_11:
0xc1: {  	v0 =	vlaneseq.u32  }
0xc2: {  	v0 =	vadd.s32 s8, v0  }
0xc3: {  	s15 =	sadd.s32 $0xF, s8  }
0xc4: {  	s8 =	sshra.s32 s15, $0x4  }
0xc5: {  	p1 =	slt.s32 s8, $0x1  }
.Ltmp9:
0xc6: {  	v1 =	vimm.s32 $0x1AFF;
	(pc) =	sbr.rel @p1 .LBB2_14-.Ltmp9, $4  }
0xc7: {  	[tilespmem:v0+s26+$0x0] =	vst.idx.msk $0xffff, v1  }
0xc8: {  	v8 =	vimm.s32 $0x7;
	v11 =	vimm.s32 $0x4;
	_ =	swait.ge [sflag:s28], $0x10000  }
0xc9: {  	v20 =	vimm.s32 $0x5;
	v21 =	vimm.s32 $0x6;
	v22 =	vimm.s32 $0x8;
	[sflag:s28] =	ssyncset.done $0x0  }
0xca: {  	v23 =	vimm.s32 $0x9;
	v24 =	vimm.s32 $0xA;
	v25 =	vimm.s32 $0xB;
	[sflag:s28] =	ssyncadd.s32 $0xFFFF0000  }
0xcb: {  	s9 =	scvt.s32.f32 s7;
	_ =	sdelay $0x1  }
0xcc: {  	s9 =	sadd.f32 $5.000000000e-01, s9;
	_ =	sdelay $0x1  }
0xcd: {  	s9 =	smul.f32 $7.812500000e-03, s9;
	_ =	sdelay $0x1  }
0xce: {  	v0 =	vmov s9  }
0xcf: {  	s9 =	simm.s32 $0xA200;
	[tilespmem:$0x1FF80] =	vst v0  }
.LBB2_13:
0xd0: {  	v0 =	vld [tilespmem:s9+$0x0];
	_ =	sdelay $0x7  }
0xd1: {  	v32 =	vld.idx.msk [tilespmem:v0+s19+$0x0], $0xffff;
	_ =	sdelay $0x1  }
0xd2: {  	v30 =	vld.idx.msk [tilespmem:v0+s20+$0x0], $0xffff;
	_ =	sdelay $0x2  }
0xd3: {  	v1 =	vmul.f32 $1.280000000e+02, v32;
	_ =	sdelay $0x1  }
0xd4: {  	v3 =	vmul.f32 $1.280000000e+02, v30;
	v1 =	vadd.f32 $-5.000000000e-01, v1;
	_ =	sdelay $0x1  }
0xd5: {  	v45 =	vadd.f32 $-5.000000000e-01, v3;
	v1 =	vtrunc.f32 v1  }
0xd6: {  	v2 =	vld [tilespmem:$0x1FF80];
	v34 =	vcvt.f32.s32 v1  }
0xd7: {  	v4 =	vld.idx.msk [tilespmem:v0+s3+$0x0], $0xffff;
	v1 =	vtrunc.f32 v45  }
0xd8: {  	v28 =	vcvt.f32.s32 v1;
	v47 =	vperm.xlane v34, v7;
	_ =	sdelay $0x1  }
0xd9: {  	v5 =	vperm.xlane v28, v7;
	v48 =	vadd.s32 v54, v47  }
0xda: {  	v6 =	vcvt.s32.f32 v48  }
0xdb: {  	v4 =	vsub.f32 v2, v4;
	v13 =	vperm.xlane v32, v7;
	v10 =	vadd.s32 v44, v5  }
0xdc: {  	v3 =	vadd.s32 v37, v47;
	v12 =	vcvt.s32.f32 v10;
	v6 =	vadd.f32 $5.000000000e-01, v6  }
0xdd: {  	v33 =	vmul.f32 v4, v4;
	v49 =	vcvt.s32.f32 v3  }
0xde: {  	v5 =	vadd.s32 v42, v5;
	v4 =	vadd.f32 $5.000000000e-01, v12;
	v6 =	vmul.f32 $7.812500000e-03, v6  }
0xdf: {  	v14 =	vperm.xlane v30, v7;
	v15 =	vcvt.s32.f32 v5  }
0xe0: {  	v12 =	vadd.f32 $5.000000000e-01, v49;
	v4 =	vmul.f32 $7.812500000e-03, v4;
	v6 =	vsub.f32 v6, v13  }
0xe1: {  	v16 =	vperm.xlane v33, v7;
	v15 =	vadd.f32 $5.000000000e-01, v15  }
0xe2: {  	v12 =	vmul.f32 $7.812500000e-03, v12;
	v4 =	vsub.f32 v4, v14;
	v6 =	vmul.f32 v6, v6  }
0xe3: {  	v50 =	vmul.f32 $7.812500000e-03, v15  }
0xe4: {  	v12 =	vsub.f32 v12, v13;
	v4 =	vmul.f32 v4, v4;
	v6 =	vadd.f32 v6, v16;
	_ =	sdelay $0x1  }
0xe5: {  	v12 =	vmul.f32 v12, v12;
	v4 =	vadd.f32 v4, v6;
	v6 =	vsub.f32 v50, v14;
	_ =	sdelay $0x1  }
0xe6: {  	v12 =	vadd.f32 v12, v16;
	v4 =	vmul.f32 $-3.600072020e+03, v4;
	v6 =	vmul.f32 v6, v6;
	_ =	sdelay $0x1  }
0xe7: {  	v4 =	vmul.f32 $1.442695020e+00, v4;
	v6 =	vadd.f32 v6, v12;
	_ =	sdelay $0x1  }
0xe8: {  	(erf) = vpow2.f32 v4;
	v4 =	vmul.f32 $-3.600072020e+03, v6;
	_ =	sdelay $0x1  }
0xe9: {  	v4 =	vmul.f32 $1.442695020e+00, v4;
	_ =	sdelay $0x1  }
0xea: {  	(erf) = vpow2.f32 v4  }
0xeb: {  	v29 =	vld.idx.msk [tilespmem:v0+s21+$0x0], $0xffff  }
0xec: {  	v17 =	vld [tilespmem:$0x1FFE0]  }
0xed: {  	v27 =	vld.idx.msk [tilespmem:v0+s22+$0x0], $0xffff  }
0xee: {  	v39 =	vld.idx.msk [tilespmem:v0+s23+$0x0], $0xffff;
	v53 =	vperm.xlane v34, v9  }
0xef: {  	v61 =	vperm.xlane v28, v9  }
0xf0: {  	v52 =	vperm.xlane v29, v7;
	v41 =	vperm.xlane v32, v9;
	v45 =	vld [tilespmem:$0x1FFF0];
	v62 =	vadd.s32 v54, v53  }
0xf1: {  	v1 =	vshll.u32 v48, $0x7;
	v63 =	vcvt.s32.f32 v62;
	v0 =	vadd.s32 v17, v61  }
0xf2: {  	v60 =	vand.u32 $0xFFFFFF80, v10;
	v10 =	vand.u32 $0x7F, v10;
	v4 =	vperm.xlane v27, v7;
	v38 =	vpop (erf)  }
0xf3: {  	v36 =	vcvt.s32.f32 v0;
	v1 =	vadd.s32 v1, v60;
	v49 =	vld [tilespmem:$0x1FFD0];
	v6 =	vperm.xlane v39, v7;
	v35 =	vpop (erf)  }
0xf4: {  	v37 =	vmul.f32 v38, v4;
	v31 =	vmul.f32 v35, v4;
	v4 =	vadd.f32 $5.000000000e-01, v63  }
0xf5: {  	v43 =	vor.u32 v10, v1;
	v10 =	vadd.s32 v45, v53;
	v59 =	vmul.f32 v38, v6  }
0xf6: {  	v40 =	vmul.f32 v35, v6;
	v6 =	vadd.f32 $5.000000000e-01, v36;
	v4 =	vmul.f32 $7.812500000e-03, v4  }
0xf7: {  	v47 =	vperm.xlane v30, v9;
	v48 =	vcvt.s32.f32 v10  }
0xf8: {  	v14 =	vadd.s32 v49, v61;
	v6 =	vmul.f32 $7.812500000e-03, v6;
	v4 =	vsub.f32 v4, v41  }
0xf9: {  	v18 =	vperm.xlane v33, v9;
	v13 =	vadd.f32 $5.000000000e-01, v48;
	v17 =	vcvt.s32.f32 v14  }
0xfa: {  	v3 =	vshll.u32 v3, $0x7;
	v6 =	vsub.f32 v6, v47;
	v4 =	vmul.f32 v4, v4  }
0xfb: {  	v53 =	vperm.xlane v34, v46;
	v13 =	vmul.f32 $7.812500000e-03, v13;
	v17 =	vadd.f32 $5.000000000e-01, v17  }
0xfc: {  	v42 =	vmul.f32 v38, v52;
	v6 =	vmul.f32 v6, v6;
	v4 =	vadd.f32 v4, v18  }
0xfd: {  	v57 =	vld [tilespmem:$0x1FFE0];
	v1 =	vsub.f32 v13, v41;
	v56 =	vmul.f32 v35, v52;
	v52 =	vmul.f32 $7.812500000e-03, v17  }
0xfe: {  	v50 =	vand.u32 $0xFFFFFF80, v5;
	v5 =	vand.u32 $0x7F, v5;
	v4 =	vadd.f32 v6, v4  }
0xff: {  	v61 =	vld [tilespmem:$0x1FFF0];
	v3 =	vadd.s32 v3, v50;
	v1 =	vmul.f32 v1, v1;
	v6 =	vsub.f32 v52, v47  }
0x100: {  	v45 =	vor.u32 v5, v3;
	v55 =	vmul.f32 $-3.600072020e+03, v4;
	v4 =	vperm.xlane v28, v46  }
0x101: {  	v1 =	vadd.f32 v1, v18;
	v5 =	vmul.f32 v6, v6;
	v6 =	vadd.s32 v54, v53  }
0x102: {  	v19 =	vperm.xlane v33, v46;
	[tilespmem:$0x1FE30] =	vst v31;
	v31 =	vld [tilespmem:$0x1FFD0];
	v58 =	vcvt.s32.f32 v6;
	v13 =	vadd.s32 v57, v4  }
0x103: {  	v60 =	vperm.xlane v32, v46;
	v1 =	vadd.f32 v5, v1;
	v5 =	vcvt.s32.f32 v13  }
0x104: {  	v15 =	vshll.u32 v62, $0x7;
	v12 =	vadd.s32 v61, v53;
	v16 =	vadd.f32 $5.000000000e-01, v58  }
0x105: {  	[tilespmem:$0x1FE20] =	vst v59;
	v59 =	vand.u32 $0xFFFFFF80, v0;
	v63 =	vcvt.s32.f32 v12;
	v5 =	vadd.f32 $5.000000000e-01, v5  }
0x106: {  	v0 =	vand.u32 $0x7F, v0;
	v3 =	vmul.f32 $1.442695020e+00, v55;
	v16 =	vmul.f32 $7.812500000e-03, v16  }
0x107: {  	v18 =	vperm.xlane v30, v46;
	v4 =	vadd.s32 v31, v4;
	v55 =	vld [tilespmem:$0x1FFC0];
	v5 =	vmul.f32 $7.812500000e-03, v5  }
0x108: {  	v36 =	vcvt.s32.f32 v4;
	(erf) = vpow2.f32 v3;
	v62 =	vsub.f32 v16, v60  }
0x109: {  	v3 =	vadd.s32 v15, v59;
	v16 =	vadd.f32 $5.000000000e-01, v63;
	v5 =	vsub.f32 v5, v18  }
0x10a: {  	[tilespmem:$0x1FE40] =	vst v40;
	v53 =	vperm.xlane v34, v51;
	v57 =	vld [tilespmem:$0x1FFE0];
	v40 =	vor.u32 v0, v3;
	v0 =	vadd.f32 $5.000000000e-01, v36  }
0x10b: {  	v49 =	vmul.f32 v5, v5;
	v5 =	vmul.f32 $7.812500000e-03, v16  }
0x10c: {  	v48 =	vperm.xlane v27, v9;
	v0 =	vmul.f32 $7.812500000e-03, v0;
	v17 =	vadd.s32 v55, v53  }
0x10d: {  	v26 =	vcvt.s32.f32 v17;
	v54 =	vsub.f32 v5, v60;
	v5 =	vperm.xlane v28, v51  }
0x10e: {  	v10 =	vshll.u32 v10, $0x7;
	v50 =	vperm.xlane v39, v9;
	v15 =	vmul.f32 v62, v62  }
0x10f: {  	v0 =	vsub.f32 v0, v18;
	v58 =	vadd.f32 $5.000000000e-01, v26;
	v18 =	vadd.s32 v57, v5  }
0x110: {  	v12 =	vshll.u32 v12, $0x7;
	v3 =	vmul.f32 v54, v54;
	v26 =	vcvt.s32.f32 v18  }
0x111: {  	v1 =	vmul.f32 $-3.600072020e+03, v1;
	v47 =	vadd.f32 v15, v19;
	v15 =	vmul.f32 $7.812500000e-03, v58  }
0x112: {  	v3 =	vadd.f32 v3, v19;
	v19 =	vperm.xlane v32, v51;
	v26 =	vadd.f32 $5.000000000e-01, v26  }
0x113: {  	v52 =	vand.u32 $0xFFFFFF80, v14;
	v14 =	vand.u32 $0x7F, v14;
	v1 =	vmul.f32 $1.442695020e+00, v1  }
0x114: {  	v60 =	vperm.xlane v30, v51;
	v15 =	vsub.f32 v15, v19;
	v26 =	vmul.f32 $7.812500000e-03, v26  }
0x115: {  	(erf) = vpow2.f32 v1;
	v0 =	vmul.f32 v0, v0;
	v1 =	vadd.f32 v49, v47  }
0x116: {  	v49 =	vperm.xlane v33, v51;
	v15 =	vmul.f32 v15, v15;
	v26 =	vsub.f32 v26, v60  }
0x117: {  	v61 =	vld [tilespmem:$0x1FFF0];
	v10 =	vadd.s32 v10, v52;
	v52 =	vperm.xlane v28, v11;
	v1 =	vmul.f32 $-3.600072020e+03, v1  }
0x118: {  	v0 =	vadd.f32 v0, v3;
	v15 =	vadd.f32 v15, v49;
	v62 =	vmul.f32 v26, v26  }
0x119: {  	v6 =	vshll.u32 v6, $0x7;
	v31 =	vperm.xlane v34, v11;
	v1 =	vmul.f32 $1.442695020e+00, v1  }
0x11a: {  	v59 =	vand.u32 $0xFFFFFF80, v13;
	v0 =	vmul.f32 $-3.600072020e+03, v0;
	v63 =	vadd.f32 v62, v15;
	v15 =	vld [tilespmem:$0x1FFD0]  }
0x11b: {  	v13 =	vand.u32 $0x7F, v13;
	v36 =	vor.u32 v14, v10;
	(erf) = vpow2.f32 v1  }
0x11c: {  	v1 =	vadd.s32 v6, v59;
	v6 =	vadd.s32 v61, v53;
	v0 =	vmul.f32 $1.442695020e+00, v0  }
0x11d: {  	v10 =	vand.u32 $0xFFFFFF80, v4;
	v4 =	vand.u32 $0x7F, v4;
	v53 =	vld [tilespmem:$0x1FFC0];
	v26 =	vcvt.s32.f32 v6  }
0x11e: {  	v10 =	vadd.s32 v12, v10;
	v54 =	vld [tilespmem:$0x1FFE0];
	v1 =	vor.u32 v13, v1;
	(erf) = vpow2.f32 v0  }
0x11f: {  	[tilespmem:$0x1FE50] =	vst v1;
	v0 =	vmul.f32 $-3.600072020e+03, v63;
	v63 =	vld [tilespmem:$0x1FFD0];
	v1 =	vadd.s32 v15, v5;
	v5 =	vadd.f32 $5.000000000e-01, v26  }
0x120: {  	v17 =	vshll.u32 v17, $0x7;
	v47 =	vor.u32 v4, v10;
	v16 =	vcvt.s32.f32 v1  }
0x121: {  	v4 =	vperm.xlane v30, v11;
	v61 =	vld [tilespmem:$0x1FFF0];
	v6 =	vshll.u32 v6, $0x7;
	v5 =	vmul.f32 $7.812500000e-03, v5  }
0x122: {  	v62 =	vperm.xlane v33, v11;
	v13 =	vadd.f32 $5.000000000e-01, v16;
	v16 =	vadd.s32 v53, v31  }
0x123: {  	v0 =	vmul.f32 $1.442695020e+00, v0;
	v26 =	vcvt.s32.f32 v16;
	v5 =	vsub.f32 v5, v19  }
0x124: {  	v15 =	vadd.s32 v63, v52;
	v19 =	vadd.s32 v54, v52;
	v13 =	vmul.f32 $7.812500000e-03, v13  }
0x125: {  	v55 =	vadd.f32 $5.000000000e-01, v26;
	v26 =	vcvt.s32.f32 v19;
	v58 =	vmul.f32 v5, v5  }
0x126: {  	v5 =	vperm.xlane v32, v11;
	v57 =	vsub.f32 v13, v60;
	v13 =	vadd.s32 v61, v31  }
0x127: {  	v12 =	vmul.f32 $7.812500000e-03, v55;
	v59 =	vadd.f32 $5.000000000e-01, v26;
	v26 =	vcvt.s32.f32 v13  }
0x128: {  	(erf) = vpow2.f32 v0;
	v52 =	vcvt.s32.f32 v15;
	v31 =	vand.u32 $0xFFFFFF80, v18  }
0x129: {  	v10 =	vsub.f32 v12, v5;
	v60 =	vmul.f32 $7.812500000e-03, v59;
	v26 =	vadd.f32 $5.000000000e-01, v26  }
0x12a: {  	v3 =	vadd.f32 v58, v49;
	v58 =	vand.u32 $0x7F, v18;
	v0 =	vmul.f32 v57, v57  }
0x12b: {  	v7 =	vmovc v28;
	v12 =	vsub.f32 v60, v4;
	v10 =	vmul.f32 v10, v10;
	v18 =	vmul.f32 $7.812500000e-03, v26  }
0x12c: {  	v54 =	vperm.xlane v7, v21;
	v0 =	vadd.f32 v0, v3;
	v26 =	vadd.f32 $5.000000000e-01, v52  }
0x12d: {  	v57 =	vadd.f32 v10, v62;
	v10 =	vmul.f32 v12, v12;
	v5 =	vsub.f32 v18, v5  }
0x12e: {  	v63 =	vand.u32 $0xFFFFFF80, v19;
	v49 =	vperm.xlane v30, v20;
	v59 =	vmul.f32 $7.812500000e-03, v26  }
0x12f: {  	v0 =	vmul.f32 $-3.600072020e+03, v0;
	v3 =	vadd.f32 v10, v57;
	v5 =	vmul.f32 v5, v5  }
0x130: {  	v18 =	vand.u32 $0xFFFFFF80, v1;
	v1 =	vand.u32 $0x7F, v1;
	v12 =	vld [tilespmem:$0x1FFE0];
	v4 =	vsub.f32 v59, v4  }
0x131: {  	v0 =	vmul.f32 $1.442695020e+00, v0;
	v3 =	vmul.f32 $-3.600072020e+03, v3;
	v5 =	vadd.f32 v5, v62;
	v62 =	vld [tilespmem:$0x1FFC0]  }
0x132: {  	v6 =	vadd.s32 v6, v18;
	v10 =	vadd.s32 v17, v31;
	v17 =	vld [tilespmem:$0x1FFF0];
	v4 =	vmul.f32 v4, v4  }
0x133: {  	v60 =	vperm.xlane v34, v20;
	v52 =	vor.u32 v1, v6;
	v3 =	vmul.f32 $1.442695020e+00, v3  }
0x134: {  	v57 =	vor.u32 v58, v10;
	(erf) = vpow2.f32 v0;
	v61 =	vadd.f32 v4, v5  }
0x135: {  	v10 =	vshll.u32 v16, $0x7;
	v4 =	vperm.xlane v28, v20;
	(erf) = vpow2.f32 v3  }
0x136: {  	v0 =	vmul.f32 $-3.600072020e+03, v61;
	v3 =	vadd.s32 v10, v63;
	v1 =	vadd.s32 v62, v60  }
0x137: {  	v10 =	vadd.s32 v12, v4;
	v12 =	vadd.s32 v17, v60;
	v60 =	vld [tilespmem:$0x1FFD0];
	v5 =	vcvt.s32.f32 v1  }
0x138: {  	v14 =	vand.u32 $0xFFFFFF80, v15;
	v61 =	vld [tilespmem:$0x1FFC0];
	v16 =	vcvt.s32.f32 v10;
	v31 =	vcvt.s32.f32 v12  }
0x139: {  	v26 =	vperm.xlane v34, v21;
	v6 =	vand.u32 $0x7F, v19;
	v5 =	vadd.f32 $5.000000000e-01, v5  }
0x13a: {  	v28 =	vor.u32 v6, v3;
	v3 =	vadd.f32 $5.000000000e-01, v16;
	v16 =	vadd.f32 $5.000000000e-01, v31  }
0x13b: {  	v15 =	vand.u32 $0x7F, v15;
	v6 =	vperm.xlane v32, v20;
	v5 =	vmul.f32 $7.812500000e-03, v5  }
0x13c: {  	v63 =	vld [tilespmem:$0x1FFE0];
	v3 =	vmul.f32 $7.812500000e-03, v3;
	v16 =	vmul.f32 $7.812500000e-03, v16;
	v4 =	vadd.s32 v60, v4  }
0x13d: {  	v58 =	vadd.s32 v61, v26;
	v19 =	vcvt.s32.f32 v4;
	v5 =	vsub.f32 v5, v6  }
0x13e: {  	v18 =	vperm.xlane v33, v20;
	v55 =	vcvt.s32.f32 v58;
	v3 =	vsub.f32 v3, v49  }
0x13f: {  	v6 =	vsub.f32 v16, v6;
	v19 =	vadd.f32 $5.000000000e-01, v19;
	v5 =	vmul.f32 v5, v5  }
0x140: {  	v55 =	vadd.f32 $5.000000000e-01, v55;
	v16 =	vperm.xlane v32, v21;
	v3 =	vmul.f32 v3, v3  }
0x141: {  	v62 =	vmul.f32 $7.812500000e-03, v19;
	v19 =	vadd.s32 v63, v54;
	v5 =	vadd.f32 v5, v18  }
0x142: {  	v13 =	vshll.u32 v13, $0x7;
	v6 =	vmul.f32 v6, v6;
	v59 =	vcvt.s32.f32 v19  }
0x143: {  	v31 =	vmul.f32 $7.812500000e-03, v55;
	v3 =	vadd.f32 v3, v5;
	v5 =	vsub.f32 v62, v49  }
0x144: {  	v13 =	vadd.s32 v13, v14;
	v0 =	vmul.f32 $1.442695020e+00, v0;
	v49 =	vadd.f32 $5.000000000e-01, v59  }
0x145: {  	v6 =	vadd.f32 v6, v18;
	v17 =	vsub.f32 v31, v16;
	v5 =	vmul.f32 v5, v5  }
0x146: {  	v12 =	vshll.u32 v12, $0x7;
	v18 =	vperm.xlane v30, v21;
	v55 =	vmul.f32 $7.812500000e-03, v49  }
0x147: {  	v17 =	vmul.f32 v17, v17;
	v5 =	vadd.f32 v5, v6;
	v6 =	vperm.xlane v33, v21  }
0x148: {  	v1 =	vshll.u32 v1, $0x7;
	v62 =	vld [tilespmem:$0x1FFF0];
	v3 =	vmul.f32 $-3.600072020e+03, v3;
	v53 =	vsub.f32 v55, v18  }
0x149: {  	(erf) = vpow2.f32 v0;
	v55 =	vmul.f32 $-3.600072020e+03, v5;
	v59 =	vadd.f32 v17, v6;
	v17 =	vld [tilespmem:$0x1FFD0]  }
0x14a: {  	v61 =	vand.u32 $0xFFFFFF80, v10;
	v3 =	vmul.f32 $1.442695020e+00, v3;
	v5 =	vmul.f32 v53, v53  }
0x14b: {  	v10 =	vand.u32 $0x7F, v10;
	v60 =	vor.u32 v15, v13;
	v0 =	vmul.f32 $1.442695020e+00, v55  }
0x14c: {  	v13 =	vperm.xlane v34, v8;
	(erf) = vpow2.f32 v3;
	v3 =	vadd.f32 v5, v59  }
0x14d: {  	v1 =	vadd.s32 v1, v61;
	v15 =	vperm.xlane v30, v22;
	(erf) = vpow2.f32 v0  }
0x14e: {  	v59 =	vld [tilespmem:$0x1FFC0];
	v0 =	vadd.s32 v62, v26;
	v63 =	vmul.f32 $-3.600072020e+03, v3;
	v3 =	vadd.s32 v17, v54  }
0x14f: {  	v61 =	vand.u32 $0xFFFFFF80, v19;
	v5 =	vcvt.s32.f32 v0;
	v31 =	vcvt.s32.f32 v3  }
0x150: {  	v53 =	vor.u32 v10, v1;
	v10 =	vand.u32 $0xFFFFFF80, v4;
	v4 =	vand.u32 $0x7F, v4  }
0x151: {  	v10 =	vadd.s32 v12, v10;
	v17 =	vld [tilespmem:$0x1FFE0];
	v5 =	vadd.f32 $5.000000000e-01, v5;
	v49 =	vadd.f32 $5.000000000e-01, v31  }
0x152: {  	v54 =	vor.u32 v4, v10;
	v0 =	vshll.u32 v0, $0x7;
	v1 =	vmul.f32 $1.442695020e+00, v63  }
0x153: {  	v10 =	vadd.s32 v59, v13;
	v55 =	vmul.f32 $7.812500000e-03, v5;
	v4 =	vmul.f32 $7.812500000e-03, v49;
	v49 =	vld [tilespmem:$0x1FFF0]  }
0x154: {  	v63 =	vand.u32 $0x7F, v19;
	v62 =	vcvt.s32.f32 v10;
	v5 =	vperm.xlane v7, v8  }
0x155: {  	[tilespmem:$0x1FE60] =	vst v54;
	v19 =	vperm.xlane v32, v8;
	v54 =	vld [tilespmem:$0x1FFD0];
	(erf) = vpow2.f32 v1;
	v1 =	vsub.f32 v55, v16  }
0x156: {  	v14 =	vadd.f32 $5.000000000e-01, v62;
	v16 =	vadd.s32 v17, v5;
	v4 =	vsub.f32 v4, v18  }
0x157: {  	v10 =	vshll.u32 v10, $0x7;
	v31 =	vcvt.s32.f32 v16;
	v1 =	vmul.f32 v1, v1  }
0x158: {  	v14 =	vmul.f32 $7.812500000e-03, v14;
	v4 =	vmul.f32 v4, v4;
	v13 =	vadd.s32 v49, v13  }
0x159: {  	v17 =	vadd.f32 $5.000000000e-01, v31;
	v1 =	vadd.f32 v1, v6;
	v26 =	vcvt.s32.f32 v13  }
0x15a: {  	v5 =	vadd.s32 v54, v5;
	v14 =	vsub.f32 v14, v19;
	v6 =	vperm.xlane v30, v8  }
0x15b: {  	v17 =	vmul.f32 $7.812500000e-03, v17;
	v1 =	vadd.f32 v4, v1;
	v4 =	vadd.f32 $5.000000000e-01, v26  }
0x15c: {  	v55 =	vperm.xlane v33, v8;
	v18 =	vshll.u32 v58, $0x7;
	v26 =	vcvt.s32.f32 v5  }
0x15d: {  	v14 =	vmul.f32 v14, v14;
	v17 =	vsub.f32 v17, v6;
	v4 =	vmul.f32 $7.812500000e-03, v4  }
0x15e: {  	v54 =	vperm.xlane v7, v22;
	v12 =	vadd.s32 v18, v61;
	v18 =	vadd.f32 $5.000000000e-01, v26  }
0x15f: {  	v14 =	vadd.f32 v14, v55;
	v17 =	vmul.f32 v17, v17;
	v4 =	vsub.f32 v4, v19  }
0x160: {  	v61 =	vor.u32 v63, v12;
	v63 =	vand.u32 $0xFFFFFF80, v3;
	v62 =	vmul.f32 $7.812500000e-03, v18  }
0x161: {  	v1 =	vmul.f32 $-3.600072020e+03, v1;
	v14 =	vadd.f32 v17, v14;
	v4 =	vmul.f32 v4, v4  }
0x162: {  	v3 =	vand.u32 $0x7F, v3;
	v0 =	vadd.s32 v0, v63;
	v6 =	vsub.f32 v62, v6;
	v62 =	vld [tilespmem:$0x1FFE0]  }
0x163: {  	v1 =	vmul.f32 $1.442695020e+00, v1;
	v17 =	vmul.f32 $-3.600072020e+03, v14;
	v4 =	vadd.f32 v4, v55;
	v55 =	vld [tilespmem:$0x1FFC0]  }
0x164: {  	v58 =	vand.u32 $0x7F, v16;
	v0 =	vor.u32 v3, v0;
	v6 =	vmul.f32 v6, v6  }
0x165: {  	v13 =	vshll.u32 v13, $0x7;
	(erf) = vpow2.f32 v1;
	v31 =	vmul.f32 $1.442695020e+00, v17  }
0x166: {  	v14 =	vperm.xlane v34, v22;
	v49 =	vadd.f32 v6, v4;
	v6 =	vand.u32 $0xFFFFFF80, v16  }
0x167: {  	[tilespmem:$0x1FE80] =	vst v0;
	v0 =	vpop (erf);
	(erf) = vpow2.f32 v31;
	v17 =	vadd.s32 v62, v54;
	v6 =	vadd.s32 v10, v6  }
0x168: {  	[tilespmem:$0x1FE70] =	vst v61;
	v61 =	vmul.f32 $-3.600072020e+03, v49;
	v63 =	vcvt.s32.f32 v17;
	v4 =	vadd.s32 v55, v14;
	v55 =	vld [tilespmem:$0x1FFF0]  }
0x169: {  	v62 =	vperm.xlane v34, v23;
	v12 =	vor.u32 v58, v6;
	v58 =	vld [tilespmem:$0x1FFD0];
	v59 =	vcvt.s32.f32 v4  }
0x16a: {  	v6 =	vperm.xlane v32, v22;
	v16 =	vmul.f32 $1.442695020e+00, v61;
	v31 =	vadd.f32 $5.000000000e-01, v63;
	v63 =	vld [tilespmem:$0x1FFC0]  }
0x16b: {  	v49 =	vand.u32 $0xFFFFFF80, v5;
	v5 =	vand.u32 $0x7F, v5;
	v10 =	vadd.f32 $5.000000000e-01, v59  }
0x16c: {  	v26 =	vpop (erf);
	[tilespmem:$0x1FEA0] =	vst v12;
	v1 =	vadd.s32 v13, v49;
	(erf) = vpow2.f32 v16;
	v12 =	vmul.f32 $7.812500000e-03, v31  }
0x16d: {  	v16 =	vperm.xlane v33, v22;
	v10 =	vmul.f32 $7.812500000e-03, v10;
	v14 =	vadd.s32 v55, v14  }
0x16e: {  	v4 =	vshll.u32 v4, $0x7;
	v22 =	vperm.xlane v30, v23;
	v18 =	vcvt.s32.f32 v14  }
0x16f: {  	v19 =	vadd.s32 v58, v54;
	v58 =	vld [tilespmem:$0x1FFF0];
	v63 =	vadd.s32 v63, v62;
	v10 =	vsub.f32 v10, v6  }
0x170: {  	v12 =	vsub.f32 v12, v15;
	v20 =	vcvt.s32.f32 v63;
	v59 =	vadd.f32 $5.000000000e-01, v18  }
0x171: {  	v14 =	vshll.u32 v14, $0x7;
	v18 =	vcvt.s32.f32 v19;
	v10 =	vmul.f32 v10, v10  }
0x172: {  	v31 =	vld [tilespmem:$0x1FFE0];
	v12 =	vmul.f32 v12, v12;
	v49 =	vadd.f32 $5.000000000e-01, v20;
	v3 =	vmul.f32 $7.812500000e-03, v59  }
0x173: {  	v20 =	vperm.xlane v32, v23;
	v18 =	vadd.f32 $5.000000000e-01, v18;
	v59 =	vld [tilespmem:$0x1FFD0];
	v10 =	vadd.f32 v10, v16  }
0x174: {  	v62 =	vadd.s32 v58, v62;
	v13 =	vmul.f32 $7.812500000e-03, v49;
	v3 =	vsub.f32 v3, v6  }
0x175: {  	v6 =	vmul.f32 $7.812500000e-03, v18;
	v10 =	vadd.f32 v12, v10;
	v12 =	vperm.xlane v7, v23  }
0x176: {  	v21 =	vcvt.s32.f32 v62;
	v49 =	vimm.s32 $0x9;
	v13 =	vsub.f32 v13, v20  }
0x177: {  	v6 =	vsub.f32 v6, v15;
	v3 =	vmul.f32 v3, v3;
	v18 =	vadd.s32 v31, v12  }
0x178: {  	v10 =	vmul.f32 $-3.600072020e+03, v10;
	v23 =	vadd.s32 v59, v12;
	v55 =	vcvt.s32.f32 v18  }
0x179: {  	v31 =	vadd.f32 $5.000000000e-01, v21;
	v13 =	vmul.f32 v13, v13;
	v21 =	vcvt.s32.f32 v23  }
0x17a: {  	v6 =	vmul.f32 v6, v6;
	v3 =	vadd.f32 v3, v16;
	v15 =	vadd.f32 $5.000000000e-01, v55  }
0x17b: {  	v10 =	vmul.f32 $1.442695020e+00, v10;
	v55 =	vperm.xlane v33, v49;
	v21 =	vadd.f32 $5.000000000e-01, v21  }
0x17c: {  	v3 =	vadd.f32 v6, v3;
	v61 =	vmul.f32 $7.812500000e-03, v15;
	v15 =	vmul.f32 $7.812500000e-03, v31  }
0x17d: {  	v6 =	vadd.f32 v13, v55;
	v59 =	vmul.f32 $7.812500000e-03, v21;
	v13 =	vpop (erf);
	(erf) = vpow2.f32 v10  }
0x17e: {  	v10 =	vand.u32 $0xFFFFFF80, v19;
	v12 =	vsub.f32 v61, v22;
	v58 =	vsub.f32 v15, v20  }
0x17f: {  	v3 =	vmul.f32 $-3.600072020e+03, v3;
	v10 =	vadd.s32 v14, v10;
	v14 =	vperm.xlane v7, v24  }
0x180: {  	v20 =	vand.u32 $0xFFFFFF80, v17;
	v12 =	vmul.f32 v12, v12;
	v2 =	vmul.f32 v58, v58  }
0x181: {  	v61 =	vsub.f32 v59, v22;
	v17 =	vand.u32 $0x7F, v17;
	v22 =	vperm.xlane v32, v24  }
0x182: {  	v6 =	vadd.f32 v12, v6;
	v15 =	vadd.f32 v2, v55;
	v55 =	vand.u32 $0x7F, v19  }
0x183: {  	v4 =	vadd.s32 v4, v20;
	v20 =	vmul.f32 $1.442695020e+00, v3;
	v58 =	vor.u32 v55, v10;
	v55 =	vld [tilespmem:$0x1FFC0]  }
0x184: {  	v59 =	vor.u32 v5, v1;
	v31 =	vmul.f32 v61, v61;
	v21 =	vmul.f32 $-3.600072020e+03, v6;
	[tilespmem:$0x1FED0] =	vst v58;
	v58 =	vld [tilespmem:$0x1FFE0]  }
0x185: {  	v3 =	vand.u32 $0xFFFFFF80, v23;
	v49 =	vor.u32 v17, v4;
	v61 =	vand.u32 $0xFFFFFF80, v18  }
0x186: {  	v10 =	vperm.xlane v34, v24;
	v5 =	vadd.f32 v31, v15;
	v4 =	vmul.f32 $1.442695020e+00, v21  }
0x187: {  	[tilespmem:$0x1FEB0] =	vst v49;
	v49 =	vshll.u32 v63, $0x7;
	v12 =	vpop (erf);
	(erf) = vpow2.f32 v20;
	v31 =	vand.u32 $0x7F, v18  }
0x188: {  	v1 =	vpop (erf);
	(erf) = vpow2.f32 v4;
	v4 =	vmul.f32 $-3.600072020e+03, v5;
	v19 =	vadd.s32 v55, v10  }
0x189: {  	v15 =	vadd.s32 v49, v61;
	v55 =	vld [tilespmem:$0x1FFF0];
	v20 =	vadd.s32 v58, v14;
	v61 =	vcvt.s32.f32 v19  }
0x18a: {  	v63 =	vor.u32 v31, v15;
	v18 =	vmul.f32 $1.442695020e+00, v4;
	v21 =	vcvt.s32.f32 v20  }
0x18b: {  	v31 =	vand.u32 $0x7F, v23;
	v23 =	vperm.xlane v30, v24;
	v17 =	vadd.f32 $5.000000000e-01, v61  }
0x18c: {  	v4 =	vpop (erf);
	(erf) = vpow2.f32 v18;
	v18 =	vadd.f32 $5.000000000e-01, v21;
	v21 =	vshll.u32 v62, $0x7;
	v62 =	vld [tilespmem:$0x1FFD0]  }
0x18d: {  	v58 =	vimm.s32 $0xB;
	v15 =	vadd.s32 v21, v3;
	v17 =	vmul.f32 $7.812500000e-03, v17  }
0x18e: {  	v10 =	vadd.s32 v55, v10;
	v18 =	vmul.f32 $7.812500000e-03, v18;
	v49 =	vor.u32 v31, v15  }
0x18f: {  	v15 =	vperm.xlane v33, v24;
	v24 =	vcvt.s32.f32 v10;
	v17 =	vsub.f32 v17, v22  }
0x190: {  	[tilespmem:$0x1FE90] =	vst v7;
	v61 =	vld [tilespmem:$0x1FFC0];
	v21 =	vperm.xlane v34, v25;
	v25 =	vperm.xlane v7, v58;
	v18 =	vsub.f32 v18, v23  }
0x191: {  	v6 =	vmovc v30;
	v30 =	vmovc v7;
	v24 =	vadd.f32 $5.000000000e-01, v24;
	v7 =	vmul.f32 v17, v17;
	v8 =	vadd.s32 v62, v14  }
0x192: {  	v41 =	vperm.xlane v29, v9;
	v17 =	vld [tilespmem:$0x1FFE0];
	v9 =	vcvt.s32.f32 v8  }
0x193: {  	v18 =	vmul.f32 v18, v18;
	v24 =	vmul.f32 $7.812500000e-03, v24;
	v7 =	vadd.f32 v7, v15  }
0x194: {  	v19 =	vshll.u32 v19, $0x7;
	v9 =	vadd.f32 $5.000000000e-01, v9  }
0x195: {  	v16 =	vadd.s32 v61, v21;
	v7 =	vadd.f32 v18, v7;
	v18 =	vsub.f32 v24, v22  }
0x196: {  	[tilespmem:$0x1FEE0] =	vst v63;
	v55 =	vimm.s32 $0xB;
	v31 =	vimm.s32 $0xB;
	v63 =	vcvt.s32.f32 v16  }
0x197: {  	v17 =	vadd.s32 v17, v25;
	v9 =	vmul.f32 $7.812500000e-03, v9;
	v18 =	vmul.f32 v18, v18  }
0x198: {  	v2 =	vperm.xlane v32, v31;
	v14 =	vadd.f32 $5.000000000e-01, v63;
	v11 =	vcvt.s32.f32 v17  }
0x199: {  	v7 =	vmul.f32 $-3.600072020e+03, v7;
	v9 =	vsub.f32 v9, v23;
	v15 =	vadd.f32 v18, v15  }
0x19a: {  	[tilespmem:$0x1FEC0] =	vst v6;
	v31 =	vmovc v6;
	v14 =	vmul.f32 $7.812500000e-03, v14;
	v22 =	vperm.xlane v6, v55;
	v6 =	vld [tilespmem:$0x1FFF0];
	v11 =	vadd.f32 $5.000000000e-01, v11  }
0x19b: {  	v58 =	vimm.s32 $0xB;
	v7 =	vmul.f32 $1.442695020e+00, v7;
	v9 =	vmul.f32 v9, v9  }
0x19c: {  	v61 =	vand.u32 $0x7F, v20;
	v14 =	vsub.f32 v14, v2;
	v11 =	vmul.f32 $7.812500000e-03, v11  }
0x19d: {  	v9 =	vadd.f32 v9, v15;
	v15 =	vpop (erf);
	(erf) = vpow2.f32 v7;
	v7 =	vand.u32 $0xFFFFFF80, v20  }
0x19e: {  	v23 =	vperm.xlane v33, v58;
	v14 =	vmul.f32 v14, v14;
	v7 =	vadd.s32 v19, v7  }
0x19f: {  	v11 =	vsub.f32 v11, v22;
	v19 =	vadd.s32 v6, v21;
	v6 =	vor.u32 v61, v7  }
0x1a0: {  	v14 =	vadd.f32 v14, v23;
	v9 =	vmul.f32 $-3.600072020e+03, v9;
	[tilespmem:$0x1FF00] =	vst v6;
	v6 =	vld [tilespmem:$0x1FFD0]  }
0x1a1: {  	v11 =	vmul.f32 v11, v11  }
0x1a2: {  	v44 =	vadd.s32 $0x4000, v43;
	v18 =	vmul.f32 v0, v48;
	v7 =	vmul.f32 $1.442695020e+00, v9  }
0x1a3: {  	v20 =	vand.u32 $0xFFFFFF80, v8;
	v21 =	vshll.u32 v10, $0x7;
	v11 =	vadd.f32 v11, v14  }
0x1a4: {  	v14 =	vpop (erf);
	(erf) = vpow2.f32 v7;
	v7 =	vadd.s32 v21, v20;
	v20 =	vadd.s32 $0x8000, v43  }
0x1a5: {  	v21 =	vmul.f32 v26, v48;
	v11 =	vmul.f32 $-3.600072020e+03, v11;
	v48 =	vadd.s32 v6, v25;
	v6 =	vld [tilespmem:$0x1FE20];
	_ =	sdelay $0x1  }
0x1a6: {  	v9 =	vcvt.s32.f32 v19;
	v11 =	vmul.f32 $1.442695020e+00, v11  }
0x1a7: {  	[tilespmem:v43+s25+$0x0] =	vst.idx.add.f32.msk $0xffff, v42;
	v3 =	vmul.f32 v26, v41;
	v24 =	vmul.f32 v0, v41;
	v8 =	vand.u32 $0x7F, v8  }
0x1a8: {  	[tilespmem:v44+s25+$0x0] =	vst.idx.add.f32.msk $0xffff, v37;
	v10 =	vpop (erf);
	v9 =	vadd.f32 $5.000000000e-01, v9;
	(erf) = vpow2.f32 v11;
	v11 =	vadd.s32 $0xC000, v43  }
0x1a9: {  	v55 =	vperm.xlane v39, v46;
	[tilespmem:v20+s25+$0x0] =	vst.idx.add.f32.msk $0xffff, v6;
	v6 =	vor.u32 v8, v7  }
0x1aa: {  	v63 =	vadd.s32 $0x4000, v45;
	v61 =	vmul.f32 v0, v50;
	v9 =	vmul.f32 $7.812500000e-03, v9;
	[tilespmem:$0x1FF10] =	vst v6;
	v6 =	vld [tilespmem:$0x1FE30]  }
0x1ab: {  	v50 =	vmul.f32 v26, v50;
	v25 =	vperm.xlane v29, v46  }
0x1ac: {  	[tilespmem:$0x1FEF0] =	vst v49;
	v2 =	vsub.f32 v9, v2;
	v9 =	vperm.xlane v27, v46;
	v62 =	vcvt.s32.f32 v48  }
0x1ad: {  	v49 =	vmov v33;
	v44 =	vmul.f32 v13, v25;
	v43 =	vmul.f32 v12, v55;
	[tilespmem:v11+s25+$0x0] =	vst.idx.add.f32.msk $0xffff, v38  }
0x1ae: {  	v42 =	vmul.f32 v13, v9;
	v20 =	vmul.f32 v12, v25;
	v25 =	vadd.f32 $5.000000000e-01, v62;
	[tilespmem:v45+s25+$0x0] =	vst.idx.add.f32.msk $0x1ff, v56  }
0x1af: {  	v5 =	vimm.s32 $0x4;
	v33 =	vmovc v29;
	v9 =	vmul.f32 v12, v9;
	v2 =	vmul.f32 v2, v2;
	[tilespmem:v63+s25+$0x0] =	vst.idx.add.f32.msk $0x1ff, v6  }
0x1b0: {  	v58 =	vadd.s32 $0x8000, v45;
	v29 =	vmovc v27;
	v27 =	vmovc v39;
	v8 =	vperm.xlane v33, v51;
	v25 =	vmul.f32 $7.812500000e-03, v25;
	v6 =	vld [tilespmem:$0x1FE40]  }
0x1b1: {  	v2 =	vadd.f32 v2, v23;
	v23 =	vperm.xlane v27, v51;
	v11 =	vadd.s32 $0xC000, v45  }
0x1b2: {  	v38 =	vmul.f32 v13, v55;
	v55 =	vperm.xlane v27, v5;
	v22 =	vsub.f32 v25, v22  }
0x1b3: {  	v62 =	vadd.s32 $0x4000, v40;
	v45 =	vmul.f32 v1, v8;
	v8 =	vmul.f32 v4, v8  }
0x1b4: {  	v7 =	vld [tilespmem:$0x1FE50];
	v25 =	vperm.xlane v29, v51;
	v63 =	vadd.s32 $0x8000, v40;
	v22 =	vmul.f32 v22, v22  }
0x1b5: {  	v56 =	vmul.f32 v1, v23;
	v51 =	vperm.xlane v33, v5;
	[tilespmem:v58+s25+$0x0] =	vst.idx.add.f32.msk $0x1ff, v6  }
0x1b6: {  	v41 =	vmul.f32 v1, v25;
	v2 =	vadd.f32 v22, v2;
	[tilespmem:v11+s25+$0x0] =	vst.idx.add.f32.msk $0x1ff, v35;
	v11 =	vadd.s32 $0xC000, v40  }
0x1b7: {  	v54 =	vimm.s32 $0x5;
	v22 =	vmul.f32 v4, v23;
	v23 =	vperm.xlane v29, v5;
	[tilespmem:v40+s25+$0x0] =	vst.idx.add.f32.msk $0xffff, v24  }
0x1b8: {  	v25 =	vmul.f32 v4, v25;
	v5 =	vmul.f32 v15, v51;
	v24 =	vadd.s32 $0x4000, v36;
	[tilespmem:v62+s25+$0x0] =	vst.idx.add.f32.msk $0xffff, v18  }
0x1b9: {  	v46 =	vmul.f32 v15, v23;
	v2 =	vmul.f32 $-3.600072020e+03, v2;
	v18 =	vadd.s32 $0x8000, v36;
	[tilespmem:v63+s25+$0x0] =	vst.idx.add.f32.msk $0xffff, v61  }
0x1ba: {  	v23 =	vmul.f32 v14, v23;
	v6 =	vmul.f32 v14, v51;
	v58 =	vadd.s32 $0xC000, v36;
	v61 =	vld [tilespmem:$0x1FFC0]  }
0x1bb: {  	v16 =	vshll.u32 v16, $0x7;
	v51 =	vmul.f32 v15, v55;
	v2 =	vmul.f32 $1.442695020e+00, v2;
	[tilespmem:v11+s25+$0x0] =	vst.idx.add.f32.msk $0xffff, v0  }
0x1bc: {  	v35 =	vimm.s32 $0xC;
	v40 =	vshll.u32 v19, $0x7;
	v19 =	vand.u32 $0xFFFFFF80, v48;
	[tilespmem:v36+s25+$0x0] =	vst.idx.add.f32.msk $0x1ff, v3  }
0x1bd: {  	v37 =	vpop (erf);
	v62 =	vperm.xlane v33, v54;
	(erf) = vpow2.f32 v2;
	v11 =	vadd.s32 $0x4000, v7;
	[tilespmem:v24+s25+$0x0] =	vst.idx.add.f32.msk $0x1ff, v21  }
0x1be: {  	v19 =	vadd.s32 v40, v19;
	v63 =	vperm.xlane v29, v54;
	v36 =	vadd.s32 $0x8000, v7;
	[tilespmem:v18+s25+$0x0] =	vst.idx.add.f32.msk $0x1ff, v50  }
0x1bf: {  	v39 =	vmul.f32 v10, v62;
	v0 =	vmul.f32 v14, v55;
	[tilespmem:v58+s25+$0x0] =	vst.idx.add.f32.msk $0x1ff, v26;
	v58 =	vadd.s32 $0xC000, v7  }
0x1c0: {  	v24 =	vperm.xlane v27, v54;
	v21 =	vand.u32 $0xFFFFFF80, v17;
	v18 =	vperm.xlane v34, v35  }
0x1c1: {  	v17 =	vand.u32 $0x7F, v17;
	v54 =	vmul.f32 v37, v63;
	v16 =	vadd.s32 v16, v21;
	[tilespmem:v7+s25+$0x0] =	vst.idx.add.f32.msk $0xffff, v44  }
0x1c2: {  	v21 =	vmul.f32 v37, v62;
	v50 =	vimm.s32 $0x6;
	v2 =	vadd.s32 v61, v18;
	[tilespmem:v11+s25+$0x0] =	vst.idx.add.f32.msk $0xffff, v42  }
0x1c3: {  	v55 =	vor.u32 v17, v16;
	v26 =	vadd.s32 $0x4000, v47;
	v62 =	vcvt.s32.f32 v2;
	[tilespmem:v36+s25+$0x0] =	vst.idx.add.f32.msk $0xffff, v38  }
0x1c4: {  	v61 =	vmul.f32 v10, v24;
	v11 =	vmul.f32 v37, v24;
	v24 =	vadd.s32 $0x8000, v47;
	[tilespmem:v58+s25+$0x0] =	vst.idx.add.f32.msk $0xffff, v13  }
0x1c5: {  	v16 =	vmul.f32 v10, v63;
	v42 =	vadd.s32 $0xC000, v47;
	v63 =	vadd.f32 $5.000000000e-01, v62;
	v58 =	vld [tilespmem:$0x1FFE0]  }
0x1c6: {  	v17 =	vperm.xlane v33, v50;
	v44 =	vperm.xlane v30, v35;
	v7 =	vld [tilespmem:$0x1FFF0];
	v62 =	vimm.s32 $0x6  }
0x1c7: {  	v40 =	vpop (erf);
	v38 =	vadd.s32 $0x4000, v57;
	[tilespmem:v47+s25+$0x0] =	vst.idx.add.f32.msk $0x1ff, v20;
	v36 =	vmul.f32 $7.812500000e-03, v63;
	v63 =	vperm.xlane v29, v62  }
0x1c8: {  	v3 =	vmul.f32 v40, v17;
	v2 =	vshll.u32 v2, $0x7;
	[tilespmem:v26+s25+$0x0] =	vst.idx.add.f32.msk $0x1ff, v9;
	v26 =	vadd.s32 $0x8000, v57  }
0x1c9: {  	v13 =	vpop (erf);
	[tilespmem:v24+s25+$0x0] =	vst.idx.add.f32.msk $0x1ff, v43;
	v24 =	vadd.s32 $0xC000, v57;
	v43 =	vperm.xlane v32, v35;
	v9 =	vmul.f32 v40, v63  }
0x1ca: {  	v62 =	vadd.s32 $0x4000, v52;
	[tilespmem:v42+s25+$0x0] =	vst.idx.add.f32.msk $0x1ff, v12;
	v20 =	vadd.s32 v58, v44;
	v58 =	vmul.f32 v13, v17  }
0x1cb: {  	[tilespmem:v57+s25+$0x0] =	vst.idx.add.f32.msk $0xffff, v45;
	v45 =	vmul.f32 v13, v63;
	v36 =	vsub.f32 v36, v43;
	v63 =	vadd.s32 $0x8000, v52  }
0x1cc: {  	v57 =	vadd.s32 $0x4000, v28;
	v30 =	vcvt.s32.f32 v20;
	[tilespmem:v38+s25+$0x0] =	vst.idx.add.f32.msk $0xffff, v41;
	v41 =	vperm.xlane v31, v35  }
0x1cd: {  	[tilespmem:v26+s25+$0x0] =	vst.idx.add.f32.msk $0xffff, v56;
	v56 =	vadd.s32 v7, v18;
	v18 =	vadd.s32 $0xC000, v52;
	v7 =	vimm.s32 $0x6  }
0x1ce: {  	v50 =	vadd.f32 $5.000000000e-01, v30;
	[tilespmem:v24+s25+$0x0] =	vst.idx.add.f32.msk $0xffff, v1;
	v31 =	vperm.xlane v27, v7;
	v24 =	vcvt.s32.f32 v56  }
0x1cf: {  	v17 =	vmovc v49;
	[tilespmem:v52+s25+$0x0] =	vst.idx.add.f32.msk $0x1ff, v8;
	v8 =	vmul.f32 v36, v36;
	v52 =	vperm.xlane v49, v35;
	v49 =	vimm.s32 $0x7  }
0x1d0: {  	v12 =	vmul.f32 $7.812500000e-03, v50;
	v50 =	vadd.s32 $0x8000, v28;
	[tilespmem:v62+s25+$0x0] =	vst.idx.add.f32.msk $0x1ff, v25;
	v24 =	vadd.f32 $5.000000000e-01, v24  }
0x1d1: {  	v25 =	vadd.s32 $0xC000, v28;
	v42 =	vmul.f32 v40, v31;
	v38 =	vmul.f32 v13, v31;
	v62 =	vld [tilespmem:$0x1FFD0]  }
0x1d2: {  	[tilespmem:v63+s25+$0x0] =	vst.idx.add.f32.msk $0x1ff, v22;
	v22 =	vand.u32 $0x7F, v48;
	v8 =	vadd.f32 v8, v52;
	v63 =	vimm.s32 $0x7  }
0x1d3: {  	v30 =	vsub.f32 v12, v41;
	[tilespmem:v18+s25+$0x0] =	vst.idx.add.f32.msk $0x1ff, v4;
	v4 =	vimm.s32 $0x7;
	v18 =	vmul.f32 $7.812500000e-03, v24  }
0x1d4: {  	v47 =	vpop (erf);
	v36 =	vor.u32 v22, v19;
	v12 =	vperm.xlane v29, v49;
	v4 =	vperm.xlane v33, v4  }
0x1d5: {  	v26 =	vpop (erf);
	[tilespmem:v28+s25+$0x0] =	vst.idx.add.f32.msk $0xffff, v5;
	v5 =	vadd.s32 $0x4000, v60;
	v28 =	vadd.s32 $0x8000, v60;
	v1 =	vmul.f32 v30, v30  }
0x1d6: {  	v19 =	vsub.f32 v18, v43;
	v24 =	vmul.f32 v26, v12;
	[tilespmem:v57+s25+$0x0] =	vst.idx.add.f32.msk $0xffff, v46;
	v30 =	vadd.s32 $0xC000, v60  }
0x1d7: {  	v48 =	vmul.f32 v47, v4;
	v22 =	vmul.f32 v26, v4;
	v31 =	vadd.s32 v62, v44  }
0x1d8: {  	v4 =	vperm.xlane v27, v63;
	v44 =	vmul.f32 v47, v12;
	[tilespmem:v50+s25+$0x0] =	vst.idx.add.f32.msk $0xffff, v51;
	v50 =	vimm.s32 $0x8  }
0x1d9: {  	v7 =	vmovc v53;
	v51 =	vimm.s32 $0x8;
	v8 =	vadd.f32 v1, v8;
	v1 =	vcvt.s32.f32 v31;
	[tilespmem:v25+s25+$0x0] =	vst.idx.add.f32.msk $0xffff, v15  }
0x1da: {  	v62 =	vimm.s32 $0x8;
	v25 =	vperm.xlane v33, v50;
	v57 =	vperm.xlane v29, v51;
	[tilespmem:v60+s25+$0x0] =	vst.idx.add.f32.msk $0x1ff, v6  }
0x1db: {  	v15 =	vadd.s32 $0x4000, v53;
	v19 =	vmul.f32 v19, v19;
	v46 =	vmul.f32 v47, v4;
	[tilespmem:v5+s25+$0x0] =	vst.idx.add.f32.msk $0x1ff, v23  }
0x1dc: {  	v18 =	vmul.f32 v26, v4;
	v8 =	vmul.f32 $-3.600072020e+03, v8;
	v4 =	vadd.f32 $5.000000000e-01, v1;
	[tilespmem:v28+s25+$0x0] =	vst.idx.add.f32.msk $0x1ff, v0  }
0x1dd: {  	v49 =	vpop (erf);
	v50 =	vimm.s32 $0x9;
	v6 =	vadd.s32 $0x8000, v53;
	v23 =	vperm.xlane v27, v62;
	[tilespmem:v30+s25+$0x0] =	vst.idx.add.f32.msk $0x1ff, v14  }
0x1de: {  	v43 =	vpop (erf);
	v5 =	vadd.s32 $0xC000, v53;
	v8 =	vmul.f32 $1.442695020e+00, v8;
	v4 =	vmul.f32 $7.812500000e-03, v4;
	[tilespmem:v7+s25+$0x0] =	vst.idx.add.f32.msk $0xffff, v39  }
0x1df: {  	v51 =	vmul.f32 v49, v25;
	v53 =	vmul.f32 v43, v57;
	v28 =	vimm.s32 $0x9;
	v7 =	vld [tilespmem:$0x1FE60]  }
0x1e0: {  	v30 =	vperm.xlane v33, v28;
	(erf) = vpow2.f32 v8;
	v63 =	vsub.f32 v4, v41  }
0x1e1: {  	v14 =	vpop (erf);
	v41 =	vmul.f32 v49, v57;
	v4 =	vadd.f32 v19, v52;
	v52 =	vmul.f32 v49, v23  }
0x1e2: {  	v12 =	vpop (erf);
	v57 =	vmul.f32 v43, v23;
	[tilespmem:v15+s25+$0x0] =	vst.idx.add.f32.msk $0xffff, v16;
	v0 =	vmul.f32 v63, v63;
	v63 =	vimm.s32 $0x9  }
0x1e3: {  	v8 =	vand.u32 $0xFFFFFF80, v20;
	v62 =	vmul.f32 v12, v30;
	[tilespmem:v6+s25+$0x0] =	vst.idx.add.f32.msk $0xffff, v61;
	v15 =	vperm.xlane v27, v63  }
0x1e4: {  	v8 =	vadd.s32 v2, v8;
	v2 =	vld [tilespmem:$0x1FE70];
	v0 =	vadd.f32 v0, v4;
	v4 =	vadd.s32 $0x4000, v7  }
0x1e5: {  	v23 =	vmul.f32 v14, v30;
	[tilespmem:$0x1FF20] =	vst v62;
	v16 =	vadd.s32 $0x8000, v7;
	v30 =	vmul.f32 v12, v15  }
0x1e6: {  	v60 =	vmul.f32 v43, v25;
	v25 =	vperm.xlane v29, v50;
	[tilespmem:v5+s25+$0x0] =	vst.idx.add.f32.msk $0xffff, v10;
	v6 =	vadd.s32 $0xC000, v7  }
0x1e7: {  	v63 =	vmul.f32 v14, v15;
	v15 =	vld [tilespmem:$0x1FE80];
	v10 =	vmul.f32 $-3.600072020e+03, v0;
	[tilespmem:$0x1FF40] =	vst v30  }
0x1e8: {  	[tilespmem:v7+s25+$0x0] =	vst.idx.add.f32.msk $0x1ff, v21  }
0x1e9: {  	v28 =	vmul.f32 v12, v25;
	v62 =	vmul.f32 v14, v25;
	v25 =	vadd.s32 $0x4000, v2;
	[tilespmem:v4+s25+$0x0] =	vst.idx.add.f32.msk $0x1ff, v54  }
0x1ea: {  	v39 =	vand.u32 $0x7F, v20;
	v61 =	vimm.s32 $0xA;
	v21 =	vadd.s32 $0x8000, v2;
	[tilespmem:v16+s25+$0x0] =	vst.idx.add.f32.msk $0x1ff, v11  }
0x1eb: {  	v30 =	vor.u32 v39, v8;
	v8 =	vmul.f32 $1.442695020e+00, v10;
	v54 =	vperm.xlane v33, v61;
	v10 =	vpop (erf);
	[tilespmem:v6+s25+$0x0] =	vst.idx.add.f32.msk $0x1ff, v37  }
0x1ec: {  	[tilespmem:$0x1FF30] =	vst v28;
	v28 =	vimm.s32 $0xA;
	v50 =	vadd.s32 $0xC000, v2;
	v7 =	vpop (erf);
	v37 =	vld [tilespmem:$0x1FFC0]  }
0x1ed: {  	v11 =	vperm.xlane v29, v28;
	[tilespmem:v2+s25+$0x0] =	vst.idx.add.f32.msk $0xffff, v3;
	v28 =	vmul.f32 v7, v54  }
0x1ee: {  	[tilespmem:v25+s25+$0x0] =	vst.idx.add.f32.msk $0xffff, v9  }
0x1ef: {  	v39 =	vshll.u32 v56, $0x7;
	v56 =	vimm.s32 $0xD;
	[tilespmem:$0x1FF60] =	vst v28;
	v28 =	vld [tilespmem:$0x1FE90]  }
0x1f0: {  	v56 =	vperm.xlane v34, v56;
	v61 =	vimm.s32 $0xA;
	v20 =	vadd.s32 $0x4000, v15;
	v1 =	vmovc v15;
	[tilespmem:v21+s25+$0x0] =	vst.idx.add.f32.msk $0xffff, v42  }
0x1f1: {  	v6 =	vand.u32 $0xFFFFFF80, v31;
	v16 =	vmul.f32 v10, v54;
	v3 =	vperm.xlane v27, v61;
	[tilespmem:v50+s25+$0x0] =	vst.idx.add.f32.msk $0xffff, v40  }
0x1f2: {  	v61 =	vadd.s32 v39, v6;
	v6 =	vadd.s32 $0x8000, v15;
	v15 =	vmul.f32 v10, v11;
	v40 =	vld [tilespmem:$0x1FEA0]  }
0x1f3: {  	[tilespmem:$0x1FF50] =	vst v16;
	v16 =	vld [tilespmem:$0x1FFE0];
	v42 =	vmul.f32 v7, v11;
	v11 =	vadd.s32 $0xC000, v1;
	v54 =	vadd.s32 v37, v56  }
0x1f4: {  	v4 =	vld [tilespmem:$0x1FED0];
	v2 =	vcvt.s32.f32 v54  }
0x1f5: {  	v39 =	vimm.s32 $0xD;
	[tilespmem:v1+s25+$0x0] =	vst.idx.add.f32.msk $0x1ff, v58  }
0x1f6: {  	[tilespmem:v20+s25+$0x0] =	vst.idx.add.f32.msk $0x1ff, v45;
	v25 =	vperm.xlane v28, v39;
	v21 =	vadd.f32 $5.000000000e-01, v2  }
0x1f7: {  	[tilespmem:v6+s25+$0x0] =	vst.idx.add.f32.msk $0x1ff, v38;
	v39 =	vmul.f32 v7, v3;
	v58 =	vadd.s32 $0x4000, v40  }
0x1f8: {  	[tilespmem:v11+s25+$0x0] =	vst.idx.add.f32.msk $0x1ff, v13;
	v50 =	vadd.s32 v16, v25;
	v20 =	vmul.f32 $7.812500000e-03, v21;
	v21 =	vadd.s32 $0x8000, v40  }
0x1f9: {  	v2 =	vld [tilespmem:$0x1FEB0];
	v9 =	vcvt.s32.f32 v50  }
0x1fa: {  	[tilespmem:$0x1FF70] =	vst v39;
	v16 =	vld [tilespmem:$0x1FEC0]  }
0x1fb: {  	v39 =	vimm.s32 $0xD;
	[tilespmem:v40+s25+$0x0] =	vst.idx.add.f32.msk $0xffff, v48;
	v6 =	vadd.f32 $5.000000000e-01, v9;
	v9 =	vadd.s32 $0xC000, v40  }
0x1fc: {  	[tilespmem:v58+s25+$0x0] =	vst.idx.add.f32.msk $0xffff, v44  }
0x1fd: {  	v38 =	vadd.s32 $0x4000, v59;
	v58 =	vimm.s32 $0xD;
	[tilespmem:v21+s25+$0x0] =	vst.idx.add.f32.msk $0xffff, v46  }
0x1fe: {  	v45 =	vperm.xlane v32, v39;
	v39 =	vmov v17;
	v44 =	vperm.xlane v17, v58;
	v17 =	vld [tilespmem:$0x1FFF0]  }
0x1ff: {  	v58 =	vld [tilespmem:$0x1FEE0]  }
0x200: {  	v11 =	vsub.f32 v20, v45;
	v20 =	vadd.s32 $0x8000, v59;
	[tilespmem:v9+s25+$0x0] =	vst.idx.add.f32.msk $0xffff, v47  }
0x201: {  	v0 =	vadd.s32 $0xC000, v59;
	[tilespmem:v59+s25+$0x0] =	vst.idx.add.f32.msk $0x1ff, v22  }
0x202: {  	v1 =	vmov v2;
	[tilespmem:v38+s25+$0x0] =	vst.idx.add.f32.msk $0x1ff, v24  }
0x203: {  	v37 =	vmul.f32 v10, v3;
	v48 =	vadd.s32 $0x4000, v2;
	v38 =	vld [tilespmem:$0x1FFD0]  }
0x204: {  	v3 =	vmul.f32 v11, v11;
	v11 =	vadd.s32 $0x8000, v2;
	v22 =	vadd.s32 v17, v56;
	v17 =	vld [tilespmem:$0x1FEF0]  }
0x205: {  	v21 =	vadd.s32 $0xC000, v2;
	[tilespmem:v20+s25+$0x0] =	vst.idx.add.f32.msk $0x1ff, v18  }
0x206: {  	[tilespmem:v0+s25+$0x0] =	vst.idx.add.f32.msk $0x1ff, v26  }
0x207: {  	v46 =	vadd.s32 $0x4000, v4;
	[tilespmem:v1+s25+$0x0] =	vst.idx.add.f32.msk $0xffff, v51  }
0x208: {  	v47 =	vadd.s32 $0x8000, v4;
	[tilespmem:v48+s25+$0x0] =	vst.idx.add.f32.msk $0xffff, v41  }
0x209: {  	v5 =	vadd.s32 $0xC000, v4;
	[tilespmem:v11+s25+$0x0] =	vst.idx.add.f32.msk $0xffff, v52  }
0x20a: {  	[tilespmem:v21+s25+$0x0] =	vst.idx.add.f32.msk $0xffff, v49  }
0x20b: {  	v56 =	vadd.s32 $0x4000, v58;
	[tilespmem:v4+s25+$0x0] =	vst.idx.add.f32.msk $0x1ff, v60  }
0x20c: {  	v59 =	vadd.s32 $0x8000, v58;
	[tilespmem:v46+s25+$0x0] =	vst.idx.add.f32.msk $0x1ff, v53  }
0x20d: {  	v24 =	vadd.s32 $0xC000, v58;
	[tilespmem:v47+s25+$0x0] =	vst.idx.add.f32.msk $0x1ff, v57  }
0x20e: {  	[tilespmem:v5+s25+$0x0] =	vst.idx.add.f32.msk $0x1ff, v43  }
0x20f: {  	[tilespmem:v58+s25+$0x0] =	vst.idx.add.f32.msk $0xffff, v23  }
0x210: {  	[tilespmem:v56+s25+$0x0] =	vst.idx.add.f32.msk $0xffff, v62  }
0x211: {  	[tilespmem:v59+s25+$0x0] =	vst.idx.add.f32.msk $0xffff, v63  }
0x212: {  	[tilespmem:v24+s25+$0x0] =	vst.idx.add.f32.msk $0xffff, v14  }
0x213: {  	v24 =	vld [tilespmem:$0x1FF20];
	_ =	sdelay $0x2  }
0x214: {  	v40 =	vimm.s32 $0xD;
	v6 =	vmul.f32 $7.812500000e-03, v6  }
0x215: {  	v13 =	vperm.xlane v16, v40;
	v9 =	vadd.s32 v38, v25;
	v25 =	vcvt.s32.f32 v22  }
0x216: {  	v18 =	vadd.s32 $0x4000, v17;
	v26 =	vadd.s32 $0xC000, v17;
	v5 =	vand.u32 $0x7F, v31;
	[tilespmem:v17+s25+$0x0] =	vst.idx.add.f32.msk $0x1ff, v24  }
0x217: {  	v40 =	vadd.f32 $5.000000000e-01, v25;
	v25 =	vadd.s32 $0x8000, v17;
	v17 =	vor.u32 v5, v61;
	v5 =	vld [tilespmem:$0x1FF30];
	_ =	sdelay $0x1  }
0x218: {  	(erf) = vpow2.f32 v8;
	v8 =	vld [tilespmem:$0x1FF00];
	v6 =	vsub.f32 v6, v13;
	_ =	sdelay $0x1  }
0x219: {  	v3 =	vadd.f32 v3, v44;
	v6 =	vmul.f32 v6, v6;
	v20 =	vcvt.s32.f32 v9  }
0x21a: {  	[tilespmem:v18+s25+$0x0] =	vst.idx.add.f32.msk $0x1ff, v5  }
0x21b: {  	v3 =	vadd.f32 v6, v3;
	v20 =	vadd.f32 $5.000000000e-01, v20;
	v5 =	vld [tilespmem:$0x1FF40]  }
0x21c: {  	v51 =	vadd.s32 $0x8000, v8;
	v1 =	vld [tilespmem:$0x1FF10];
	v41 =	vadd.s32 $0xC000, v8;
	v52 =	vimm.s32 $0xB  }
0x21d: {  	v0 =	vmul.f32 $7.812500000e-03, v40;
	v40 =	vimm.s32 $0xB;
	v6 =	vmul.f32 $7.812500000e-03, v20  }
0x21e: {  	v11 =	vperm.xlane v33, v40;
	v40 =	vperm.xlane v29, v52;
	v52 =	vimm.s32 $0xB  }
0x21f: {  	v38 =	vadd.s32 $0x4000, v8;
	v0 =	vsub.f32 v0, v45;
	v2 =	vperm.xlane v27, v52;
	v63 =	vld [tilespmem:$0x1FFC0]  }
0x220: {  	v53 =	vmul.f32 $-3.600072020e+03, v3;
	v3 =	vperm.xlane v33, v35;
	v20 =	vpop (erf);
	v13 =	vsub.f32 v6, v13;
	[tilespmem:v25+s25+$0x0] =	vst.idx.add.f32.msk $0x1ff, v5  }
0x221: {  	v48 =	vadd.s32 $0x4000, v1;
	v45 =	vmul.f32 v20, v2;
	v0 =	vmul.f32 v0, v0;
	v6 =	vpop (erf);
	[tilespmem:v26+s25+$0x0] =	vst.idx.add.f32.msk $0x1ff, v12  }
0x222: {  	v21 =	vadd.s32 $0x8000, v1;
	v47 =	vmul.f32 v6, v2;
	v2 =	vperm.xlane v29, v35;
	v26 =	vld [tilespmem:$0x1FF50]  }
0x223: {  	v0 =	vadd.f32 v0, v44;
	v44 =	vperm.xlane v27, v35;
	v35 =	vimm.s32 $0xE  }
0x224: {  	v60 =	vadd.s32 $0xC000, v1;
	v4 =	vmovc v1;
	v1 =	vmul.f32 $1.442695020e+00, v53;
	v14 =	vperm.xlane v34, v35  }
0x225: {  	v22 =	vshll.u32 v22, $0x7;
	v49 =	vadd.s32 $0x8000, v55;
	v13 =	vmul.f32 v13, v13  }
0x226: {  	v46 =	vadd.s32 $0x4000, v55;
	(erf) = vpow2.f32 v1;
	v1 =	vadd.s32 v63, v14;
	v63 =	vld [tilespmem:$0x1FFF0]  }
0x227: {  	v57 =	vadd.s32 $0xC000, v55;
	v52 =	vmul.f32 v20, v11;
	v0 =	vadd.f32 v13, v0;
	[tilespmem:v8+s25+$0x0] =	vst.idx.add.f32.msk $0xffff, v26  }
0x228: {  	v43 =	vadd.s32 $0x4000, v36;
	v19 =	vmul.f32 v6, v11;
	v11 =	vmul.f32 v20, v40;
	v8 =	vld [tilespmem:$0x1FF60]  }
0x229: {  	v23 =	vadd.s32 $0x8000, v36;
	v40 =	vmul.f32 v6, v40;
	v53 =	vpop (erf);
	v0 =	vmul.f32 $-3.600072020e+03, v0;
	v5 =	vld [tilespmem:$0x1FFE0]  }
0x22a: {  	v62 =	vimm.s32 $0xE;
	v58 =	vmul.f32 v53, v3;
	v59 =	vmul.f32 v53, v2;
	[tilespmem:v38+s25+$0x0] =	vst.idx.add.f32.msk $0xffff, v15  }
0x22b: {  	v56 =	vadd.s32 $0xC000, v36;
	v13 =	vperm.xlane v28, v62;
	v0 =	vmul.f32 $1.442695020e+00, v0;
	[tilespmem:v51+s25+$0x0] =	vst.idx.add.f32.msk $0xffff, v37  }
0x22c: {  	v62 =	vadd.s32 $0x8000, v30;
	v24 =	vmul.f32 v53, v44;
	v31 =	vcvt.s32.f32 v1;
	[tilespmem:v41+s25+$0x0] =	vst.idx.add.f32.msk $0xffff, v10  }
0x22d: {  	v61 =	vimm.s32 $0xE;
	v1 =	vshll.u32 v1, $0x7;
	(erf) = vpow2.f32 v0;
	[tilespmem:v4+s25+$0x0] =	vst.idx.add.f32.msk $0x1ff, v8  }
0x22e: {  	v0 =	vadd.s32 v63, v14;
	v18 =	vand.u32 $0xFFFFFF80, v50;
	v25 =	vshll.u32 v54, $0x7;
	v4 =	vld [tilespmem:$0x1FF70]  }
0x22f: {  	v50 =	vand.u32 $0x7F, v50;
	v35 =	vadd.s32 v25, v18;
	v5 =	vadd.s32 v5, v13  }
0x230: {  	v18 =	vadd.f32 $5.000000000e-01, v31;
	v31 =	vand.u32 $0xFFFFFF80, v9;
	v25 =	vcvt.s32.f32 v5  }
0x231: {  	v54 =	vimm.s32 $0xE;
	v12 =	vor.u32 v50, v35;
	v14 =	vadd.s32 v22, v31  }
0x232: {  	v22 =	vpop (erf);
	v18 =	vmul.f32 $7.812500000e-03, v18;
	v15 =	vperm.xlane v32, v54;
	v25 =	vadd.f32 $5.000000000e-01, v25;
	[tilespmem:v48+s25+$0x0] =	vst.idx.add.f32.msk $0x1ff, v42  }
0x233: {  	v9 =	vand.u32 $0x7F, v9;
	v3 =	vmul.f32 v22, v3;
	v2 =	vmul.f32 v22, v2;
	[tilespmem:v21+s25+$0x0] =	vst.idx.add.f32.msk $0x1ff, v4  }
0x234: {  	v37 =	vperm.xlane v16, v61;
	v10 =	vsub.f32 v18, v15;
	v18 =	vmul.f32 $7.812500000e-03, v25;
	v21 =	vld [tilespmem:$0x1FFD0]  }
0x235: {  	v9 =	vor.u32 v9, v14;
	v26 =	vadd.s32 $0x4000, v30;
	v54 =	vimm.s32 $0xE  }
0x236: {  	v63 =	vperm.xlane v39, v54;
	v10 =	vmul.f32 v10, v10;
	v18 =	vsub.f32 v18, v37  }
0x237: {  	v38 =	vadd.s32 $0x8000, v12;
	v61 =	vmovc v39;
	v39 =	vadd.s32 $0xC000, v30;
	v54 =	vld [tilespmem:$0x1FFC0];
	v41 =	vimm.s32 $0xF  }
0x238: {  	v10 =	vadd.f32 v10, v63;
	v18 =	vmul.f32 v18, v18;
	v4 =	vmul.f32 v22, v44;
	v44 =	vld [tilespmem:$0x1FFE0]  }
0x239: {  	v25 =	vcvt.s32.f32 v0;
	v34 =	vperm.xlane v34, v41;
	[tilespmem:v60+s25+$0x0] =	vst.idx.add.f32.msk $0x1ff, v7;
	v13 =	vadd.s32 v21, v13  }
0x23a: {  	v8 =	vimm.s32 $0xD;
	v10 =	vadd.f32 v18, v10;
	[tilespmem:v55+s25+$0x0] =	vst.idx.add.f32.msk $0xffff, v52;
	v18 =	vcvt.s32.f32 v13  }
0x23b: {  	v25 =	vadd.f32 $5.000000000e-01, v25;
	v8 =	vperm.xlane v33, v8;
	v60 =	vperm.xlane v61, v41;
	[tilespmem:v46+s25+$0x0] =	vst.idx.add.f32.msk $0xffff, v11  }
0x23c: {  	v10 =	vmul.f32 $-3.600072020e+03, v10;
	[tilespmem:v49+s25+$0x0] =	vst.idx.add.f32.msk $0xffff, v45;
	v45 =	vimm.s32 $0xD;
	v18 =	vadd.f32 $5.000000000e-01, v18  }
0x23d: {  	v0 =	vshll.u32 v0, $0x7;
	v21 =	vmul.f32 $7.812500000e-03, v25;
	v35 =	vperm.xlane v29, v45  }
0x23e: {  	[tilespmem:v57+s25+$0x0] =	vst.idx.add.f32.msk $0xffff, v20;
	v20 =	vperm.xlane v28, v41;
	v45 =	vadd.s32 v54, v34;
	v18 =	vmul.f32 $7.812500000e-03, v18  }
0x23f: {  	v7 =	vadd.s32 $0xC000, v17;
	v10 =	vmul.f32 $1.442695020e+00, v10;
	v11 =	vcvt.s32.f32 v45  }
0x240: {  	v42 =	vld [tilespmem:$0x1FFD0];
	v15 =	vsub.f32 v21, v15;
	v48 =	vsub.f32 v18, v37;
	v18 =	vadd.s32 v44, v20  }
0x241: {  	[tilespmem:v36+s25+$0x0] =	vst.idx.add.f32.msk $0x1ff, v19;
	(erf) = vpow2.f32 v10;
	v10 =	vadd.f32 $5.000000000e-01, v11;
	v11 =	vcvt.s32.f32 v18  }
0x242: {  	v52 =	vperm.xlane v32, v41;
	v49 =	vimm.s32 $0xD;
	v15 =	vmul.f32 v15, v15;
	v37 =	vld [tilespmem:$0x1FFF0]  }
0x243: {  	v19 =	vperm.xlane v27, v49;
	[tilespmem:v43+s25+$0x0] =	vst.idx.add.f32.msk $0x1ff, v40;
	v10 =	vmul.f32 $7.812500000e-03, v10;
	v11 =	vadd.f32 $5.000000000e-01, v11  }
0x244: {  	v25 =	vadd.s32 $0x4000, v17;
	[tilespmem:v23+s25+$0x0] =	vst.idx.add.f32.msk $0x1ff, v47;
	v15 =	vadd.f32 v15, v63;
	v14 =	vmul.f32 v48, v48  }
0x245: {  	[tilespmem:v56+s25+$0x0] =	vst.idx.add.f32.msk $0x1ff, v6;
	v6 =	vperm.xlane v16, v41;
	v10 =	vsub.f32 v10, v52;
	v11 =	vmul.f32 $7.812500000e-03, v11  }
0x246: {  	v21 =	vadd.s32 $0x8000, v17;
	v40 =	vadd.s32 $0x4000, v9;
	[tilespmem:v30+s25+$0x0] =	vst.idx.add.f32.msk $0xffff, v58;
	v14 =	vadd.f32 v14, v15  }
0x247: {  	v10 =	vmul.f32 v10, v10;
	v61 =	vadd.s32 v37, v34;
	v11 =	vsub.f32 v11, v6  }
0x248: {  	[tilespmem:v26+s25+$0x0] =	vst.idx.add.f32.msk $0xffff, v59;
	v20 =	vadd.s32 v42, v20;
	v14 =	vmul.f32 $-3.600072020e+03, v14;
	v26 =	vcvt.s32.f32 v61  }
0x249: {  	v43 =	vadd.s32 $0x8000, v9;
	[tilespmem:v62+s25+$0x0] =	vst.idx.add.f32.msk $0xffff, v24;
	v10 =	vadd.f32 v10, v60;
	v11 =	vmul.f32 v11, v11  }
0x24a: {  	v63 =	vcvt.s32.f32 v20;
	[tilespmem:v39+s25+$0x0] =	vst.idx.add.f32.msk $0xffff, v53;
	v14 =	vmul.f32 $1.442695020e+00, v14;
	v28 =	vadd.f32 $5.000000000e-01, v26  }
0x24b: {  	v47 =	vimm.s32 $0xE;
	[tilespmem:v17+s25+$0x0] =	vst.idx.add.f32.msk $0x1ff, v3;
	v34 =	vadd.f32 v11, v10;
	v10 =	vadd.s32 $0x4000, v12  }
0x24c: {  	v23 =	vpop (erf);
	[tilespmem:v25+s25+$0x0] =	vst.idx.add.f32.msk $0x1ff, v2;
	(erf) = vpow2.f32 v14;
	v14 =	vmul.f32 $7.812500000e-03, v28;
	v11 =	vadd.f32 $5.000000000e-01, v63  }
0x24d: {  	v55 =	vmul.f32 v23, v8;
	v57 =	vmul.f32 v23, v35;
	[tilespmem:v21+s25+$0x0] =	vst.idx.add.f32.msk $0x1ff, v4;
	v4 =	vadd.s32 $0xC000, v12  }
0x24e: {  	v58 =	vperm.xlane v29, v41;
	[tilespmem:v7+s25+$0x0] =	vst.idx.add.f32.msk $0x1ff, v22;
	v26 =	vpop (erf);
	v14 =	vsub.f32 v14, v52;
	v11 =	vmul.f32 $7.812500000e-03, v11  }
0x24f: {  	v24 =	vmul.f32 v23, v19;
	v48 =	vadd.s32 $0xC000, v9;
	[tilespmem:v12+s25+$0x0] =	vst.idx.add.f32.msk $0xffff, v55;
	v8 =	vmul.f32 v26, v8  }
0x250: {  	v6 =	vsub.f32 v11, v6;
	v11 =	vand.u32 $0xFFFFFF80, v5;
	[tilespmem:v10+s25+$0x0] =	vst.idx.add.f32.msk $0xffff, v57;
	v10 =	vmul.f32 v14, v14  }
0x251: {  	v39 =	vmul.f32 v26, v35;
	v3 =	vmul.f32 $-3.600072020e+03, v34;
	v1 =	vadd.s32 v1, v11;
	[tilespmem:v38+s25+$0x0] =	vst.idx.add.f32.msk $0xffff, v24  }
0x252: {  	v5 =	vand.u32 $0x7F, v5;
	v6 =	vmul.f32 v6, v6;
	[tilespmem:v4+s25+$0x0] =	vst.idx.add.f32.msk $0xffff, v23;
	v4 =	vadd.f32 v10, v60  }
0x253: {  	v7 =	vmul.f32 v26, v19;
	v3 =	vmul.f32 $1.442695020e+00, v3;
	v1 =	vor.u32 v5, v1  }
0x254: {  	v53 =	vand.u32 $0xFFFFFF80, v13;
	v10 =	vperm.xlane v33, v47;
	[tilespmem:v9+s25+$0x0] =	vst.idx.add.f32.msk $0x1ff, v8;
	v49 =	vadd.f32 v6, v4  }
0x255: {  	v5 =	vperm.xlane v29, v47;
	(erf) = vpow2.f32 v3;
	v11 =	vadd.s32 $0x4000, v1;
	v9 =	vpop (erf);
	[tilespmem:v40+s25+$0x0] =	vst.idx.add.f32.msk $0x1ff, v39  }
0x256: {  	v50 =	vadd.s32 $0x8000, v1;
	v4 =	vmul.f32 v9, v10;
	[tilespmem:v43+s25+$0x0] =	vst.idx.add.f32.msk $0x1ff, v7;
	v3 =	vmul.f32 $-3.600072020e+03, v49  }
0x257: {  	v0 =	vadd.s32 v0, v53;
	v52 =	vadd.s32 $0xC000, v1;
	v8 =	vperm.xlane v27, v47;
	[tilespmem:v48+s25+$0x0] =	vst.idx.add.f32.msk $0x1ff, v26  }
0x258: {  	v6 =	vmul.f32 v9, v5;
	[tilespmem:v1+s25+$0x0] =	vst.idx.add.f32.msk $0xffff, v4;
	v4 =	vand.u32 $0x7F, v13;
	v3 =	vmul.f32 $1.442695020e+00, v3  }
0x259: {  	v59 =	vperm.xlane v27, v41;
	v55 =	vpop (erf);
	v7 =	vmul.f32 v9, v8;
	v0 =	vor.u32 v4, v0  }
0x25a: {  	v10 =	vmul.f32 v55, v10;
	[tilespmem:v11+s25+$0x0] =	vst.idx.add.f32.msk $0xffff, v6;
	v4 =	vadd.s32 $0x4000, v0;
	(erf) = vpow2.f32 v3  }
0x25b: {  	v11 =	vshll.u32 v45, $0x7;
	v6 =	vadd.s32 $0x8000, v0;
	[tilespmem:v50+s25+$0x0] =	vst.idx.add.f32.msk $0xffff, v7;
	v7 =	vand.u32 $0xFFFFFF80, v18  }
0x25c: {  	v56 =	vadd.s32 $0xC000, v0;
	[tilespmem:v52+s25+$0x0] =	vst.idx.add.f32.msk $0xffff, v9;
	v9 =	vand.u32 $0x7F, v18;
	v7 =	vadd.s32 v11, v7  }
0x25d: {  	v57 =	vperm.xlane v33, v41;
	v5 =	vmul.f32 v55, v5;
	v7 =	vor.u32 v9, v7  }
0x25e: {  	v60 =	vshll.u32 v61, $0x7;
	v8 =	vmul.f32 v55, v8;
	v11 =	vpop (erf);
	[tilespmem:v0+s25+$0x0] =	vst.idx.add.f32.msk $0x1ff, v10;
	v10 =	vadd.s32 $0x4000, v7  }
0x25f: {  	v9 =	vmul.f32 v11, v57;
	[tilespmem:v4+s25+$0x0] =	vst.idx.add.f32.msk $0x1ff, v5;
	v4 =	vadd.s32 $0x8000, v7;
	v5 =	vand.u32 $0xFFFFFF80, v20  }
0x260: {  	[tilespmem:v6+s25+$0x0] =	vst.idx.add.f32.msk $0x1ff, v8;
	v6 =	vadd.s32 $0xC000, v7;
	v8 =	vand.u32 $0x7F, v20;
	v5 =	vadd.s32 v60, v5  }
0x261: {  	v61 =	vmul.f32 v11, v58;
	[tilespmem:v56+s25+$0x0] =	vst.idx.add.f32.msk $0x1ff, v55;
	v62 =	vor.u32 v8, v5  }
0x262: {  	v5 =	vmul.f32 v11, v59;
	[tilespmem:v7+s25+$0x0] =	vst.idx.add.f32.msk $0xffff, v9;
	v7 =	vadd.s32 $0x4000, v62  }
0x263: {  	v8 =	vadd.s32 $0x8000, v62;
	[tilespmem:v10+s25+$0x0] =	vst.idx.add.f32.msk $0xffff, v61;
	v63 =	vpop (erf)  }
0x264: {  	p1 =	sne.s32 s8, $0x1;
	[tilespmem:v4+s25+$0x0] =	vst.idx.add.f32.msk $0xffff, v5;
	v4 =	vadd.s32 $0xC000, v62;
	v2 =	vmul.f32 v63, v57  }
.Ltmp10:
0x265: {  	v51 =	vimm.s32 $0x3;
	[tilespmem:v6+s25+$0x0] =	vst.idx.add.f32.msk $0xffff, v11;
	v5 =	vmul.f32 v63, v58;
	(pc) =	sbr.rel @p1 .LBB2_13-.Ltmp10, $4  }
0x266: {  	v46 =	vimm.s32 $0x2;
	v25 =	vimm.s32 $0xB;
	v0 =	vmul.f32 v63, v59;
	[tilespmem:v62+s25+$0x0] =	vst.idx.add.f32.msk $0x1ff, v2  }
0x267: {  	v21 =	vimm.s32 $0x6;
	v22 =	vimm.s32 $0x8;
	v24 =	vimm.s32 $0xA;
	[tilespmem:v7+s25+$0x0] =	vst.idx.add.f32.msk $0x1ff, v5  }
0x268: {  	v23 =	vimm.s32 $0x9;
	v20 =	vimm.s32 $0x5;
	v9 =	vimm.s32 $0x1;
	[tilespmem:v8+s25+$0x0] =	vst.idx.add.f32.msk $0x1ff, v0  }
0x269: {  	s9 =	sadd.s32 $0x10, s9;
	s8 =	sadd.s32 $0xFFFFFFFF, s8;
	v11 =	vimm.s32 $0x4;
	v7 =	vimm.s32 $0x0;
	v8 =	vimm.s32 $0x7;
	[tilespmem:v4+s25+$0x0] =	vst.idx.add.f32.msk $0x1ff, v63  }
.Ltmp11:
0x26a: {  	_ = 	snop;
	(pc) =	sbr.rel .LBB2_14-.Ltmp11, $1  }
0x26b: {  	_ =	sdelay $0x3  }
.LBB2_6:
.Ltmp12:
0x26c: {  	(pc) =	sbr.rel .LBB2_10-.Ltmp12, $2  }
0x26d: {  	_ =	sdelay $0x2  }
0x26e: {  	s9 =	simm.s32 $0x0  }
.LBB2_8:
.Ltmp13:
0x26f: {  	(pc) =	sbr.rel .LBB2_10-.Ltmp13, $2  }
0x270: {  	_ =	sdelay $0x2  }
0x271: {  	s9 =	simm.s32 $0x0  }
.LBB2_16:
0x272: {  	_ =	sfence.sel $0x180000  }
0x273: {  	[bflag:$0x0] =	sbarrier.arrive $0xFFFF  }
0x274: {  	_ =	strace $0x90000047  }
0x275: {  	s0 =	stileid.u32;
	[bflag:$0x2] =	sbarrier.arrive $0xFFFF  }
0x276: {  	p0 =	sne.s32 s0, $0x0;
	s0 =	rddreg [dreg:$0x2]  }
0x277: {  	s0 =	sadd.s32 @!p0 $0x100000, s0  }
0x278: {  	[sflag:s0] =	ssyncadd.tile.s32 @!p0 $0x1;
	_ =	shalt  }
.Lfunc_end2:
_tile_overlayer_lowered:
.L_overlay_start_2:
0x279: {  	(tag) =	ssettag $0x2  }
0x27a: {  	s0 =	rddreg [dreg:$0x0];
	s2 =	stileid.u32  }
0x27b: {  	s1 =	rddreg [dreg:$0x1];
	p0 =	sne.s32 s2, $0x0  }
0x27c: {  	s3 =	rddreg [dreg:$0x2];
	[bflag:$0x3] =	sbarrier.arrive $0xFFFF;
	s2 =	simm.s32 @!p0 $0x1C02  }
0x27d: {  	[timem:s3], [sflag:s2] =	dma.local @!p0 [hbm:s0], s1  }
0x27e: {  	s0 =	simm.s32 @!p0 $0x2  }
0x27f: {  	_ =	swait.ge @!p0 [sflag:s0], s1  }
0x280: {  	s1 =	ssub.s32 @!p0 $0x0, s1;
	[sflag:s0] =	ssyncset.done @!p0 $0x0  }
0x281: {  	[sflag:s0] =	ssyncadd.s32 @!p0 s1  }
0x282: {  	[bflag:$0x3] =	sbarrier.arrive $0xFFFF  }
0x283: {  	_ =	shalt  }

</sc_bundles>
